<compile_context>
chip_gen: v7x
topology: tpu7x:2x2x1
jax: 0.10.2.dev20260603
libtpu: 0.0.44.dev20260713+nightly
codegen_flags: <defaults>
</compile_context>

<pallas_src>
import functools

import jax
import jax.numpy as jnp
from jax import lax
from jax.experimental import pallas as pl
from jax.experimental.pallas import tpu as pltpu
from jax.experimental.pallas import tpu_sc as plsc

N = 10000
E = 320000
D_IN = 128
D_H = 64
N_CLASSES = 2
N_GRAPHS = 16
EPS = 1e-5

NC = 2
NS = 16
CHUNK = 128
K0 = 80
K1 = 80
E_PAD = NS * (K0 + K1) * CHUNK
E0 = NS * K0 * CHUNK
ROWS_PER_TILE = 640
N_PAD = NS * ROWS_PER_TILE

@functools.cache
def _sc_kernels():
    mesh = plsc.VectorSubcoreMesh(core_axis_name="c", subcore_axis_name="s",
                                  num_cores=NC, num_subcores=NS)

    @functools.partial(
        pl.kernel,
        out_type=jax.ShapeDtypeStruct((NC, N_PAD, 16), jnp.float32),
        mesh=mesh,
        scratch_types=[
            pltpu.VMEM_SHARED((N_PAD, 16), jnp.float32),
            pltpu.VMEM((K0, CHUNK), jnp.int32),
            pltpu.VMEM((CHUNK, 16), jnp.float32),
            pltpu.SemaphoreType.DMA,
        ],
        compiler_params=pltpu.CompilerParams(use_tc_tiling_on_sc=False),
    )
    def sc_degree(dst0_hbm, dst1_hbm, zeros_hbm, ones_hbm, out_hbm,
                  acc, dstb_v, ones_v, semd):
        c = lax.axis_index("c")
        s = lax.axis_index("s")
        row0 = pl.multiple_of(s * ROWS_PER_TILE, 8)
        pltpu.sync_copy(zeros_hbm.at[pl.ds(row0, ROWS_PER_TILE)],
                        acc.at[pl.ds(row0, ROWS_PER_TILE)])
        pltpu.sync_copy(ones_hbm, ones_v)

        def run(dst_hbm, k):
            pltpu.sync_copy(dst_hbm.at[s], dstb_v.at[pl.ds(0, k)])
            plsc.subcore_barrier()

            def group(gi, carry):
                for b in range(8):
                    pltpu.async_copy(ones_v, acc.at[dstb_v.at[gi * 8 + b]],
                                     semd, add=True)
                for b in range(8):
                    pltpu.make_async_copy(zeros_hbm.at[pl.ds(0, CHUNK)],
                                          ones_v, semd).wait()
                return carry

            lax.fori_loop(0, k // 8, group, 0)

        @pl.when(c == 0)
        def _():
            run(dst0_hbm, K0)

        @pl.when(c == 1)
        def _():
            run(dst1_hbm, K1)

        plsc.subcore_barrier()
        pltpu.sync_copy(acc.at[pl.ds(row0, ROWS_PER_TILE)],
                        out_hbm.at[c, pl.ds(row0, ROWS_PER_TILE)])

    @functools.partial(
        pl.kernel,
        out_type=jax.ShapeDtypeStruct((NC, N_PAD, D_H), jnp.float32),
        mesh=mesh,
        scratch_types=[
            pltpu.VMEM_SHARED((N_PAD, D_H), jnp.float32),
            pltpu.VMEM_SHARED((N_PAD, D_H), jnp.float32),
            pltpu.VMEM((K0, CHUNK), jnp.int32),
            pltpu.VMEM((K0, CHUNK), jnp.int32),
            pltpu.VMEM((CHUNK, D_H), jnp.float32),
            pltpu.VMEM((CHUNK, D_H), jnp.float32),
            pltpu.SemaphoreType.DMA,
            pltpu.SemaphoreType.DMA,
        ],
        compiler_params=pltpu.CompilerParams(use_tc_tiling_on_sc=False),
    )
    def sc_scatter(g_hbm, src0_hbm, dst0_hbm, src1_hbm, dst1_hbm,
                   zeros_hbm, out_hbm,
                   acc, gbuf, srcb_v, dstb_v, rows0, rows1, sem0, sem1):
        c = lax.axis_index("c")
        s = lax.axis_index("s")
        row0 = pl.multiple_of(s * ROWS_PER_TILE, 8)

        def zrow(i, carry):
            for q in range(D_H // 16):
                rows0[i, pl.ds(q * 16, 16)] = jnp.zeros((16,), jnp.float32)
            return carry

        lax.fori_loop(0, CHUNK, zrow, 0)
        for q in range(ROWS_PER_TILE // CHUNK):
            pltpu.sync_copy(rows0, acc.at[pl.ds(row0 + q * CHUNK, CHUNK)])
        pltpu.sync_copy(g_hbm.at[pl.ds(row0, ROWS_PER_TILE)],
                        gbuf.at[pl.ds(row0, ROWS_PER_TILE)])

        def run(src_hbm, dst_hbm, k):
            pltpu.sync_copy(src_hbm.at[s], srcb_v.at[pl.ds(0, k)])
            pltpu.sync_copy(dst_hbm.at[s], dstb_v.at[pl.ds(0, k)])
            plsc.subcore_barrier()

            pltpu.async_copy(gbuf.at[srcb_v.at[0]], rows0, sem0)
            pltpu.async_copy(gbuf.at[srcb_v.at[1]], rows1, sem1)

            def pair(jj, carry):
                for b, (rows, sem) in enumerate(((rows0, sem0),
                                                 (rows1, sem1))):
                    j = jj * 2 + b
                    pltpu.make_async_copy(zeros_hbm.at[pl.ds(0, CHUNK)],
                                          rows, sem).wait()
                    pltpu.sync_copy(rows, acc.at[dstb_v.at[j]], add=True)

                    @pl.when(j + 2 < k)
                    def _():
                        pltpu.async_copy(gbuf.at[srcb_v.at[j + 2]], rows,
                                         sem)
                return carry

            lax.fori_loop(0, k // 2, pair, 0)

        @pl.when(c == 0)
        def _():
            run(src0_hbm, dst0_hbm, K0)

        @pl.when(c == 1)
        def _():
            run(src1_hbm, dst1_hbm, K1)

        plsc.subcore_barrier()
        pltpu.sync_copy(acc.at[pl.ds(row0, ROWS_PER_TILE)],
                        out_hbm.at[c, pl.ds(row0, ROWS_PER_TILE)])

    return sc_degree, sc_scatter


def _dot_t(a, w):
    return lax.dot_general(a, w, (((1,), (1,)), ((), ())),
                           preferred_element_type=jnp.float32)


def _bn_rows(h, gamma, beta):
    mu = jnp.mean(h, axis=0)
    var = jnp.mean((h - mu) ** 2, axis=0)
    return (h - mu) * lax.rsqrt(var + EPS) * gamma + beta


def _tc_prep_body(x_ref, bng_ref, bnb_ref, w0_ref, degp_ref,
                  g_ref, dinv_ref):
    x = x_ref[...]
    h = _bn_rows(x, bng_ref[...], bnb_ref[...])
    h1 = _dot_t(h, w0_ref[...])
    deg = degp_ref[0, :, 0:1] + degp_ref[1, :, 0:1] + 1.0
    dinv = lax.rsqrt(deg)
    g_ref[...] = jnp.concatenate(
        [h1 * dinv[:N], jnp.zeros((N_PAD - N, D_H), jnp.float32)], axis=0)
    dinv_ref[...] = dinv


_tc_prep = pl.pallas_call(
    _tc_prep_body,
    out_shape=(jax.ShapeDtypeStruct((N_PAD, D_H), jnp.float32),
               jax.ShapeDtypeStruct((N_PAD, 1), jnp.float32)),
)


def _tc_mid_body(p_ref, gprev_ref, dinv_ref, b_ref, gam_ref, bet_ref, w_ref,
                 g_ref):
    dinv = dinv_ref[...]
    acc = p_ref[0, :N, :] + p_ref[1, :N, :] + gprev_ref[:N, :]
    out = acc * dinv[:N] + b_ref[...]
    h = jnp.maximum(_bn_rows(out, gam_ref[...], bet_ref[...]), 0.0)
    h1 = _dot_t(h, w_ref[...])
    g_ref[...] = jnp.concatenate(
        [h1 * dinv[:N], jnp.zeros((N_PAD - N, D_H), jnp.float32)], axis=0)


_tc_mid = pl.pallas_call(
    _tc_mid_body,
    out_shape=jax.ShapeDtypeStruct((N_PAD, D_H), jnp.float32),
)


def _tc_final_body(p_ref, gprev_ref, dinv_ref, b_ref, gam_ref, bet_ref,
                   batch_ref, cw1_ref, cb1_ref, cw2_ref, cb2_ref, res_ref):
    dinv = dinv_ref[...]
    acc = p_ref[0, :N, :] + p_ref[1, :N, :] + gprev_ref[:N, :]
    out = acc * dinv[:N] + b_ref[...]
    h = jnp.maximum(_bn_rows(out, gam_ref[...], bet_ref[...]), 0.0)
    seg = batch_ref[...]
    oh = (seg == lax.broadcasted_iota(jnp.int32, (1, N_GRAPHS), 1))
    oh = oh.astype(jnp.float32)
    sums = lax.dot_general(oh, h, (((0,), (0,)), ((), ())),
                           precision=lax.Precision.HIGHEST,
                           preferred_element_type=jnp.float32)
    cnt = jnp.sum(oh, axis=0)[:, None]
    pooled = sums / jnp.maximum(cnt, 1.0)
    hc = jnp.maximum(_dot_t(pooled, cw1_ref[...]) + cb1_ref[...], 0.0)
    res_ref[...] = _dot_t(hc, cw2_ref[...]) + cb2_ref[...]


_tc_final = pl.pallas_call(
    _tc_final_body,
    out_shape=jax.ShapeDtypeStruct((N_GRAPHS, N_CLASSES), jnp.float32),
)


def kernel(x, edge_index, batch, bn_in_g, bn_in_b, W0, b0, g0, be0,
           W1, b1, g1, be1, W2, b2, g2, be2, cW1, cb1, cW2, cb2):
    pad = E_PAD - E
    src = jnp.concatenate([edge_index[0], jnp.full((pad,), N, jnp.int32)])
    dst = jnp.concatenate([edge_index[1], jnp.full((pad,), N, jnp.int32)])
    src0 = src[:E0].reshape(NS, K0, CHUNK)
    dst0 = dst[:E0].reshape(NS, K0, CHUNK)
    src1 = src[E0:].reshape(NS, K1, CHUNK)
    dst1 = dst[E0:].reshape(NS, K1, CHUNK)

    zeros16 = jnp.zeros((N_PAD, 16), jnp.float32)
    ones16 = jnp.ones((CHUNK, 16), jnp.float32)
    zeros64 = jnp.zeros((N_PAD, D_H), jnp.float32)
    batch2d = batch.reshape(N, 1)

    sc_degree, sc_scatter = _sc_kernels()
    degp = sc_degree(dst0, dst1, zeros16, ones16)
    gfeat, dinv = _tc_prep(x, bn_in_g, bn_in_b, W0, degp)

    p = sc_scatter(gfeat, src0, dst0, src1, dst1, zeros64)
    gfeat = _tc_mid(p, gfeat, dinv, b0, g0, be0, W1)

    p = sc_scatter(gfeat, src0, dst0, src1, dst1, zeros64)
    gfeat = _tc_mid(p, gfeat, dinv, b1, g1, be1, W2)

    p = sc_scatter(gfeat, src0, dst0, src1, dst1, zeros64)
    return _tc_final(p, gfeat, dinv, b2, g2, be2, batch2d, cW1, cb1, cW2, cb2)

# --- scband reference (transcript-rebuilt; emitter-appended) ---
"""Pipeline reference for scband-simple-gnn-51204600103280 (READ-ONLY COPY).

The authoritative reference and input builder live on the scoring server;
editing this copy changes nothing except your own understanding.
"""

import jax, jax.numpy as jnp
import numpy as np

N = 10000
E = 320000
D_IN = 128
D_H = 64
N_CLASSES = 2
N_GRAPHS = 16
EPS = 1e-5


def _bn(x, g, b):
    mu = jnp.mean(x, axis=0)
    var = jnp.var(x, axis=0)
    return (x - mu) * jax.lax.rsqrt(var + EPS) * g + b


def _gcn(x, W, b, src, dst):
    h = x @ W.T
    deg = jnp.zeros((N,), h.dtype).at[dst].add(1.0)
    dinv = jnp.where(deg > 0, 1.0 / jnp.sqrt(deg), 0.0)
    norm = dinv[src] * dinv[dst]
    out = jnp.zeros((N, h.shape[1]), h.dtype).at[dst].add(h[src] * norm[:, None])
    return out + b


def setup_inputs(seed: int = 0):
    key = jax.random.key(seed)
    ks = jax.random.split(key, 20)
    inp = {}
    inp["x"] = jax.random.normal(ks[0], (N, D_IN), dtype=jnp.float32)
    inp["edge_index"] = jax.random.randint(ks[1], (2, E), 0, N, dtype=jnp.int32)
    inp["batch"] = jnp.sort(jax.random.randint(ks[2], (N,), 0, N_GRAPHS, dtype=jnp.int32))
    inp["bn_in_g"] = jnp.ones((D_IN,), jnp.float32)
    inp["bn_in_b"] = jnp.zeros((D_IN,), jnp.float32)
    dims = [(D_IN, D_H), (D_H, D_H), (D_H, D_H)]
    for i, (di, do) in enumerate(dims):
        inp[f"W{i}"] = jax.random.normal(ks[3 + i], (do, di), jnp.float32) / np.sqrt(di)
        inp[f"b{i}"] = jnp.zeros((do,), jnp.float32)
        inp[f"g{i}"] = jnp.ones((do,), jnp.float32)
        inp[f"be{i}"] = jnp.zeros((do,), jnp.float32)
    inp["cW1"] = jax.random.normal(ks[10], (D_H, D_H), jnp.float32) / np.sqrt(D_H)
    inp["cb1"] = jnp.zeros((D_H,), jnp.float32)
    inp["cW2"] = jax.random.normal(ks[11], (N_CLASSES, D_H), jnp.float32) / np.sqrt(D_H)
    inp["cb2"] = jnp.zeros((N_CLASSES,), jnp.float32)
    return inp


def reference(x, edge_index, batch, bn_in_g, bn_in_b, W0, b0, g0, be0, W1, b1, g1, be1, W2, b2, g2, be2, cW1, cb1, cW2, cb2):
    loops = jnp.arange(N, dtype=edge_index.dtype)
    src = jnp.concatenate([edge_index[0], loops])
    dst = jnp.concatenate([edge_index[1], loops])
    h = _bn(x, bn_in_g, bn_in_b)
    for W, b, g, be in ((W0, b0, g0, be0), (W1, b1, g1, be1), (W2, b2, g2, be2)):
        h = _gcn(h, W, b, src, dst)
        h = _bn(h, g, be)
        h = jax.nn.relu(h)
    sums = jax.ops.segment_sum(h, batch, num_segments=N_GRAPHS)
    cnt = jax.ops.segment_sum(jnp.ones((N,), h.dtype), batch, num_segments=N_GRAPHS)
    pooled = sums / jnp.clip(cnt, 1.0)[:, None]
    hc = jax.nn.relu(pooled @ cW1.T + cb1)
    return hc @ cW2.T + cb2

if __name__ == "__main__":
    import jax
    _d = setup_inputs()
    print(jax.jit(kernel)(*tuple(_d.values())))

</pallas_src>

<mosaic_0001>
#map = affine_map<(d0, d1) -> (0, 0)>
#map1 = affine_map<(d0, d1) -> (0, 0, 0)>
module attributes {stable_mosaic.version = 14 : i64} {
  func.func @sc_scatter(%arg0: i32, %arg1: i32, %arg2: memref<10240x64xf32, #tpu.memory_space<hbm>>, %arg3: memref<16x80x128xi32, #tpu.memory_space<hbm>>, %arg4: memref<16x80x128xi32, #tpu.memory_space<hbm>>, %arg5: memref<16x80x128xi32, #tpu.memory_space<hbm>>, %arg6: memref<16x80x128xi32, #tpu.memory_space<hbm>>, %arg7: memref<10240x64xf32, #tpu.memory_space<hbm>>, %arg8: memref<2x10240x64xf32, #tpu.memory_space<hbm>>, %arg9: memref<10240x64xf32, #tpu.memory_space<vmem_shared>>, %arg10: memref<10240x64xf32, #tpu.memory_space<vmem_shared>>, %arg11: memref<80x128xi32, #tpu.memory_space<vmem>>, %arg12: memref<80x128xi32, #tpu.memory_space<vmem>>, %arg13: memref<128x64xf32, #tpu.memory_space<vmem>>, %arg14: memref<128x64xf32, #tpu.memory_space<vmem>>, %arg15: memref<!tpu.dma_semaphore, #tpu.memory_space<semaphore_mem>>, %arg16: memref<!tpu.dma_semaphore, #tpu.memory_space<semaphore_mem>>) attributes {dimension_semantics = [#tpu.dimension_semantics<core_parallel>, #tpu.dimension_semantics<subcore_parallel>], iteration_bounds = array<i64: 2, 16>, scalar_prefetch = 0 : i64, scratch_operands = 8 : i64, tpu.core_type = #tpu.core_type<sc_vector_subcore>, window_params = [{transform_indices = #map}, {transform_indices = #map1}, {transform_indices = #map1}, {transform_indices = #map1}, {transform_indices = #map1}, {transform_indices = #map}, {transform_indices = #map1}]} {
    %mul3A = arith.constant 640 : i32
    %mul3A_0 = arith.muli %arg1, %mul3A : i32
    %multiple_of3A = tpu.assume_multiple %mul3A_0, 8 : i32
    %scan3A = arith.constant 0 : i32
    %scan3A_1 = arith.constant 0 : i32
    %scan3A_2 = arith.constant 128 : i32
    %scan3A_3 = arith.addi %scan3A_1, %scan3A_2 : i32
    %scan3A_4 = arith.constant 1 : i32
    scf.for %scan3A_22 = %scan3A_1 to %scan3A_3 step %scan3A_4  : i32 {
      %broadcast_in_dim3A = arith.constant 0.000000e+00 : f32
      %broadcast_in_dim3A_23 = vector.broadcast %broadcast_in_dim3A : f32 to vector<16xf32>
      %swap3A = arith.index_cast %scan3A_22 : i32 to index
      %swap3A_24 = arith.constant 0 : index
      %swap3A_25 = tpu.vector_load %arg13[%swap3A, %swap3A_24] {strides = array<i32>} : memref<128x64xf32, #tpu.memory_space<vmem>>, vector<1x16xf32>,
      %swap3A_26 = vector.shape_cast %swap3A_25 : vector<1x16xf32> to vector<16xf32>
      %swap3A_27 = vector.shape_cast %broadcast_in_dim3A_23 : vector<16xf32> to vector<1x16xf32>
      tpu.vector_store %arg13[%swap3A, %swap3A_24], %swap3A_27 {strides = array<i32>} : memref<128x64xf32, #tpu.memory_space<vmem>>, vector<1x16xf32>,
      %broadcast_in_dim3A_28 = arith.constant 0.000000e+00 : f32
      %broadcast_in_dim3A_29 = vector.broadcast %broadcast_in_dim3A_28 : f32 to vector<16xf32>
      %swap3A_30 = arith.index_cast %scan3A_22 : i32 to index
      %swap3A_31 = arith.constant 16 : index
      %swap3A_32 = tpu.vector_load %arg13[%swap3A_30, %swap3A_31] {strides = array<i32>} : memref<128x64xf32, #tpu.memory_space<vmem>>, vector<1x16xf32>,
      %swap3A_33 = vector.shape_cast %swap3A_32 : vector<1x16xf32> to vector<16xf32>
      %swap3A_34 = vector.shape_cast %broadcast_in_dim3A_29 : vector<16xf32> to vector<1x16xf32>
      tpu.vector_store %arg13[%swap3A_30, %swap3A_31], %swap3A_34 {strides = array<i32>} : memref<128x64xf32, #tpu.memory_space<vmem>>, vector<1x16xf32>,
      %broadcast_in_dim3A_35 = arith.constant 0.000000e+00 : f32
      %broadcast_in_dim3A_36 = vector.broadcast %broadcast_in_dim3A_35 : f32 to vector<16xf32>
      %swap3A_37 = arith.index_cast %scan3A_22 : i32 to index
      %swap3A_38 = arith.constant 32 : index
      %swap3A_39 = tpu.vector_load %arg13[%swap3A_37, %swap3A_38] {strides = array<i32>} : memref<128x64xf32, #tpu.memory_space<vmem>>, vector<1x16xf32>,
      %swap3A_40 = vector.shape_cast %swap3A_39 : vector<1x16xf32> to vector<16xf32>
      %swap3A_41 = vector.shape_cast %broadcast_in_dim3A_36 : vector<16xf32> to vector<1x16xf32>
      tpu.vector_store %arg13[%swap3A_37, %swap3A_38], %swap3A_41 {strides = array<i32>} : memref<128x64xf32, #tpu.memory_space<vmem>>, vector<1x16xf32>,
      %broadcast_in_dim3A_42 = arith.constant 0.000000e+00 : f32
      %broadcast_in_dim3A_43 = vector.broadcast %broadcast_in_dim3A_42 : f32 to vector<16xf32>
      %swap3A_44 = arith.index_cast %scan3A_22 : i32 to index
      %swap3A_45 = arith.constant 48 : index
      %swap3A_46 = tpu.vector_load %arg13[%swap3A_44, %swap3A_45] {strides = array<i32>} : memref<128x64xf32, #tpu.memory_space<vmem>>, vector<1x16xf32>,
      %swap3A_47 = vector.shape_cast %swap3A_46 : vector<1x16xf32> to vector<16xf32>
      %swap3A_48 = vector.shape_cast %broadcast_in_dim3A_43 : vector<16xf32> to vector<1x16xf32>
      tpu.vector_store %arg13[%swap3A_44, %swap3A_45], %swap3A_48 {strides = array<i32>} : memref<128x64xf32, #tpu.memory_space<vmem>>, vector<1x16xf32>,
    }
    %scan3A_5 = arith.constant 128 : i32
    %add3A = arith.constant 0 : i32
    %add3A_6 = arith.addi %multiple_of3A, %add3A : i32
    "tpu.region"() ({
      %run_scoped3A = tpu.sem_alloc : memref<!tpu.dma_semaphore, #tpu.memory_space<semaphore_mem>>
      %dma_start3A = arith.constant 0 : i32
      %dma_start3A_22 = tpu.memref_slice %arg9[%add3A_6, %dma_start3A] : memref<10240x64xf32, #tpu.memory_space<vmem_shared>> -> memref<128x64xf32, #tpu.memory_space<vmem_shared>>
      %dma_start3A_23 = arith.constant 0 : i32
      %dma_start3A_24 = tpu.memref_slice %arg9[%add3A_6, %dma_start3A_23] : memref<10240x64xf32, #tpu.memory_space<vmem_shared>> -> memref<128x64xf32, #tpu.memory_space<vmem_shared>>
      tpu.enqueue_dma source(%arg13 : memref<128x64xf32, #tpu.memory_space<vmem>>) target(%dma_start3A_24 : memref<128x64xf32, #tpu.memory_space<vmem_shared>>) target_semaphore(%run_scoped3A : memref<!tpu.dma_semaphore, #tpu.memory_space<semaphore_mem>>)
      %dma_wait3A = arith.constant 0 : i32
      %dma_wait3A_25 = tpu.memref_slice %arg9[%add3A_6, %dma_wait3A] : memref<10240x64xf32, #tpu.memory_space<vmem_shared>> -> memref<128x64xf32, #tpu.memory_space<vmem_shared>>
      %dma_wait3A_26 = arith.constant 0 : i32
      %dma_wait3A_27 = tpu.memref_slice %arg9[%add3A_6, %dma_wait3A_26] : memref<10240x64xf32, #tpu.memory_space<vmem_shared>> -> memref<128x64xf32, #tpu.memory_space<vmem_shared>>
      tpu.wait_dma2 semaphore(%run_scoped3A : memref<!tpu.dma_semaphore, #tpu.memory_space<semaphore_mem>>) src(%arg13 : memref<128x64xf32, #tpu.memory_space<vmem>>) dst(%dma_wait3A_27 : memref<128x64xf32, #tpu.memory_space<vmem_shared>>)
      tpu.yield
    }) : () -> ()
    %add3A_7 = arith.constant 128 : i32
    %add3A_8 = arith.addi %multiple_of3A, %add3A_7 : i32
    "tpu.region"() ({
      %run_scoped3A = tpu.sem_alloc : memref<!tpu.dma_semaphore, #tpu.memory_space<semaphore_mem>>
      %dma_start3A = arith.constant 0 : i32
      %dma_start3A_22 = tpu.memref_slice %arg9[%add3A_8, %dma_start3A] : memref<10240x64xf32, #tpu.memory_space<vmem_shared>> -> memref<128x64xf32, #tpu.memory_space<vmem_shared>>
      %dma_start3A_23 = arith.constant 0 : i32
      %dma_start3A_24 = tpu.memref_slice %arg9[%add3A_8, %dma_start3A_23] : memref<10240x64xf32, #tpu.memory_space<vmem_shared>> -> memref<128x64xf32, #tpu.memory_space<vmem_shared>>
      tpu.enqueue_dma source(%arg13 : memref<128x64xf32, #tpu.memory_space<vmem>>) target(%dma_start3A_24 : memref<128x64xf32, #tpu.memory_space<vmem_shared>>) target_semaphore(%run_scoped3A : memref<!tpu.dma_semaphore, #tpu.memory_space<semaphore_mem>>)
      %dma_wait3A = arith.constant 0 : i32
      %dma_wait3A_25 = tpu.memref_slice %arg9[%add3A_8, %dma_wait3A] : memref<10240x64xf32, #tpu.memory_space<vmem_shared>> -> memref<128x64xf32, #tpu.memory_space<vmem_shared>>
      %dma_wait3A_26 = arith.constant 0 : i32
      %dma_wait3A_27 = tpu.memref_slice %arg9[%add3A_8, %dma_wait3A_26] : memref<10240x64xf32, #tpu.memory_space<vmem_shared>> -> memref<128x64xf32, #tpu.memory_space<vmem_shared>>
      tpu.wait_dma2 semaphore(%run_scoped3A : memref<!tpu.dma_semaphore, #tpu.memory_space<semaphore_mem>>) src(%arg13 : memref<128x64xf32, #tpu.memory_space<vmem>>) dst(%dma_wait3A_27 : memref<128x64xf32, #tpu.memory_space<vmem_shared>>)
      tpu.yield
    }) : () -> ()
    %add3A_9 = arith.constant 256 : i32
    %add3A_10 = arith.addi %multiple_of3A, %add3A_9 : i32
    "tpu.region"() ({
      %run_scoped3A = tpu.sem_alloc : memref<!tpu.dma_semaphore, #tpu.memory_space<semaphore_mem>>
      %dma_start3A = arith.constant 0 : i32
      %dma_start3A_22 = tpu.memref_slice %arg9[%add3A_10, %dma_start3A] : memref<10240x64xf32, #tpu.memory_space<vmem_shared>> -> memref<128x64xf32, #tpu.memory_space<vmem_shared>>
      %dma_start3A_23 = arith.constant 0 : i32
      %dma_start3A_24 = tpu.memref_slice %arg9[%add3A_10, %dma_start3A_23] : memref<10240x64xf32, #tpu.memory_space<vmem_shared>> -> memref<128x64xf32, #tpu.memory_space<vmem_shared>>
      tpu.enqueue_dma source(%arg13 : memref<128x64xf32, #tpu.memory_space<vmem>>) target(%dma_start3A_24 : memref<128x64xf32, #tpu.memory_space<vmem_shared>>) target_semaphore(%run_scoped3A : memref<!tpu.dma_semaphore, #tpu.memory_space<semaphore_mem>>)
      %dma_wait3A = arith.constant 0 : i32
      %dma_wait3A_25 = tpu.memref_slice %arg9[%add3A_10, %dma_wait3A] : memref<10240x64xf32, #tpu.memory_space<vmem_shared>> -> memref<128x64xf32, #tpu.memory_space<vmem_shared>>
      %dma_wait3A_26 = arith.constant 0 : i32
      %dma_wait3A_27 = tpu.memref_slice %arg9[%add3A_10, %dma_wait3A_26] : memref<10240x64xf32, #tpu.memory_space<vmem_shared>> -> memref<128x64xf32, #tpu.memory_space<vmem_shared>>
      tpu.wait_dma2 semaphore(%run_scoped3A : memref<!tpu.dma_semaphore, #tpu.memory_space<semaphore_mem>>) src(%arg13 : memref<128x64xf32, #tpu.memory_space<vmem>>) dst(%dma_wait3A_27 : memref<128x64xf32, #tpu.memory_space<vmem_shared>>)
      tpu.yield
    }) : () -> ()
    %add3A_11 = arith.constant 384 : i32
    %add3A_12 = arith.addi %multiple_of3A, %add3A_11 : i32
    "tpu.region"() ({
      %run_scoped3A = tpu.sem_alloc : memref<!tpu.dma_semaphore, #tpu.memory_space<semaphore_mem>>
      %dma_start3A = arith.constant 0 : i32
      %dma_start3A_22 = tpu.memref_slice %arg9[%add3A_12, %dma_start3A] : memref<10240x64xf32, #tpu.memory_space<vmem_shared>> -> memref<128x64xf32, #tpu.memory_space<vmem_shared>>
      %dma_start3A_23 = arith.constant 0 : i32
      %dma_start3A_24 = tpu.memref_slice %arg9[%add3A_12, %dma_start3A_23] : memref<10240x64xf32, #tpu.memory_space<vmem_shared>> -> memref<128x64xf32, #tpu.memory_space<vmem_shared>>
      tpu.enqueue_dma source(%arg13 : memref<128x64xf32, #tpu.memory_space<vmem>>) target(%dma_start3A_24 : memref<128x64xf32, #tpu.memory_space<vmem_shared>>) target_semaphore(%run_scoped3A : memref<!tpu.dma_semaphore, #tpu.memory_space<semaphore_mem>>)
      %dma_wait3A = arith.constant 0 : i32
      %dma_wait3A_25 = tpu.memref_slice %arg9[%add3A_12, %dma_wait3A] : memref<10240x64xf32, #tpu.memory_space<vmem_shared>> -> memref<128x64xf32, #tpu.memory_space<vmem_shared>>
      %dma_wait3A_26 = arith.constant 0 : i32
      %dma_wait3A_27 = tpu.memref_slice %arg9[%add3A_12, %dma_wait3A_26] : memref<10240x64xf32, #tpu.memory_space<vmem_shared>> -> memref<128x64xf32, #tpu.memory_space<vmem_shared>>
      tpu.wait_dma2 semaphore(%run_scoped3A : memref<!tpu.dma_semaphore, #tpu.memory_space<semaphore_mem>>) src(%arg13 : memref<128x64xf32, #tpu.memory_space<vmem>>) dst(%dma_wait3A_27 : memref<128x64xf32, #tpu.memory_space<vmem_shared>>)
      tpu.yield
    }) : () -> ()
    %add3A_13 = arith.constant 512 : i32
    %add3A_14 = arith.addi %multiple_of3A, %add3A_13 : i32
    "tpu.region"() ({
      %run_scoped3A = tpu.sem_alloc : memref<!tpu.dma_semaphore, #tpu.memory_space<semaphore_mem>>
      %dma_start3A = arith.constant 0 : i32
      %dma_start3A_22 = tpu.memref_slice %arg9[%add3A_14, %dma_start3A] : memref<10240x64xf32, #tpu.memory_space<vmem_shared>> -> memref<128x64xf32, #tpu.memory_space<vmem_shared>>
      %dma_start3A_23 = arith.constant 0 : i32
      %dma_start3A_24 = tpu.memref_slice %arg9[%add3A_14, %dma_start3A_23] : memref<10240x64xf32, #tpu.memory_space<vmem_shared>> -> memref<128x64xf32, #tpu.memory_space<vmem_shared>>
      tpu.enqueue_dma source(%arg13 : memref<128x64xf32, #tpu.memory_space<vmem>>) target(%dma_start3A_24 : memref<128x64xf32, #tpu.memory_space<vmem_shared>>) target_semaphore(%run_scoped3A : memref<!tpu.dma_semaphore, #tpu.memory_space<semaphore_mem>>)
      %dma_wait3A = arith.constant 0 : i32
      %dma_wait3A_25 = tpu.memref_slice %arg9[%add3A_14, %dma_wait3A] : memref<10240x64xf32, #tpu.memory_space<vmem_shared>> -> memref<128x64xf32, #tpu.memory_space<vmem_shared>>
      %dma_wait3A_26 = arith.constant 0 : i32
      %dma_wait3A_27 = tpu.memref_slice %arg9[%add3A_14, %dma_wait3A_26] : memref<10240x64xf32, #tpu.memory_space<vmem_shared>> -> memref<128x64xf32, #tpu.memory_space<vmem_shared>>
      tpu.wait_dma2 semaphore(%run_scoped3A : memref<!tpu.dma_semaphore, #tpu.memory_space<semaphore_mem>>) src(%arg13 : memref<128x64xf32, #tpu.memory_space<vmem>>) dst(%dma_wait3A_27 : memref<128x64xf32, #tpu.memory_space<vmem_shared>>)
      tpu.yield
    }) : () -> ()
    "tpu.region"() ({
      %run_scoped3A = tpu.sem_alloc : memref<!tpu.dma_semaphore, #tpu.memory_space<semaphore_mem>>
      %dma_start3A = arith.constant 0 : i32
      %dma_start3A_22 = tpu.memref_slice %arg10[%multiple_of3A, %dma_start3A] : memref<10240x64xf32, #tpu.memory_space<vmem_shared>> -> memref<640x64xf32, #tpu.memory_space<vmem_shared>>
      %dma_start3A_23 = arith.constant 0 : i32
      %dma_start3A_24 = tpu.memref_slice %arg2[%multiple_of3A, %dma_start3A_23] : memref<10240x64xf32, #tpu.memory_space<hbm>> -> memref<640x64xf32, #tpu.memory_space<hbm>>
      tpu.enqueue_dma source(%dma_start3A_24 : memref<640x64xf32, #tpu.memory_space<hbm>>) target(%dma_start3A_22 : memref<640x64xf32, #tpu.memory_space<vmem_shared>>) target_semaphore(%run_scoped3A : memref<!tpu.dma_semaphore, #tpu.memory_space<semaphore_mem>>)
      %dma_wait3A = arith.constant 0 : i32
      %dma_wait3A_25 = tpu.memref_slice %arg10[%multiple_of3A, %dma_wait3A] : memref<10240x64xf32, #tpu.memory_space<vmem_shared>> -> memref<640x64xf32, #tpu.memory_space<vmem_shared>>
      %dma_wait3A_26 = arith.constant 0 : i32
      %dma_wait3A_27 = tpu.memref_slice %arg2[%multiple_of3A, %dma_wait3A_26] : memref<10240x64xf32, #tpu.memory_space<hbm>> -> memref<640x64xf32, #tpu.memory_space<hbm>>
      tpu.wait_dma2 semaphore(%run_scoped3A : memref<!tpu.dma_semaphore, #tpu.memory_space<semaphore_mem>>) src(%dma_wait3A_27 : memref<640x64xf32, #tpu.memory_space<hbm>>) dst(%dma_wait3A_25 : memref<640x64xf32, #tpu.memory_space<vmem_shared>>)
      tpu.yield
    }) : () -> ()
    %eq3A = arith.constant 0 : i32
    %eq3A_15 = arith.cmpi eq, %arg0, %eq3A : i32
    %convert_element_type3A = arith.extui %eq3A_15 : i1 to i32
    %cond3A = arith.constant 0 : i32
    %cond3A_16 = arith.cmpi ne, %convert_element_type3A, %cond3A : i32
    scf.if %cond3A_16 {
      "tpu.region"() ({
        %run_scoped3A = tpu.sem_alloc : memref<!tpu.dma_semaphore, #tpu.memory_space<semaphore_mem>>
        %dma_start3A_42 = arith.constant 0 : i32
        %dma_start3A_43 = arith.constant 0 : i32
        %dma_start3A_44 = tpu.memref_slice %arg11[%dma_start3A_42, %dma_start3A_43] : memref<80x128xi32, #tpu.memory_space<vmem>> -> memref<80x128xi32, #tpu.memory_space<vmem>>
        %dma_start3A_45 = arith.constant 0 : i32
        %dma_start3A_46 = arith.constant 0 : i32
        %dma_start3A_47 = tpu.memref_slice %arg3[%arg1, %dma_start3A_45, %dma_start3A_46] : memref<16x80x128xi32, #tpu.memory_space<hbm>> -> memref<1x80x128xi32, #tpu.memory_space<hbm>>
        %dma_start3A_48 = tpu.memref_squeeze %dma_start3A_47 : memref<1x80x128xi32, #tpu.memory_space<hbm>> -> memref<80x128xi32, #tpu.memory_space<hbm>>
        %dma_start3A_49 = arith.constant 0 : i32
        %dma_start3A_50 = arith.constant 0 : i32
        %dma_start3A_51 = tpu.memref_slice %arg11[%dma_start3A_49, %dma_start3A_50] : memref<80x128xi32, #tpu.memory_space<vmem>> -> memref<80x128xi32, #tpu.memory_space<vmem>>
        %dma_start3A_52 = arith.constant 0 : i32
        %dma_start3A_53 = arith.constant 0 : i32
        %dma_start3A_54 = tpu.memref_slice %arg3[%arg1, %dma_start3A_52, %dma_start3A_53] : memref<16x80x128xi32, #tpu.memory_space<hbm>> -> memref<1x80x128xi32, #tpu.memory_space<hbm>>
        %dma_start3A_55 = tpu.memref_squeeze %dma_start3A_54 : memref<1x80x128xi32, #tpu.memory_space<hbm>> -> memref<80x128xi32, #tpu.memory_space<hbm>>
        tpu.enqueue_dma source(%dma_start3A_55 : memref<80x128xi32, #tpu.memory_space<hbm>>) target(%dma_start3A_51 : memref<80x128xi32, #tpu.memory_space<vmem>>) target_semaphore(%run_scoped3A : memref<!tpu.dma_semaphore, #tpu.memory_space<semaphore_mem>>)
        %dma_wait3A = arith.constant 0 : i32
        %dma_wait3A_56 = arith.constant 0 : i32
        %dma_wait3A_57 = tpu.memref_slice %arg11[%dma_wait3A, %dma_wait3A_56] : memref<80x128xi32, #tpu.memory_space<vmem>> -> memref<80x128xi32, #tpu.memory_space<vmem>>
        %dma_wait3A_58 = arith.constant 0 : i32
        %dma_wait3A_59 = arith.constant 0 : i32
        %dma_wait3A_60 = tpu.memref_slice %arg3[%arg1, %dma_wait3A_58, %dma_wait3A_59] : memref<16x80x128xi32, #tpu.memory_space<hbm>> -> memref<1x80x128xi32, #tpu.memory_space<hbm>>
        %dma_wait3A_61 = tpu.memref_squeeze %dma_wait3A_60 : memref<1x80x128xi32, #tpu.memory_space<hbm>> -> memref<80x128xi32, #tpu.memory_space<hbm>>
        %dma_wait3A_62 = arith.constant 0 : i32
        %dma_wait3A_63 = arith.constant 0 : i32
        %dma_wait3A_64 = tpu.memref_slice %arg11[%dma_wait3A_62, %dma_wait3A_63] : memref<80x128xi32, #tpu.memory_space<vmem>> -> memref<80x128xi32, #tpu.memory_space<vmem>>
        %dma_wait3A_65 = arith.constant 0 : i32
        %dma_wait3A_66 = arith.constant 0 : i32
        %dma_wait3A_67 = tpu.memref_slice %arg3[%arg1, %dma_wait3A_65, %dma_wait3A_66] : memref<16x80x128xi32, #tpu.memory_space<hbm>> -> memref<1x80x128xi32, #tpu.memory_space<hbm>>
        %dma_wait3A_68 = tpu.memref_squeeze %dma_wait3A_67 : memref<1x80x128xi32, #tpu.memory_space<hbm>> -> memref<80x128xi32, #tpu.memory_space<hbm>>
        tpu.wait_dma2 semaphore(%run_scoped3A : memref<!tpu.dma_semaphore, #tpu.memory_space<semaphore_mem>>) src(%dma_wait3A_68 : memref<80x128xi32, #tpu.memory_space<hbm>>) dst(%dma_wait3A_64 : memref<80x128xi32, #tpu.memory_space<vmem>>)
        tpu.yield
      }) : () -> ()
      "tpu.region"() ({
        %run_scoped3A = tpu.sem_alloc : memref<!tpu.dma_semaphore, #tpu.memory_space<semaphore_mem>>
        %dma_start3A_42 = arith.constant 0 : i32
        %dma_start3A_43 = arith.constant 0 : i32
        %dma_start3A_44 = tpu.memref_slice %arg12[%dma_start3A_42, %dma_start3A_43] : memref<80x128xi32, #tpu.memory_space<vmem>> -> memref<80x128xi32, #tpu.memory_space<vmem>>
        %dma_start3A_45 = arith.constant 0 : i32
        %dma_start3A_46 = arith.constant 0 : i32
        %dma_start3A_47 = tpu.memref_slice %arg4[%arg1, %dma_start3A_45, %dma_start3A_46] : memref<16x80x128xi32, #tpu.memory_space<hbm>> -> memref<1x80x128xi32, #tpu.memory_space<hbm>>
        %dma_start3A_48 = tpu.memref_squeeze %dma_start3A_47 : memref<1x80x128xi32, #tpu.memory_space<hbm>> -> memref<80x128xi32, #tpu.memory_space<hbm>>
        %dma_start3A_49 = arith.constant 0 : i32
        %dma_start3A_50 = arith.constant 0 : i32
        %dma_start3A_51 = tpu.memref_slice %arg12[%dma_start3A_49, %dma_start3A_50] : memref<80x128xi32, #tpu.memory_space<vmem>> -> memref<80x128xi32, #tpu.memory_space<vmem>>
        %dma_start3A_52 = arith.constant 0 : i32
        %dma_start3A_53 = arith.constant 0 : i32
        %dma_start3A_54 = tpu.memref_slice %arg4[%arg1, %dma_start3A_52, %dma_start3A_53] : memref<16x80x128xi32, #tpu.memory_space<hbm>> -> memref<1x80x128xi32, #tpu.memory_space<hbm>>
        %dma_start3A_55 = tpu.memref_squeeze %dma_start3A_54 : memref<1x80x128xi32, #tpu.memory_space<hbm>> -> memref<80x128xi32, #tpu.memory_space<hbm>>
        tpu.enqueue_dma source(%dma_start3A_55 : memref<80x128xi32, #tpu.memory_space<hbm>>) target(%dma_start3A_51 : memref<80x128xi32, #tpu.memory_space<vmem>>) target_semaphore(%run_scoped3A : memref<!tpu.dma_semaphore, #tpu.memory_space<semaphore_mem>>)
        %dma_wait3A = arith.constant 0 : i32
        %dma_wait3A_56 = arith.constant 0 : i32
        %dma_wait3A_57 = tpu.memref_slice %arg12[%dma_wait3A, %dma_wait3A_56] : memref<80x128xi32, #tpu.memory_space<vmem>> -> memref<80x128xi32, #tpu.memory_space<vmem>>
        %dma_wait3A_58 = arith.constant 0 : i32
        %dma_wait3A_59 = arith.constant 0 : i32
        %dma_wait3A_60 = tpu.memref_slice %arg4[%arg1, %dma_wait3A_58, %dma_wait3A_59] : memref<16x80x128xi32, #tpu.memory_space<hbm>> -> memref<1x80x128xi32, #tpu.memory_space<hbm>>
        %dma_wait3A_61 = tpu.memref_squeeze %dma_wait3A_60 : memref<1x80x128xi32, #tpu.memory_space<hbm>> -> memref<80x128xi32, #tpu.memory_space<hbm>>
        %dma_wait3A_62 = arith.constant 0 : i32
        %dma_wait3A_63 = arith.constant 0 : i32
        %dma_wait3A_64 = tpu.memref_slice %arg12[%dma_wait3A_62, %dma_wait3A_63] : memref<80x128xi32, #tpu.memory_space<vmem>> -> memref<80x128xi32, #tpu.memory_space<vmem>>
        %dma_wait3A_65 = arith.constant 0 : i32
        %dma_wait3A_66 = arith.constant 0 : i32
        %dma_wait3A_67 = tpu.memref_slice %arg4[%arg1, %dma_wait3A_65, %dma_wait3A_66] : memref<16x80x128xi32, #tpu.memory_space<hbm>> -> memref<1x80x128xi32, #tpu.memory_space<hbm>>
        %dma_wait3A_68 = tpu.memref_squeeze %dma_wait3A_67 : memref<1x80x128xi32, #tpu.memory_space<hbm>> -> memref<80x128xi32, #tpu.memory_space<hbm>>
        tpu.wait_dma2 semaphore(%run_scoped3A : memref<!tpu.dma_semaphore, #tpu.memory_space<semaphore_mem>>) src(%dma_wait3A_68 : memref<80x128xi32, #tpu.memory_space<hbm>>) dst(%dma_wait3A_64 : memref<80x128xi32, #tpu.memory_space<vmem>>)
        tpu.yield
      }) : () -> ()
      %barrier3A_22 = arith.constant 0 : index
      tpu.barrier barrier_id(%barrier3A_22)
      %dma_start3A = arith.constant 0 : i32
      %dma_start3A_23 = arith.constant 0 : i32
      %dma_start3A_24 = tpu.memref_slice %arg11[%dma_start3A, %dma_start3A_23] : memref<80x128xi32, #tpu.memory_space<vmem>> -> memref<1x128xi32, #tpu.memory_space<vmem>>
      %dma_start3A_25 = tpu.memref_squeeze %dma_start3A_24 : memref<1x128xi32, #tpu.memory_space<vmem>> -> memref<128xi32, #tpu.memory_space<vmem>>
      %dma_start3A_26 = arith.constant 0 : i32
      %dma_start3A_27 = arith.constant 0 : i32
      %dma_start3A_28 = tpu.memref_slice %arg10[%dma_start3A_26, %dma_start3A_27] : memref<10240x64xf32, #tpu.memory_space<vmem_shared>> -> memref<10240x64xf32, #tpu.memory_space<vmem_shared>>
      tpu.enqueue_indirect_dma source(%dma_start3A_28 : memref<10240x64xf32, #tpu.memory_space<vmem_shared>>) target(%arg13 : memref<128x64xf32, #tpu.memory_space<vmem>>) offsets(%dma_start3A_25 : memref<128xi32, #tpu.memory_space<vmem>>) semaphore(%arg15 : memref<!tpu.dma_semaphore, #tpu.memory_space<semaphore_mem>>)
      %dma_start3A_29 = arith.constant 1 : i32
      %dma_start3A_30 = arith.constant 0 : i32
      %dma_start3A_31 = tpu.memref_slice %arg11[%dma_start3A_29, %dma_start3A_30] : memref<80x128xi32, #tpu.memory_space<vmem>> -> memref<1x128xi32, #tpu.memory_space<vmem>>
      %dma_start3A_32 = tpu.memref_squeeze %dma_start3A_31 : memref<1x128xi32, #tpu.memory_space<vmem>> -> memref<128xi32, #tpu.memory_space<vmem>>
      %dma_start3A_33 = arith.constant 0 : i32
      %dma_start3A_34 = arith.constant 0 : i32
      %dma_start3A_35 = tpu.memref_slice %arg10[%dma_start3A_33, %dma_start3A_34] : memref<10240x64xf32, #tpu.memory_space<vmem_shared>> -> memref<10240x64xf32, #tpu.memory_space<vmem_shared>>
      tpu.enqueue_indirect_dma source(%dma_start3A_35 : memref<10240x64xf32, #tpu.memory_space<vmem_shared>>) target(%arg14 : memref<128x64xf32, #tpu.memory_space<vmem>>) offsets(%dma_start3A_32 : memref<128xi32, #tpu.memory_space<vmem>>) semaphore(%arg16 : memref<!tpu.dma_semaphore, #tpu.memory_space<semaphore_mem>>)
      %scan3A_36 = arith.constant 0 : i32
      %scan3A_37 = arith.constant 0 : i32
      %scan3A_38 = arith.constant 40 : i32
      %scan3A_39 = arith.addi %scan3A_37, %scan3A_38 : i32
      %scan3A_40 = arith.constant 1 : i32
      scf.for %scan3A_42 = %scan3A_37 to %scan3A_39 step %scan3A_40  : i32 {
        %mul3A_43 = arith.constant 2 : i32
        %mul3A_44 = arith.muli %scan3A_42, %mul3A_43 : i32
        %add3A_45 = arith.constant 0 : i32
        %add3A_46 = arith.addi %mul3A_44, %add3A_45 : i32
        %dma_wait3A = arith.constant 0 : i32
        %dma_wait3A_47 = arith.constant 0 : i32
        %dma_wait3A_48 = tpu.memref_slice %arg7[%dma_wait3A, %dma_wait3A_47] : memref<10240x64xf32, #tpu.memory_space<hbm>> -> memref<128x64xf32, #tpu.memory_space<hbm>>
        %dma_wait3A_49 = arith.constant 0 : i32
        %dma_wait3A_50 = arith.constant 0 : i32
        %dma_wait3A_51 = tpu.memref_slice %arg7[%dma_wait3A_49, %dma_wait3A_50] : memref<10240x64xf32, #tpu.memory_space<hbm>> -> memref<128x64xf32, #tpu.memory_space<hbm>>
        tpu.wait_dma2 semaphore(%arg15 : memref<!tpu.dma_semaphore, #tpu.memory_space<semaphore_mem>>) src(%dma_wait3A_51 : memref<128x64xf32, #tpu.memory_space<hbm>>) dst(%arg13 : memref<128x64xf32, #tpu.memory_space<vmem>>)
        "tpu.region"() ({
          %run_scoped3A = tpu.sem_alloc : memref<!tpu.dma_semaphore, #tpu.memory_space<semaphore_mem>>
          %dma_start3A_75 = arith.constant 0 : i32
          %dma_start3A_76 = tpu.memref_slice %arg12[%add3A_46, %dma_start3A_75] : memref<80x128xi32, #tpu.memory_space<vmem>> -> memref<1x128xi32, #tpu.memory_space<vmem>>
          %dma_start3A_77 = tpu.memref_squeeze %dma_start3A_76 : memref<1x128xi32, #tpu.memory_space<vmem>> -> memref<128xi32, #tpu.memory_space<vmem>>
          %dma_start3A_78 = arith.constant 0 : i32
          %dma_start3A_79 = arith.constant 0 : i32
          %dma_start3A_80 = tpu.memref_slice %arg9[%dma_start3A_78, %dma_start3A_79] : memref<10240x64xf32, #tpu.memory_space<vmem_shared>> -> memref<10240x64xf32, #tpu.memory_space<vmem_shared>>
          tpu.enqueue_indirect_dma source(%arg13 : memref<128x64xf32, #tpu.memory_space<vmem>>) target(%dma_start3A_80 : memref<10240x64xf32, #tpu.memory_space<vmem_shared>>) offsets(%dma_start3A_77 : memref<128xi32, #tpu.memory_space<vmem>>) semaphore(%run_scoped3A : memref<!tpu.dma_semaphore, #tpu.memory_space<semaphore_mem>>) {add = true}
          %dma_wait3A_81 = arith.constant 0 : i32
          %dma_wait3A_82 = tpu.memref_slice %arg12[%add3A_46, %dma_wait3A_81] : memref<80x128xi32, #tpu.memory_space<vmem>> -> memref<1x128xi32, #tpu.memory_space<vmem>>
          %dma_wait3A_83 = tpu.memref_squeeze %dma_wait3A_82 : memref<1x128xi32, #tpu.memory_space<vmem>> -> memref<128xi32, #tpu.memory_space<vmem>>
          %dma_wait3A_84 = arith.constant 0 : i32
          %dma_wait3A_85 = arith.constant 0 : i32
          %dma_wait3A_86 = tpu.memref_slice %arg9[%dma_wait3A_84, %dma_wait3A_85] : memref<10240x64xf32, #tpu.memory_space<vmem_shared>> -> memref<10240x64xf32, #tpu.memory_space<vmem_shared>>
          tpu.wait_indirect_dma semaphore(%run_scoped3A : memref<!tpu.dma_semaphore, #tpu.memory_space<semaphore_mem>>) src(%arg13 : memref<128x64xf32, #tpu.memory_space<vmem>>) dst(%dma_wait3A_86 : memref<10240x64xf32, #tpu.memory_space<vmem_shared>>)
          tpu.yield
        }) : () -> ()
        %add3A_52 = arith.constant 2 : i32
        %add3A_53 = arith.addi %add3A_46, %add3A_52 : i32
        %lt3A = arith.constant 80 : i32
        %lt3A_54 = arith.cmpi slt, %add3A_53, %lt3A : i32
        %convert_element_type3A_55 = arith.extui %lt3A_54 : i1 to i32
        %cond3A_56 = arith.constant 0 : i32
        %cond3A_57 = arith.cmpi ne, %convert_element_type3A_55, %cond3A_56 : i32
        scf.if %cond3A_57 {
          %add3A_75 = arith.constant 2 : i32
          %add3A_76 = arith.addi %add3A_46, %add3A_75 : i32
          %dma_start3A_77 = arith.constant 0 : i32
          %dma_start3A_78 = tpu.memref_slice %arg11[%add3A_76, %dma_start3A_77] : memref<80x128xi32, #tpu.memory_space<vmem>> -> memref<1x128xi32, #tpu.memory_space<vmem>>
          %dma_start3A_79 = tpu.memref_squeeze %dma_start3A_78 : memref<1x128xi32, #tpu.memory_space<vmem>> -> memref<128xi32, #tpu.memory_space<vmem>>
          %dma_start3A_80 = arith.constant 0 : i32
          %dma_start3A_81 = arith.constant 0 : i32
          %dma_start3A_82 = tpu.memref_slice %arg10[%dma_start3A_80, %dma_start3A_81] : memref<10240x64xf32, #tpu.memory_space<vmem_shared>> -> memref<10240x64xf32, #tpu.memory_space<vmem_shared>>
          tpu.enqueue_indirect_dma source(%dma_start3A_82 : memref<10240x64xf32, #tpu.memory_space<vmem_shared>>) target(%arg13 : memref<128x64xf32, #tpu.memory_space<vmem>>) offsets(%dma_start3A_79 : memref<128xi32, #tpu.memory_space<vmem>>) semaphore(%arg15 : memref<!tpu.dma_semaphore, #tpu.memory_space<semaphore_mem>>)
        } else {
        }
        %mul3A_58 = arith.constant 2 : i32
        %mul3A_59 = arith.muli %scan3A_42, %mul3A_58 : i32
        %add3A_60 = arith.constant 1 : i32
        %add3A_61 = arith.addi %mul3A_59, %add3A_60 : i32
        %dma_wait3A_62 = arith.constant 0 : i32
        %dma_wait3A_63 = arith.constant 0 : i32
        %dma_wait3A_64 = tpu.memref_slice %arg7[%dma_wait3A_62, %dma_wait3A_63] : memref<10240x64xf32, #tpu.memory_space<hbm>> -> memref<128x64xf32, #tpu.memory_space<hbm>>
        %dma_wait3A_65 = arith.constant 0 : i32
        %dma_wait3A_66 = arith.constant 0 : i32
        %dma_wait3A_67 = tpu.memref_slice %arg7[%dma_wait3A_65, %dma_wait3A_66] : memref<10240x64xf32, #tpu.memory_space<hbm>> -> memref<128x64xf32, #tpu.memory_space<hbm>>
        tpu.wait_dma2 semaphore(%arg16 : memref<!tpu.dma_semaphore, #tpu.memory_space<semaphore_mem>>) src(%dma_wait3A_67 : memref<128x64xf32, #tpu.memory_space<hbm>>) dst(%arg14 : memref<128x64xf32, #tpu.memory_space<vmem>>)
        "tpu.region"() ({
          %run_scoped3A = tpu.sem_alloc : memref<!tpu.dma_semaphore, #tpu.memory_space<semaphore_mem>>
          %dma_start3A_75 = arith.constant 0 : i32
          %dma_start3A_76 = tpu.memref_slice %arg12[%add3A_61, %dma_start3A_75] : memref<80x128xi32, #tpu.memory_space<vmem>> -> memref<1x128xi32, #tpu.memory_space<vmem>>
          %dma_start3A_77 = tpu.memref_squeeze %dma_start3A_76 : memref<1x128xi32, #tpu.memory_space<vmem>> -> memref<128xi32, #tpu.memory_space<vmem>>
          %dma_start3A_78 = arith.constant 0 : i32
          %dma_start3A_79 = arith.constant 0 : i32
          %dma_start3A_80 = tpu.memref_slice %arg9[%dma_start3A_78, %dma_start3A_79] : memref<10240x64xf32, #tpu.memory_space<vmem_shared>> -> memref<10240x64xf32, #tpu.memory_space<vmem_shared>>
          tpu.enqueue_indirect_dma source(%arg14 : memref<128x64xf32, #tpu.memory_space<vmem>>) target(%dma_start3A_80 : memref<10240x64xf32, #tpu.memory_space<vmem_shared>>) offsets(%dma_start3A_77 : memref<128xi32, #tpu.memory_space<vmem>>) semaphore(%run_scoped3A : memref<!tpu.dma_semaphore, #tpu.memory_space<semaphore_mem>>) {add = true}
          %dma_wait3A_81 = arith.constant 0 : i32
          %dma_wait3A_82 = tpu.memref_slice %arg12[%add3A_61, %dma_wait3A_81] : memref<80x128xi32, #tpu.memory_space<vmem>> -> memref<1x128xi32, #tpu.memory_space<vmem>>
          %dma_wait3A_83 = tpu.memref_squeeze %dma_wait3A_82 : memref<1x128xi32, #tpu.memory_space<vmem>> -> memref<128xi32, #tpu.memory_space<vmem>>
          %dma_wait3A_84 = arith.constant 0 : i32
          %dma_wait3A_85 = arith.constant 0 : i32
          %dma_wait3A_86 = tpu.memref_slice %arg9[%dma_wait3A_84, %dma_wait3A_85] : memref<10240x64xf32, #tpu.memory_space<vmem_shared>> -> memref<10240x64xf32, #tpu.memory_space<vmem_shared>>
          tpu.wait_indirect_dma semaphore(%run_scoped3A : memref<!tpu.dma_semaphore, #tpu.memory_space<semaphore_mem>>) src(%arg14 : memref<128x64xf32, #tpu.memory_space<vmem>>) dst(%dma_wait3A_86 : memref<10240x64xf32, #tpu.memory_space<vmem_shared>>)
          tpu.yield
        }) : () -> ()
        %add3A_68 = arith.constant 2 : i32
        %add3A_69 = arith.addi %add3A_61, %add3A_68 : i32
        %lt3A_70 = arith.constant 80 : i32
        %lt3A_71 = arith.cmpi slt, %add3A_69, %lt3A_70 : i32
        %convert_element_type3A_72 = arith.extui %lt3A_71 : i1 to i32
        %cond3A_73 = arith.constant 0 : i32
        %cond3A_74 = arith.cmpi ne, %convert_element_type3A_72, %cond3A_73 : i32
        scf.if %cond3A_74 {
          %add3A_75 = arith.constant 2 : i32
          %add3A_76 = arith.addi %add3A_61, %add3A_75 : i32
          %dma_start3A_77 = arith.constant 0 : i32
          %dma_start3A_78 = tpu.memref_slice %arg11[%add3A_76, %dma_start3A_77] : memref<80x128xi32, #tpu.memory_space<vmem>> -> memref<1x128xi32, #tpu.memory_space<vmem>>
          %dma_start3A_79 = tpu.memref_squeeze %dma_start3A_78 : memref<1x128xi32, #tpu.memory_space<vmem>> -> memref<128xi32, #tpu.memory_space<vmem>>
          %dma_start3A_80 = arith.constant 0 : i32
          %dma_start3A_81 = arith.constant 0 : i32
          %dma_start3A_82 = tpu.memref_slice %arg10[%dma_start3A_80, %dma_start3A_81] : memref<10240x64xf32, #tpu.memory_space<vmem_shared>> -> memref<10240x64xf32, #tpu.memory_space<vmem_shared>>
          tpu.enqueue_indirect_dma source(%dma_start3A_82 : memref<10240x64xf32, #tpu.memory_space<vmem_shared>>) target(%arg14 : memref<128x64xf32, #tpu.memory_space<vmem>>) offsets(%dma_start3A_79 : memref<128xi32, #tpu.memory_space<vmem>>) semaphore(%arg16 : memref<!tpu.dma_semaphore, #tpu.memory_space<semaphore_mem>>)
        } else {
        }
      }
      %scan3A_41 = arith.constant 40 : i32
    } else {
    }
    %eq3A_17 = arith.constant 1 : i32
    %eq3A_18 = arith.cmpi eq, %arg0, %eq3A_17 : i32
    %convert_element_type3A_19 = arith.extui %eq3A_18 : i1 to i32
    %cond3A_20 = arith.constant 0 : i32
    %cond3A_21 = arith.cmpi ne, %convert_element_type3A_19, %cond3A_20 : i32
    scf.if %cond3A_21 {
      "tpu.region"() ({
        %run_scoped3A = tpu.sem_alloc : memref<!tpu.dma_semaphore, #tpu.memory_space<semaphore_mem>>
        %dma_start3A_42 = arith.constant 0 : i32
        %dma_start3A_43 = arith.constant 0 : i32
        %dma_start3A_44 = tpu.memref_slice %arg11[%dma_start3A_42, %dma_start3A_43] : memref<80x128xi32, #tpu.memory_space<vmem>> -> memref<80x128xi32, #tpu.memory_space<vmem>>
        %dma_start3A_45 = arith.constant 0 : i32
        %dma_start3A_46 = arith.constant 0 : i32
        %dma_start3A_47 = tpu.memref_slice %arg5[%arg1, %dma_start3A_45, %dma_start3A_46] : memref<16x80x128xi32, #tpu.memory_space<hbm>> -> memref<1x80x128xi32, #tpu.memory_space<hbm>>
        %dma_start3A_48 = tpu.memref_squeeze %dma_start3A_47 : memref<1x80x128xi32, #tpu.memory_space<hbm>> -> memref<80x128xi32, #tpu.memory_space<hbm>>
        %dma_start3A_49 = arith.constant 0 : i32
        %dma_start3A_50 = arith.constant 0 : i32
        %dma_start3A_51 = tpu.memref_slice %arg11[%dma_start3A_49, %dma_start3A_50] : memref<80x128xi32, #tpu.memory_space<vmem>> -> memref<80x128xi32, #tpu.memory_space<vmem>>
        %dma_start3A_52 = arith.constant 0 : i32
        %dma_start3A_53 = arith.constant 0 : i32
        %dma_start3A_54 = tpu.memref_slice %arg5[%arg1, %dma_start3A_52, %dma_start3A_53] : memref<16x80x128xi32, #tpu.memory_space<hbm>> -> memref<1x80x128xi32, #tpu.memory_space<hbm>>
        %dma_start3A_55 = tpu.memref_squeeze %dma_start3A_54 : memref<1x80x128xi32, #tpu.memory_space<hbm>> -> memref<80x128xi32, #tpu.memory_space<hbm>>
        tpu.enqueue_dma source(%dma_start3A_55 : memref<80x128xi32, #tpu.memory_space<hbm>>) target(%dma_start3A_51 : memref<80x128xi32, #tpu.memory_space<vmem>>) target_semaphore(%run_scoped3A : memref<!tpu.dma_semaphore, #tpu.memory_space<semaphore_mem>>)
        %dma_wait3A = arith.constant 0 : i32
        %dma_wait3A_56 = arith.constant 0 : i32
        %dma_wait3A_57 = tpu.memref_slice %arg11[%dma_wait3A, %dma_wait3A_56] : memref<80x128xi32, #tpu.memory_space<vmem>> -> memref<80x128xi32, #tpu.memory_space<vmem>>
        %dma_wait3A_58 = arith.constant 0 : i32
        %dma_wait3A_59 = arith.constant 0 : i32
        %dma_wait3A_60 = tpu.memref_slice %arg5[%arg1, %dma_wait3A_58, %dma_wait3A_59] : memref<16x80x128xi32, #tpu.memory_space<hbm>> -> memref<1x80x128xi32, #tpu.memory_space<hbm>>
        %dma_wait3A_61 = tpu.memref_squeeze %dma_wait3A_60 : memref<1x80x128xi32, #tpu.memory_space<hbm>> -> memref<80x128xi32, #tpu.memory_space<hbm>>
        %dma_wait3A_62 = arith.constant 0 : i32
        %dma_wait3A_63 = arith.constant 0 : i32
        %dma_wait3A_64 = tpu.memref_slice %arg11[%dma_wait3A_62, %dma_wait3A_63] : memref<80x128xi32, #tpu.memory_space<vmem>> -> memref<80x128xi32, #tpu.memory_space<vmem>>
        %dma_wait3A_65 = arith.constant 0 : i32
        %dma_wait3A_66 = arith.constant 0 : i32
        %dma_wait3A_67 = tpu.memref_slice %arg5[%arg1, %dma_wait3A_65, %dma_wait3A_66] : memref<16x80x128xi32, #tpu.memory_space<hbm>> -> memref<1x80x128xi32, #tpu.memory_space<hbm>>
        %dma_wait3A_68 = tpu.memref_squeeze %dma_wait3A_67 : memref<1x80x128xi32, #tpu.memory_space<hbm>> -> memref<80x128xi32, #tpu.memory_space<hbm>>
        tpu.wait_dma2 semaphore(%run_scoped3A : memref<!tpu.dma_semaphore, #tpu.memory_space<semaphore_mem>>) src(%dma_wait3A_68 : memref<80x128xi32, #tpu.memory_space<hbm>>) dst(%dma_wait3A_64 : memref<80x128xi32, #tpu.memory_space<vmem>>)
        tpu.yield
      }) : () -> ()
      "tpu.region"() ({
        %run_scoped3A = tpu.sem_alloc : memref<!tpu.dma_semaphore, #tpu.memory_space<semaphore_mem>>
        %dma_start3A_42 = arith.constant 0 : i32
        %dma_start3A_43 = arith.constant 0 : i32
        %dma_start3A_44 = tpu.memref_slice %arg12[%dma_start3A_42, %dma_start3A_43] : memref<80x128xi32, #tpu.memory_space<vmem>> -> memref<80x128xi32, #tpu.memory_space<vmem>>
        %dma_start3A_45 = arith.constant 0 : i32
        %dma_start3A_46 = arith.constant 0 : i32
        %dma_start3A_47 = tpu.memref_slice %arg6[%arg1, %dma_start3A_45, %dma_start3A_46] : memref<16x80x128xi32, #tpu.memory_space<hbm>> -> memref<1x80x128xi32, #tpu.memory_space<hbm>>
        %dma_start3A_48 = tpu.memref_squeeze %dma_start3A_47 : memref<1x80x128xi32, #tpu.memory_space<hbm>> -> memref<80x128xi32, #tpu.memory_space<hbm>>
        %dma_start3A_49 = arith.constant 0 : i32
        %dma_start3A_50 = arith.constant 0 : i32
        %dma_start3A_51 = tpu.memref_slice %arg12[%dma_start3A_49, %dma_start3A_50] : memref<80x128xi32, #tpu.memory_space<vmem>> -> memref<80x128xi32, #tpu.memory_space<vmem>>
        %dma_start3A_52 = arith.constant 0 : i32
        %dma_start3A_53 = arith.constant 0 : i32
        %dma_start3A_54 = tpu.memref_slice %arg6[%arg1, %dma_start3A_52, %dma_start3A_53] : memref<16x80x128xi32, #tpu.memory_space<hbm>> -> memref<1x80x128xi32, #tpu.memory_space<hbm>>
        %dma_start3A_55 = tpu.memref_squeeze %dma_start3A_54 : memref<1x80x128xi32, #tpu.memory_space<hbm>> -> memref<80x128xi32, #tpu.memory_space<hbm>>
        tpu.enqueue_dma source(%dma_start3A_55 : memref<80x128xi32, #tpu.memory_space<hbm>>) target(%dma_start3A_51 : memref<80x128xi32, #tpu.memory_space<vmem>>) target_semaphore(%run_scoped3A : memref<!tpu.dma_semaphore, #tpu.memory_space<semaphore_mem>>)
        %dma_wait3A = arith.constant 0 : i32
        %dma_wait3A_56 = arith.constant 0 : i32
        %dma_wait3A_57 = tpu.memref_slice %arg12[%dma_wait3A, %dma_wait3A_56] : memref<80x128xi32, #tpu.memory_space<vmem>> -> memref<80x128xi32, #tpu.memory_space<vmem>>
        %dma_wait3A_58 = arith.constant 0 : i32
        %dma_wait3A_59 = arith.constant 0 : i32
        %dma_wait3A_60 = tpu.memref_slice %arg6[%arg1, %dma_wait3A_58, %dma_wait3A_59] : memref<16x80x128xi32, #tpu.memory_space<hbm>> -> memref<1x80x128xi32, #tpu.memory_space<hbm>>
        %dma_wait3A_61 = tpu.memref_squeeze %dma_wait3A_60 : memref<1x80x128xi32, #tpu.memory_space<hbm>> -> memref<80x128xi32, #tpu.memory_space<hbm>>
        %dma_wait3A_62 = arith.constant 0 : i32
        %dma_wait3A_63 = arith.constant 0 : i32
        %dma_wait3A_64 = tpu.memref_slice %arg12[%dma_wait3A_62, %dma_wait3A_63] : memref<80x128xi32, #tpu.memory_space<vmem>> -> memref<80x128xi32, #tpu.memory_space<vmem>>
        %dma_wait3A_65 = arith.constant 0 : i32
        %dma_wait3A_66 = arith.constant 0 : i32
        %dma_wait3A_67 = tpu.memref_slice %arg6[%arg1, %dma_wait3A_65, %dma_wait3A_66] : memref<16x80x128xi32, #tpu.memory_space<hbm>> -> memref<1x80x128xi32, #tpu.memory_space<hbm>>
        %dma_wait3A_68 = tpu.memref_squeeze %dma_wait3A_67 : memref<1x80x128xi32, #tpu.memory_space<hbm>> -> memref<80x128xi32, #tpu.memory_space<hbm>>
        tpu.wait_dma2 semaphore(%run_scoped3A : memref<!tpu.dma_semaphore, #tpu.memory_space<semaphore_mem>>) src(%dma_wait3A_68 : memref<80x128xi32, #tpu.memory_space<hbm>>) dst(%dma_wait3A_64 : memref<80x128xi32, #tpu.memory_space<vmem>>)
        tpu.yield
      }) : () -> ()
      %barrier3A_22 = arith.constant 0 : index
      tpu.barrier barrier_id(%barrier3A_22)
      %dma_start3A = arith.constant 0 : i32
      %dma_start3A_23 = arith.constant 0 : i32
      %dma_start3A_24 = tpu.memref_slice %arg11[%dma_start3A, %dma_start3A_23] : memref<80x128xi32, #tpu.memory_space<vmem>> -> memref<1x128xi32, #tpu.memory_space<vmem>>
      %dma_start3A_25 = tpu.memref_squeeze %dma_start3A_24 : memref<1x128xi32, #tpu.memory_space<vmem>> -> memref<128xi32, #tpu.memory_space<vmem>>
      %dma_start3A_26 = arith.constant 0 : i32
      %dma_start3A_27 = arith.constant 0 : i32
      %dma_start3A_28 = tpu.memref_slice %arg10[%dma_start3A_26, %dma_start3A_27] : memref<10240x64xf32, #tpu.memory_space<vmem_shared>> -> memref<10240x64xf32, #tpu.memory_space<vmem_shared>>
      tpu.enqueue_indirect_dma source(%dma_start3A_28 : memref<10240x64xf32, #tpu.memory_space<vmem_shared>>) target(%arg13 : memref<128x64xf32, #tpu.memory_space<vmem>>) offsets(%dma_start3A_25 : memref<128xi32, #tpu.memory_space<vmem>>) semaphore(%arg15 : memref<!tpu.dma_semaphore, #tpu.memory_space<semaphore_mem>>)
      %dma_start3A_29 = arith.constant 1 : i32
      %dma_start3A_30 = arith.constant 0 : i32
      %dma_start3A_31 = tpu.memref_slice %arg11[%dma_start3A_29, %dma_start3A_30] : memref<80x128xi32, #tpu.memory_space<vmem>> -> memref<1x128xi32, #tpu.memory_space<vmem>>
      %dma_start3A_32 = tpu.memref_squeeze %dma_start3A_31 : memref<1x128xi32, #tpu.memory_space<vmem>> -> memref<128xi32, #tpu.memory_space<vmem>>
      %dma_start3A_33 = arith.constant 0 : i32
      %dma_start3A_34 = arith.constant 0 : i32
      %dma_start3A_35 = tpu.memref_slice %arg10[%dma_start3A_33, %dma_start3A_34] : memref<10240x64xf32, #tpu.memory_space<vmem_shared>> -> memref<10240x64xf32, #tpu.memory_space<vmem_shared>>
      tpu.enqueue_indirect_dma source(%dma_start3A_35 : memref<10240x64xf32, #tpu.memory_space<vmem_shared>>) target(%arg14 : memref<128x64xf32, #tpu.memory_space<vmem>>) offsets(%dma_start3A_32 : memref<128xi32, #tpu.memory_space<vmem>>) semaphore(%arg16 : memref<!tpu.dma_semaphore, #tpu.memory_space<semaphore_mem>>)
      %scan3A_36 = arith.constant 0 : i32
      %scan3A_37 = arith.constant 0 : i32
      %scan3A_38 = arith.constant 40 : i32
      %scan3A_39 = arith.addi %scan3A_37, %scan3A_38 : i32
      %scan3A_40 = arith.constant 1 : i32
      scf.for %scan3A_42 = %scan3A_37 to %scan3A_39 step %scan3A_40  : i32 {
        %mul3A_43 = arith.constant 2 : i32
        %mul3A_44 = arith.muli %scan3A_42, %mul3A_43 : i32
        %add3A_45 = arith.constant 0 : i32
        %add3A_46 = arith.addi %mul3A_44, %add3A_45 : i32
        %dma_wait3A = arith.constant 0 : i32
        %dma_wait3A_47 = arith.constant 0 : i32
        %dma_wait3A_48 = tpu.memref_slice %arg7[%dma_wait3A, %dma_wait3A_47] : memref<10240x64xf32, #tpu.memory_space<hbm>> -> memref<128x64xf32, #tpu.memory_space<hbm>>
        %dma_wait3A_49 = arith.constant 0 : i32
        %dma_wait3A_50 = arith.constant 0 : i32
        %dma_wait3A_51 = tpu.memref_slice %arg7[%dma_wait3A_49, %dma_wait3A_50] : memref<10240x64xf32, #tpu.memory_space<hbm>> -> memref<128x64xf32, #tpu.memory_space<hbm>>
        tpu.wait_dma2 semaphore(%arg15 : memref<!tpu.dma_semaphore, #tpu.memory_space<semaphore_mem>>) src(%dma_wait3A_51 : memref<128x64xf32, #tpu.memory_space<hbm>>) dst(%arg13 : memref<128x64xf32, #tpu.memory_space<vmem>>)
        "tpu.region"() ({
          %run_scoped3A = tpu.sem_alloc : memref<!tpu.dma_semaphore, #tpu.memory_space<semaphore_mem>>
          %dma_start3A_75 = arith.constant 0 : i32
          %dma_start3A_76 = tpu.memref_slice %arg12[%add3A_46, %dma_start3A_75] : memref<80x128xi32, #tpu.memory_space<vmem>> -> memref<1x128xi32, #tpu.memory_space<vmem>>
          %dma_start3A_77 = tpu.memref_squeeze %dma_start3A_76 : memref<1x128xi32, #tpu.memory_space<vmem>> -> memref<128xi32, #tpu.memory_space<vmem>>
          %dma_start3A_78 = arith.constant 0 : i32
          %dma_start3A_79 = arith.constant 0 : i32
          %dma_start3A_80 = tpu.memref_slice %arg9[%dma_start3A_78, %dma_start3A_79] : memref<10240x64xf32, #tpu.memory_space<vmem_shared>> -> memref<10240x64xf32, #tpu.memory_space<vmem_shared>>
          tpu.enqueue_indirect_dma source(%arg13 : memref<128x64xf32, #tpu.memory_space<vmem>>) target(%dma_start3A_80 : memref<10240x64xf32, #tpu.memory_space<vmem_shared>>) offsets(%dma_start3A_77 : memref<128xi32, #tpu.memory_space<vmem>>) semaphore(%run_scoped3A : memref<!tpu.dma_semaphore, #tpu.memory_space<semaphore_mem>>) {add = true}
          %dma_wait3A_81 = arith.constant 0 : i32
          %dma_wait3A_82 = tpu.memref_slice %arg12[%add3A_46, %dma_wait3A_81] : memref<80x128xi32, #tpu.memory_space<vmem>> -> memref<1x128xi32, #tpu.memory_space<vmem>>
          %dma_wait3A_83 = tpu.memref_squeeze %dma_wait3A_82 : memref<1x128xi32, #tpu.memory_space<vmem>> -> memref<128xi32, #tpu.memory_space<vmem>>
          %dma_wait3A_84 = arith.constant 0 : i32
          %dma_wait3A_85 = arith.constant 0 : i32
          %dma_wait3A_86 = tpu.memref_slice %arg9[%dma_wait3A_84, %dma_wait3A_85] : memref<10240x64xf32, #tpu.memory_space<vmem_shared>> -> memref<10240x64xf32, #tpu.memory_space<vmem_shared>>
          tpu.wait_indirect_dma semaphore(%run_scoped3A : memref<!tpu.dma_semaphore, #tpu.memory_space<semaphore_mem>>) src(%arg13 : memref<128x64xf32, #tpu.memory_space<vmem>>) dst(%dma_wait3A_86 : memref<10240x64xf32, #tpu.memory_space<vmem_shared>>)
          tpu.yield
        }) : () -> ()
        %add3A_52 = arith.constant 2 : i32
        %add3A_53 = arith.addi %add3A_46, %add3A_52 : i32
        %lt3A = arith.constant 80 : i32
        %lt3A_54 = arith.cmpi slt, %add3A_53, %lt3A : i32
        %convert_element_type3A_55 = arith.extui %lt3A_54 : i1 to i32
        %cond3A_56 = arith.constant 0 : i32
        %cond3A_57 = arith.cmpi ne, %convert_element_type3A_55, %cond3A_56 : i32
        scf.if %cond3A_57 {
          %add3A_75 = arith.constant 2 : i32
          %add3A_76 = arith.addi %add3A_46, %add3A_75 : i32
          %dma_start3A_77 = arith.constant 0 : i32
          %dma_start3A_78 = tpu.memref_slice %arg11[%add3A_76, %dma_start3A_77] : memref<80x128xi32, #tpu.memory_space<vmem>> -> memref<1x128xi32, #tpu.memory_space<vmem>>
          %dma_start3A_79 = tpu.memref_squeeze %dma_start3A_78 : memref<1x128xi32, #tpu.memory_space<vmem>> -> memref<128xi32, #tpu.memory_space<vmem>>
          %dma_start3A_80 = arith.constant 0 : i32
          %dma_start3A_81 = arith.constant 0 : i32
          %dma_start3A_82 = tpu.memref_slice %arg10[%dma_start3A_80, %dma_start3A_81] : memref<10240x64xf32, #tpu.memory_space<vmem_shared>> -> memref<10240x64xf32, #tpu.memory_space<vmem_shared>>
          tpu.enqueue_indirect_dma source(%dma_start3A_82 : memref<10240x64xf32, #tpu.memory_space<vmem_shared>>) target(%arg13 : memref<128x64xf32, #tpu.memory_space<vmem>>) offsets(%dma_start3A_79 : memref<128xi32, #tpu.memory_space<vmem>>) semaphore(%arg15 : memref<!tpu.dma_semaphore, #tpu.memory_space<semaphore_mem>>)
        } else {
        }
        %mul3A_58 = arith.constant 2 : i32
        %mul3A_59 = arith.muli %scan3A_42, %mul3A_58 : i32
        %add3A_60 = arith.constant 1 : i32
        %add3A_61 = arith.addi %mul3A_59, %add3A_60 : i32
        %dma_wait3A_62 = arith.constant 0 : i32
        %dma_wait3A_63 = arith.constant 0 : i32
        %dma_wait3A_64 = tpu.memref_slice %arg7[%dma_wait3A_62, %dma_wait3A_63] : memref<10240x64xf32, #tpu.memory_space<hbm>> -> memref<128x64xf32, #tpu.memory_space<hbm>>
        %dma_wait3A_65 = arith.constant 0 : i32
        %dma_wait3A_66 = arith.constant 0 : i32
        %dma_wait3A_67 = tpu.memref_slice %arg7[%dma_wait3A_65, %dma_wait3A_66] : memref<10240x64xf32, #tpu.memory_space<hbm>> -> memref<128x64xf32, #tpu.memory_space<hbm>>
        tpu.wait_dma2 semaphore(%arg16 : memref<!tpu.dma_semaphore, #tpu.memory_space<semaphore_mem>>) src(%dma_wait3A_67 : memref<128x64xf32, #tpu.memory_space<hbm>>) dst(%arg14 : memref<128x64xf32, #tpu.memory_space<vmem>>)
        "tpu.region"() ({
          %run_scoped3A = tpu.sem_alloc : memref<!tpu.dma_semaphore, #tpu.memory_space<semaphore_mem>>
          %dma_start3A_75 = arith.constant 0 : i32
          %dma_start3A_76 = tpu.memref_slice %arg12[%add3A_61, %dma_start3A_75] : memref<80x128xi32, #tpu.memory_space<vmem>> -> memref<1x128xi32, #tpu.memory_space<vmem>>
          %dma_start3A_77 = tpu.memref_squeeze %dma_start3A_76 : memref<1x128xi32, #tpu.memory_space<vmem>> -> memref<128xi32, #tpu.memory_space<vmem>>
          %dma_start3A_78 = arith.constant 0 : i32
          %dma_start3A_79 = arith.constant 0 : i32
          %dma_start3A_80 = tpu.memref_slice %arg9[%dma_start3A_78, %dma_start3A_79] : memref<10240x64xf32, #tpu.memory_space<vmem_shared>> -> memref<10240x64xf32, #tpu.memory_space<vmem_shared>>
          tpu.enqueue_indirect_dma source(%arg14 : memref<128x64xf32, #tpu.memory_space<vmem>>) target(%dma_start3A_80 : memref<10240x64xf32, #tpu.memory_space<vmem_shared>>) offsets(%dma_start3A_77 : memref<128xi32, #tpu.memory_space<vmem>>) semaphore(%run_scoped3A : memref<!tpu.dma_semaphore, #tpu.memory_space<semaphore_mem>>) {add = true}
          %dma_wait3A_81 = arith.constant 0 : i32
          %dma_wait3A_82 = tpu.memref_slice %arg12[%add3A_61, %dma_wait3A_81] : memref<80x128xi32, #tpu.memory_space<vmem>> -> memref<1x128xi32, #tpu.memory_space<vmem>>
          %dma_wait3A_83 = tpu.memref_squeeze %dma_wait3A_82 : memref<1x128xi32, #tpu.memory_space<vmem>> -> memref<128xi32, #tpu.memory_space<vmem>>
          %dma_wait3A_84 = arith.constant 0 : i32
          %dma_wait3A_85 = arith.constant 0 : i32
          %dma_wait3A_86 = tpu.memref_slice %arg9[%dma_wait3A_84, %dma_wait3A_85] : memref<10240x64xf32, #tpu.memory_space<vmem_shared>> -> memref<10240x64xf32, #tpu.memory_space<vmem_shared>>
          tpu.wait_indirect_dma semaphore(%run_scoped3A : memref<!tpu.dma_semaphore, #tpu.memory_space<semaphore_mem>>) src(%arg14 : memref<128x64xf32, #tpu.memory_space<vmem>>) dst(%dma_wait3A_86 : memref<10240x64xf32, #tpu.memory_space<vmem_shared>>)
          tpu.yield
        }) : () -> ()
        %add3A_68 = arith.constant 2 : i32
        %add3A_69 = arith.addi %add3A_61, %add3A_68 : i32
        %lt3A_70 = arith.constant 80 : i32
        %lt3A_71 = arith.cmpi slt, %add3A_69, %lt3A_70 : i32
        %convert_element_type3A_72 = arith.extui %lt3A_71 : i1 to i32
        %cond3A_73 = arith.constant 0 : i32
        %cond3A_74 = arith.cmpi ne, %convert_element_type3A_72, %cond3A_73 : i32
        scf.if %cond3A_74 {
          %add3A_75 = arith.constant 2 : i32
          %add3A_76 = arith.addi %add3A_61, %add3A_75 : i32
          %dma_start3A_77 = arith.constant 0 : i32
          %dma_start3A_78 = tpu.memref_slice %arg11[%add3A_76, %dma_start3A_77] : memref<80x128xi32, #tpu.memory_space<vmem>> -> memref<1x128xi32, #tpu.memory_space<vmem>>
          %dma_start3A_79 = tpu.memref_squeeze %dma_start3A_78 : memref<1x128xi32, #tpu.memory_space<vmem>> -> memref<128xi32, #tpu.memory_space<vmem>>
          %dma_start3A_80 = arith.constant 0 : i32
          %dma_start3A_81 = arith.constant 0 : i32
          %dma_start3A_82 = tpu.memref_slice %arg10[%dma_start3A_80, %dma_start3A_81] : memref<10240x64xf32, #tpu.memory_space<vmem_shared>> -> memref<10240x64xf32, #tpu.memory_space<vmem_shared>>
          tpu.enqueue_indirect_dma source(%dma_start3A_82 : memref<10240x64xf32, #tpu.memory_space<vmem_shared>>) target(%arg14 : memref<128x64xf32, #tpu.memory_space<vmem>>) offsets(%dma_start3A_79 : memref<128xi32, #tpu.memory_space<vmem>>) semaphore(%arg16 : memref<!tpu.dma_semaphore, #tpu.memory_space<semaphore_mem>>)
        } else {
        }
      }
      %scan3A_41 = arith.constant 40 : i32
    } else {
    }
    %barrier3A = arith.constant 0 : index
    tpu.barrier barrier_id(%barrier3A)
    "tpu.region"() ({
      %run_scoped3A = tpu.sem_alloc : memref<!tpu.dma_semaphore, #tpu.memory_space<semaphore_mem>>
      %dma_start3A = arith.constant 0 : i32
      %dma_start3A_22 = tpu.memref_slice %arg8[%arg0, %multiple_of3A, %dma_start3A] : memref<2x10240x64xf32, #tpu.memory_space<hbm>> -> memref<1x640x64xf32, #tpu.memory_space<hbm>>
      %dma_start3A_23 = tpu.memref_squeeze %dma_start3A_22 : memref<1x640x64xf32, #tpu.memory_space<hbm>> -> memref<640x64xf32, #tpu.memory_space<hbm>>
      %dma_start3A_24 = arith.constant 0 : i32
      %dma_start3A_25 = tpu.memref_slice %arg9[%multiple_of3A, %dma_start3A_24] : memref<10240x64xf32, #tpu.memory_space<vmem_shared>> -> memref<640x64xf32, #tpu.memory_space<vmem_shared>>
      tpu.enqueue_dma source(%dma_start3A_25 : memref<640x64xf32, #tpu.memory_space<vmem_shared>>) target(%dma_start3A_23 : memref<640x64xf32, #tpu.memory_space<hbm>>) target_semaphore(%run_scoped3A : memref<!tpu.dma_semaphore, #tpu.memory_space<semaphore_mem>>)
      %dma_wait3A = arith.constant 0 : i32
      %dma_wait3A_26 = tpu.memref_slice %arg8[%arg0, %multiple_of3A, %dma_wait3A] : memref<2x10240x64xf32, #tpu.memory_space<hbm>> -> memref<1x640x64xf32, #tpu.memory_space<hbm>>
      %dma_wait3A_27 = tpu.memref_squeeze %dma_wait3A_26 : memref<1x640x64xf32, #tpu.memory_space<hbm>> -> memref<640x64xf32, #tpu.memory_space<hbm>>
      %dma_wait3A_28 = arith.constant 0 : i32
      %dma_wait3A_29 = tpu.memref_slice %arg9[%multiple_of3A, %dma_wait3A_28] : memref<10240x64xf32, #tpu.memory_space<vmem_shared>> -> memref<640x64xf32, #tpu.memory_space<vmem_shared>>
      tpu.wait_dma2 semaphore(%run_scoped3A : memref<!tpu.dma_semaphore, #tpu.memory_space<semaphore_mem>>) src(%dma_wait3A_29 : memref<640x64xf32, #tpu.memory_space<vmem_shared>>) dst(%dma_wait3A_27 : memref<640x64xf32, #tpu.memory_space<hbm>>)
      tpu.yield
    }) : () -> ()
    return
  }
}

#map = affine_map<(d0, d1) -> (0, 0, 0)>
#map1 = affine_map<(d0, d1) -> (0, 0)>
module attributes {stable_mosaic.version = 14 : i64} {
  func.func @sc_degree(%arg0: i32, %arg1: i32, %arg2: memref<16x80x128xi32, #tpu.memory_space<hbm>>, %arg3: memref<16x80x128xi32, #tpu.memory_space<hbm>>, %arg4: memref<10240x16xf32, #tpu.memory_space<hbm>>, %arg5: memref<128x16xf32, #tpu.memory_space<hbm>>, %arg6: memref<2x10240x16xf32, #tpu.memory_space<hbm>>, %arg7: memref<10240x16xf32, #tpu.memory_space<vmem_shared>>, %arg8: memref<80x128xi32, #tpu.memory_space<vmem>>, %arg9: memref<128x16xf32, #tpu.memory_space<vmem>>, %arg10: memref<!tpu.dma_semaphore, #tpu.memory_space<semaphore_mem>>) attributes {dimension_semantics = [#tpu.dimension_semantics<core_parallel>, #tpu.dimension_semantics<subcore_parallel>], iteration_bounds = array<i64: 2, 16>, scalar_prefetch = 0 : i64, scratch_operands = 4 : i64, tpu.core_type = #tpu.core_type<sc_vector_subcore>, window_params = [{transform_indices = #map}, {transform_indices = #map}, {transform_indices = #map1}, {transform_indices = #map1}, {transform_indices = #map}]} {
    %mul3A = arith.constant 640 : i32
    %mul3A_0 = arith.muli %arg1, %mul3A : i32
    %multiple_of3A = tpu.assume_multiple %mul3A_0, 8 : i32
    "tpu.region"() ({
      %run_scoped3A = tpu.sem_alloc : memref<!tpu.dma_semaphore, #tpu.memory_space<semaphore_mem>>
      %dma_start3A = arith.constant 0 : i32
      %dma_start3A_8 = tpu.memref_slice %arg7[%multiple_of3A, %dma_start3A] : memref<10240x16xf32, #tpu.memory_space<vmem_shared>> -> memref<640x16xf32, #tpu.memory_space<vmem_shared>>
      %dma_start3A_9 = arith.constant 0 : i32
      %dma_start3A_10 = tpu.memref_slice %arg4[%multiple_of3A, %dma_start3A_9] : memref<10240x16xf32, #tpu.memory_space<hbm>> -> memref<640x16xf32, #tpu.memory_space<hbm>>
      tpu.enqueue_dma source(%dma_start3A_10 : memref<640x16xf32, #tpu.memory_space<hbm>>) target(%dma_start3A_8 : memref<640x16xf32, #tpu.memory_space<vmem_shared>>) target_semaphore(%run_scoped3A : memref<!tpu.dma_semaphore, #tpu.memory_space<semaphore_mem>>)
      %dma_wait3A = arith.constant 0 : i32
      %dma_wait3A_11 = tpu.memref_slice %arg7[%multiple_of3A, %dma_wait3A] : memref<10240x16xf32, #tpu.memory_space<vmem_shared>> -> memref<640x16xf32, #tpu.memory_space<vmem_shared>>
      %dma_wait3A_12 = arith.constant 0 : i32
      %dma_wait3A_13 = tpu.memref_slice %arg4[%multiple_of3A, %dma_wait3A_12] : memref<10240x16xf32, #tpu.memory_space<hbm>> -> memref<640x16xf32, #tpu.memory_space<hbm>>
      tpu.wait_dma2 semaphore(%run_scoped3A : memref<!tpu.dma_semaphore, #tpu.memory_space<semaphore_mem>>) src(%dma_wait3A_13 : memref<640x16xf32, #tpu.memory_space<hbm>>) dst(%dma_wait3A_11 : memref<640x16xf32, #tpu.memory_space<vmem_shared>>)
      tpu.yield
    }) : () -> ()
    "tpu.region"() ({
      %run_scoped3A = tpu.sem_alloc : memref<!tpu.dma_semaphore, #tpu.memory_space<semaphore_mem>>
      tpu.enqueue_dma source(%arg5 : memref<128x16xf32, #tpu.memory_space<hbm>>) target(%arg9 : memref<128x16xf32, #tpu.memory_space<vmem>>) target_semaphore(%run_scoped3A : memref<!tpu.dma_semaphore, #tpu.memory_space<semaphore_mem>>)
      tpu.wait_dma2 semaphore(%run_scoped3A : memref<!tpu.dma_semaphore, #tpu.memory_space<semaphore_mem>>) src(%arg5 : memref<128x16xf32, #tpu.memory_space<hbm>>) dst(%arg9 : memref<128x16xf32, #tpu.memory_space<vmem>>)
      tpu.yield
    }) : () -> ()
    %eq3A = arith.constant 0 : i32
    %eq3A_1 = arith.cmpi eq, %arg0, %eq3A : i32
    %convert_element_type3A = arith.extui %eq3A_1 : i1 to i32
    %cond3A = arith.constant 0 : i32
    %cond3A_2 = arith.cmpi ne, %convert_element_type3A, %cond3A : i32
    scf.if %cond3A_2 {
      "tpu.region"() ({
        %run_scoped3A = tpu.sem_alloc : memref<!tpu.dma_semaphore, #tpu.memory_space<semaphore_mem>>
        %dma_start3A = arith.constant 0 : i32
        %dma_start3A_14 = arith.constant 0 : i32
        %dma_start3A_15 = tpu.memref_slice %arg8[%dma_start3A, %dma_start3A_14] : memref<80x128xi32, #tpu.memory_space<vmem>> -> memref<80x128xi32, #tpu.memory_space<vmem>>
        %dma_start3A_16 = arith.constant 0 : i32
        %dma_start3A_17 = arith.constant 0 : i32
        %dma_start3A_18 = tpu.memref_slice %arg2[%arg1, %dma_start3A_16, %dma_start3A_17] : memref<16x80x128xi32, #tpu.memory_space<hbm>> -> memref<1x80x128xi32, #tpu.memory_space<hbm>>
        %dma_start3A_19 = tpu.memref_squeeze %dma_start3A_18 : memref<1x80x128xi32, #tpu.memory_space<hbm>> -> memref<80x128xi32, #tpu.memory_space<hbm>>
        %dma_start3A_20 = arith.constant 0 : i32
        %dma_start3A_21 = arith.constant 0 : i32
        %dma_start3A_22 = tpu.memref_slice %arg8[%dma_start3A_20, %dma_start3A_21] : memref<80x128xi32, #tpu.memory_space<vmem>> -> memref<80x128xi32, #tpu.memory_space<vmem>>
        %dma_start3A_23 = arith.constant 0 : i32
        %dma_start3A_24 = arith.constant 0 : i32
        %dma_start3A_25 = tpu.memref_slice %arg2[%arg1, %dma_start3A_23, %dma_start3A_24] : memref<16x80x128xi32, #tpu.memory_space<hbm>> -> memref<1x80x128xi32, #tpu.memory_space<hbm>>
        %dma_start3A_26 = tpu.memref_squeeze %dma_start3A_25 : memref<1x80x128xi32, #tpu.memory_space<hbm>> -> memref<80x128xi32, #tpu.memory_space<hbm>>
        tpu.enqueue_dma source(%dma_start3A_26 : memref<80x128xi32, #tpu.memory_space<hbm>>) target(%dma_start3A_22 : memref<80x128xi32, #tpu.memory_space<vmem>>) target_semaphore(%run_scoped3A : memref<!tpu.dma_semaphore, #tpu.memory_space<semaphore_mem>>)
        %dma_wait3A = arith.constant 0 : i32
        %dma_wait3A_27 = arith.constant 0 : i32
        %dma_wait3A_28 = tpu.memref_slice %arg8[%dma_wait3A, %dma_wait3A_27] : memref<80x128xi32, #tpu.memory_space<vmem>> -> memref<80x128xi32, #tpu.memory_space<vmem>>
        %dma_wait3A_29 = arith.constant 0 : i32
        %dma_wait3A_30 = arith.constant 0 : i32
        %dma_wait3A_31 = tpu.memref_slice %arg2[%arg1, %dma_wait3A_29, %dma_wait3A_30] : memref<16x80x128xi32, #tpu.memory_space<hbm>> -> memref<1x80x128xi32, #tpu.memory_space<hbm>>
        %dma_wait3A_32 = tpu.memref_squeeze %dma_wait3A_31 : memref<1x80x128xi32, #tpu.memory_space<hbm>> -> memref<80x128xi32, #tpu.memory_space<hbm>>
        %dma_wait3A_33 = arith.constant 0 : i32
        %dma_wait3A_34 = arith.constant 0 : i32
        %dma_wait3A_35 = tpu.memref_slice %arg8[%dma_wait3A_33, %dma_wait3A_34] : memref<80x128xi32, #tpu.memory_space<vmem>> -> memref<80x128xi32, #tpu.memory_space<vmem>>
        %dma_wait3A_36 = arith.constant 0 : i32
        %dma_wait3A_37 = arith.constant 0 : i32
        %dma_wait3A_38 = tpu.memref_slice %arg2[%arg1, %dma_wait3A_36, %dma_wait3A_37] : memref<16x80x128xi32, #tpu.memory_space<hbm>> -> memref<1x80x128xi32, #tpu.memory_space<hbm>>
        %dma_wait3A_39 = tpu.memref_squeeze %dma_wait3A_38 : memref<1x80x128xi32, #tpu.memory_space<hbm>> -> memref<80x128xi32, #tpu.memory_space<hbm>>
        tpu.wait_dma2 semaphore(%run_scoped3A : memref<!tpu.dma_semaphore, #tpu.memory_space<semaphore_mem>>) src(%dma_wait3A_39 : memref<80x128xi32, #tpu.memory_space<hbm>>) dst(%dma_wait3A_35 : memref<80x128xi32, #tpu.memory_space<vmem>>)
        tpu.yield
      }) : () -> ()
      %barrier3A_8 = arith.constant 0 : index
      tpu.barrier barrier_id(%barrier3A_8)
      %scan3A = arith.constant 0 : i32
      %scan3A_9 = arith.constant 0 : i32
      %scan3A_10 = arith.constant 10 : i32
      %scan3A_11 = arith.addi %scan3A_9, %scan3A_10 : i32
      %scan3A_12 = arith.constant 1 : i32
      scf.for %scan3A_14 = %scan3A_9 to %scan3A_11 step %scan3A_12  : i32 {
        %mul3A_15 = arith.constant 8 : i32
        %mul3A_16 = arith.muli %scan3A_14, %mul3A_15 : i32
        %add3A = arith.constant 0 : i32
        %add3A_17 = arith.addi %mul3A_16, %add3A : i32
        %dma_start3A = arith.constant 0 : i32
        %dma_start3A_18 = tpu.memref_slice %arg8[%add3A_17, %dma_start3A] : memref<80x128xi32, #tpu.memory_space<vmem>> -> memref<1x128xi32, #tpu.memory_space<vmem>>
        %dma_start3A_19 = tpu.memref_squeeze %dma_start3A_18 : memref<1x128xi32, #tpu.memory_space<vmem>> -> memref<128xi32, #tpu.memory_space<vmem>>
        %dma_start3A_20 = arith.constant 0 : i32
        %dma_start3A_21 = arith.constant 0 : i32
        %dma_start3A_22 = tpu.memref_slice %arg7[%dma_start3A_20, %dma_start3A_21] : memref<10240x16xf32, #tpu.memory_space<vmem_shared>> -> memref<10240x16xf32, #tpu.memory_space<vmem_shared>>
        tpu.enqueue_indirect_dma source(%arg9 : memref<128x16xf32, #tpu.memory_space<vmem>>) target(%dma_start3A_22 : memref<10240x16xf32, #tpu.memory_space<vmem_shared>>) offsets(%dma_start3A_19 : memref<128xi32, #tpu.memory_space<vmem>>) semaphore(%arg10 : memref<!tpu.dma_semaphore, #tpu.memory_space<semaphore_mem>>) {add = true}
        %mul3A_23 = arith.constant 8 : i32
        %mul3A_24 = arith.muli %scan3A_14, %mul3A_23 : i32
        %add3A_25 = arith.constant 1 : i32
        %add3A_26 = arith.addi %mul3A_24, %add3A_25 : i32
        %dma_start3A_27 = arith.constant 0 : i32
        %dma_start3A_28 = tpu.memref_slice %arg8[%add3A_26, %dma_start3A_27] : memref<80x128xi32, #tpu.memory_space<vmem>> -> memref<1x128xi32, #tpu.memory_space<vmem>>
        %dma_start3A_29 = tpu.memref_squeeze %dma_start3A_28 : memref<1x128xi32, #tpu.memory_space<vmem>> -> memref<128xi32, #tpu.memory_space<vmem>>
        %dma_start3A_30 = arith.constant 0 : i32
        %dma_start3A_31 = arith.constant 0 : i32
        %dma_start3A_32 = tpu.memref_slice %arg7[%dma_start3A_30, %dma_start3A_31] : memref<10240x16xf32, #tpu.memory_space<vmem_shared>> -> memref<10240x16xf32, #tpu.memory_space<vmem_shared>>
        tpu.enqueue_indirect_dma source(%arg9 : memref<128x16xf32, #tpu.memory_space<vmem>>) target(%dma_start3A_32 : memref<10240x16xf32, #tpu.memory_space<vmem_shared>>) offsets(%dma_start3A_29 : memref<128xi32, #tpu.memory_space<vmem>>) semaphore(%arg10 : memref<!tpu.dma_semaphore, #tpu.memory_space<semaphore_mem>>) {add = true}
        %mul3A_33 = arith.constant 8 : i32
        %mul3A_34 = arith.muli %scan3A_14, %mul3A_33 : i32
        %add3A_35 = arith.constant 2 : i32
        %add3A_36 = arith.addi %mul3A_34, %add3A_35 : i32
        %dma_start3A_37 = arith.constant 0 : i32
        %dma_start3A_38 = tpu.memref_slice %arg8[%add3A_36, %dma_start3A_37] : memref<80x128xi32, #tpu.memory_space<vmem>> -> memref<1x128xi32, #tpu.memory_space<vmem>>
        %dma_start3A_39 = tpu.memref_squeeze %dma_start3A_38 : memref<1x128xi32, #tpu.memory_space<vmem>> -> memref<128xi32, #tpu.memory_space<vmem>>
        %dma_start3A_40 = arith.constant 0 : i32
        %dma_start3A_41 = arith.constant 0 : i32
        %dma_start3A_42 = tpu.memref_slice %arg7[%dma_start3A_40, %dma_start3A_41] : memref<10240x16xf32, #tpu.memory_space<vmem_shared>> -> memref<10240x16xf32, #tpu.memory_space<vmem_shared>>
        tpu.enqueue_indirect_dma source(%arg9 : memref<128x16xf32, #tpu.memory_space<vmem>>) target(%dma_start3A_42 : memref<10240x16xf32, #tpu.memory_space<vmem_shared>>) offsets(%dma_start3A_39 : memref<128xi32, #tpu.memory_space<vmem>>) semaphore(%arg10 : memref<!tpu.dma_semaphore, #tpu.memory_space<semaphore_mem>>) {add = true}
        %mul3A_43 = arith.constant 8 : i32
        %mul3A_44 = arith.muli %scan3A_14, %mul3A_43 : i32
        %add3A_45 = arith.constant 3 : i32
        %add3A_46 = arith.addi %mul3A_44, %add3A_45 : i32
        %dma_start3A_47 = arith.constant 0 : i32
        %dma_start3A_48 = tpu.memref_slice %arg8[%add3A_46, %dma_start3A_47] : memref<80x128xi32, #tpu.memory_space<vmem>> -> memref<1x128xi32, #tpu.memory_space<vmem>>
        %dma_start3A_49 = tpu.memref_squeeze %dma_start3A_48 : memref<1x128xi32, #tpu.memory_space<vmem>> -> memref<128xi32, #tpu.memory_space<vmem>>
        %dma_start3A_50 = arith.constant 0 : i32
        %dma_start3A_51 = arith.constant 0 : i32
        %dma_start3A_52 = tpu.memref_slice %arg7[%dma_start3A_50, %dma_start3A_51] : memref<10240x16xf32, #tpu.memory_space<vmem_shared>> -> memref<10240x16xf32, #tpu.memory_space<vmem_shared>>
        tpu.enqueue_indirect_dma source(%arg9 : memref<128x16xf32, #tpu.memory_space<vmem>>) target(%dma_start3A_52 : memref<10240x16xf32, #tpu.memory_space<vmem_shared>>) offsets(%dma_start3A_49 : memref<128xi32, #tpu.memory_space<vmem>>) semaphore(%arg10 : memref<!tpu.dma_semaphore, #tpu.memory_space<semaphore_mem>>) {add = true}
        %mul3A_53 = arith.constant 8 : i32
        %mul3A_54 = arith.muli %scan3A_14, %mul3A_53 : i32
        %add3A_55 = arith.constant 4 : i32
        %add3A_56 = arith.addi %mul3A_54, %add3A_55 : i32
        %dma_start3A_57 = arith.constant 0 : i32
        %dma_start3A_58 = tpu.memref_slice %arg8[%add3A_56, %dma_start3A_57] : memref<80x128xi32, #tpu.memory_space<vmem>> -> memref<1x128xi32, #tpu.memory_space<vmem>>
        %dma_start3A_59 = tpu.memref_squeeze %dma_start3A_58 : memref<1x128xi32, #tpu.memory_space<vmem>> -> memref<128xi32, #tpu.memory_space<vmem>>
        %dma_start3A_60 = arith.constant 0 : i32
        %dma_start3A_61 = arith.constant 0 : i32
        %dma_start3A_62 = tpu.memref_slice %arg7[%dma_start3A_60, %dma_start3A_61] : memref<10240x16xf32, #tpu.memory_space<vmem_shared>> -> memref<10240x16xf32, #tpu.memory_space<vmem_shared>>
        tpu.enqueue_indirect_dma source(%arg9 : memref<128x16xf32, #tpu.memory_space<vmem>>) target(%dma_start3A_62 : memref<10240x16xf32, #tpu.memory_space<vmem_shared>>) offsets(%dma_start3A_59 : memref<128xi32, #tpu.memory_space<vmem>>) semaphore(%arg10 : memref<!tpu.dma_semaphore, #tpu.memory_space<semaphore_mem>>) {add = true}
        %mul3A_63 = arith.constant 8 : i32
        %mul3A_64 = arith.muli %scan3A_14, %mul3A_63 : i32
        %add3A_65 = arith.constant 5 : i32
        %add3A_66 = arith.addi %mul3A_64, %add3A_65 : i32
        %dma_start3A_67 = arith.constant 0 : i32
        %dma_start3A_68 = tpu.memref_slice %arg8[%add3A_66, %dma_start3A_67] : memref<80x128xi32, #tpu.memory_space<vmem>> -> memref<1x128xi32, #tpu.memory_space<vmem>>
        %dma_start3A_69 = tpu.memref_squeeze %dma_start3A_68 : memref<1x128xi32, #tpu.memory_space<vmem>> -> memref<128xi32, #tpu.memory_space<vmem>>
        %dma_start3A_70 = arith.constant 0 : i32
        %dma_start3A_71 = arith.constant 0 : i32
        %dma_start3A_72 = tpu.memref_slice %arg7[%dma_start3A_70, %dma_start3A_71] : memref<10240x16xf32, #tpu.memory_space<vmem_shared>> -> memref<10240x16xf32, #tpu.memory_space<vmem_shared>>
        tpu.enqueue_indirect_dma source(%arg9 : memref<128x16xf32, #tpu.memory_space<vmem>>) target(%dma_start3A_72 : memref<10240x16xf32, #tpu.memory_space<vmem_shared>>) offsets(%dma_start3A_69 : memref<128xi32, #tpu.memory_space<vmem>>) semaphore(%arg10 : memref<!tpu.dma_semaphore, #tpu.memory_space<semaphore_mem>>) {add = true}
        %mul3A_73 = arith.constant 8 : i32
        %mul3A_74 = arith.muli %scan3A_14, %mul3A_73 : i32
        %add3A_75 = arith.constant 6 : i32
        %add3A_76 = arith.addi %mul3A_74, %add3A_75 : i32
        %dma_start3A_77 = arith.constant 0 : i32
        %dma_start3A_78 = tpu.memref_slice %arg8[%add3A_76, %dma_start3A_77] : memref<80x128xi32, #tpu.memory_space<vmem>> -> memref<1x128xi32, #tpu.memory_space<vmem>>
        %dma_start3A_79 = tpu.memref_squeeze %dma_start3A_78 : memref<1x128xi32, #tpu.memory_space<vmem>> -> memref<128xi32, #tpu.memory_space<vmem>>
        %dma_start3A_80 = arith.constant 0 : i32
        %dma_start3A_81 = arith.constant 0 : i32
        %dma_start3A_82 = tpu.memref_slice %arg7[%dma_start3A_80, %dma_start3A_81] : memref<10240x16xf32, #tpu.memory_space<vmem_shared>> -> memref<10240x16xf32, #tpu.memory_space<vmem_shared>>
        tpu.enqueue_indirect_dma source(%arg9 : memref<128x16xf32, #tpu.memory_space<vmem>>) target(%dma_start3A_82 : memref<10240x16xf32, #tpu.memory_space<vmem_shared>>) offsets(%dma_start3A_79 : memref<128xi32, #tpu.memory_space<vmem>>) semaphore(%arg10 : memref<!tpu.dma_semaphore, #tpu.memory_space<semaphore_mem>>) {add = true}
        %mul3A_83 = arith.constant 8 : i32
        %mul3A_84 = arith.muli %scan3A_14, %mul3A_83 : i32
        %add3A_85 = arith.constant 7 : i32
        %add3A_86 = arith.addi %mul3A_84, %add3A_85 : i32
        %dma_start3A_87 = arith.constant 0 : i32
        %dma_start3A_88 = tpu.memref_slice %arg8[%add3A_86, %dma_start3A_87] : memref<80x128xi32, #tpu.memory_space<vmem>> -> memref<1x128xi32, #tpu.memory_space<vmem>>
        %dma_start3A_89 = tpu.memref_squeeze %dma_start3A_88 : memref<1x128xi32, #tpu.memory_space<vmem>> -> memref<128xi32, #tpu.memory_space<vmem>>
        %dma_start3A_90 = arith.constant 0 : i32
        %dma_start3A_91 = arith.constant 0 : i32
        %dma_start3A_92 = tpu.memref_slice %arg7[%dma_start3A_90, %dma_start3A_91] : memref<10240x16xf32, #tpu.memory_space<vmem_shared>> -> memref<10240x16xf32, #tpu.memory_space<vmem_shared>>
        tpu.enqueue_indirect_dma source(%arg9 : memref<128x16xf32, #tpu.memory_space<vmem>>) target(%dma_start3A_92 : memref<10240x16xf32, #tpu.memory_space<vmem_shared>>) offsets(%dma_start3A_89 : memref<128xi32, #tpu.memory_space<vmem>>) semaphore(%arg10 : memref<!tpu.dma_semaphore, #tpu.memory_space<semaphore_mem>>) {add = true}
        %dma_wait3A = arith.constant 0 : i32
        %dma_wait3A_93 = arith.constant 0 : i32
        %dma_wait3A_94 = tpu.memref_slice %arg4[%dma_wait3A, %dma_wait3A_93] : memref<10240x16xf32, #tpu.memory_space<hbm>> -> memref<128x16xf32, #tpu.memory_space<hbm>>
        %dma_wait3A_95 = arith.constant 0 : i32
        %dma_wait3A_96 = arith.constant 0 : i32
        %dma_wait3A_97 = tpu.memref_slice %arg4[%dma_wait3A_95, %dma_wait3A_96] : memref<10240x16xf32, #tpu.memory_space<hbm>> -> memref<128x16xf32, #tpu.memory_space<hbm>>
        tpu.wait_dma2 semaphore(%arg10 : memref<!tpu.dma_semaphore, #tpu.memory_space<semaphore_mem>>) src(%dma_wait3A_97 : memref<128x16xf32, #tpu.memory_space<hbm>>) dst(%arg9 : memref<128x16xf32, #tpu.memory_space<vmem>>)
        %dma_wait3A_98 = arith.constant 0 : i32
        %dma_wait3A_99 = arith.constant 0 : i32
        %dma_wait3A_100 = tpu.memref_slice %arg4[%dma_wait3A_98, %dma_wait3A_99] : memref<10240x16xf32, #tpu.memory_space<hbm>> -> memref<128x16xf32, #tpu.memory_space<hbm>>
        %dma_wait3A_101 = arith.constant 0 : i32
        %dma_wait3A_102 = arith.constant 0 : i32
        %dma_wait3A_103 = tpu.memref_slice %arg4[%dma_wait3A_101, %dma_wait3A_102] : memref<10240x16xf32, #tpu.memory_space<hbm>> -> memref<128x16xf32, #tpu.memory_space<hbm>>
        tpu.wait_dma2 semaphore(%arg10 : memref<!tpu.dma_semaphore, #tpu.memory_space<semaphore_mem>>) src(%dma_wait3A_103 : memref<128x16xf32, #tpu.memory_space<hbm>>) dst(%arg9 : memref<128x16xf32, #tpu.memory_space<vmem>>)
        %dma_wait3A_104 = arith.constant 0 : i32
        %dma_wait3A_105 = arith.constant 0 : i32
        %dma_wait3A_106 = tpu.memref_slice %arg4[%dma_wait3A_104, %dma_wait3A_105] : memref<10240x16xf32, #tpu.memory_space<hbm>> -> memref<128x16xf32, #tpu.memory_space<hbm>>
        %dma_wait3A_107 = arith.constant 0 : i32
        %dma_wait3A_108 = arith.constant 0 : i32
        %dma_wait3A_109 = tpu.memref_slice %arg4[%dma_wait3A_107, %dma_wait3A_108] : memref<10240x16xf32, #tpu.memory_space<hbm>> -> memref<128x16xf32, #tpu.memory_space<hbm>>
        tpu.wait_dma2 semaphore(%arg10 : memref<!tpu.dma_semaphore, #tpu.memory_space<semaphore_mem>>) src(%dma_wait3A_109 : memref<128x16xf32, #tpu.memory_space<hbm>>) dst(%arg9 : memref<128x16xf32, #tpu.memory_space<vmem>>)
        %dma_wait3A_110 = arith.constant 0 : i32
        %dma_wait3A_111 = arith.constant 0 : i32
        %dma_wait3A_112 = tpu.memref_slice %arg4[%dma_wait3A_110, %dma_wait3A_111] : memref<10240x16xf32, #tpu.memory_space<hbm>> -> memref<128x16xf32, #tpu.memory_space<hbm>>
        %dma_wait3A_113 = arith.constant 0 : i32
        %dma_wait3A_114 = arith.constant 0 : i32
        %dma_wait3A_115 = tpu.memref_slice %arg4[%dma_wait3A_113, %dma_wait3A_114] : memref<10240x16xf32, #tpu.memory_space<hbm>> -> memref<128x16xf32, #tpu.memory_space<hbm>>
        tpu.wait_dma2 semaphore(%arg10 : memref<!tpu.dma_semaphore, #tpu.memory_space<semaphore_mem>>) src(%dma_wait3A_115 : memref<128x16xf32, #tpu.memory_space<hbm>>) dst(%arg9 : memref<128x16xf32, #tpu.memory_space<vmem>>)
        %dma_wait3A_116 = arith.constant 0 : i32
        %dma_wait3A_117 = arith.constant 0 : i32
        %dma_wait3A_118 = tpu.memref_slice %arg4[%dma_wait3A_116, %dma_wait3A_117] : memref<10240x16xf32, #tpu.memory_space<hbm>> -> memref<128x16xf32, #tpu.memory_space<hbm>>
        %dma_wait3A_119 = arith.constant 0 : i32
        %dma_wait3A_120 = arith.constant 0 : i32
        %dma_wait3A_121 = tpu.memref_slice %arg4[%dma_wait3A_119, %dma_wait3A_120] : memref<10240x16xf32, #tpu.memory_space<hbm>> -> memref<128x16xf32, #tpu.memory_space<hbm>>
        tpu.wait_dma2 semaphore(%arg10 : memref<!tpu.dma_semaphore, #tpu.memory_space<semaphore_mem>>) src(%dma_wait3A_121 : memref<128x16xf32, #tpu.memory_space<hbm>>) dst(%arg9 : memref<128x16xf32, #tpu.memory_space<vmem>>)
        %dma_wait3A_122 = arith.constant 0 : i32
        %dma_wait3A_123 = arith.constant 0 : i32
        %dma_wait3A_124 = tpu.memref_slice %arg4[%dma_wait3A_122, %dma_wait3A_123] : memref<10240x16xf32, #tpu.memory_space<hbm>> -> memref<128x16xf32, #tpu.memory_space<hbm>>
        %dma_wait3A_125 = arith.constant 0 : i32
        %dma_wait3A_126 = arith.constant 0 : i32
        %dma_wait3A_127 = tpu.memref_slice %arg4[%dma_wait3A_125, %dma_wait3A_126] : memref<10240x16xf32, #tpu.memory_space<hbm>> -> memref<128x16xf32, #tpu.memory_space<hbm>>
        tpu.wait_dma2 semaphore(%arg10 : memref<!tpu.dma_semaphore, #tpu.memory_space<semaphore_mem>>) src(%dma_wait3A_127 : memref<128x16xf32, #tpu.memory_space<hbm>>) dst(%arg9 : memref<128x16xf32, #tpu.memory_space<vmem>>)
        %dma_wait3A_128 = arith.constant 0 : i32
        %dma_wait3A_129 = arith.constant 0 : i32
        %dma_wait3A_130 = tpu.memref_slice %arg4[%dma_wait3A_128, %dma_wait3A_129] : memref<10240x16xf32, #tpu.memory_space<hbm>> -> memref<128x16xf32, #tpu.memory_space<hbm>>
        %dma_wait3A_131 = arith.constant 0 : i32
        %dma_wait3A_132 = arith.constant 0 : i32
        %dma_wait3A_133 = tpu.memref_slice %arg4[%dma_wait3A_131, %dma_wait3A_132] : memref<10240x16xf32, #tpu.memory_space<hbm>> -> memref<128x16xf32, #tpu.memory_space<hbm>>
        tpu.wait_dma2 semaphore(%arg10 : memref<!tpu.dma_semaphore, #tpu.memory_space<semaphore_mem>>) src(%dma_wait3A_133 : memref<128x16xf32, #tpu.memory_space<hbm>>) dst(%arg9 : memref<128x16xf32, #tpu.memory_space<vmem>>)
        %dma_wait3A_134 = arith.constant 0 : i32
        %dma_wait3A_135 = arith.constant 0 : i32
        %dma_wait3A_136 = tpu.memref_slice %arg4[%dma_wait3A_134, %dma_wait3A_135] : memref<10240x16xf32, #tpu.memory_space<hbm>> -> memref<128x16xf32, #tpu.memory_space<hbm>>
        %dma_wait3A_137 = arith.constant 0 : i32
        %dma_wait3A_138 = arith.constant 0 : i32
        %dma_wait3A_139 = tpu.memref_slice %arg4[%dma_wait3A_137, %dma_wait3A_138] : memref<10240x16xf32, #tpu.memory_space<hbm>> -> memref<128x16xf32, #tpu.memory_space<hbm>>
        tpu.wait_dma2 semaphore(%arg10 : memref<!tpu.dma_semaphore, #tpu.memory_space<semaphore_mem>>) src(%dma_wait3A_139 : memref<128x16xf32, #tpu.memory_space<hbm>>) dst(%arg9 : memref<128x16xf32, #tpu.memory_space<vmem>>)
      }
      %scan3A_13 = arith.constant 10 : i32
    } else {
    }
    %eq3A_3 = arith.constant 1 : i32
    %eq3A_4 = arith.cmpi eq, %arg0, %eq3A_3 : i32
    %convert_element_type3A_5 = arith.extui %eq3A_4 : i1 to i32
    %cond3A_6 = arith.constant 0 : i32
    %cond3A_7 = arith.cmpi ne, %convert_element_type3A_5, %cond3A_6 : i32
    scf.if %cond3A_7 {
      "tpu.region"() ({
        %run_scoped3A = tpu.sem_alloc : memref<!tpu.dma_semaphore, #tpu.memory_space<semaphore_mem>>
        %dma_start3A = arith.constant 0 : i32
        %dma_start3A_14 = arith.constant 0 : i32
        %dma_start3A_15 = tpu.memref_slice %arg8[%dma_start3A, %dma_start3A_14] : memref<80x128xi32, #tpu.memory_space<vmem>> -> memref<80x128xi32, #tpu.memory_space<vmem>>
        %dma_start3A_16 = arith.constant 0 : i32
        %dma_start3A_17 = arith.constant 0 : i32
        %dma_start3A_18 = tpu.memref_slice %arg3[%arg1, %dma_start3A_16, %dma_start3A_17] : memref<16x80x128xi32, #tpu.memory_space<hbm>> -> memref<1x80x128xi32, #tpu.memory_space<hbm>>
        %dma_start3A_19 = tpu.memref_squeeze %dma_start3A_18 : memref<1x80x128xi32, #tpu.memory_space<hbm>> -> memref<80x128xi32, #tpu.memory_space<hbm>>
        %dma_start3A_20 = arith.constant 0 : i32
        %dma_start3A_21 = arith.constant 0 : i32
        %dma_start3A_22 = tpu.memref_slice %arg8[%dma_start3A_20, %dma_start3A_21] : memref<80x128xi32, #tpu.memory_space<vmem>> -> memref<80x128xi32, #tpu.memory_space<vmem>>
        %dma_start3A_23 = arith.constant 0 : i32
        %dma_start3A_24 = arith.constant 0 : i32
        %dma_start3A_25 = tpu.memref_slice %arg3[%arg1, %dma_start3A_23, %dma_start3A_24] : memref<16x80x128xi32, #tpu.memory_space<hbm>> -> memref<1x80x128xi32, #tpu.memory_space<hbm>>
        %dma_start3A_26 = tpu.memref_squeeze %dma_start3A_25 : memref<1x80x128xi32, #tpu.memory_space<hbm>> -> memref<80x128xi32, #tpu.memory_space<hbm>>
        tpu.enqueue_dma source(%dma_start3A_26 : memref<80x128xi32, #tpu.memory_space<hbm>>) target(%dma_start3A_22 : memref<80x128xi32, #tpu.memory_space<vmem>>) target_semaphore(%run_scoped3A : memref<!tpu.dma_semaphore, #tpu.memory_space<semaphore_mem>>)
        %dma_wait3A = arith.constant 0 : i32
        %dma_wait3A_27 = arith.constant 0 : i32
        %dma_wait3A_28 = tpu.memref_slice %arg8[%dma_wait3A, %dma_wait3A_27] : memref<80x128xi32, #tpu.memory_space<vmem>> -> memref<80x128xi32, #tpu.memory_space<vmem>>
        %dma_wait3A_29 = arith.constant 0 : i32
        %dma_wait3A_30 = arith.constant 0 : i32
        %dma_wait3A_31 = tpu.memref_slice %arg3[%arg1, %dma_wait3A_29, %dma_wait3A_30] : memref<16x80x128xi32, #tpu.memory_space<hbm>> -> memref<1x80x128xi32, #tpu.memory_space<hbm>>
        %dma_wait3A_32 = tpu.memref_squeeze %dma_wait3A_31 : memref<1x80x128xi32, #tpu.memory_space<hbm>> -> memref<80x128xi32, #tpu.memory_space<hbm>>
        %dma_wait3A_33 = arith.constant 0 : i32
        %dma_wait3A_34 = arith.constant 0 : i32
        %dma_wait3A_35 = tpu.memref_slice %arg8[%dma_wait3A_33, %dma_wait3A_34] : memref<80x128xi32, #tpu.memory_space<vmem>> -> memref<80x128xi32, #tpu.memory_space<vmem>>
        %dma_wait3A_36 = arith.constant 0 : i32
        %dma_wait3A_37 = arith.constant 0 : i32
        %dma_wait3A_38 = tpu.memref_slice %arg3[%arg1, %dma_wait3A_36, %dma_wait3A_37] : memref<16x80x128xi32, #tpu.memory_space<hbm>> -> memref<1x80x128xi32, #tpu.memory_space<hbm>>
        %dma_wait3A_39 = tpu.memref_squeeze %dma_wait3A_38 : memref<1x80x128xi32, #tpu.memory_space<hbm>> -> memref<80x128xi32, #tpu.memory_space<hbm>>
        tpu.wait_dma2 semaphore(%run_scoped3A : memref<!tpu.dma_semaphore, #tpu.memory_space<semaphore_mem>>) src(%dma_wait3A_39 : memref<80x128xi32, #tpu.memory_space<hbm>>) dst(%dma_wait3A_35 : memref<80x128xi32, #tpu.memory_space<vmem>>)
        tpu.yield
      }) : () -> ()
      %barrier3A_8 = arith.constant 0 : index
      tpu.barrier barrier_id(%barrier3A_8)
      %scan3A = arith.constant 0 : i32
      %scan3A_9 = arith.constant 0 : i32
      %scan3A_10 = arith.constant 10 : i32
      %scan3A_11 = arith.addi %scan3A_9, %scan3A_10 : i32
      %scan3A_12 = arith.constant 1 : i32
      scf.for %scan3A_14 = %scan3A_9 to %scan3A_11 step %scan3A_12  : i32 {
        %mul3A_15 = arith.constant 8 : i32
        %mul3A_16 = arith.muli %scan3A_14, %mul3A_15 : i32
        %add3A = arith.constant 0 : i32
        %add3A_17 = arith.addi %mul3A_16, %add3A : i32
        %dma_start3A = arith.constant 0 : i32
        %dma_start3A_18 = tpu.memref_slice %arg8[%add3A_17, %dma_start3A] : memref<80x128xi32, #tpu.memory_space<vmem>> -> memref<1x128xi32, #tpu.memory_space<vmem>>
        %dma_start3A_19 = tpu.memref_squeeze %dma_start3A_18 : memref<1x128xi32, #tpu.memory_space<vmem>> -> memref<128xi32, #tpu.memory_space<vmem>>
        %dma_start3A_20 = arith.constant 0 : i32
        %dma_start3A_21 = arith.constant 0 : i32
        %dma_start3A_22 = tpu.memref_slice %arg7[%dma_start3A_20, %dma_start3A_21] : memref<10240x16xf32, #tpu.memory_space<vmem_shared>> -> memref<10240x16xf32, #tpu.memory_space<vmem_shared>>
        tpu.enqueue_indirect_dma source(%arg9 : memref<128x16xf32, #tpu.memory_space<vmem>>) target(%dma_start3A_22 : memref<10240x16xf32, #tpu.memory_space<vmem_shared>>) offsets(%dma_start3A_19 : memref<128xi32, #tpu.memory_space<vmem>>) semaphore(%arg10 : memref<!tpu.dma_semaphore, #tpu.memory_space<semaphore_mem>>) {add = true}
        %mul3A_23 = arith.constant 8 : i32
        %mul3A_24 = arith.muli %scan3A_14, %mul3A_23 : i32
        %add3A_25 = arith.constant 1 : i32
        %add3A_26 = arith.addi %mul3A_24, %add3A_25 : i32
        %dma_start3A_27 = arith.constant 0 : i32
        %dma_start3A_28 = tpu.memref_slice %arg8[%add3A_26, %dma_start3A_27] : memref<80x128xi32, #tpu.memory_space<vmem>> -> memref<1x128xi32, #tpu.memory_space<vmem>>
        %dma_start3A_29 = tpu.memref_squeeze %dma_start3A_28 : memref<1x128xi32, #tpu.memory_space<vmem>> -> memref<128xi32, #tpu.memory_space<vmem>>
        %dma_start3A_30 = arith.constant 0 : i32
        %dma_start3A_31 = arith.constant 0 : i32
        %dma_start3A_32 = tpu.memref_slice %arg7[%dma_start3A_30, %dma_start3A_31] : memref<10240x16xf32, #tpu.memory_space<vmem_shared>> -> memref<10240x16xf32, #tpu.memory_space<vmem_shared>>
        tpu.enqueue_indirect_dma source(%arg9 : memref<128x16xf32, #tpu.memory_space<vmem>>) target(%dma_start3A_32 : memref<10240x16xf32, #tpu.memory_space<vmem_shared>>) offsets(%dma_start3A_29 : memref<128xi32, #tpu.memory_space<vmem>>) semaphore(%arg10 : memref<!tpu.dma_semaphore, #tpu.memory_space<semaphore_mem>>) {add = true}
        %mul3A_33 = arith.constant 8 : i32
        %mul3A_34 = arith.muli %scan3A_14, %mul3A_33 : i32
        %add3A_35 = arith.constant 2 : i32
        %add3A_36 = arith.addi %mul3A_34, %add3A_35 : i32
        %dma_start3A_37 = arith.constant 0 : i32
        %dma_start3A_38 = tpu.memref_slice %arg8[%add3A_36, %dma_start3A_37] : memref<80x128xi32, #tpu.memory_space<vmem>> -> memref<1x128xi32, #tpu.memory_space<vmem>>
        %dma_start3A_39 = tpu.memref_squeeze %dma_start3A_38 : memref<1x128xi32, #tpu.memory_space<vmem>> -> memref<128xi32, #tpu.memory_space<vmem>>
        %dma_start3A_40 = arith.constant 0 : i32
        %dma_start3A_41 = arith.constant 0 : i32
        %dma_start3A_42 = tpu.memref_slice %arg7[%dma_start3A_40, %dma_start3A_41] : memref<10240x16xf32, #tpu.memory_space<vmem_shared>> -> memref<10240x16xf32, #tpu.memory_space<vmem_shared>>
        tpu.enqueue_indirect_dma source(%arg9 : memref<128x16xf32, #tpu.memory_space<vmem>>) target(%dma_start3A_42 : memref<10240x16xf32, #tpu.memory_space<vmem_shared>>) offsets(%dma_start3A_39 : memref<128xi32, #tpu.memory_space<vmem>>) semaphore(%arg10 : memref<!tpu.dma_semaphore, #tpu.memory_space<semaphore_mem>>) {add = true}
        %mul3A_43 = arith.constant 8 : i32
        %mul3A_44 = arith.muli %scan3A_14, %mul3A_43 : i32
        %add3A_45 = arith.constant 3 : i32
        %add3A_46 = arith.addi %mul3A_44, %add3A_45 : i32
        %dma_start3A_47 = arith.constant 0 : i32
        %dma_start3A_48 = tpu.memref_slice %arg8[%add3A_46, %dma_start3A_47] : memref<80x128xi32, #tpu.memory_space<vmem>> -> memref<1x128xi32, #tpu.memory_space<vmem>>
        %dma_start3A_49 = tpu.memref_squeeze %dma_start3A_48 : memref<1x128xi32, #tpu.memory_space<vmem>> -> memref<128xi32, #tpu.memory_space<vmem>>
        %dma_start3A_50 = arith.constant 0 : i32
        %dma_start3A_51 = arith.constant 0 : i32
        %dma_start3A_52 = tpu.memref_slice %arg7[%dma_start3A_50, %dma_start3A_51] : memref<10240x16xf32, #tpu.memory_space<vmem_shared>> -> memref<10240x16xf32, #tpu.memory_space<vmem_shared>>
        tpu.enqueue_indirect_dma source(%arg9 : memref<128x16xf32, #tpu.memory_space<vmem>>) target(%dma_start3A_52 : memref<10240x16xf32, #tpu.memory_space<vmem_shared>>) offsets(%dma_start3A_49 : memref<128xi32, #tpu.memory_space<vmem>>) semaphore(%arg10 : memref<!tpu.dma_semaphore, #tpu.memory_space<semaphore_mem>>) {add = true}
        %mul3A_53 = arith.constant 8 : i32
        %mul3A_54 = arith.muli %scan3A_14, %mul3A_53 : i32
        %add3A_55 = arith.constant 4 : i32
        %add3A_56 = arith.addi %mul3A_54, %add3A_55 : i32
        %dma_start3A_57 = arith.constant 0 : i32
        %dma_start3A_58 = tpu.memref_slice %arg8[%add3A_56, %dma_start3A_57] : memref<80x128xi32, #tpu.memory_space<vmem>> -> memref<1x128xi32, #tpu.memory_space<vmem>>
        %dma_start3A_59 = tpu.memref_squeeze %dma_start3A_58 : memref<1x128xi32, #tpu.memory_space<vmem>> -> memref<128xi32, #tpu.memory_space<vmem>>
        %dma_start3A_60 = arith.constant 0 : i32
        %dma_start3A_61 = arith.constant 0 : i32
        %dma_start3A_62 = tpu.memref_slice %arg7[%dma_start3A_60, %dma_start3A_61] : memref<10240x16xf32, #tpu.memory_space<vmem_shared>> -> memref<10240x16xf32, #tpu.memory_space<vmem_shared>>
        tpu.enqueue_indirect_dma source(%arg9 : memref<128x16xf32, #tpu.memory_space<vmem>>) target(%dma_start3A_62 : memref<10240x16xf32, #tpu.memory_space<vmem_shared>>) offsets(%dma_start3A_59 : memref<128xi32, #tpu.memory_space<vmem>>) semaphore(%arg10 : memref<!tpu.dma_semaphore, #tpu.memory_space<semaphore_mem>>) {add = true}
        %mul3A_63 = arith.constant 8 : i32
        %mul3A_64 = arith.muli %scan3A_14, %mul3A_63 : i32
        %add3A_65 = arith.constant 5 : i32
        %add3A_66 = arith.addi %mul3A_64, %add3A_65 : i32
        %dma_start3A_67 = arith.constant 0 : i32
        %dma_start3A_68 = tpu.memref_slice %arg8[%add3A_66, %dma_start3A_67] : memref<80x128xi32, #tpu.memory_space<vmem>> -> memref<1x128xi32, #tpu.memory_space<vmem>>
        %dma_start3A_69 = tpu.memref_squeeze %dma_start3A_68 : memref<1x128xi32, #tpu.memory_space<vmem>> -> memref<128xi32, #tpu.memory_space<vmem>>
        %dma_start3A_70 = arith.constant 0 : i32
        %dma_start3A_71 = arith.constant 0 : i32
        %dma_start3A_72 = tpu.memref_slice %arg7[%dma_start3A_70, %dma_start3A_71] : memref<10240x16xf32, #tpu.memory_space<vmem_shared>> -> memref<10240x16xf32, #tpu.memory_space<vmem_shared>>
        tpu.enqueue_indirect_dma source(%arg9 : memref<128x16xf32, #tpu.memory_space<vmem>>) target(%dma_start3A_72 : memref<10240x16xf32, #tpu.memory_space<vmem_shared>>) offsets(%dma_start3A_69 : memref<128xi32, #tpu.memory_space<vmem>>) semaphore(%arg10 : memref<!tpu.dma_semaphore, #tpu.memory_space<semaphore_mem>>) {add = true}
        %mul3A_73 = arith.constant 8 : i32
        %mul3A_74 = arith.muli %scan3A_14, %mul3A_73 : i32
        %add3A_75 = arith.constant 6 : i32
        %add3A_76 = arith.addi %mul3A_74, %add3A_75 : i32
        %dma_start3A_77 = arith.constant 0 : i32
        %dma_start3A_78 = tpu.memref_slice %arg8[%add3A_76, %dma_start3A_77] : memref<80x128xi32, #tpu.memory_space<vmem>> -> memref<1x128xi32, #tpu.memory_space<vmem>>
        %dma_start3A_79 = tpu.memref_squeeze %dma_start3A_78 : memref<1x128xi32, #tpu.memory_space<vmem>> -> memref<128xi32, #tpu.memory_space<vmem>>
        %dma_start3A_80 = arith.constant 0 : i32
        %dma_start3A_81 = arith.constant 0 : i32
        %dma_start3A_82 = tpu.memref_slice %arg7[%dma_start3A_80, %dma_start3A_81] : memref<10240x16xf32, #tpu.memory_space<vmem_shared>> -> memref<10240x16xf32, #tpu.memory_space<vmem_shared>>
        tpu.enqueue_indirect_dma source(%arg9 : memref<128x16xf32, #tpu.memory_space<vmem>>) target(%dma_start3A_82 : memref<10240x16xf32, #tpu.memory_space<vmem_shared>>) offsets(%dma_start3A_79 : memref<128xi32, #tpu.memory_space<vmem>>) semaphore(%arg10 : memref<!tpu.dma_semaphore, #tpu.memory_space<semaphore_mem>>) {add = true}
        %mul3A_83 = arith.constant 8 : i32
        %mul3A_84 = arith.muli %scan3A_14, %mul3A_83 : i32
        %add3A_85 = arith.constant 7 : i32
        %add3A_86 = arith.addi %mul3A_84, %add3A_85 : i32
        %dma_start3A_87 = arith.constant 0 : i32
        %dma_start3A_88 = tpu.memref_slice %arg8[%add3A_86, %dma_start3A_87] : memref<80x128xi32, #tpu.memory_space<vmem>> -> memref<1x128xi32, #tpu.memory_space<vmem>>
        %dma_start3A_89 = tpu.memref_squeeze %dma_start3A_88 : memref<1x128xi32, #tpu.memory_space<vmem>> -> memref<128xi32, #tpu.memory_space<vmem>>
        %dma_start3A_90 = arith.constant 0 : i32
        %dma_start3A_91 = arith.constant 0 : i32
        %dma_start3A_92 = tpu.memref_slice %arg7[%dma_start3A_90, %dma_start3A_91] : memref<10240x16xf32, #tpu.memory_space<vmem_shared>> -> memref<10240x16xf32, #tpu.memory_space<vmem_shared>>
        tpu.enqueue_indirect_dma source(%arg9 : memref<128x16xf32, #tpu.memory_space<vmem>>) target(%dma_start3A_92 : memref<10240x16xf32, #tpu.memory_space<vmem_shared>>) offsets(%dma_start3A_89 : memref<128xi32, #tpu.memory_space<vmem>>) semaphore(%arg10 : memref<!tpu.dma_semaphore, #tpu.memory_space<semaphore_mem>>) {add = true}
        %dma_wait3A = arith.constant 0 : i32
        %dma_wait3A_93 = arith.constant 0 : i32
        %dma_wait3A_94 = tpu.memref_slice %arg4[%dma_wait3A, %dma_wait3A_93] : memref<10240x16xf32, #tpu.memory_space<hbm>> -> memref<128x16xf32, #tpu.memory_space<hbm>>
        %dma_wait3A_95 = arith.constant 0 : i32
        %dma_wait3A_96 = arith.constant 0 : i32
        %dma_wait3A_97 = tpu.memref_slice %arg4[%dma_wait3A_95, %dma_wait3A_96] : memref<10240x16xf32, #tpu.memory_space<hbm>> -> memref<128x16xf32, #tpu.memory_space<hbm>>
        tpu.wait_dma2 semaphore(%arg10 : memref<!tpu.dma_semaphore, #tpu.memory_space<semaphore_mem>>) src(%dma_wait3A_97 : memref<128x16xf32, #tpu.memory_space<hbm>>) dst(%arg9 : memref<128x16xf32, #tpu.memory_space<vmem>>)
        %dma_wait3A_98 = arith.constant 0 : i32
        %dma_wait3A_99 = arith.constant 0 : i32
        %dma_wait3A_100 = tpu.memref_slice %arg4[%dma_wait3A_98, %dma_wait3A_99] : memref<10240x16xf32, #tpu.memory_space<hbm>> -> memref<128x16xf32, #tpu.memory_space<hbm>>
        %dma_wait3A_101 = arith.constant 0 : i32
        %dma_wait3A_102 = arith.constant 0 : i32
        %dma_wait3A_103 = tpu.memref_slice %arg4[%dma_wait3A_101, %dma_wait3A_102] : memref<10240x16xf32, #tpu.memory_space<hbm>> -> memref<128x16xf32, #tpu.memory_space<hbm>>
        tpu.wait_dma2 semaphore(%arg10 : memref<!tpu.dma_semaphore, #tpu.memory_space<semaphore_mem>>) src(%dma_wait3A_103 : memref<128x16xf32, #tpu.memory_space<hbm>>) dst(%arg9 : memref<128x16xf32, #tpu.memory_space<vmem>>)
        %dma_wait3A_104 = arith.constant 0 : i32
        %dma_wait3A_105 = arith.constant 0 : i32
        %dma_wait3A_106 = tpu.memref_slice %arg4[%dma_wait3A_104, %dma_wait3A_105] : memref<10240x16xf32, #tpu.memory_space<hbm>> -> memref<128x16xf32, #tpu.memory_space<hbm>>
        %dma_wait3A_107 = arith.constant 0 : i32
        %dma_wait3A_108 = arith.constant 0 : i32
        %dma_wait3A_109 = tpu.memref_slice %arg4[%dma_wait3A_107, %dma_wait3A_108] : memref<10240x16xf32, #tpu.memory_space<hbm>> -> memref<128x16xf32, #tpu.memory_space<hbm>>
        tpu.wait_dma2 semaphore(%arg10 : memref<!tpu.dma_semaphore, #tpu.memory_space<semaphore_mem>>) src(%dma_wait3A_109 : memref<128x16xf32, #tpu.memory_space<hbm>>) dst(%arg9 : memref<128x16xf32, #tpu.memory_space<vmem>>)
        %dma_wait3A_110 = arith.constant 0 : i32
        %dma_wait3A_111 = arith.constant 0 : i32
        %dma_wait3A_112 = tpu.memref_slice %arg4[%dma_wait3A_110, %dma_wait3A_111] : memref<10240x16xf32, #tpu.memory_space<hbm>> -> memref<128x16xf32, #tpu.memory_space<hbm>>
        %dma_wait3A_113 = arith.constant 0 : i32
        %dma_wait3A_114 = arith.constant 0 : i32
        %dma_wait3A_115 = tpu.memref_slice %arg4[%dma_wait3A_113, %dma_wait3A_114] : memref<10240x16xf32, #tpu.memory_space<hbm>> -> memref<128x16xf32, #tpu.memory_space<hbm>>
        tpu.wait_dma2 semaphore(%arg10 : memref<!tpu.dma_semaphore, #tpu.memory_space<semaphore_mem>>) src(%dma_wait3A_115 : memref<128x16xf32, #tpu.memory_space<hbm>>) dst(%arg9 : memref<128x16xf32, #tpu.memory_space<vmem>>)
        %dma_wait3A_116 = arith.constant 0 : i32
        %dma_wait3A_117 = arith.constant 0 : i32
        %dma_wait3A_118 = tpu.memref_slice %arg4[%dma_wait3A_116, %dma_wait3A_117] : memref<10240x16xf32, #tpu.memory_space<hbm>> -> memref<128x16xf32, #tpu.memory_space<hbm>>
        %dma_wait3A_119 = arith.constant 0 : i32
        %dma_wait3A_120 = arith.constant 0 : i32
        %dma_wait3A_121 = tpu.memref_slice %arg4[%dma_wait3A_119, %dma_wait3A_120] : memref<10240x16xf32, #tpu.memory_space<hbm>> -> memref<128x16xf32, #tpu.memory_space<hbm>>
        tpu.wait_dma2 semaphore(%arg10 : memref<!tpu.dma_semaphore, #tpu.memory_space<semaphore_mem>>) src(%dma_wait3A_121 : memref<128x16xf32, #tpu.memory_space<hbm>>) dst(%arg9 : memref<128x16xf32, #tpu.memory_space<vmem>>)
        %dma_wait3A_122 = arith.constant 0 : i32
        %dma_wait3A_123 = arith.constant 0 : i32
        %dma_wait3A_124 = tpu.memref_slice %arg4[%dma_wait3A_122, %dma_wait3A_123] : memref<10240x16xf32, #tpu.memory_space<hbm>> -> memref<128x16xf32, #tpu.memory_space<hbm>>
        %dma_wait3A_125 = arith.constant 0 : i32
        %dma_wait3A_126 = arith.constant 0 : i32
        %dma_wait3A_127 = tpu.memref_slice %arg4[%dma_wait3A_125, %dma_wait3A_126] : memref<10240x16xf32, #tpu.memory_space<hbm>> -> memref<128x16xf32, #tpu.memory_space<hbm>>
        tpu.wait_dma2 semaphore(%arg10 : memref<!tpu.dma_semaphore, #tpu.memory_space<semaphore_mem>>) src(%dma_wait3A_127 : memref<128x16xf32, #tpu.memory_space<hbm>>) dst(%arg9 : memref<128x16xf32, #tpu.memory_space<vmem>>)
        %dma_wait3A_128 = arith.constant 0 : i32
        %dma_wait3A_129 = arith.constant 0 : i32
        %dma_wait3A_130 = tpu.memref_slice %arg4[%dma_wait3A_128, %dma_wait3A_129] : memref<10240x16xf32, #tpu.memory_space<hbm>> -> memref<128x16xf32, #tpu.memory_space<hbm>>
        %dma_wait3A_131 = arith.constant 0 : i32
        %dma_wait3A_132 = arith.constant 0 : i32
        %dma_wait3A_133 = tpu.memref_slice %arg4[%dma_wait3A_131, %dma_wait3A_132] : memref<10240x16xf32, #tpu.memory_space<hbm>> -> memref<128x16xf32, #tpu.memory_space<hbm>>
        tpu.wait_dma2 semaphore(%arg10 : memref<!tpu.dma_semaphore, #tpu.memory_space<semaphore_mem>>) src(%dma_wait3A_133 : memref<128x16xf32, #tpu.memory_space<hbm>>) dst(%arg9 : memref<128x16xf32, #tpu.memory_space<vmem>>)
        %dma_wait3A_134 = arith.constant 0 : i32
        %dma_wait3A_135 = arith.constant 0 : i32
        %dma_wait3A_136 = tpu.memref_slice %arg4[%dma_wait3A_134, %dma_wait3A_135] : memref<10240x16xf32, #tpu.memory_space<hbm>> -> memref<128x16xf32, #tpu.memory_space<hbm>>
        %dma_wait3A_137 = arith.constant 0 : i32
        %dma_wait3A_138 = arith.constant 0 : i32
        %dma_wait3A_139 = tpu.memref_slice %arg4[%dma_wait3A_137, %dma_wait3A_138] : memref<10240x16xf32, #tpu.memory_space<hbm>> -> memref<128x16xf32, #tpu.memory_space<hbm>>
        tpu.wait_dma2 semaphore(%arg10 : memref<!tpu.dma_semaphore, #tpu.memory_space<semaphore_mem>>) src(%dma_wait3A_139 : memref<128x16xf32, #tpu.memory_space<hbm>>) dst(%arg9 : memref<128x16xf32, #tpu.memory_space<vmem>>)
      }
      %scan3A_13 = arith.constant 10 : i32
    } else {
    }
    %barrier3A = arith.constant 0 : index
    tpu.barrier barrier_id(%barrier3A)
    "tpu.region"() ({
      %run_scoped3A = tpu.sem_alloc : memref<!tpu.dma_semaphore, #tpu.memory_space<semaphore_mem>>
      %dma_start3A = arith.constant 0 : i32
      %dma_start3A_8 = tpu.memref_slice %arg6[%arg0, %multiple_of3A, %dma_start3A] : memref<2x10240x16xf32, #tpu.memory_space<hbm>> -> memref<1x640x16xf32, #tpu.memory_space<hbm>>
      %dma_start3A_9 = tpu.memref_squeeze %dma_start3A_8 : memref<1x640x16xf32, #tpu.memory_space<hbm>> -> memref<640x16xf32, #tpu.memory_space<hbm>>
      %dma_start3A_10 = arith.constant 0 : i32
      %dma_start3A_11 = tpu.memref_slice %arg7[%multiple_of3A, %dma_start3A_10] : memref<10240x16xf32, #tpu.memory_space<vmem_shared>> -> memref<640x16xf32, #tpu.memory_space<vmem_shared>>
      tpu.enqueue_dma source(%dma_start3A_11 : memref<640x16xf32, #tpu.memory_space<vmem_shared>>) target(%dma_start3A_9 : memref<640x16xf32, #tpu.memory_space<hbm>>) target_semaphore(%run_scoped3A : memref<!tpu.dma_semaphore, #tpu.memory_space<semaphore_mem>>)
      %dma_wait3A = arith.constant 0 : i32
      %dma_wait3A_12 = tpu.memref_slice %arg6[%arg0, %multiple_of3A, %dma_wait3A] : memref<2x10240x16xf32, #tpu.memory_space<hbm>> -> memref<1x640x16xf32, #tpu.memory_space<hbm>>
      %dma_wait3A_13 = tpu.memref_squeeze %dma_wait3A_12 : memref<1x640x16xf32, #tpu.memory_space<hbm>> -> memref<640x16xf32, #tpu.memory_space<hbm>>
      %dma_wait3A_14 = arith.constant 0 : i32
      %dma_wait3A_15 = tpu.memref_slice %arg7[%multiple_of3A, %dma_wait3A_14] : memref<10240x16xf32, #tpu.memory_space<vmem_shared>> -> memref<640x16xf32, #tpu.memory_space<vmem_shared>>
      tpu.wait_dma2 semaphore(%run_scoped3A : memref<!tpu.dma_semaphore, #tpu.memory_space<semaphore_mem>>) src(%dma_wait3A_15 : memref<640x16xf32, #tpu.memory_space<vmem_shared>>) dst(%dma_wait3A_13 : memref<640x16xf32, #tpu.memory_space<hbm>>)
      tpu.yield
    }) : () -> ()
    return
  }
}

#map = affine_map<(d0, d1) -> (0, 0)>
#map1 = affine_map<(d0, d1) -> (0, 0, 0)>
module attributes {stable_mosaic.version = 14 : i64} {
  func.func @sc_scatter(%arg0: i32, %arg1: i32, %arg2: memref<10240x64xf32, #tpu.memory_space<hbm>>, %arg3: memref<16x80x128xi32, #tpu.memory_space<hbm>>, %arg4: memref<16x80x128xi32, #tpu.memory_space<hbm>>, %arg5: memref<16x80x128xi32, #tpu.memory_space<hbm>>, %arg6: memref<16x80x128xi32, #tpu.memory_space<hbm>>, %arg7: memref<10240x64xf32, #tpu.memory_space<hbm>>, %arg8: memref<2x10240x64xf32, #tpu.memory_space<hbm>>, %arg9: memref<10240x64xf32, #tpu.memory_space<vmem_shared>>, %arg10: memref<10240x64xf32, #tpu.memory_space<vmem_shared>>, %arg11: memref<80x128xi32, #tpu.memory_space<vmem>>, %arg12: memref<80x128xi32, #tpu.memory_space<vmem>>, %arg13: memref<128x64xf32, #tpu.memory_space<vmem>>, %arg14: memref<128x64xf32, #tpu.memory_space<vmem>>, %arg15: memref<!tpu.dma_semaphore, #tpu.memory_space<semaphore_mem>>, %arg16: memref<!tpu.dma_semaphore, #tpu.memory_space<semaphore_mem>>) attributes {dimension_semantics = [#tpu.dimension_semantics<core_parallel>, #tpu.dimension_semantics<subcore_parallel>], iteration_bounds = array<i64: 2, 16>, scalar_prefetch = 0 : i64, scratch_operands = 8 : i64, tpu.core_type = #tpu.core_type<sc_vector_subcore>, window_params = [{transform_indices = #map}, {transform_indices = #map1}, {transform_indices = #map1}, {transform_indices = #map1}, {transform_indices = #map1}, {transform_indices = #map}, {transform_indices = #map1}]} {
    %mul3A = arith.constant 640 : i32
    %mul3A_0 = arith.muli %arg1, %mul3A : i32
    %multiple_of3A = tpu.assume_multiple %mul3A_0, 8 : i32
    %scan3A = arith.constant 0 : i32
    %scan3A_1 = arith.constant 0 : i32
    %scan3A_2 = arith.constant 128 : i32
    %scan3A_3 = arith.addi %scan3A_1, %scan3A_2 : i32
    %scan3A_4 = arith.constant 1 : i32
    scf.for %scan3A_22 = %scan3A_1 to %scan3A_3 step %scan3A_4  : i32 {
      %broadcast_in_dim3A = arith.constant 0.000000e+00 : f32
      %broadcast_in_dim3A_23 = vector.broadcast %broadcast_in_dim3A : f32 to vector<16xf32>
      %swap3A = arith.index_cast %scan3A_22 : i32 to index
      %swap3A_24 = arith.constant 0 : index
      %swap3A_25 = tpu.vector_load %arg13[%swap3A, %swap3A_24] {strides = array<i32>} : memref<128x64xf32, #tpu.memory_space<vmem>>, vector<1x16xf32>,
      %swap3A_26 = vector.shape_cast %swap3A_25 : vector<1x16xf32> to vector<16xf32>
      %swap3A_27 = vector.shape_cast %broadcast_in_dim3A_23 : vector<16xf32> to vector<1x16xf32>
      tpu.vector_store %arg13[%swap3A, %swap3A_24], %swap3A_27 {strides = array<i32>} : memref<128x64xf32, #tpu.memory_space<vmem>>, vector<1x16xf32>,
      %broadcast_in_dim3A_28 = arith.constant 0.000000e+00 : f32
      %broadcast_in_dim3A_29 = vector.broadcast %broadcast_in_dim3A_28 : f32 to vector<16xf32>
      %swap3A_30 = arith.index_cast %scan3A_22 : i32 to index
      %swap3A_31 = arith.constant 16 : index
      %swap3A_32 = tpu.vector_load %arg13[%swap3A_30, %swap3A_31] {strides = array<i32>} : memref<128x64xf32, #tpu.memory_space<vmem>>, vector<1x16xf32>,
      %swap3A_33 = vector.shape_cast %swap3A_32 : vector<1x16xf32> to vector<16xf32>
      %swap3A_34 = vector.shape_cast %broadcast_in_dim3A_29 : vector<16xf32> to vector<1x16xf32>
      tpu.vector_store %arg13[%swap3A_30, %swap3A_31], %swap3A_34 {strides = array<i32>} : memref<128x64xf32, #tpu.memory_space<vmem>>, vector<1x16xf32>,
      %broadcast_in_dim3A_35 = arith.constant 0.000000e+00 : f32
      %broadcast_in_dim3A_36 = vector.broadcast %broadcast_in_dim3A_35 : f32 to vector<16xf32>
      %swap3A_37 = arith.index_cast %scan3A_22 : i32 to index
      %swap3A_38 = arith.constant 32 : index
      %swap3A_39 = tpu.vector_load %arg13[%swap3A_37, %swap3A_38] {strides = array<i32>} : memref<128x64xf32, #tpu.memory_space<vmem>>, vector<1x16xf32>,
      %swap3A_40 = vector.shape_cast %swap3A_39 : vector<1x16xf32> to vector<16xf32>
      %swap3A_41 = vector.shape_cast %broadcast_in_dim3A_36 : vector<16xf32> to vector<1x16xf32>
      tpu.vector_store %arg13[%swap3A_37, %swap3A_38], %swap3A_41 {strides = array<i32>} : memref<128x64xf32, #tpu.memory_space<vmem>>, vector<1x16xf32>,
      %broadcast_in_dim3A_42 = arith.constant 0.000000e+00 : f32
      %broadcast_in_dim3A_43 = vector.broadcast %broadcast_in_dim3A_42 : f32 to vector<16xf32>
      %swap3A_44 = arith.index_cast %scan3A_22 : i32 to index
      %swap3A_45 = arith.constant 48 : index
      %swap3A_46 = tpu.vector_load %arg13[%swap3A_44, %swap3A_45] {strides = array<i32>} : memref<128x64xf32, #tpu.memory_space<vmem>>, vector<1x16xf32>,
      %swap3A_47 = vector.shape_cast %swap3A_46 : vector<1x16xf32> to vector<16xf32>
      %swap3A_48 = vector.shape_cast %broadcast_in_dim3A_43 : vector<16xf32> to vector<1x16xf32>
      tpu.vector_store %arg13[%swap3A_44, %swap3A_45], %swap3A_48 {strides = array<i32>} : memref<128x64xf32, #tpu.memory_space<vmem>>, vector<1x16xf32>,
    }
    %scan3A_5 = arith.constant 128 : i32
    %add3A = arith.constant 0 : i32
    %add3A_6 = arith.addi %multiple_of3A, %add3A : i32
    "tpu.region"() ({
      %run_scoped3A = tpu.sem_alloc : memref<!tpu.dma_semaphore, #tpu.memory_space<semaphore_mem>>
      %dma_start3A = arith.constant 0 : i32
      %dma_start3A_22 = tpu.memref_slice %arg9[%add3A_6, %dma_start3A] : memref<10240x64xf32, #tpu.memory_space<vmem_shared>> -> memref<128x64xf32, #tpu.memory_space<vmem_shared>>
      %dma_start3A_23 = arith.constant 0 : i32
      %dma_start3A_24 = tpu.memref_slice %arg9[%add3A_6, %dma_start3A_23] : memref<10240x64xf32, #tpu.memory_space<vmem_shared>> -> memref<128x64xf32, #tpu.memory_space<vmem_shared>>
      tpu.enqueue_dma source(%arg13 : memref<128x64xf32, #tpu.memory_space<vmem>>) target(%dma_start3A_24 : memref<128x64xf32, #tpu.memory_space<vmem_shared>>) target_semaphore(%run_scoped3A : memref<!tpu.dma_semaphore, #tpu.memory_space<semaphore_mem>>)
      %dma_wait3A = arith.constant 0 : i32
      %dma_wait3A_25 = tpu.memref_slice %arg9[%add3A_6, %dma_wait3A] : memref<10240x64xf32, #tpu.memory_space<vmem_shared>> -> memref<128x64xf32, #tpu.memory_space<vmem_shared>>
      %dma_wait3A_26 = arith.constant 0 : i32
      %dma_wait3A_27 = tpu.memref_slice %arg9[%add3A_6, %dma_wait3A_26] : memref<10240x64xf32, #tpu.memory_space<vmem_shared>> -> memref<128x64xf32, #tpu.memory_space<vmem_shared>>
      tpu.wait_dma2 semaphore(%run_scoped3A : memref<!tpu.dma_semaphore, #tpu.memory_space<semaphore_mem>>) src(%arg13 : memref<128x64xf32, #tpu.memory_space<vmem>>) dst(%dma_wait3A_27 : memref<128x64xf32, #tpu.memory_space<vmem_shared>>)
      tpu.yield
    }) : () -> ()
    %add3A_7 = arith.constant 128 : i32
    %add3A_8 = arith.addi %multiple_of3A, %add3A_7 : i32
    "tpu.region"() ({
      %run_scoped3A = tpu.sem_alloc : memref<!tpu.dma_semaphore, #tpu.memory_space<semaphore_mem>>
      %dma_start3A = arith.constant 0 : i32
      %dma_start3A_22 = tpu.memref_slice %arg9[%add3A_8, %dma_start3A] : memref<10240x64xf32, #tpu.memory_space<vmem_shared>> -> memref<128x64xf32, #tpu.memory_space<vmem_shared>>
      %dma_start3A_23 = arith.constant 0 : i32
      %dma_start3A_24 = tpu.memref_slice %arg9[%add3A_8, %dma_start3A_23] : memref<10240x64xf32, #tpu.memory_space<vmem_shared>> -> memref<128x64xf32, #tpu.memory_space<vmem_shared>>
      tpu.enqueue_dma source(%arg13 : memref<128x64xf32, #tpu.memory_space<vmem>>) target(%dma_start3A_24 : memref<128x64xf32, #tpu.memory_space<vmem_shared>>) target_semaphore(%run_scoped3A : memref<!tpu.dma_semaphore, #tpu.memory_space<semaphore_mem>>)
      %dma_wait3A = arith.constant 0 : i32
      %dma_wait3A_25 = tpu.memref_slice %arg9[%add3A_8, %dma_wait3A] : memref<10240x64xf32, #tpu.memory_space<vmem_shared>> -> memref<128x64xf32, #tpu.memory_space<vmem_shared>>
      %dma_wait3A_26 = arith.constant 0 : i32
      %dma_wait3A_27 = tpu.memref_slice %arg9[%add3A_8, %dma_wait3A_26] : memref<10240x64xf32, #tpu.memory_space<vmem_shared>> -> memref<128x64xf32, #tpu.memory_space<vmem_shared>>
      tpu.wait_dma2 semaphore(%run_scoped3A : memref<!tpu.dma_semaphore, #tpu.memory_space<semaphore_mem>>) src(%arg13 : memref<128x64xf32, #tpu.memory_space<vmem>>) dst(%dma_wait3A_27 : memref<128x64xf32, #tpu.memory_space<vmem_shared>>)
      tpu.yield
    }) : () -> ()
    %add3A_9 = arith.constant 256 : i32
    %add3A_10 = arith.addi %multiple_of3A, %add3A_9 : i32
    "tpu.region"() ({
      %run_scoped3A = tpu.sem_alloc : memref<!tpu.dma_semaphore, #tpu.memory_space<semaphore_mem>>
      %dma_start3A = arith.constant 0 : i32
      %dma_start3A_22 = tpu.memref_slice %arg9[%add3A_10, %dma_start3A] : memref<10240x64xf32, #tpu.memory_space<vmem_shared>> -> memref<128x64xf32, #tpu.memory_space<vmem_shared>>
      %dma_start3A_23 = arith.constant 0 : i32
      %dma_start3A_24 = tpu.memref_slice %arg9[%add3A_10, %dma_start3A_23] : memref<10240x64xf32, #tpu.memory_space<vmem_shared>> -> memref<128x64xf32, #tpu.memory_space<vmem_shared>>
      tpu.enqueue_dma source(%arg13 : memref<128x64xf32, #tpu.memory_space<vmem>>) target(%dma_start3A_24 : memref<128x64xf32, #tpu.memory_space<vmem_shared>>) target_semaphore(%run_scoped3A : memref<!tpu.dma_semaphore, #tpu.memory_space<semaphore_mem>>)
      %dma_wait3A = arith.constant 0 : i32
      %dma_wait3A_25 = tpu.memref_slice %arg9[%add3A_10, %dma_wait3A] : memref<10240x64xf32, #tpu.memory_space<vmem_shared>> -> memref<128x64xf32, #tpu.memory_space<vmem_shared>>
      %dma_wait3A_26 = arith.constant 0 : i32
      %dma_wait3A_27 = tpu.memref_slice %arg9[%add3A_10, %dma_wait3A_26] : memref<10240x64xf32, #tpu.memory_space<vmem_shared>> -> memref<128x64xf32, #tpu.memory_space<vmem_shared>>
      tpu.wait_dma2 semaphore(%run_scoped3A : memref<!tpu.dma_semaphore, #tpu.memory_space<semaphore_mem>>) src(%arg13 : memref<128x64xf32, #tpu.memory_space<vmem>>) dst(%dma_wait3A_27 : memref<128x64xf32, #tpu.memory_space<vmem_shared>>)
      tpu.yield
    }) : () -> ()
    %add3A_11 = arith.constant 384 : i32
    %add3A_12 = arith.addi %multiple_of3A, %add3A_11 : i32
    "tpu.region"() ({
      %run_scoped3A = tpu.sem_alloc : memref<!tpu.dma_semaphore, #tpu.memory_space<semaphore_mem>>
      %dma_start3A = arith.constant 0 : i32
      %dma_start3A_22 = tpu.memref_slice %arg9[%add3A_12, %dma_start3A] : memref<10240x64xf32, #tpu.memory_space<vmem_shared>> -> memref<128x64xf32, #tpu.memory_space<vmem_shared>>
      %dma_start3A_23 = arith.constant 0 : i32
      %dma_start3A_24 = tpu.memref_slice %arg9[%add3A_12, %dma_start3A_23] : memref<10240x64xf32, #tpu.memory_space<vmem_shared>> -> memref<128x64xf32, #tpu.memory_space<vmem_shared>>
      tpu.enqueue_dma source(%arg13 : memref<128x64xf32, #tpu.memory_space<vmem>>) target(%dma_start3A_24 : memref<128x64xf32, #tpu.memory_space<vmem_shared>>) target_semaphore(%run_scoped3A : memref<!tpu.dma_semaphore, #tpu.memory_space<semaphore_mem>>)
      %dma_wait3A = arith.constant 0 : i32
      %dma_wait3A_25 = tpu.memref_slice %arg9[%add3A_12, %dma_wait3A] : memref<10240x64xf32, #tpu.memory_space<vmem_shared>> -> memref<128x64xf32, #tpu.memory_space<vmem_shared>>
      %dma_wait3A_26 = arith.constant 0 : i32
      %dma_wait3A_27 = tpu.memref_slice %arg9[%add3A_12, %dma_wait3A_26] : memref<10240x64xf32, #tpu.memory_space<vmem_shared>> -> memref<128x64xf32, #tpu.memory_space<vmem_shared>>
      tpu.wait_dma2 semaphore(%run_scoped3A : memref<!tpu.dma_semaphore, #tpu.memory_space<semaphore_mem>>) src(%arg13 : memref<128x64xf32, #tpu.memory_space<vmem>>) dst(%dma_wait3A_27 : memref<128x64xf32, #tpu.memory_space<vmem_shared>>)
      tpu.yield
    }) : () -> ()
    %add3A_13 = arith.constant 512 : i32
    %add3A_14 = arith.addi %multiple_of3A, %add3A_13 : i32
    "tpu.region"() ({
      %run_scoped3A = tpu.sem_alloc : memref<!tpu.dma_semaphore, #tpu.memory_space<semaphore_mem>>
      %dma_start3A = arith.constant 0 : i32
      %dma_start3A_22 = tpu.memref_slice %arg9[%add3A_14, %dma_start3A] : memref<10240x64xf32, #tpu.memory_space<vmem_shared>> -> memref<128x64xf32, #tpu.memory_space<vmem_shared>>
      %dma_start3A_23 = arith.constant 0 : i32
      %dma_start3A_24 = tpu.memref_slice %arg9[%add3A_14, %dma_start3A_23] : memref<10240x64xf32, #tpu.memory_space<vmem_shared>> -> memref<128x64xf32, #tpu.memory_space<vmem_shared>>
      tpu.enqueue_dma source(%arg13 : memref<128x64xf32, #tpu.memory_space<vmem>>) target(%dma_start3A_24 : memref<128x64xf32, #tpu.memory_space<vmem_shared>>) target_semaphore(%run_scoped3A : memref<!tpu.dma_semaphore, #tpu.memory_space<semaphore_mem>>)
      %dma_wait3A = arith.constant 0 : i32
      %dma_wait3A_25 = tpu.memref_slice %arg9[%add3A_14, %dma_wait3A] : memref<10240x64xf32, #tpu.memory_space<vmem_shared>> -> memref<128x64xf32, #tpu.memory_space<vmem_shared>>
      %dma_wait3A_26 = arith.constant 0 : i32
      %dma_wait3A_27 = tpu.memref_slice %arg9[%add3A_14, %dma_wait3A_26] : memref<10240x64xf32, #tpu.memory_space<vmem_shared>> -> memref<128x64xf32, #tpu.memory_space<vmem_shared>>
      tpu.wait_dma2 semaphore(%run_scoped3A : memref<!tpu.dma_semaphore, #tpu.memory_space<semaphore_mem>>) src(%arg13 : memref<128x64xf32, #tpu.memory_space<vmem>>) dst(%dma_wait3A_27 : memref<128x64xf32, #tpu.memory_space<vmem_shared>>)
      tpu.yield
    }) : () -> ()
    "tpu.region"() ({
      %run_scoped3A = tpu.sem_alloc : memref<!tpu.dma_semaphore, #tpu.memory_space<semaphore_mem>>
      %dma_start3A = arith.constant 0 : i32
      %dma_start3A_22 = tpu.memref_slice %arg10[%multiple_of3A, %dma_start3A] : memref<10240x64xf32, #tpu.memory_space<vmem_shared>> -> memref<640x64xf32, #tpu.memory_space<vmem_shared>>
      %dma_start3A_23 = arith.constant 0 : i32
      %dma_start3A_24 = tpu.memref_slice %arg2[%multiple_of3A, %dma_start3A_23] : memref<10240x64xf32, #tpu.memory_space<hbm>> -> memref<640x64xf32, #tpu.memory_space<hbm>>
      tpu.enqueue_dma source(%dma_start3A_24 : memref<640x64xf32, #tpu.memory_space<hbm>>) target(%dma_start3A_22 : memref<640x64xf32, #tpu.memory_space<vmem_shared>>) target_semaphore(%run_scoped3A : memref<!tpu.dma_semaphore, #tpu.memory_space<semaphore_mem>>)
      %dma_wait3A = arith.constant 0 : i32
      %dma_wait3A_25 = tpu.memref_slice %arg10[%multiple_of3A, %dma_wait3A] : memref<10240x64xf32, #tpu.memory_space<vmem_shared>> -> memref<640x64xf32, #tpu.memory_space<vmem_shared>>
      %dma_wait3A_26 = arith.constant 0 : i32
      %dma_wait3A_27 = tpu.memref_slice %arg2[%multiple_of3A, %dma_wait3A_26] : memref<10240x64xf32, #tpu.memory_space<hbm>> -> memref<640x64xf32, #tpu.memory_space<hbm>>
      tpu.wait_dma2 semaphore(%run_scoped3A : memref<!tpu.dma_semaphore, #tpu.memory_space<semaphore_mem>>) src(%dma_wait3A_27 : memref<640x64xf32, #tpu.memory_space<hbm>>) dst(%dma_wait3A_25 : memref<640x64xf32, #tpu.memory_space<vmem_shared>>)
      tpu.yield
    }) : () -> ()
    %eq3A = arith.constant 0 : i32
    %eq3A_15 = arith.cmpi eq, %arg0, %eq3A : i32
    %convert_element_type3A = arith.extui %eq3A_15 : i1 to i32
    %cond3A = arith.constant 0 : i32
    %cond3A_16 = arith.cmpi ne, %convert_element_type3A, %cond3A : i32
    scf.if %cond3A_16 {
      "tpu.region"() ({
        %run_scoped3A = tpu.sem_alloc : memref<!tpu.dma_semaphore, #tpu.memory_space<semaphore_mem>>
        %dma_start3A_42 = arith.constant 0 : i32
        %dma_start3A_43 = arith.constant 0 : i32
        %dma_start3A_44 = tpu.memref_slice %arg11[%dma_start3A_42, %dma_start3A_43] : memref<80x128xi32, #tpu.memory_space<vmem>> -> memref<80x128xi32, #tpu.memory_space<vmem>>
        %dma_start3A_45 = arith.constant 0 : i32
        %dma_start3A_46 = arith.constant 0 : i32
        %dma_start3A_47 = tpu.memref_slice %arg3[%arg1, %dma_start3A_45, %dma_start3A_46] : memref<16x80x128xi32, #tpu.memory_space<hbm>> -> memref<1x80x128xi32, #tpu.memory_space<hbm>>
        %dma_start3A_48 = tpu.memref_squeeze %dma_start3A_47 : memref<1x80x128xi32, #tpu.memory_space<hbm>> -> memref<80x128xi32, #tpu.memory_space<hbm>>
        %dma_start3A_49 = arith.constant 0 : i32
        %dma_start3A_50 = arith.constant 0 : i32
        %dma_start3A_51 = tpu.memref_slice %arg11[%dma_start3A_49, %dma_start3A_50] : memref<80x128xi32, #tpu.memory_space<vmem>> -> memref<80x128xi32, #tpu.memory_space<vmem>>
        %dma_start3A_52 = arith.constant 0 : i32
        %dma_start3A_53 = arith.constant 0 : i32
        %dma_start3A_54 = tpu.memref_slice %arg3[%arg1, %dma_start3A_52, %dma_start3A_53] : memref<16x80x128xi32, #tpu.memory_space<hbm>> -> memref<1x80x128xi32, #tpu.memory_space<hbm>>
        %dma_start3A_55 = tpu.memref_squeeze %dma_start3A_54 : memref<1x80x128xi32, #tpu.memory_space<hbm>> -> memref<80x128xi32, #tpu.memory_space<hbm>>
        tpu.enqueue_dma source(%dma_start3A_55 : memref<80x128xi32, #tpu.memory_space<hbm>>) target(%dma_start3A_51 : memref<80x128xi32, #tpu.memory_space<vmem>>) target_semaphore(%run_scoped3A : memref<!tpu.dma_semaphore, #tpu.memory_space<semaphore_mem>>)
        %dma_wait3A = arith.constant 0 : i32
        %dma_wait3A_56 = arith.constant 0 : i32
        %dma_wait3A_57 = tpu.memref_slice %arg11[%dma_wait3A, %dma_wait3A_56] : memref<80x128xi32, #tpu.memory_space<vmem>> -> memref<80x128xi32, #tpu.memory_space<vmem>>
        %dma_wait3A_58 = arith.constant 0 : i32
        %dma_wait3A_59 = arith.constant 0 : i32
        %dma_wait3A_60 = tpu.memref_slice %arg3[%arg1, %dma_wait3A_58, %dma_wait3A_59] : memref<16x80x128xi32, #tpu.memory_space<hbm>> -> memref<1x80x128xi32, #tpu.memory_space<hbm>>
        %dma_wait3A_61 = tpu.memref_squeeze %dma_wait3A_60 : memref<1x80x128xi32, #tpu.memory_space<hbm>> -> memref<80x128xi32, #tpu.memory_space<hbm>>
        %dma_wait3A_62 = arith.constant 0 : i32
        %dma_wait3A_63 = arith.constant 0 : i32
        %dma_wait3A_64 = tpu.memref_slice %arg11[%dma_wait3A_62, %dma_wait3A_63] : memref<80x128xi32, #tpu.memory_space<vmem>> -> memref<80x128xi32, #tpu.memory_space<vmem>>
        %dma_wait3A_65 = arith.constant 0 : i32
        %dma_wait3A_66 = arith.constant 0 : i32
        %dma_wait3A_67 = tpu.memref_slice %arg3[%arg1, %dma_wait3A_65, %dma_wait3A_66] : memref<16x80x128xi32, #tpu.memory_space<hbm>> -> memref<1x80x128xi32, #tpu.memory_space<hbm>>
        %dma_wait3A_68 = tpu.memref_squeeze %dma_wait3A_67 : memref<1x80x128xi32, #tpu.memory_space<hbm>> -> memref<80x128xi32, #tpu.memory_space<hbm>>
        tpu.wait_dma2 semaphore(%run_scoped3A : memref<!tpu.dma_semaphore, #tpu.memory_space<semaphore_mem>>) src(%dma_wait3A_68 : memref<80x128xi32, #tpu.memory_space<hbm>>) dst(%dma_wait3A_64 : memref<80x128xi32, #tpu.memory_space<vmem>>)
        tpu.yield
      }) : () -> ()
      "tpu.region"() ({
        %run_scoped3A = tpu.sem_alloc : memref<!tpu.dma_semaphore, #tpu.memory_space<semaphore_mem>>
        %dma_start3A_42 = arith.constant 0 : i32
        %dma_start3A_43 = arith.constant 0 : i32
        %dma_start3A_44 = tpu.memref_slice %arg12[%dma_start3A_42, %dma_start3A_43] : memref<80x128xi32, #tpu.memory_space<vmem>> -> memref<80x128xi32, #tpu.memory_space<vmem>>
        %dma_start3A_45 = arith.constant 0 : i32
        %dma_start3A_46 = arith.constant 0 : i32
        %dma_start3A_47 = tpu.memref_slice %arg4[%arg1, %dma_start3A_45, %dma_start3A_46] : memref<16x80x128xi32, #tpu.memory_space<hbm>> -> memref<1x80x128xi32, #tpu.memory_space<hbm>>
        %dma_start3A_48 = tpu.memref_squeeze %dma_start3A_47 : memref<1x80x128xi32, #tpu.memory_space<hbm>> -> memref<80x128xi32, #tpu.memory_space<hbm>>
        %dma_start3A_49 = arith.constant 0 : i32
        %dma_start3A_50 = arith.constant 0 : i32
        %dma_start3A_51 = tpu.memref_slice %arg12[%dma_start3A_49, %dma_start3A_50] : memref<80x128xi32, #tpu.memory_space<vmem>> -> memref<80x128xi32, #tpu.memory_space<vmem>>
        %dma_start3A_52 = arith.constant 0 : i32
        %dma_start3A_53 = arith.constant 0 : i32
        %dma_start3A_54 = tpu.memref_slice %arg4[%arg1, %dma_start3A_52, %dma_start3A_53] : memref<16x80x128xi32, #tpu.memory_space<hbm>> -> memref<1x80x128xi32, #tpu.memory_space<hbm>>
        %dma_start3A_55 = tpu.memref_squeeze %dma_start3A_54 : memref<1x80x128xi32, #tpu.memory_space<hbm>> -> memref<80x128xi32, #tpu.memory_space<hbm>>
        tpu.enqueue_dma source(%dma_start3A_55 : memref<80x128xi32, #tpu.memory_space<hbm>>) target(%dma_start3A_51 : memref<80x128xi32, #tpu.memory_space<vmem>>) target_semaphore(%run_scoped3A : memref<!tpu.dma_semaphore, #tpu.memory_space<semaphore_mem>>)
        %dma_wait3A = arith.constant 0 : i32
        %dma_wait3A_56 = arith.constant 0 : i32
        %dma_wait3A_57 = tpu.memref_slice %arg12[%dma_wait3A, %dma_wait3A_56] : memref<80x128xi32, #tpu.memory_space<vmem>> -> memref<80x128xi32, #tpu.memory_space<vmem>>
        %dma_wait3A_58 = arith.constant 0 : i32
        %dma_wait3A_59 = arith.constant 0 : i32
        %dma_wait3A_60 = tpu.memref_slice %arg4[%arg1, %dma_wait3A_58, %dma_wait3A_59] : memref<16x80x128xi32, #tpu.memory_space<hbm>> -> memref<1x80x128xi32, #tpu.memory_space<hbm>>
        %dma_wait3A_61 = tpu.memref_squeeze %dma_wait3A_60 : memref<1x80x128xi32, #tpu.memory_space<hbm>> -> memref<80x128xi32, #tpu.memory_space<hbm>>
        %dma_wait3A_62 = arith.constant 0 : i32
        %dma_wait3A_63 = arith.constant 0 : i32
        %dma_wait3A_64 = tpu.memref_slice %arg12[%dma_wait3A_62, %dma_wait3A_63] : memref<80x128xi32, #tpu.memory_space<vmem>> -> memref<80x128xi32, #tpu.memory_space<vmem>>
        %dma_wait3A_65 = arith.constant 0 : i32
        %dma_wait3A_66 = arith.constant 0 : i32
        %dma_wait3A_67 = tpu.memref_slice %arg4[%arg1, %dma_wait3A_65, %dma_wait3A_66] : memref<16x80x128xi32, #tpu.memory_space<hbm>> -> memref<1x80x128xi32, #tpu.memory_space<hbm>>
        %dma_wait3A_68 = tpu.memref_squeeze %dma_wait3A_67 : memref<1x80x128xi32, #tpu.memory_space<hbm>> -> memref<80x128xi32, #tpu.memory_space<hbm>>
        tpu.wait_dma2 semaphore(%run_scoped3A : memref<!tpu.dma_semaphore, #tpu.memory_space<semaphore_mem>>) src(%dma_wait3A_68 : memref<80x128xi32, #tpu.memory_space<hbm>>) dst(%dma_wait3A_64 : memref<80x128xi32, #tpu.memory_space<vmem>>)
        tpu.yield
      }) : () -> ()
      %barrier3A_22 = arith.constant 0 : index
      tpu.barrier barrier_id(%barrier3A_22)
      %dma_start3A = arith.constant 0 : i32
      %dma_start3A_23 = arith.constant 0 : i32
      %dma_start3A_24 = tpu.memref_slice %arg11[%dma_start3A, %dma_start3A_23] : memref<80x128xi32, #tpu.memory_space<vmem>> -> memref<1x128xi32, #tpu.memory_space<vmem>>
      %dma_start3A_25 = tpu.memref_squeeze %dma_start3A_24 : memref<1x128xi32, #tpu.memory_space<vmem>> -> memref<128xi32, #tpu.memory_space<vmem>>
      %dma_start3A_26 = arith.constant 0 : i32
      %dma_start3A_27 = arith.constant 0 : i32
      %dma_start3A_28 = tpu.memref_slice %arg10[%dma_start3A_26, %dma_start3A_27] : memref<10240x64xf32, #tpu.memory_space<vmem_shared>> -> memref<10240x64xf32, #tpu.memory_space<vmem_shared>>
      tpu.enqueue_indirect_dma source(%dma_start3A_28 : memref<10240x64xf32, #tpu.memory_space<vmem_shared>>) target(%arg13 : memref<128x64xf32, #tpu.memory_space<vmem>>) offsets(%dma_start3A_25 : memref<128xi32, #tpu.memory_space<vmem>>) semaphore(%arg15 : memref<!tpu.dma_semaphore, #tpu.memory_space<semaphore_mem>>)
      %dma_start3A_29 = arith.constant 1 : i32
      %dma_start3A_30 = arith.constant 0 : i32
      %dma_start3A_31 = tpu.memref_slice %arg11[%dma_start3A_29, %dma_start3A_30] : memref<80x128xi32, #tpu.memory_space<vmem>> -> memref<1x128xi32, #tpu.memory_space<vmem>>
      %dma_start3A_32 = tpu.memref_squeeze %dma_start3A_31 : memref<1x128xi32, #tpu.memory_space<vmem>> -> memref<128xi32, #tpu.memory_space<vmem>>
      %dma_start3A_33 = arith.constant 0 : i32
      %dma_start3A_34 = arith.constant 0 : i32
      %dma_start3A_35 = tpu.memref_slice %arg10[%dma_start3A_33, %dma_start3A_34] : memref<10240x64xf32, #tpu.memory_space<vmem_shared>> -> memref<10240x64xf32, #tpu.memory_space<vmem_shared>>
      tpu.enqueue_indirect_dma source(%dma_start3A_35 : memref<10240x64xf32, #tpu.memory_space<vmem_shared>>) target(%arg14 : memref<128x64xf32, #tpu.memory_space<vmem>>) offsets(%dma_start3A_32 : memref<128xi32, #tpu.memory_space<vmem>>) semaphore(%arg16 : memref<!tpu.dma_semaphore, #tpu.memory_space<semaphore_mem>>)
      %scan3A_36 = arith.constant 0 : i32
      %scan3A_37 = arith.constant 0 : i32
      %scan3A_38 = arith.constant 40 : i32
      %scan3A_39 = arith.addi %scan3A_37, %scan3A_38 : i32
      %scan3A_40 = arith.constant 1 : i32
      scf.for %scan3A_42 = %scan3A_37 to %scan3A_39 step %scan3A_40  : i32 {
        %mul3A_43 = arith.constant 2 : i32
        %mul3A_44 = arith.muli %scan3A_42, %mul3A_43 : i32
        %add3A_45 = arith.constant 0 : i32
        %add3A_46 = arith.addi %mul3A_44, %add3A_45 : i32
        %dma_wait3A = arith.constant 0 : i32
        %dma_wait3A_47 = arith.constant 0 : i32
        %dma_wait3A_48 = tpu.memref_slice %arg7[%dma_wait3A, %dma_wait3A_47] : memref<10240x64xf32, #tpu.memory_space<hbm>> -> memref<128x64xf32, #tpu.memory_space<hbm>>
        %dma_wait3A_49 = arith.constant 0 : i32
        %dma_wait3A_50 = arith.constant 0 : i32
        %dma_wait3A_51 = tpu.memref_slice %arg7[%dma_wait3A_49, %dma_wait3A_50] : memref<10240x64xf32, #tpu.memory_space<hbm>> -> memref<128x64xf32, #tpu.memory_space<hbm>>
        tpu.wait_dma2 semaphore(%arg15 : memref<!tpu.dma_semaphore, #tpu.memory_space<semaphore_mem>>) src(%dma_wait3A_51 : memref<128x64xf32, #tpu.memory_space<hbm>>) dst(%arg13 : memref<128x64xf32, #tpu.memory_space<vmem>>)
        "tpu.region"() ({
          %run_scoped3A = tpu.sem_alloc : memref<!tpu.dma_semaphore, #tpu.memory_space<semaphore_mem>>
          %dma_start3A_75 = arith.constant 0 : i32
          %dma_start3A_76 = tpu.memref_slice %arg12[%add3A_46, %dma_start3A_75] : memref<80x128xi32, #tpu.memory_space<vmem>> -> memref<1x128xi32, #tpu.memory_space<vmem>>
          %dma_start3A_77 = tpu.memref_squeeze %dma_start3A_76 : memref<1x128xi32, #tpu.memory_space<vmem>> -> memref<128xi32, #tpu.memory_space<vmem>>
          %dma_start3A_78 = arith.constant 0 : i32
          %dma_start3A_79 = arith.constant 0 : i32
          %dma_start3A_80 = tpu.memref_slice %arg9[%dma_start3A_78, %dma_start3A_79] : memref<10240x64xf32, #tpu.memory_space<vmem_shared>> -> memref<10240x64xf32, #tpu.memory_space<vmem_shared>>
          tpu.enqueue_indirect_dma source(%arg13 : memref<128x64xf32, #tpu.memory_space<vmem>>) target(%dma_start3A_80 : memref<10240x64xf32, #tpu.memory_space<vmem_shared>>) offsets(%dma_start3A_77 : memref<128xi32, #tpu.memory_space<vmem>>) semaphore(%run_scoped3A : memref<!tpu.dma_semaphore, #tpu.memory_space<semaphore_mem>>) {add = true}
          %dma_wait3A_81 = arith.constant 0 : i32
          %dma_wait3A_82 = tpu.memref_slice %arg12[%add3A_46, %dma_wait3A_81] : memref<80x128xi32, #tpu.memory_space<vmem>> -> memref<1x128xi32, #tpu.memory_space<vmem>>
          %dma_wait3A_83 = tpu.memref_squeeze %dma_wait3A_82 : memref<1x128xi32, #tpu.memory_space<vmem>> -> memref<128xi32, #tpu.memory_space<vmem>>
          %dma_wait3A_84 = arith.constant 0 : i32
          %dma_wait3A_85 = arith.constant 0 : i32
          %dma_wait3A_86 = tpu.memref_slice %arg9[%dma_wait3A_84, %dma_wait3A_85] : memref<10240x64xf32, #tpu.memory_space<vmem_shared>> -> memref<10240x64xf32, #tpu.memory_space<vmem_shared>>
          tpu.wait_indirect_dma semaphore(%run_scoped3A : memref<!tpu.dma_semaphore, #tpu.memory_space<semaphore_mem>>) src(%arg13 : memref<128x64xf32, #tpu.memory_space<vmem>>) dst(%dma_wait3A_86 : memref<10240x64xf32, #tpu.memory_space<vmem_shared>>)
          tpu.yield
        }) : () -> ()
        %add3A_52 = arith.constant 2 : i32
        %add3A_53 = arith.addi %add3A_46, %add3A_52 : i32
        %lt3A = arith.constant 80 : i32
        %lt3A_54 = arith.cmpi slt, %add3A_53, %lt3A : i32
        %convert_element_type3A_55 = arith.extui %lt3A_54 : i1 to i32
        %cond3A_56 = arith.constant 0 : i32
        %cond3A_57 = arith.cmpi ne, %convert_element_type3A_55, %cond3A_56 : i32
        scf.if %cond3A_57 {
          %add3A_75 = arith.constant 2 : i32
          %add3A_76 = arith.addi %add3A_46, %add3A_75 : i32
          %dma_start3A_77 = arith.constant 0 : i32
          %dma_start3A_78 = tpu.memref_slice %arg11[%add3A_76, %dma_start3A_77] : memref<80x128xi32, #tpu.memory_space<vmem>> -> memref<1x128xi32, #tpu.memory_space<vmem>>
          %dma_start3A_79 = tpu.memref_squeeze %dma_start3A_78 : memref<1x128xi32, #tpu.memory_space<vmem>> -> memref<128xi32, #tpu.memory_space<vmem>>
          %dma_start3A_80 = arith.constant 0 : i32
          %dma_start3A_81 = arith.constant 0 : i32
          %dma_start3A_82 = tpu.memref_slice %arg10[%dma_start3A_80, %dma_start3A_81] : memref<10240x64xf32, #tpu.memory_space<vmem_shared>> -> memref<10240x64xf32, #tpu.memory_space<vmem_shared>>
          tpu.enqueue_indirect_dma source(%dma_start3A_82 : memref<10240x64xf32, #tpu.memory_space<vmem_shared>>) target(%arg13 : memref<128x64xf32, #tpu.memory_space<vmem>>) offsets(%dma_start3A_79 : memref<128xi32, #tpu.memory_space<vmem>>) semaphore(%arg15 : memref<!tpu.dma_semaphore, #tpu.memory_space<semaphore_mem>>)
        } else {
        }
        %mul3A_58 = arith.constant 2 : i32
        %mul3A_59 = arith.muli %scan3A_42, %mul3A_58 : i32
        %add3A_60 = arith.constant 1 : i32
        %add3A_61 = arith.addi %mul3A_59, %add3A_60 : i32
        %dma_wait3A_62 = arith.constant 0 : i32
        %dma_wait3A_63 = arith.constant 0 : i32
        %dma_wait3A_64 = tpu.memref_slice %arg7[%dma_wait3A_62, %dma_wait3A_63] : memref<10240x64xf32, #tpu.memory_space<hbm>> -> memref<128x64xf32, #tpu.memory_space<hbm>>
        %dma_wait3A_65 = arith.constant 0 : i32
        %dma_wait3A_66 = arith.constant 0 : i32
        %dma_wait3A_67 = tpu.memref_slice %arg7[%dma_wait3A_65, %dma_wait3A_66] : memref<10240x64xf32, #tpu.memory_space<hbm>> -> memref<128x64xf32, #tpu.memory_space<hbm>>
        tpu.wait_dma2 semaphore(%arg16 : memref<!tpu.dma_semaphore, #tpu.memory_space<semaphore_mem>>) src(%dma_wait3A_67 : memref<128x64xf32, #tpu.memory_space<hbm>>) dst(%arg14 : memref<128x64xf32, #tpu.memory_space<vmem>>)
        "tpu.region"() ({
          %run_scoped3A = tpu.sem_alloc : memref<!tpu.dma_semaphore, #tpu.memory_space<semaphore_mem>>
          %dma_start3A_75 = arith.constant 0 : i32
          %dma_start3A_76 = tpu.memref_slice %arg12[%add3A_61, %dma_start3A_75] : memref<80x128xi32, #tpu.memory_space<vmem>> -> memref<1x128xi32, #tpu.memory_space<vmem>>
          %dma_start3A_77 = tpu.memref_squeeze %dma_start3A_76 : memref<1x128xi32, #tpu.memory_space<vmem>> -> memref<128xi32, #tpu.memory_space<vmem>>
          %dma_start3A_78 = arith.constant 0 : i32
          %dma_start3A_79 = arith.constant 0 : i32
          %dma_start3A_80 = tpu.memref_slice %arg9[%dma_start3A_78, %dma_start3A_79] : memref<10240x64xf32, #tpu.memory_space<vmem_shared>> -> memref<10240x64xf32, #tpu.memory_space<vmem_shared>>
          tpu.enqueue_indirect_dma source(%arg14 : memref<128x64xf32, #tpu.memory_space<vmem>>) target(%dma_start3A_80 : memref<10240x64xf32, #tpu.memory_space<vmem_shared>>) offsets(%dma_start3A_77 : memref<128xi32, #tpu.memory_space<vmem>>) semaphore(%run_scoped3A : memref<!tpu.dma_semaphore, #tpu.memory_space<semaphore_mem>>) {add = true}
          %dma_wait3A_81 = arith.constant 0 : i32
          %dma_wait3A_82 = tpu.memref_slice %arg12[%add3A_61, %dma_wait3A_81] : memref<80x128xi32, #tpu.memory_space<vmem>> -> memref<1x128xi32, #tpu.memory_space<vmem>>
          %dma_wait3A_83 = tpu.memref_squeeze %dma_wait3A_82 : memref<1x128xi32, #tpu.memory_space<vmem>> -> memref<128xi32, #tpu.memory_space<vmem>>
          %dma_wait3A_84 = arith.constant 0 : i32
          %dma_wait3A_85 = arith.constant 0 : i32
          %dma_wait3A_86 = tpu.memref_slice %arg9[%dma_wait3A_84, %dma_wait3A_85] : memref<10240x64xf32, #tpu.memory_space<vmem_shared>> -> memref<10240x64xf32, #tpu.memory_space<vmem_shared>>
          tpu.wait_indirect_dma semaphore(%run_scoped3A : memref<!tpu.dma_semaphore, #tpu.memory_space<semaphore_mem>>) src(%arg14 : memref<128x64xf32, #tpu.memory_space<vmem>>) dst(%dma_wait3A_86 : memref<10240x64xf32, #tpu.memory_space<vmem_shared>>)
          tpu.yield
        }) : () -> ()
        %add3A_68 = arith.constant 2 : i32
        %add3A_69 = arith.addi %add3A_61, %add3A_68 : i32
        %lt3A_70 = arith.constant 80 : i32
        %lt3A_71 = arith.cmpi slt, %add3A_69, %lt3A_70 : i32
        %convert_element_type3A_72 = arith.extui %lt3A_71 : i1 to i32
        %cond3A_73 = arith.constant 0 : i32
        %cond3A_74 = arith.cmpi ne, %convert_element_type3A_72, %cond3A_73 : i32
        scf.if %cond3A_74 {
          %add3A_75 = arith.constant 2 : i32
          %add3A_76 = arith.addi %add3A_61, %add3A_75 : i32
          %dma_start3A_77 = arith.constant 0 : i32
          %dma_start3A_78 = tpu.memref_slice %arg11[%add3A_76, %dma_start3A_77] : memref<80x128xi32, #tpu.memory_space<vmem>> -> memref<1x128xi32, #tpu.memory_space<vmem>>
          %dma_start3A_79 = tpu.memref_squeeze %dma_start3A_78 : memref<1x128xi32, #tpu.memory_space<vmem>> -> memref<128xi32, #tpu.memory_space<vmem>>
          %dma_start3A_80 = arith.constant 0 : i32
          %dma_start3A_81 = arith.constant 0 : i32
          %dma_start3A_82 = tpu.memref_slice %arg10[%dma_start3A_80, %dma_start3A_81] : memref<10240x64xf32, #tpu.memory_space<vmem_shared>> -> memref<10240x64xf32, #tpu.memory_space<vmem_shared>>
          tpu.enqueue_indirect_dma source(%dma_start3A_82 : memref<10240x64xf32, #tpu.memory_space<vmem_shared>>) target(%arg14 : memref<128x64xf32, #tpu.memory_space<vmem>>) offsets(%dma_start3A_79 : memref<128xi32, #tpu.memory_space<vmem>>) semaphore(%arg16 : memref<!tpu.dma_semaphore, #tpu.memory_space<semaphore_mem>>)
        } else {
        }
      }
      %scan3A_41 = arith.constant 40 : i32
    } else {
    }
    %eq3A_17 = arith.constant 1 : i32
    %eq3A_18 = arith.cmpi eq, %arg0, %eq3A_17 : i32
    %convert_element_type3A_19 = arith.extui %eq3A_18 : i1 to i32
    %cond3A_20 = arith.constant 0 : i32
    %cond3A_21 = arith.cmpi ne, %convert_element_type3A_19, %cond3A_20 : i32
    scf.if %cond3A_21 {
      "tpu.region"() ({
        %run_scoped3A = tpu.sem_alloc : memref<!tpu.dma_semaphore, #tpu.memory_space<semaphore_mem>>
        %dma_start3A_42 = arith.constant 0 : i32
        %dma_start3A_43 = arith.constant 0 : i32
        %dma_start3A_44 = tpu.memref_slice %arg11[%dma_start3A_42, %dma_start3A_43] : memref<80x128xi32, #tpu.memory_space<vmem>> -> memref<80x128xi32, #tpu.memory_space<vmem>>
        %dma_start3A_45 = arith.constant 0 : i32
        %dma_start3A_46 = arith.constant 0 : i32
        %dma_start3A_47 = tpu.memref_slice %arg5[%arg1, %dma_start3A_45, %dma_start3A_46] : memref<16x80x128xi32, #tpu.memory_space<hbm>> -> memref<1x80x128xi32, #tpu.memory_space<hbm>>
        %dma_start3A_48 = tpu.memref_squeeze %dma_start3A_47 : memref<1x80x128xi32, #tpu.memory_space<hbm>> -> memref<80x128xi32, #tpu.memory_space<hbm>>
        %dma_start3A_49 = arith.constant 0 : i32
        %dma_start3A_50 = arith.constant 0 : i32
        %dma_start3A_51 = tpu.memref_slice %arg11[%dma_start3A_49, %dma_start3A_50] : memref<80x128xi32, #tpu.memory_space<vmem>> -> memref<80x128xi32, #tpu.memory_space<vmem>>
        %dma_start3A_52 = arith.constant 0 : i32
        %dma_start3A_53 = arith.constant 0 : i32
        %dma_start3A_54 = tpu.memref_slice %arg5[%arg1, %dma_start3A_52, %dma_start3A_53] : memref<16x80x128xi32, #tpu.memory_space<hbm>> -> memref<1x80x128xi32, #tpu.memory_space<hbm>>
        %dma_start3A_55 = tpu.memref_squeeze %dma_start3A_54 : memref<1x80x128xi32, #tpu.memory_space<hbm>> -> memref<80x128xi32, #tpu.memory_space<hbm>>
        tpu.enqueue_dma source(%dma_start3A_55 : memref<80x128xi32, #tpu.memory_space<hbm>>) target(%dma_start3A_51 : memref<80x128xi32, #tpu.memory_space<vmem>>) target_semaphore(%run_scoped3A : memref<!tpu.dma_semaphore, #tpu.memory_space<semaphore_mem>>)
        %dma_wait3A = arith.constant 0 : i32
        %dma_wait3A_56 = arith.constant 0 : i32
        %dma_wait3A_57 = tpu.memref_slice %arg11[%dma_wait3A, %dma_wait3A_56] : memref<80x128xi32, #tpu.memory_space<vmem>> -> memref<80x128xi32, #tpu.memory_space<vmem>>
        %dma_wait3A_58 = arith.constant 0 : i32
        %dma_wait3A_59 = arith.constant 0 : i32
        %dma_wait3A_60 = tpu.memref_slice %arg5[%arg1, %dma_wait3A_58, %dma_wait3A_59] : memref<16x80x128xi32, #tpu.memory_space<hbm>> -> memref<1x80x128xi32, #tpu.memory_space<hbm>>
        %dma_wait3A_61 = tpu.memref_squeeze %dma_wait3A_60 : memref<1x80x128xi32, #tpu.memory_space<hbm>> -> memref<80x128xi32, #tpu.memory_space<hbm>>
        %dma_wait3A_62 = arith.constant 0 : i32
        %dma_wait3A_63 = arith.constant 0 : i32
        %dma_wait3A_64 = tpu.memref_slice %arg11[%dma_wait3A_62, %dma_wait3A_63] : memref<80x128xi32, #tpu.memory_space<vmem>> -> memref<80x128xi32, #tpu.memory_space<vmem>>
        %dma_wait3A_65 = arith.constant 0 : i32
        %dma_wait3A_66 = arith.constant 0 : i32
        %dma_wait3A_67 = tpu.memref_slice %arg5[%arg1, %dma_wait3A_65, %dma_wait3A_66] : memref<16x80x128xi32, #tpu.memory_space<hbm>> -> memref<1x80x128xi32, #tpu.memory_space<hbm>>
        %dma_wait3A_68 = tpu.memref_squeeze %dma_wait3A_67 : memref<1x80x128xi32, #tpu.memory_space<hbm>> -> memref<80x128xi32, #tpu.memory_space<hbm>>
        tpu.wait_dma2 semaphore(%run_scoped3A : memref<!tpu.dma_semaphore, #tpu.memory_space<semaphore_mem>>) src(%dma_wait3A_68 : memref<80x128xi32, #tpu.memory_space<hbm>>) dst(%dma_wait3A_64 : memref<80x128xi32, #tpu.memory_space<vmem>>)
        tpu.yield
      }) : () -> ()
      "tpu.region"() ({
        %run_scoped3A = tpu.sem_alloc : memref<!tpu.dma_semaphore, #tpu.memory_space<semaphore_mem>>
        %dma_start3A_42 = arith.constant 0 : i32
        %dma_start3A_43 = arith.constant 0 : i32
        %dma_start3A_44 = tpu.memref_slice %arg12[%dma_start3A_42, %dma_start3A_43] : memref<80x128xi32, #tpu.memory_space<vmem>> -> memref<80x128xi32, #tpu.memory_space<vmem>>
        %dma_start3A_45 = arith.constant 0 : i32
        %dma_start3A_46 = arith.constant 0 : i32
        %dma_start3A_47 = tpu.memref_slice %arg6[%arg1, %dma_start3A_45, %dma_start3A_46] : memref<16x80x128xi32, #tpu.memory_space<hbm>> -> memref<1x80x128xi32, #tpu.memory_space<hbm>>
        %dma_start3A_48 = tpu.memref_squeeze %dma_start3A_47 : memref<1x80x128xi32, #tpu.memory_space<hbm>> -> memref<80x128xi32, #tpu.memory_space<hbm>>
        %dma_start3A_49 = arith.constant 0 : i32
        %dma_start3A_50 = arith.constant 0 : i32
        %dma_start3A_51 = tpu.memref_slice %arg12[%dma_start3A_49, %dma_start3A_50] : memref<80x128xi32, #tpu.memory_space<vmem>> -> memref<80x128xi32, #tpu.memory_space<vmem>>
        %dma_start3A_52 = arith.constant 0 : i32
        %dma_start3A_53 = arith.constant 0 : i32
        %dma_start3A_54 = tpu.memref_slice %arg6[%arg1, %dma_start3A_52, %dma_start3A_53] : memref<16x80x128xi32, #tpu.memory_space<hbm>> -> memref<1x80x128xi32, #tpu.memory_space<hbm>>
        %dma_start3A_55 = tpu.memref_squeeze %dma_start3A_54 : memref<1x80x128xi32, #tpu.memory_space<hbm>> -> memref<80x128xi32, #tpu.memory_space<hbm>>
        tpu.enqueue_dma source(%dma_start3A_55 : memref<80x128xi32, #tpu.memory_space<hbm>>) target(%dma_start3A_51 : memref<80x128xi32, #tpu.memory_space<vmem>>) target_semaphore(%run_scoped3A : memref<!tpu.dma_semaphore, #tpu.memory_space<semaphore_mem>>)
        %dma_wait3A = arith.constant 0 : i32
        %dma_wait3A_56 = arith.constant 0 : i32
        %dma_wait3A_57 = tpu.memref_slice %arg12[%dma_wait3A, %dma_wait3A_56] : memref<80x128xi32, #tpu.memory_space<vmem>> -> memref<80x128xi32, #tpu.memory_space<vmem>>
        %dma_wait3A_58 = arith.constant 0 : i32
        %dma_wait3A_59 = arith.constant 0 : i32
        %dma_wait3A_60 = tpu.memref_slice %arg6[%arg1, %dma_wait3A_58, %dma_wait3A_59] : memref<16x80x128xi32, #tpu.memory_space<hbm>> -> memref<1x80x128xi32, #tpu.memory_space<hbm>>
        %dma_wait3A_61 = tpu.memref_squeeze %dma_wait3A_60 : memref<1x80x128xi32, #tpu.memory_space<hbm>> -> memref<80x128xi32, #tpu.memory_space<hbm>>
        %dma_wait3A_62 = arith.constant 0 : i32
        %dma_wait3A_63 = arith.constant 0 : i32
        %dma_wait3A_64 = tpu.memref_slice %arg12[%dma_wait3A_62, %dma_wait3A_63] : memref<80x128xi32, #tpu.memory_space<vmem>> -> memref<80x128xi32, #tpu.memory_space<vmem>>
        %dma_wait3A_65 = arith.constant 0 : i32
        %dma_wait3A_66 = arith.constant 0 : i32
        %dma_wait3A_67 = tpu.memref_slice %arg6[%arg1, %dma_wait3A_65, %dma_wait3A_66] : memref<16x80x128xi32, #tpu.memory_space<hbm>> -> memref<1x80x128xi32, #tpu.memory_space<hbm>>
        %dma_wait3A_68 = tpu.memref_squeeze %dma_wait3A_67 : memref<1x80x128xi32, #tpu.memory_space<hbm>> -> memref<80x128xi32, #tpu.memory_space<hbm>>
        tpu.wait_dma2 semaphore(%run_scoped3A : memref<!tpu.dma_semaphore, #tpu.memory_space<semaphore_mem>>) src(%dma_wait3A_68 : memref<80x128xi32, #tpu.memory_space<hbm>>) dst(%dma_wait3A_64 : memref<80x128xi32, #tpu.memory_space<vmem>>)
        tpu.yield
      }) : () -> ()
      %barrier3A_22 = arith.constant 0 : index
      tpu.barrier barrier_id(%barrier3A_22)
      %dma_start3A = arith.constant 0 : i32
      %dma_start3A_23 = arith.constant 0 : i32
      %dma_start3A_24 = tpu.memref_slice %arg11[%dma_start3A, %dma_start3A_23] : memref<80x128xi32, #tpu.memory_space<vmem>> -> memref<1x128xi32, #tpu.memory_space<vmem>>
      %dma_start3A_25 = tpu.memref_squeeze %dma_start3A_24 : memref<1x128xi32, #tpu.memory_space<vmem>> -> memref<128xi32, #tpu.memory_space<vmem>>
      %dma_start3A_26 = arith.constant 0 : i32
      %dma_start3A_27 = arith.constant 0 : i32
      %dma_start3A_28 = tpu.memref_slice %arg10[%dma_start3A_26, %dma_start3A_27] : memref<10240x64xf32, #tpu.memory_space<vmem_shared>> -> memref<10240x64xf32, #tpu.memory_space<vmem_shared>>
      tpu.enqueue_indirect_dma source(%dma_start3A_28 : memref<10240x64xf32, #tpu.memory_space<vmem_shared>>) target(%arg13 : memref<128x64xf32, #tpu.memory_space<vmem>>) offsets(%dma_start3A_25 : memref<128xi32, #tpu.memory_space<vmem>>) semaphore(%arg15 : memref<!tpu.dma_semaphore, #tpu.memory_space<semaphore_mem>>)
      %dma_start3A_29 = arith.constant 1 : i32
      %dma_start3A_30 = arith.constant 0 : i32
      %dma_start3A_31 = tpu.memref_slice %arg11[%dma_start3A_29, %dma_start3A_30] : memref<80x128xi32, #tpu.memory_space<vmem>> -> memref<1x128xi32, #tpu.memory_space<vmem>>
      %dma_start3A_32 = tpu.memref_squeeze %dma_start3A_31 : memref<1x128xi32, #tpu.memory_space<vmem>> -> memref<128xi32, #tpu.memory_space<vmem>>
      %dma_start3A_33 = arith.constant 0 : i32
      %dma_start3A_34 = arith.constant 0 : i32
      %dma_start3A_35 = tpu.memref_slice %arg10[%dma_start3A_33, %dma_start3A_34] : memref<10240x64xf32, #tpu.memory_space<vmem_shared>> -> memref<10240x64xf32, #tpu.memory_space<vmem_shared>>
      tpu.enqueue_indirect_dma source(%dma_start3A_35 : memref<10240x64xf32, #tpu.memory_space<vmem_shared>>) target(%arg14 : memref<128x64xf32, #tpu.memory_space<vmem>>) offsets(%dma_start3A_32 : memref<128xi32, #tpu.memory_space<vmem>>) semaphore(%arg16 : memref<!tpu.dma_semaphore, #tpu.memory_space<semaphore_mem>>)
      %scan3A_36 = arith.constant 0 : i32
      %scan3A_37 = arith.constant 0 : i32
      %scan3A_38 = arith.constant 40 : i32
      %scan3A_39 = arith.addi %scan3A_37, %scan3A_38 : i32
      %scan3A_40 = arith.constant 1 : i32
      scf.for %scan3A_42 = %scan3A_37 to %scan3A_39 step %scan3A_40  : i32 {
        %mul3A_43 = arith.constant 2 : i32
        %mul3A_44 = arith.muli %scan3A_42, %mul3A_43 : i32
        %add3A_45 = arith.constant 0 : i32
        %add3A_46 = arith.addi %mul3A_44, %add3A_45 : i32
        %dma_wait3A = arith.constant 0 : i32
        %dma_wait3A_47 = arith.constant 0 : i32
        %dma_wait3A_48 = tpu.memref_slice %arg7[%dma_wait3A, %dma_wait3A_47] : memref<10240x64xf32, #tpu.memory_space<hbm>> -> memref<128x64xf32, #tpu.memory_space<hbm>>
        %dma_wait3A_49 = arith.constant 0 : i32
        %dma_wait3A_50 = arith.constant 0 : i32
        %dma_wait3A_51 = tpu.memref_slice %arg7[%dma_wait3A_49, %dma_wait3A_50] : memref<10240x64xf32, #tpu.memory_space<hbm>> -> memref<128x64xf32, #tpu.memory_space<hbm>>
        tpu.wait_dma2 semaphore(%arg15 : memref<!tpu.dma_semaphore, #tpu.memory_space<semaphore_mem>>) src(%dma_wait3A_51 : memref<128x64xf32, #tpu.memory_space<hbm>>) dst(%arg13 : memref<128x64xf32, #tpu.memory_space<vmem>>)
        "tpu.region"() ({
          %run_scoped3A = tpu.sem_alloc : memref<!tpu.dma_semaphore, #tpu.memory_space<semaphore_mem>>
          %dma_start3A_75 = arith.constant 0 : i32
          %dma_start3A_76 = tpu.memref_slice %arg12[%add3A_46, %dma_start3A_75] : memref<80x128xi32, #tpu.memory_space<vmem>> -> memref<1x128xi32, #tpu.memory_space<vmem>>
          %dma_start3A_77 = tpu.memref_squeeze %dma_start3A_76 : memref<1x128xi32, #tpu.memory_space<vmem>> -> memref<128xi32, #tpu.memory_space<vmem>>
          %dma_start3A_78 = arith.constant 0 : i32
          %dma_start3A_79 = arith.constant 0 : i32
          %dma_start3A_80 = tpu.memref_slice %arg9[%dma_start3A_78, %dma_start3A_79] : memref<10240x64xf32, #tpu.memory_space<vmem_shared>> -> memref<10240x64xf32, #tpu.memory_space<vmem_shared>>
          tpu.enqueue_indirect_dma source(%arg13 : memref<128x64xf32, #tpu.memory_space<vmem>>) target(%dma_start3A_80 : memref<10240x64xf32, #tpu.memory_space<vmem_shared>>) offsets(%dma_start3A_77 : memref<128xi32, #tpu.memory_space<vmem>>) semaphore(%run_scoped3A : memref<!tpu.dma_semaphore, #tpu.memory_space<semaphore_mem>>) {add = true}
          %dma_wait3A_81 = arith.constant 0 : i32
          %dma_wait3A_82 = tpu.memref_slice %arg12[%add3A_46, %dma_wait3A_81] : memref<80x128xi32, #tpu.memory_space<vmem>> -> memref<1x128xi32, #tpu.memory_space<vmem>>
          %dma_wait3A_83 = tpu.memref_squeeze %dma_wait3A_82 : memref<1x128xi32, #tpu.memory_space<vmem>> -> memref<128xi32, #tpu.memory_space<vmem>>
          %dma_wait3A_84 = arith.constant 0 : i32
          %dma_wait3A_85 = arith.constant 0 : i32
          %dma_wait3A_86 = tpu.memref_slice %arg9[%dma_wait3A_84, %dma_wait3A_85] : memref<10240x64xf32, #tpu.memory_space<vmem_shared>> -> memref<10240x64xf32, #tpu.memory_space<vmem_shared>>
          tpu.wait_indirect_dma semaphore(%run_scoped3A : memref<!tpu.dma_semaphore, #tpu.memory_space<semaphore_mem>>) src(%arg13 : memref<128x64xf32, #tpu.memory_space<vmem>>) dst(%dma_wait3A_86 : memref<10240x64xf32, #tpu.memory_space<vmem_shared>>)
          tpu.yield
        }) : () -> ()
        %add3A_52 = arith.constant 2 : i32
        %add3A_53 = arith.addi %add3A_46, %add3A_52 : i32
        %lt3A = arith.constant 80 : i32
        %lt3A_54 = arith.cmpi slt, %add3A_53, %lt3A : i32
        %convert_element_type3A_55 = arith.extui %lt3A_54 : i1 to i32
        %cond3A_56 = arith.constant 0 : i32
        %cond3A_57 = arith.cmpi ne, %convert_element_type3A_55, %cond3A_56 : i32
        scf.if %cond3A_57 {
          %add3A_75 = arith.constant 2 : i32
          %add3A_76 = arith.addi %add3A_46, %add3A_75 : i32
          %dma_start3A_77 = arith.constant 0 : i32
          %dma_start3A_78 = tpu.memref_slice %arg11[%add3A_76, %dma_start3A_77] : memref<80x128xi32, #tpu.memory_space<vmem>> -> memref<1x128xi32, #tpu.memory_space<vmem>>
          %dma_start3A_79 = tpu.memref_squeeze %dma_start3A_78 : memref<1x128xi32, #tpu.memory_space<vmem>> -> memref<128xi32, #tpu.memory_space<vmem>>
          %dma_start3A_80 = arith.constant 0 : i32
          %dma_start3A_81 = arith.constant 0 : i32
          %dma_start3A_82 = tpu.memref_slice %arg10[%dma_start3A_80, %dma_start3A_81] : memref<10240x64xf32, #tpu.memory_space<vmem_shared>> -> memref<10240x64xf32, #tpu.memory_space<vmem_shared>>
          tpu.enqueue_indirect_dma source(%dma_start3A_82 : memref<10240x64xf32, #tpu.memory_space<vmem_shared>>) target(%arg13 : memref<128x64xf32, #tpu.memory_space<vmem>>) offsets(%dma_start3A_79 : memref<128xi32, #tpu.memory_space<vmem>>) semaphore(%arg15 : memref<!tpu.dma_semaphore, #tpu.memory_space<semaphore_mem>>)
        } else {
        }
        %mul3A_58 = arith.constant 2 : i32
        %mul3A_59 = arith.muli %scan3A_42, %mul3A_58 : i32
        %add3A_60 = arith.constant 1 : i32
        %add3A_61 = arith.addi %mul3A_59, %add3A_60 : i32
        %dma_wait3A_62 = arith.constant 0 : i32
        %dma_wait3A_63 = arith.constant 0 : i32
        %dma_wait3A_64 = tpu.memref_slice %arg7[%dma_wait3A_62, %dma_wait3A_63] : memref<10240x64xf32, #tpu.memory_space<hbm>> -> memref<128x64xf32, #tpu.memory_space<hbm>>
        %dma_wait3A_65 = arith.constant 0 : i32
        %dma_wait3A_66 = arith.constant 0 : i32
        %dma_wait3A_67 = tpu.memref_slice %arg7[%dma_wait3A_65, %dma_wait3A_66] : memref<10240x64xf32, #tpu.memory_space<hbm>> -> memref<128x64xf32, #tpu.memory_space<hbm>>
        tpu.wait_dma2 semaphore(%arg16 : memref<!tpu.dma_semaphore, #tpu.memory_space<semaphore_mem>>) src(%dma_wait3A_67 : memref<128x64xf32, #tpu.memory_space<hbm>>) dst(%arg14 : memref<128x64xf32, #tpu.memory_space<vmem>>)
        "tpu.region"() ({
          %run_scoped3A = tpu.sem_alloc : memref<!tpu.dma_semaphore, #tpu.memory_space<semaphore_mem>>
          %dma_start3A_75 = arith.constant 0 : i32
          %dma_start3A_76 = tpu.memref_slice %arg12[%add3A_61, %dma_start3A_75] : memref<80x128xi32, #tpu.memory_space<vmem>> -> memref<1x128xi32, #tpu.memory_space<vmem>>
          %dma_start3A_77 = tpu.memref_squeeze %dma_start3A_76 : memref<1x128xi32, #tpu.memory_space<vmem>> -> memref<128xi32, #tpu.memory_space<vmem>>
          %dma_start3A_78 = arith.constant 0 : i32
          %dma_start3A_79 = arith.constant 0 : i32
          %dma_start3A_80 = tpu.memref_slice %arg9[%dma_start3A_78, %dma_start3A_79] : memref<10240x64xf32, #tpu.memory_space<vmem_shared>> -> memref<10240x64xf32, #tpu.memory_space<vmem_shared>>
          tpu.enqueue_indirect_dma source(%arg14 : memref<128x64xf32, #tpu.memory_space<vmem>>) target(%dma_start3A_80 : memref<10240x64xf32, #tpu.memory_space<vmem_shared>>) offsets(%dma_start3A_77 : memref<128xi32, #tpu.memory_space<vmem>>) semaphore(%run_scoped3A : memref<!tpu.dma_semaphore, #tpu.memory_space<semaphore_mem>>) {add = true}
          %dma_wait3A_81 = arith.constant 0 : i32
          %dma_wait3A_82 = tpu.memref_slice %arg12[%add3A_61, %dma_wait3A_81] : memref<80x128xi32, #tpu.memory_space<vmem>> -> memref<1x128xi32, #tpu.memory_space<vmem>>
          %dma_wait3A_83 = tpu.memref_squeeze %dma_wait3A_82 : memref<1x128xi32, #tpu.memory_space<vmem>> -> memref<128xi32, #tpu.memory_space<vmem>>
          %dma_wait3A_84 = arith.constant 0 : i32
          %dma_wait3A_85 = arith.constant 0 : i32
          %dma_wait3A_86 = tpu.memref_slice %arg9[%dma_wait3A_84, %dma_wait3A_85] : memref<10240x64xf32, #tpu.memory_space<vmem_shared>> -> memref<10240x64xf32, #tpu.memory_space<vmem_shared>>
          tpu.wait_indirect_dma semaphore(%run_scoped3A : memref<!tpu.dma_semaphore, #tpu.memory_space<semaphore_mem>>) src(%arg14 : memref<128x64xf32, #tpu.memory_space<vmem>>) dst(%dma_wait3A_86 : memref<10240x64xf32, #tpu.memory_space<vmem_shared>>)
          tpu.yield
        }) : () -> ()
        %add3A_68 = arith.constant 2 : i32
        %add3A_69 = arith.addi %add3A_61, %add3A_68 : i32
        %lt3A_70 = arith.constant 80 : i32
        %lt3A_71 = arith.cmpi slt, %add3A_69, %lt3A_70 : i32
        %convert_element_type3A_72 = arith.extui %lt3A_71 : i1 to i32
        %cond3A_73 = arith.constant 0 : i32
        %cond3A_74 = arith.cmpi ne, %convert_element_type3A_72, %cond3A_73 : i32
        scf.if %cond3A_74 {
          %add3A_75 = arith.constant 2 : i32
          %add3A_76 = arith.addi %add3A_61, %add3A_75 : i32
          %dma_start3A_77 = arith.constant 0 : i32
          %dma_start3A_78 = tpu.memref_slice %arg11[%add3A_76, %dma_start3A_77] : memref<80x128xi32, #tpu.memory_space<vmem>> -> memref<1x128xi32, #tpu.memory_space<vmem>>
          %dma_start3A_79 = tpu.memref_squeeze %dma_start3A_78 : memref<1x128xi32, #tpu.memory_space<vmem>> -> memref<128xi32, #tpu.memory_space<vmem>>
          %dma_start3A_80 = arith.constant 0 : i32
          %dma_start3A_81 = arith.constant 0 : i32
          %dma_start3A_82 = tpu.memref_slice %arg10[%dma_start3A_80, %dma_start3A_81] : memref<10240x64xf32, #tpu.memory_space<vmem_shared>> -> memref<10240x64xf32, #tpu.memory_space<vmem_shared>>
          tpu.enqueue_indirect_dma source(%dma_start3A_82 : memref<10240x64xf32, #tpu.memory_space<vmem_shared>>) target(%arg14 : memref<128x64xf32, #tpu.memory_space<vmem>>) offsets(%dma_start3A_79 : memref<128xi32, #tpu.memory_space<vmem>>) semaphore(%arg16 : memref<!tpu.dma_semaphore, #tpu.memory_space<semaphore_mem>>)
        } else {
        }
      }
      %scan3A_41 = arith.constant 40 : i32
    } else {
    }
    %barrier3A = arith.constant 0 : index
    tpu.barrier barrier_id(%barrier3A)
    "tpu.region"() ({
      %run_scoped3A = tpu.sem_alloc : memref<!tpu.dma_semaphore, #tpu.memory_space<semaphore_mem>>
      %dma_start3A = arith.constant 0 : i32
      %dma_start3A_22 = tpu.memref_slice %arg8[%arg0, %multiple_of3A, %dma_start3A] : memref<2x10240x64xf32, #tpu.memory_space<hbm>> -> memref<1x640x64xf32, #tpu.memory_space<hbm>>
      %dma_start3A_23 = tpu.memref_squeeze %dma_start3A_22 : memref<1x640x64xf32, #tpu.memory_space<hbm>> -> memref<640x64xf32, #tpu.memory_space<hbm>>
      %dma_start3A_24 = arith.constant 0 : i32
      %dma_start3A_25 = tpu.memref_slice %arg9[%multiple_of3A, %dma_start3A_24] : memref<10240x64xf32, #tpu.memory_space<vmem_shared>> -> memref<640x64xf32, #tpu.memory_space<vmem_shared>>
      tpu.enqueue_dma source(%dma_start3A_25 : memref<640x64xf32, #tpu.memory_space<vmem_shared>>) target(%dma_start3A_23 : memref<640x64xf32, #tpu.memory_space<hbm>>) target_semaphore(%run_scoped3A : memref<!tpu.dma_semaphore, #tpu.memory_space<semaphore_mem>>)
      %dma_wait3A = arith.constant 0 : i32
      %dma_wait3A_26 = tpu.memref_slice %arg8[%arg0, %multiple_of3A, %dma_wait3A] : memref<2x10240x64xf32, #tpu.memory_space<hbm>> -> memref<1x640x64xf32, #tpu.memory_space<hbm>>
      %dma_wait3A_27 = tpu.memref_squeeze %dma_wait3A_26 : memref<1x640x64xf32, #tpu.memory_space<hbm>> -> memref<640x64xf32, #tpu.memory_space<hbm>>
      %dma_wait3A_28 = arith.constant 0 : i32
      %dma_wait3A_29 = tpu.memref_slice %arg9[%multiple_of3A, %dma_wait3A_28] : memref<10240x64xf32, #tpu.memory_space<vmem_shared>> -> memref<640x64xf32, #tpu.memory_space<vmem_shared>>
      tpu.wait_dma2 semaphore(%run_scoped3A : memref<!tpu.dma_semaphore, #tpu.memory_space<semaphore_mem>>) src(%dma_wait3A_29 : memref<640x64xf32, #tpu.memory_space<vmem_shared>>) dst(%dma_wait3A_27 : memref<640x64xf32, #tpu.memory_space<hbm>>)
      tpu.yield
    }) : () -> ()
    return
  }
}

#map = affine_map<(d0, d1) -> (0, 0)>
#map1 = affine_map<(d0, d1) -> (0, 0, 0)>
module attributes {stable_mosaic.version = 14 : i64} {
  func.func @sc_scatter(%arg0: i32, %arg1: i32, %arg2: memref<10240x64xf32, #tpu.memory_space<hbm>>, %arg3: memref<16x80x128xi32, #tpu.memory_space<hbm>>, %arg4: memref<16x80x128xi32, #tpu.memory_space<hbm>>, %arg5: memref<16x80x128xi32, #tpu.memory_space<hbm>>, %arg6: memref<16x80x128xi32, #tpu.memory_space<hbm>>, %arg7: memref<10240x64xf32, #tpu.memory_space<hbm>>, %arg8: memref<2x10240x64xf32, #tpu.memory_space<hbm>>, %arg9: memref<10240x64xf32, #tpu.memory_space<vmem_shared>>, %arg10: memref<10240x64xf32, #tpu.memory_space<vmem_shared>>, %arg11: memref<80x128xi32, #tpu.memory_space<vmem>>, %arg12: memref<80x128xi32, #tpu.memory_space<vmem>>, %arg13: memref<128x64xf32, #tpu.memory_space<vmem>>, %arg14: memref<128x64xf32, #tpu.memory_space<vmem>>, %arg15: memref<!tpu.dma_semaphore, #tpu.memory_space<semaphore_mem>>, %arg16: memref<!tpu.dma_semaphore, #tpu.memory_space<semaphore_mem>>) attributes {dimension_semantics = [#tpu.dimension_semantics<core_parallel>, #tpu.dimension_semantics<subcore_parallel>], iteration_bounds = array<i64: 2, 16>, scalar_prefetch = 0 : i64, scratch_operands = 8 : i64, tpu.core_type = #tpu.core_type<sc_vector_subcore>, window_params = [{transform_indices = #map}, {transform_indices = #map1}, {transform_indices = #map1}, {transform_indices = #map1}, {transform_indices = #map1}, {transform_indices = #map}, {transform_indices = #map1}]} {
    %mul3A = arith.constant 640 : i32
    %mul3A_0 = arith.muli %arg1, %mul3A : i32
    %multiple_of3A = tpu.assume_multiple %mul3A_0, 8 : i32
    %scan3A = arith.constant 0 : i32
    %scan3A_1 = arith.constant 0 : i32
    %scan3A_2 = arith.constant 128 : i32
    %scan3A_3 = arith.addi %scan3A_1, %scan3A_2 : i32
    %scan3A_4 = arith.constant 1 : i32
    scf.for %scan3A_22 = %scan3A_1 to %scan3A_3 step %scan3A_4  : i32 {
      %broadcast_in_dim3A = arith.constant 0.000000e+00 : f32
      %broadcast_in_dim3A_23 = vector.broadcast %broadcast_in_dim3A : f32 to vector<16xf32>
      %swap3A = arith.index_cast %scan3A_22 : i32 to index
      %swap3A_24 = arith.constant 0 : index
      %swap3A_25 = tpu.vector_load %arg13[%swap3A, %swap3A_24] {strides = array<i32>} : memref<128x64xf32, #tpu.memory_space<vmem>>, vector<1x16xf32>,
      %swap3A_26 = vector.shape_cast %swap3A_25 : vector<1x16xf32> to vector<16xf32>
      %swap3A_27 = vector.shape_cast %broadcast_in_dim3A_23 : vector<16xf32> to vector<1x16xf32>
      tpu.vector_store %arg13[%swap3A, %swap3A_24], %swap3A_27 {strides = array<i32>} : memref<128x64xf32, #tpu.memory_space<vmem>>, vector<1x16xf32>,
      %broadcast_in_dim3A_28 = arith.constant 0.000000e+00 : f32
      %broadcast_in_dim3A_29 = vector.broadcast %broadcast_in_dim3A_28 : f32 to vector<16xf32>
      %swap3A_30 = arith.index_cast %scan3A_22 : i32 to index
      %swap3A_31 = arith.constant 16 : index
      %swap3A_32 = tpu.vector_load %arg13[%swap3A_30, %swap3A_31] {strides = array<i32>} : memref<128x64xf32, #tpu.memory_space<vmem>>, vector<1x16xf32>,
      %swap3A_33 = vector.shape_cast %swap3A_32 : vector<1x16xf32> to vector<16xf32>
      %swap3A_34 = vector.shape_cast %broadcast_in_dim3A_29 : vector<16xf32> to vector<1x16xf32>
      tpu.vector_store %arg13[%swap3A_30, %swap3A_31], %swap3A_34 {strides = array<i32>} : memref<128x64xf32, #tpu.memory_space<vmem>>, vector<1x16xf32>,
      %broadcast_in_dim3A_35 = arith.constant 0.000000e+00 : f32
      %broadcast_in_dim3A_36 = vector.broadcast %broadcast_in_dim3A_35 : f32 to vector<16xf32>
      %swap3A_37 = arith.index_cast %scan3A_22 : i32 to index
      %swap3A_38 = arith.constant 32 : index
      %swap3A_39 = tpu.vector_load %arg13[%swap3A_37, %swap3A_38] {strides = array<i32>} : memref<128x64xf32, #tpu.memory_space<vmem>>, vector<1x16xf32>,
      %swap3A_40 = vector.shape_cast %swap3A_39 : vector<1x16xf32> to vector<16xf32>
      %swap3A_41 = vector.shape_cast %broadcast_in_dim3A_36 : vector<16xf32> to vector<1x16xf32>
      tpu.vector_store %arg13[%swap3A_37, %swap3A_38], %swap3A_41 {strides = array<i32>} : memref<128x64xf32, #tpu.memory_space<vmem>>, vector<1x16xf32>,
      %broadcast_in_dim3A_42 = arith.constant 0.000000e+00 : f32
      %broadcast_in_dim3A_43 = vector.broadcast %broadcast_in_dim3A_42 : f32 to vector<16xf32>
      %swap3A_44 = arith.index_cast %scan3A_22 : i32 to index
      %swap3A_45 = arith.constant 48 : index
      %swap3A_46 = tpu.vector_load %arg13[%swap3A_44, %swap3A_45] {strides = array<i32>} : memref<128x64xf32, #tpu.memory_space<vmem>>, vector<1x16xf32>,
      %swap3A_47 = vector.shape_cast %swap3A_46 : vector<1x16xf32> to vector<16xf32>
      %swap3A_48 = vector.shape_cast %broadcast_in_dim3A_43 : vector<16xf32> to vector<1x16xf32>
      tpu.vector_store %arg13[%swap3A_44, %swap3A_45], %swap3A_48 {strides = array<i32>} : memref<128x64xf32, #tpu.memory_space<vmem>>, vector<1x16xf32>,
    }
    %scan3A_5 = arith.constant 128 : i32
    %add3A = arith.constant 0 : i32
    %add3A_6 = arith.addi %multiple_of3A, %add3A : i32
    "tpu.region"() ({
      %run_scoped3A = tpu.sem_alloc : memref<!tpu.dma_semaphore, #tpu.memory_space<semaphore_mem>>
      %dma_start3A = arith.constant 0 : i32
      %dma_start3A_22 = tpu.memref_slice %arg9[%add3A_6, %dma_start3A] : memref<10240x64xf32, #tpu.memory_space<vmem_shared>> -> memref<128x64xf32, #tpu.memory_space<vmem_shared>>
      %dma_start3A_23 = arith.constant 0 : i32
      %dma_start3A_24 = tpu.memref_slice %arg9[%add3A_6, %dma_start3A_23] : memref<10240x64xf32, #tpu.memory_space<vmem_shared>> -> memref<128x64xf32, #tpu.memory_space<vmem_shared>>
      tpu.enqueue_dma source(%arg13 : memref<128x64xf32, #tpu.memory_space<vmem>>) target(%dma_start3A_24 : memref<128x64xf32, #tpu.memory_space<vmem_shared>>) target_semaphore(%run_scoped3A : memref<!tpu.dma_semaphore, #tpu.memory_space<semaphore_mem>>)
      %dma_wait3A = arith.constant 0 : i32
      %dma_wait3A_25 = tpu.memref_slice %arg9[%add3A_6, %dma_wait3A] : memref<10240x64xf32, #tpu.memory_space<vmem_shared>> -> memref<128x64xf32, #tpu.memory_space<vmem_shared>>
      %dma_wait3A_26 = arith.constant 0 : i32
      %dma_wait3A_27 = tpu.memref_slice %arg9[%add3A_6, %dma_wait3A_26] : memref<10240x64xf32, #tpu.memory_space<vmem_shared>> -> memref<128x64xf32, #tpu.memory_space<vmem_shared>>
      tpu.wait_dma2 semaphore(%run_scoped3A : memref<!tpu.dma_semaphore, #tpu.memory_space<semaphore_mem>>) src(%arg13 : memref<128x64xf32, #tpu.memory_space<vmem>>) dst(%dma_wait3A_27 : memref<128x64xf32, #tpu.memory_space<vmem_shared>>)
      tpu.yield
    }) : () -> ()
    %add3A_7 = arith.constant 128 : i32
    %add3A_8 = arith.addi %multiple_of3A, %add3A_7 : i32
    "tpu.region"() ({
      %run_scoped3A = tpu.sem_alloc : memref<!tpu.dma_semaphore, #tpu.memory_space<semaphore_mem>>
      %dma_start3A = arith.constant 0 : i32
      %dma_start3A_22 = tpu.memref_slice %arg9[%add3A_8, %dma_start3A] : memref<10240x64xf32, #tpu.memory_space<vmem_shared>> -> memref<128x64xf32, #tpu.memory_space<vmem_shared>>
      %dma_start3A_23 = arith.constant 0 : i32
      %dma_start3A_24 = tpu.memref_slice %arg9[%add3A_8, %dma_start3A_23] : memref<10240x64xf32, #tpu.memory_space<vmem_shared>> -> memref<128x64xf32, #tpu.memory_space<vmem_shared>>
      tpu.enqueue_dma source(%arg13 : memref<128x64xf32, #tpu.memory_space<vmem>>) target(%dma_start3A_24 : memref<128x64xf32, #tpu.memory_space<vmem_shared>>) target_semaphore(%run_scoped3A : memref<!tpu.dma_semaphore, #tpu.memory_space<semaphore_mem>>)
      %dma_wait3A = arith.constant 0 : i32
      %dma_wait3A_25 = tpu.memref_slice %arg9[%add3A_8, %dma_wait3A] : memref<10240x64xf32, #tpu.memory_space<vmem_shared>> -> memref<128x64xf32, #tpu.memory_space<vmem_shared>>
      %dma_wait3A_26 = arith.constant 0 : i32
      %dma_wait3A_27 = tpu.memref_slice %arg9[%add3A_8, %dma_wait3A_26] : memref<10240x64xf32, #tpu.memory_space<vmem_shared>> -> memref<128x64xf32, #tpu.memory_space<vmem_shared>>
      tpu.wait_dma2 semaphore(%run_scoped3A : memref<!tpu.dma_semaphore, #tpu.memory_space<semaphore_mem>>) src(%arg13 : memref<128x64xf32, #tpu.memory_space<vmem>>) dst(%dma_wait3A_27 : memref<128x64xf32, #tpu.memory_space<vmem_shared>>)
      tpu.yield
    }) : () -> ()
    %add3A_9 = arith.constant 256 : i32
    %add3A_10 = arith.addi %multiple_of3A, %add3A_9 : i32
    "tpu.region"() ({
      %run_scoped3A = tpu.sem_alloc : memref<!tpu.dma_semaphore, #tpu.memory_space<semaphore_mem>>
      %dma_start3A = arith.constant 0 : i32
      %dma_start3A_22 = tpu.memref_slice %arg9[%add3A_10, %dma_start3A] : memref<10240x64xf32, #tpu.memory_space<vmem_shared>> -> memref<128x64xf32, #tpu.memory_space<vmem_shared>>
      %dma_start3A_23 = arith.constant 0 : i32
      %dma_start3A_24 = tpu.memref_slice %arg9[%add3A_10, %dma_start3A_23] : memref<10240x64xf32, #tpu.memory_space<vmem_shared>> -> memref<128x64xf32, #tpu.memory_space<vmem_shared>>
      tpu.enqueue_dma source(%arg13 : memref<128x64xf32, #tpu.memory_space<vmem>>) target(%dma_start3A_24 : memref<128x64xf32, #tpu.memory_space<vmem_shared>>) target_semaphore(%run_scoped3A : memref<!tpu.dma_semaphore, #tpu.memory_space<semaphore_mem>>)
      %dma_wait3A = arith.constant 0 : i32
      %dma_wait3A_25 = tpu.memref_slice %arg9[%add3A_10, %dma_wait3A] : memref<10240x64xf32, #tpu.memory_space<vmem_shared>> -> memref<128x64xf32, #tpu.memory_space<vmem_shared>>
      %dma_wait3A_26 = arith.constant 0 : i32
      %dma_wait3A_27 = tpu.memref_slice %arg9[%add3A_10, %dma_wait3A_26] : memref<10240x64xf32, #tpu.memory_space<vmem_shared>> -> memref<128x64xf32, #tpu.memory_space<vmem_shared>>
      tpu.wait_dma2 semaphore(%run_scoped3A : memref<!tpu.dma_semaphore, #tpu.memory_space<semaphore_mem>>) src(%arg13 : memref<128x64xf32, #tpu.memory_space<vmem>>) dst(%dma_wait3A_27 : memref<128x64xf32, #tpu.memory_space<vmem_shared>>)
      tpu.yield
    }) : () -> ()
    %add3A_11 = arith.constant 384 : i32
    %add3A_12 = arith.addi %multiple_of3A, %add3A_11 : i32
    "tpu.region"() ({
      %run_scoped3A = tpu.sem_alloc : memref<!tpu.dma_semaphore, #tpu.memory_space<semaphore_mem>>
      %dma_start3A = arith.constant 0 : i32
      %dma_start3A_22 = tpu.memref_slice %arg9[%add3A_12, %dma_start3A] : memref<10240x64xf32, #tpu.memory_space<vmem_shared>> -> memref<128x64xf32, #tpu.memory_space<vmem_shared>>
      %dma_start3A_23 = arith.constant 0 : i32
      %dma_start3A_24 = tpu.memref_slice %arg9[%add3A_12, %dma_start3A_23] : memref<10240x64xf32, #tpu.memory_space<vmem_shared>> -> memref<128x64xf32, #tpu.memory_space<vmem_shared>>
      tpu.enqueue_dma source(%arg13 : memref<128x64xf32, #tpu.memory_space<vmem>>) target(%dma_start3A_24 : memref<128x64xf32, #tpu.memory_space<vmem_shared>>) target_semaphore(%run_scoped3A : memref<!tpu.dma_semaphore, #tpu.memory_space<semaphore_mem>>)
      %dma_wait3A = arith.constant 0 : i32
      %dma_wait3A_25 = tpu.memref_slice %arg9[%add3A_12, %dma_wait3A] : memref<10240x64xf32, #tpu.memory_space<vmem_shared>> -> memref<128x64xf32, #tpu.memory_space<vmem_shared>>
      %dma_wait3A_26 = arith.constant 0 : i32
      %dma_wait3A_27 = tpu.memref_slice %arg9[%add3A_12, %dma_wait3A_26] : memref<10240x64xf32, #tpu.memory_space<vmem_shared>> -> memref<128x64xf32, #tpu.memory_space<vmem_shared>>
      tpu.wait_dma2 semaphore(%run_scoped3A : memref<!tpu.dma_semaphore, #tpu.memory_space<semaphore_mem>>) src(%arg13 : memref<128x64xf32, #tpu.memory_space<vmem>>) dst(%dma_wait3A_27 : memref<128x64xf32, #tpu.memory_space<vmem_shared>>)
      tpu.yield
    }) : () -> ()
    %add3A_13 = arith.constant 512 : i32
    %add3A_14 = arith.addi %multiple_of3A, %add3A_13 : i32
    "tpu.region"() ({
      %run_scoped3A = tpu.sem_alloc : memref<!tpu.dma_semaphore, #tpu.memory_space<semaphore_mem>>
      %dma_start3A = arith.constant 0 : i32
      %dma_start3A_22 = tpu.memref_slice %arg9[%add3A_14, %dma_start3A] : memref<10240x64xf32, #tpu.memory_space<vmem_shared>> -> memref<128x64xf32, #tpu.memory_space<vmem_shared>>
      %dma_start3A_23 = arith.constant 0 : i32
      %dma_start3A_24 = tpu.memref_slice %arg9[%add3A_14, %dma_start3A_23] : memref<10240x64xf32, #tpu.memory_space<vmem_shared>> -> memref<128x64xf32, #tpu.memory_space<vmem_shared>>
      tpu.enqueue_dma source(%arg13 : memref<128x64xf32, #tpu.memory_space<vmem>>) target(%dma_start3A_24 : memref<128x64xf32, #tpu.memory_space<vmem_shared>>) target_semaphore(%run_scoped3A : memref<!tpu.dma_semaphore, #tpu.memory_space<semaphore_mem>>)
      %dma_wait3A = arith.constant 0 : i32
      %dma_wait3A_25 = tpu.memref_slice %arg9[%add3A_14, %dma_wait3A] : memref<10240x64xf32, #tpu.memory_space<vmem_shared>> -> memref<128x64xf32, #tpu.memory_space<vmem_shared>>
      %dma_wait3A_26 = arith.constant 0 : i32
      %dma_wait3A_27 = tpu.memref_slice %arg9[%add3A_14, %dma_wait3A_26] : memref<10240x64xf32, #tpu.memory_space<vmem_shared>> -> memref<128x64xf32, #tpu.memory_space<vmem_shared>>
      tpu.wait_dma2 semaphore(%run_scoped3A : memref<!tpu.dma_semaphore, #tpu.memory_space<semaphore_mem>>) src(%arg13 : memref<128x64xf32, #tpu.memory_space<vmem>>) dst(%dma_wait3A_27 : memref<128x64xf32, #tpu.memory_space<vmem_shared>>)
      tpu.yield
    }) : () -> ()
    "tpu.region"() ({
      %run_scoped3A = tpu.sem_alloc : memref<!tpu.dma_semaphore, #tpu.memory_space<semaphore_mem>>
      %dma_start3A = arith.constant 0 : i32
      %dma_start3A_22 = tpu.memref_slice %arg10[%multiple_of3A, %dma_start3A] : memref<10240x64xf32, #tpu.memory_space<vmem_shared>> -> memref<640x64xf32, #tpu.memory_space<vmem_shared>>
      %dma_start3A_23 = arith.constant 0 : i32
      %dma_start3A_24 = tpu.memref_slice %arg2[%multiple_of3A, %dma_start3A_23] : memref<10240x64xf32, #tpu.memory_space<hbm>> -> memref<640x64xf32, #tpu.memory_space<hbm>>
      tpu.enqueue_dma source(%dma_start3A_24 : memref<640x64xf32, #tpu.memory_space<hbm>>) target(%dma_start3A_22 : memref<640x64xf32, #tpu.memory_space<vmem_shared>>) target_semaphore(%run_scoped3A : memref<!tpu.dma_semaphore, #tpu.memory_space<semaphore_mem>>)
      %dma_wait3A = arith.constant 0 : i32
      %dma_wait3A_25 = tpu.memref_slice %arg10[%multiple_of3A, %dma_wait3A] : memref<10240x64xf32, #tpu.memory_space<vmem_shared>> -> memref<640x64xf32, #tpu.memory_space<vmem_shared>>
      %dma_wait3A_26 = arith.constant 0 : i32
      %dma_wait3A_27 = tpu.memref_slice %arg2[%multiple_of3A, %dma_wait3A_26] : memref<10240x64xf32, #tpu.memory_space<hbm>> -> memref<640x64xf32, #tpu.memory_space<hbm>>
      tpu.wait_dma2 semaphore(%run_scoped3A : memref<!tpu.dma_semaphore, #tpu.memory_space<semaphore_mem>>) src(%dma_wait3A_27 : memref<640x64xf32, #tpu.memory_space<hbm>>) dst(%dma_wait3A_25 : memref<640x64xf32, #tpu.memory_space<vmem_shared>>)
      tpu.yield
    }) : () -> ()
    %eq3A = arith.constant 0 : i32
    %eq3A_15 = arith.cmpi eq, %arg0, %eq3A : i32
    %convert_element_type3A = arith.extui %eq3A_15 : i1 to i32
    %cond3A = arith.constant 0 : i32
    %cond3A_16 = arith.cmpi ne, %convert_element_type3A, %cond3A : i32
    scf.if %cond3A_16 {
      "tpu.region"() ({
        %run_scoped3A = tpu.sem_alloc : memref<!tpu.dma_semaphore, #tpu.memory_space<semaphore_mem>>
        %dma_start3A_42 = arith.constant 0 : i32
        %dma_start3A_43 = arith.constant 0 : i32
        %dma_start3A_44 = tpu.memref_slice %arg11[%dma_start3A_42, %dma_start3A_43] : memref<80x128xi32, #tpu.memory_space<vmem>> -> memref<80x128xi32, #tpu.memory_space<vmem>>
        %dma_start3A_45 = arith.constant 0 : i32
        %dma_start3A_46 = arith.constant 0 : i32
        %dma_start3A_47 = tpu.memref_slice %arg3[%arg1, %dma_start3A_45, %dma_start3A_46] : memref<16x80x128xi32, #tpu.memory_space<hbm>> -> memref<1x80x128xi32, #tpu.memory_space<hbm>>
        %dma_start3A_48 = tpu.memref_squeeze %dma_start3A_47 : memref<1x80x128xi32, #tpu.memory_space<hbm>> -> memref<80x128xi32, #tpu.memory_space<hbm>>
        %dma_start3A_49 = arith.constant 0 : i32
        %dma_start3A_50 = arith.constant 0 : i32
        %dma_start3A_51 = tpu.memref_slice %arg11[%dma_start3A_49, %dma_start3A_50] : memref<80x128xi32, #tpu.memory_space<vmem>> -> memref<80x128xi32, #tpu.memory_space<vmem>>
        %dma_start3A_52 = arith.constant 0 : i32
        %dma_start3A_53 = arith.constant 0 : i32
        %dma_start3A_54 = tpu.memref_slice %arg3[%arg1, %dma_start3A_52, %dma_start3A_53] : memref<16x80x128xi32, #tpu.memory_space<hbm>> -> memref<1x80x128xi32, #tpu.memory_space<hbm>>
        %dma_start3A_55 = tpu.memref_squeeze %dma_start3A_54 : memref<1x80x128xi32, #tpu.memory_space<hbm>> -> memref<80x128xi32, #tpu.memory_space<hbm>>
        tpu.enqueue_dma source(%dma_start3A_55 : memref<80x128xi32, #tpu.memory_space<hbm>>) target(%dma_start3A_51 : memref<80x128xi32, #tpu.memory_space<vmem>>) target_semaphore(%run_scoped3A : memref<!tpu.dma_semaphore, #tpu.memory_space<semaphore_mem>>)
        %dma_wait3A = arith.constant 0 : i32
        %dma_wait3A_56 = arith.constant 0 : i32
        %dma_wait3A_57 = tpu.memref_slice %arg11[%dma_wait3A, %dma_wait3A_56] : memref<80x128xi32, #tpu.memory_space<vmem>> -> memref<80x128xi32, #tpu.memory_space<vmem>>
        %dma_wait3A_58 = arith.constant 0 : i32
        %dma_wait3A_59 = arith.constant 0 : i32
        %dma_wait3A_60 = tpu.memref_slice %arg3[%arg1, %dma_wait3A_58, %dma_wait3A_59] : memref<16x80x128xi32, #tpu.memory_space<hbm>> -> memref<1x80x128xi32, #tpu.memory_space<hbm>>
        %dma_wait3A_61 = tpu.memref_squeeze %dma_wait3A_60 : memref<1x80x128xi32, #tpu.memory_space<hbm>> -> memref<80x128xi32, #tpu.memory_space<hbm>>
        %dma_wait3A_62 = arith.constant 0 : i32
        %dma_wait3A_63 = arith.constant 0 : i32
        %dma_wait3A_64 = tpu.memref_slice %arg11[%dma_wait3A_62, %dma_wait3A_63] : memref<80x128xi32, #tpu.memory_space<vmem>> -> memref<80x128xi32, #tpu.memory_space<vmem>>
        %dma_wait3A_65 = arith.constant 0 : i32
        %dma_wait3A_66 = arith.constant 0 : i32
        %dma_wait3A_67 = tpu.memref_slice %arg3[%arg1, %dma_wait3A_65, %dma_wait3A_66] : memref<16x80x128xi32, #tpu.memory_space<hbm>> -> memref<1x80x128xi32, #tpu.memory_space<hbm>>
        %dma_wait3A_68 = tpu.memref_squeeze %dma_wait3A_67 : memref<1x80x128xi32, #tpu.memory_space<hbm>> -> memref<80x128xi32, #tpu.memory_space<hbm>>
        tpu.wait_dma2 semaphore(%run_scoped3A : memref<!tpu.dma_semaphore, #tpu.memory_space<semaphore_mem>>) src(%dma_wait3A_68 : memref<80x128xi32, #tpu.memory_space<hbm>>) dst(%dma_wait3A_64 : memref<80x128xi32, #tpu.memory_space<vmem>>)
        tpu.yield
      }) : () -> ()
      "tpu.region"() ({
        %run_scoped3A = tpu.sem_alloc : memref<!tpu.dma_semaphore, #tpu.memory_space<semaphore_mem>>
        %dma_start3A_42 = arith.constant 0 : i32
        %dma_start3A_43 = arith.constant 0 : i32
        %dma_start3A_44 = tpu.memref_slice %arg12[%dma_start3A_42, %dma_start3A_43] : memref<80x128xi32, #tpu.memory_space<vmem>> -> memref<80x128xi32, #tpu.memory_space<vmem>>
        %dma_start3A_45 = arith.constant 0 : i32
        %dma_start3A_46 = arith.constant 0 : i32
        %dma_start3A_47 = tpu.memref_slice %arg4[%arg1, %dma_start3A_45, %dma_start3A_46] : memref<16x80x128xi32, #tpu.memory_space<hbm>> -> memref<1x80x128xi32, #tpu.memory_space<hbm>>
        %dma_start3A_48 = tpu.memref_squeeze %dma_start3A_47 : memref<1x80x128xi32, #tpu.memory_space<hbm>> -> memref<80x128xi32, #tpu.memory_space<hbm>>
        %dma_start3A_49 = arith.constant 0 : i32
        %dma_start3A_50 = arith.constant 0 : i32
        %dma_start3A_51 = tpu.memref_slice %arg12[%dma_start3A_49, %dma_start3A_50] : memref<80x128xi32, #tpu.memory_space<vmem>> -> memref<80x128xi32, #tpu.memory_space<vmem>>
        %dma_start3A_52 = arith.constant 0 : i32
        %dma_start3A_53 = arith.constant 0 : i32
        %dma_start3A_54 = tpu.memref_slice %arg4[%arg1, %dma_start3A_52, %dma_start3A_53] : memref<16x80x128xi32, #tpu.memory_space<hbm>> -> memref<1x80x128xi32, #tpu.memory_space<hbm>>
        %dma_start3A_55 = tpu.memref_squeeze %dma_start3A_54 : memref<1x80x128xi32, #tpu.memory_space<hbm>> -> memref<80x128xi32, #tpu.memory_space<hbm>>
        tpu.enqueue_dma source(%dma_start3A_55 : memref<80x128xi32, #tpu.memory_space<hbm>>) target(%dma_start3A_51 : memref<80x128xi32, #tpu.memory_space<vmem>>) target_semaphore(%run_scoped3A : memref<!tpu.dma_semaphore, #tpu.memory_space<semaphore_mem>>)
        %dma_wait3A = arith.constant 0 : i32
        %dma_wait3A_56 = arith.constant 0 : i32
        %dma_wait3A_57 = tpu.memref_slice %arg12[%dma_wait3A, %dma_wait3A_56] : memref<80x128xi32, #tpu.memory_space<vmem>> -> memref<80x128xi32, #tpu.memory_space<vmem>>
        %dma_wait3A_58 = arith.constant 0 : i32
        %dma_wait3A_59 = arith.constant 0 : i32
        %dma_wait3A_60 = tpu.memref_slice %arg4[%arg1, %dma_wait3A_58, %dma_wait3A_59] : memref<16x80x128xi32, #tpu.memory_space<hbm>> -> memref<1x80x128xi32, #tpu.memory_space<hbm>>
        %dma_wait3A_61 = tpu.memref_squeeze %dma_wait3A_60 : memref<1x80x128xi32, #tpu.memory_space<hbm>> -> memref<80x128xi32, #tpu.memory_space<hbm>>
        %dma_wait3A_62 = arith.constant 0 : i32
        %dma_wait3A_63 = arith.constant 0 : i32
        %dma_wait3A_64 = tpu.memref_slice %arg12[%dma_wait3A_62, %dma_wait3A_63] : memref<80x128xi32, #tpu.memory_space<vmem>> -> memref<80x128xi32, #tpu.memory_space<vmem>>
        %dma_wait3A_65 = arith.constant 0 : i32
        %dma_wait3A_66 = arith.constant 0 : i32
        %dma_wait3A_67 = tpu.memref_slice %arg4[%arg1, %dma_wait3A_65, %dma_wait3A_66] : memref<16x80x128xi32, #tpu.memory_space<hbm>> -> memref<1x80x128xi32, #tpu.memory_space<hbm>>
        %dma_wait3A_68 = tpu.memref_squeeze %dma_wait3A_67 : memref<1x80x128xi32, #tpu.memory_space<hbm>> -> memref<80x128xi32, #tpu.memory_space<hbm>>
        tpu.wait_dma2 semaphore(%run_scoped3A : memref<!tpu.dma_semaphore, #tpu.memory_space<semaphore_mem>>) src(%dma_wait3A_68 : memref<80x128xi32, #tpu.memory_space<hbm>>) dst(%dma_wait3A_64 : memref<80x128xi32, #tpu.memory_space<vmem>>)
        tpu.yield
      }) : () -> ()
      %barrier3A_22 = arith.constant 0 : index
      tpu.barrier barrier_id(%barrier3A_22)
      %dma_start3A = arith.constant 0 : i32
      %dma_start3A_23 = arith.constant 0 : i32
      %dma_start3A_24 = tpu.memref_slice %arg11[%dma_start3A, %dma_start3A_23] : memref<80x128xi32, #tpu.memory_space<vmem>> -> memref<1x128xi32, #tpu.memory_space<vmem>>
      %dma_start3A_25 = tpu.memref_squeeze %dma_start3A_24 : memref<1x128xi32, #tpu.memory_space<vmem>> -> memref<128xi32, #tpu.memory_space<vmem>>
      %dma_start3A_26 = arith.constant 0 : i32
      %dma_start3A_27 = arith.constant 0 : i32
      %dma_start3A_28 = tpu.memref_slice %arg10[%dma_start3A_26, %dma_start3A_27] : memref<10240x64xf32, #tpu.memory_space<vmem_shared>> -> memref<10240x64xf32, #tpu.memory_space<vmem_shared>>
      tpu.enqueue_indirect_dma source(%dma_start3A_28 : memref<10240x64xf32, #tpu.memory_space<vmem_shared>>) target(%arg13 : memref<128x64xf32, #tpu.memory_space<vmem>>) offsets(%dma_start3A_25 : memref<128xi32, #tpu.memory_space<vmem>>) semaphore(%arg15 : memref<!tpu.dma_semaphore, #tpu.memory_space<semaphore_mem>>)
      %dma_start3A_29 = arith.constant 1 : i32
      %dma_start3A_30 = arith.constant 0 : i32
      %dma_start3A_31 = tpu.memref_slice %arg11[%dma_start3A_29, %dma_start3A_30] : memref<80x128xi32, #tpu.memory_space<vmem>> -> memref<1x128xi32, #tpu.memory_space<vmem>>
      %dma_start3A_32 = tpu.memref_squeeze %dma_start3A_31 : memref<1x128xi32, #tpu.memory_space<vmem>> -> memref<128xi32, #tpu.memory_space<vmem>>
      %dma_start3A_33 = arith.constant 0 : i32
      %dma_start3A_34 = arith.constant 0 : i32
      %dma_start3A_35 = tpu.memref_slice %arg10[%dma_start3A_33, %dma_start3A_34] : memref<10240x64xf32, #tpu.memory_space<vmem_shared>> -> memref<10240x64xf32, #tpu.memory_space<vmem_shared>>
      tpu.enqueue_indirect_dma source(%dma_start3A_35 : memref<10240x64xf32, #tpu.memory_space<vmem_shared>>) target(%arg14 : memref<128x64xf32, #tpu.memory_space<vmem>>) offsets(%dma_start3A_32 : memref<128xi32, #tpu.memory_space<vmem>>) semaphore(%arg16 : memref<!tpu.dma_semaphore, #tpu.memory_space<semaphore_mem>>)
      %scan3A_36 = arith.constant 0 : i32
      %scan3A_37 = arith.constant 0 : i32
      %scan3A_38 = arith.constant 40 : i32
      %scan3A_39 = arith.addi %scan3A_37, %scan3A_38 : i32
      %scan3A_40 = arith.constant 1 : i32
      scf.for %scan3A_42 = %scan3A_37 to %scan3A_39 step %scan3A_40  : i32 {
        %mul3A_43 = arith.constant 2 : i32
        %mul3A_44 = arith.muli %scan3A_42, %mul3A_43 : i32
        %add3A_45 = arith.constant 0 : i32
        %add3A_46 = arith.addi %mul3A_44, %add3A_45 : i32
        %dma_wait3A = arith.constant 0 : i32
        %dma_wait3A_47 = arith.constant 0 : i32
        %dma_wait3A_48 = tpu.memref_slice %arg7[%dma_wait3A, %dma_wait3A_47] : memref<10240x64xf32, #tpu.memory_space<hbm>> -> memref<128x64xf32, #tpu.memory_space<hbm>>
        %dma_wait3A_49 = arith.constant 0 : i32
        %dma_wait3A_50 = arith.constant 0 : i32
        %dma_wait3A_51 = tpu.memref_slice %arg7[%dma_wait3A_49, %dma_wait3A_50] : memref<10240x64xf32, #tpu.memory_space<hbm>> -> memref<128x64xf32, #tpu.memory_space<hbm>>
        tpu.wait_dma2 semaphore(%arg15 : memref<!tpu.dma_semaphore, #tpu.memory_space<semaphore_mem>>) src(%dma_wait3A_51 : memref<128x64xf32, #tpu.memory_space<hbm>>) dst(%arg13 : memref<128x64xf32, #tpu.memory_space<vmem>>)
        "tpu.region"() ({
          %run_scoped3A = tpu.sem_alloc : memref<!tpu.dma_semaphore, #tpu.memory_space<semaphore_mem>>
          %dma_start3A_75 = arith.constant 0 : i32
          %dma_start3A_76 = tpu.memref_slice %arg12[%add3A_46, %dma_start3A_75] : memref<80x128xi32, #tpu.memory_space<vmem>> -> memref<1x128xi32, #tpu.memory_space<vmem>>
          %dma_start3A_77 = tpu.memref_squeeze %dma_start3A_76 : memref<1x128xi32, #tpu.memory_space<vmem>> -> memref<128xi32, #tpu.memory_space<vmem>>
          %dma_start3A_78 = arith.constant 0 : i32
          %dma_start3A_79 = arith.constant 0 : i32
          %dma_start3A_80 = tpu.memref_slice %arg9[%dma_start3A_78, %dma_start3A_79] : memref<10240x64xf32, #tpu.memory_space<vmem_shared>> -> memref<10240x64xf32, #tpu.memory_space<vmem_shared>>
          tpu.enqueue_indirect_dma source(%arg13 : memref<128x64xf32, #tpu.memory_space<vmem>>) target(%dma_start3A_80 : memref<10240x64xf32, #tpu.memory_space<vmem_shared>>) offsets(%dma_start3A_77 : memref<128xi32, #tpu.memory_space<vmem>>) semaphore(%run_scoped3A : memref<!tpu.dma_semaphore, #tpu.memory_space<semaphore_mem>>) {add = true}
          %dma_wait3A_81 = arith.constant 0 : i32
          %dma_wait3A_82 = tpu.memref_slice %arg12[%add3A_46, %dma_wait3A_81] : memref<80x128xi32, #tpu.memory_space<vmem>> -> memref<1x128xi32, #tpu.memory_space<vmem>>
          %dma_wait3A_83 = tpu.memref_squeeze %dma_wait3A_82 : memref<1x128xi32, #tpu.memory_space<vmem>> -> memref<128xi32, #tpu.memory_space<vmem>>
          %dma_wait3A_84 = arith.constant 0 : i32
          %dma_wait3A_85 = arith.constant 0 : i32
          %dma_wait3A_86 = tpu.memref_slice %arg9[%dma_wait3A_84, %dma_wait3A_85] : memref<10240x64xf32, #tpu.memory_space<vmem_shared>> -> memref<10240x64xf32, #tpu.memory_space<vmem_shared>>
          tpu.wait_indirect_dma semaphore(%run_scoped3A : memref<!tpu.dma_semaphore, #tpu.memory_space<semaphore_mem>>) src(%arg13 : memref<128x64xf32, #tpu.memory_space<vmem>>) dst(%dma_wait3A_86 : memref<10240x64xf32, #tpu.memory_space<vmem_shared>>)
          tpu.yield
        }) : () -> ()
        %add3A_52 = arith.constant 2 : i32
        %add3A_53 = arith.addi %add3A_46, %add3A_52 : i32
        %lt3A = arith.constant 80 : i32
        %lt3A_54 = arith.cmpi slt, %add3A_53, %lt3A : i32
        %convert_element_type3A_55 = arith.extui %lt3A_54 : i1 to i32
        %cond3A_56 = arith.constant 0 : i32
        %cond3A_57 = arith.cmpi ne, %convert_element_type3A_55, %cond3A_56 : i32
        scf.if %cond3A_57 {
          %add3A_75 = arith.constant 2 : i32
          %add3A_76 = arith.addi %add3A_46, %add3A_75 : i32
          %dma_start3A_77 = arith.constant 0 : i32
          %dma_start3A_78 = tpu.memref_slice %arg11[%add3A_76, %dma_start3A_77] : memref<80x128xi32, #tpu.memory_space<vmem>> -> memref<1x128xi32, #tpu.memory_space<vmem>>
          %dma_start3A_79 = tpu.memref_squeeze %dma_start3A_78 : memref<1x128xi32, #tpu.memory_space<vmem>> -> memref<128xi32, #tpu.memory_space<vmem>>
          %dma_start3A_80 = arith.constant 0 : i32
          %dma_start3A_81 = arith.constant 0 : i32
          %dma_start3A_82 = tpu.memref_slice %arg10[%dma_start3A_80, %dma_start3A_81] : memref<10240x64xf32, #tpu.memory_space<vmem_shared>> -> memref<10240x64xf32, #tpu.memory_space<vmem_shared>>
          tpu.enqueue_indirect_dma source(%dma_start3A_82 : memref<10240x64xf32, #tpu.memory_space<vmem_shared>>) target(%arg13 : memref<128x64xf32, #tpu.memory_space<vmem>>) offsets(%dma_start3A_79 : memref<128xi32, #tpu.memory_space<vmem>>) semaphore(%arg15 : memref<!tpu.dma_semaphore, #tpu.memory_space<semaphore_mem>>)
        } else {
        }
        %mul3A_58 = arith.constant 2 : i32
        %mul3A_59 = arith.muli %scan3A_42, %mul3A_58 : i32
        %add3A_60 = arith.constant 1 : i32
        %add3A_61 = arith.addi %mul3A_59, %add3A_60 : i32
        %dma_wait3A_62 = arith.constant 0 : i32
        %dma_wait3A_63 = arith.constant 0 : i32
        %dma_wait3A_64 = tpu.memref_slice %arg7[%dma_wait3A_62, %dma_wait3A_63] : memref<10240x64xf32, #tpu.memory_space<hbm>> -> memref<128x64xf32, #tpu.memory_space<hbm>>
        %dma_wait3A_65 = arith.constant 0 : i32
        %dma_wait3A_66 = arith.constant 0 : i32
        %dma_wait3A_67 = tpu.memref_slice %arg7[%dma_wait3A_65, %dma_wait3A_66] : memref<10240x64xf32, #tpu.memory_space<hbm>> -> memref<128x64xf32, #tpu.memory_space<hbm>>
        tpu.wait_dma2 semaphore(%arg16 : memref<!tpu.dma_semaphore, #tpu.memory_space<semaphore_mem>>) src(%dma_wait3A_67 : memref<128x64xf32, #tpu.memory_space<hbm>>) dst(%arg14 : memref<128x64xf32, #tpu.memory_space<vmem>>)
        "tpu.region"() ({
          %run_scoped3A = tpu.sem_alloc : memref<!tpu.dma_semaphore, #tpu.memory_space<semaphore_mem>>
          %dma_start3A_75 = arith.constant 0 : i32
          %dma_start3A_76 = tpu.memref_slice %arg12[%add3A_61, %dma_start3A_75] : memref<80x128xi32, #tpu.memory_space<vmem>> -> memref<1x128xi32, #tpu.memory_space<vmem>>
          %dma_start3A_77 = tpu.memref_squeeze %dma_start3A_76 : memref<1x128xi32, #tpu.memory_space<vmem>> -> memref<128xi32, #tpu.memory_space<vmem>>
          %dma_start3A_78 = arith.constant 0 : i32
          %dma_start3A_79 = arith.constant 0 : i32
          %dma_start3A_80 = tpu.memref_slice %arg9[%dma_start3A_78, %dma_start3A_79] : memref<10240x64xf32, #tpu.memory_space<vmem_shared>> -> memref<10240x64xf32, #tpu.memory_space<vmem_shared>>
          tpu.enqueue_indirect_dma source(%arg14 : memref<128x64xf32, #tpu.memory_space<vmem>>) target(%dma_start3A_80 : memref<10240x64xf32, #tpu.memory_space<vmem_shared>>) offsets(%dma_start3A_77 : memref<128xi32, #tpu.memory_space<vmem>>) semaphore(%run_scoped3A : memref<!tpu.dma_semaphore, #tpu.memory_space<semaphore_mem>>) {add = true}
          %dma_wait3A_81 = arith.constant 0 : i32
          %dma_wait3A_82 = tpu.memref_slice %arg12[%add3A_61, %dma_wait3A_81] : memref<80x128xi32, #tpu.memory_space<vmem>> -> memref<1x128xi32, #tpu.memory_space<vmem>>
          %dma_wait3A_83 = tpu.memref_squeeze %dma_wait3A_82 : memref<1x128xi32, #tpu.memory_space<vmem>> -> memref<128xi32, #tpu.memory_space<vmem>>
          %dma_wait3A_84 = arith.constant 0 : i32
          %dma_wait3A_85 = arith.constant 0 : i32
          %dma_wait3A_86 = tpu.memref_slice %arg9[%dma_wait3A_84, %dma_wait3A_85] : memref<10240x64xf32, #tpu.memory_space<vmem_shared>> -> memref<10240x64xf32, #tpu.memory_space<vmem_shared>>
          tpu.wait_indirect_dma semaphore(%run_scoped3A : memref<!tpu.dma_semaphore, #tpu.memory_space<semaphore_mem>>) src(%arg14 : memref<128x64xf32, #tpu.memory_space<vmem>>) dst(%dma_wait3A_86 : memref<10240x64xf32, #tpu.memory_space<vmem_shared>>)
          tpu.yield
        }) : () -> ()
        %add3A_68 = arith.constant 2 : i32
        %add3A_69 = arith.addi %add3A_61, %add3A_68 : i32
        %lt3A_70 = arith.constant 80 : i32
        %lt3A_71 = arith.cmpi slt, %add3A_69, %lt3A_70 : i32
        %convert_element_type3A_72 = arith.extui %lt3A_71 : i1 to i32
        %cond3A_73 = arith.constant 0 : i32
        %cond3A_74 = arith.cmpi ne, %convert_element_type3A_72, %cond3A_73 : i32
        scf.if %cond3A_74 {
          %add3A_75 = arith.constant 2 : i32
          %add3A_76 = arith.addi %add3A_61, %add3A_75 : i32
          %dma_start3A_77 = arith.constant 0 : i32
          %dma_start3A_78 = tpu.memref_slice %arg11[%add3A_76, %dma_start3A_77] : memref<80x128xi32, #tpu.memory_space<vmem>> -> memref<1x128xi32, #tpu.memory_space<vmem>>
          %dma_start3A_79 = tpu.memref_squeeze %dma_start3A_78 : memref<1x128xi32, #tpu.memory_space<vmem>> -> memref<128xi32, #tpu.memory_space<vmem>>
          %dma_start3A_80 = arith.constant 0 : i32
          %dma_start3A_81 = arith.constant 0 : i32
          %dma_start3A_82 = tpu.memref_slice %arg10[%dma_start3A_80, %dma_start3A_81] : memref<10240x64xf32, #tpu.memory_space<vmem_shared>> -> memref<10240x64xf32, #tpu.memory_space<vmem_shared>>
          tpu.enqueue_indirect_dma source(%dma_start3A_82 : memref<10240x64xf32, #tpu.memory_space<vmem_shared>>) target(%arg14 : memref<128x64xf32, #tpu.memory_space<vmem>>) offsets(%dma_start3A_79 : memref<128xi32, #tpu.memory_space<vmem>>) semaphore(%arg16 : memref<!tpu.dma_semaphore, #tpu.memory_space<semaphore_mem>>)
        } else {
        }
      }
      %scan3A_41 = arith.constant 40 : i32
    } else {
    }
    %eq3A_17 = arith.constant 1 : i32
    %eq3A_18 = arith.cmpi eq, %arg0, %eq3A_17 : i32
    %convert_element_type3A_19 = arith.extui %eq3A_18 : i1 to i32
    %cond3A_20 = arith.constant 0 : i32
    %cond3A_21 = arith.cmpi ne, %convert_element_type3A_19, %cond3A_20 : i32
    scf.if %cond3A_21 {
      "tpu.region"() ({
        %run_scoped3A = tpu.sem_alloc : memref<!tpu.dma_semaphore, #tpu.memory_space<semaphore_mem>>
        %dma_start3A_42 = arith.constant 0 : i32
        %dma_start3A_43 = arith.constant 0 : i32
        %dma_start3A_44 = tpu.memref_slice %arg11[%dma_start3A_42, %dma_start3A_43] : memref<80x128xi32, #tpu.memory_space<vmem>> -> memref<80x128xi32, #tpu.memory_space<vmem>>
        %dma_start3A_45 = arith.constant 0 : i32
        %dma_start3A_46 = arith.constant 0 : i32
        %dma_start3A_47 = tpu.memref_slice %arg5[%arg1, %dma_start3A_45, %dma_start3A_46] : memref<16x80x128xi32, #tpu.memory_space<hbm>> -> memref<1x80x128xi32, #tpu.memory_space<hbm>>
        %dma_start3A_48 = tpu.memref_squeeze %dma_start3A_47 : memref<1x80x128xi32, #tpu.memory_space<hbm>> -> memref<80x128xi32, #tpu.memory_space<hbm>>
        %dma_start3A_49 = arith.constant 0 : i32
        %dma_start3A_50 = arith.constant 0 : i32
        %dma_start3A_51 = tpu.memref_slice %arg11[%dma_start3A_49, %dma_start3A_50] : memref<80x128xi32, #tpu.memory_space<vmem>> -> memref<80x128xi32, #tpu.memory_space<vmem>>
        %dma_start3A_52 = arith.constant 0 : i32
        %dma_start3A_53 = arith.constant 0 : i32
        %dma_start3A_54 = tpu.memref_slice %arg5[%arg1, %dma_start3A_52, %dma_start3A_53] : memref<16x80x128xi32, #tpu.memory_space<hbm>> -> memref<1x80x128xi32, #tpu.memory_space<hbm>>
        %dma_start3A_55 = tpu.memref_squeeze %dma_start3A_54 : memref<1x80x128xi32, #tpu.memory_space<hbm>> -> memref<80x128xi32, #tpu.memory_space<hbm>>
        tpu.enqueue_dma source(%dma_start3A_55 : memref<80x128xi32, #tpu.memory_space<hbm>>) target(%dma_start3A_51 : memref<80x128xi32, #tpu.memory_space<vmem>>) target_semaphore(%run_scoped3A : memref<!tpu.dma_semaphore, #tpu.memory_space<semaphore_mem>>)
        %dma_wait3A = arith.constant 0 : i32
        %dma_wait3A_56 = arith.constant 0 : i32
        %dma_wait3A_57 = tpu.memref_slice %arg11[%dma_wait3A, %dma_wait3A_56] : memref<80x128xi32, #tpu.memory_space<vmem>> -> memref<80x128xi32, #tpu.memory_space<vmem>>
        %dma_wait3A_58 = arith.constant 0 : i32
        %dma_wait3A_59 = arith.constant 0 : i32
        %dma_wait3A_60 = tpu.memref_slice %arg5[%arg1, %dma_wait3A_58, %dma_wait3A_59] : memref<16x80x128xi32, #tpu.memory_space<hbm>> -> memref<1x80x128xi32, #tpu.memory_space<hbm>>
        %dma_wait3A_61 = tpu.memref_squeeze %dma_wait3A_60 : memref<1x80x128xi32, #tpu.memory_space<hbm>> -> memref<80x128xi32, #tpu.memory_space<hbm>>
        %dma_wait3A_62 = arith.constant 0 : i32
        %dma_wait3A_63 = arith.constant 0 : i32
        %dma_wait3A_64 = tpu.memref_slice %arg11[%dma_wait3A_62, %dma_wait3A_63] : memref<80x128xi32, #tpu.memory_space<vmem>> -> memref<80x128xi32, #tpu.memory_space<vmem>>
        %dma_wait3A_65 = arith.constant 0 : i32
        %dma_wait3A_66 = arith.constant 0 : i32
        %dma_wait3A_67 = tpu.memref_slice %arg5[%arg1, %dma_wait3A_65, %dma_wait3A_66] : memref<16x80x128xi32, #tpu.memory_space<hbm>> -> memref<1x80x128xi32, #tpu.memory_space<hbm>>
        %dma_wait3A_68 = tpu.memref_squeeze %dma_wait3A_67 : memref<1x80x128xi32, #tpu.memory_space<hbm>> -> memref<80x128xi32, #tpu.memory_space<hbm>>
        tpu.wait_dma2 semaphore(%run_scoped3A : memref<!tpu.dma_semaphore, #tpu.memory_space<semaphore_mem>>) src(%dma_wait3A_68 : memref<80x128xi32, #tpu.memory_space<hbm>>) dst(%dma_wait3A_64 : memref<80x128xi32, #tpu.memory_space<vmem>>)
        tpu.yield
      }) : () -> ()
      "tpu.region"() ({
        %run_scoped3A = tpu.sem_alloc : memref<!tpu.dma_semaphore, #tpu.memory_space<semaphore_mem>>
        %dma_start3A_42 = arith.constant 0 : i32
        %dma_start3A_43 = arith.constant 0 : i32
        %dma_start3A_44 = tpu.memref_slice %arg12[%dma_start3A_42, %dma_start3A_43] : memref<80x128xi32, #tpu.memory_space<vmem>> -> memref<80x128xi32, #tpu.memory_space<vmem>>
        %dma_start3A_45 = arith.constant 0 : i32
        %dma_start3A_46 = arith.constant 0 : i32
        %dma_start3A_47 = tpu.memref_slice %arg6[%arg1, %dma_start3A_45, %dma_start3A_46] : memref<16x80x128xi32, #tpu.memory_space<hbm>> -> memref<1x80x128xi32, #tpu.memory_space<hbm>>
        %dma_start3A_48 = tpu.memref_squeeze %dma_start3A_47 : memref<1x80x128xi32, #tpu.memory_space<hbm>> -> memref<80x128xi32, #tpu.memory_space<hbm>>
        %dma_start3A_49 = arith.constant 0 : i32
        %dma_start3A_50 = arith.constant 0 : i32
        %dma_start3A_51 = tpu.memref_slice %arg12[%dma_start3A_49, %dma_start3A_50] : memref<80x128xi32, #tpu.memory_space<vmem>> -> memref<80x128xi32, #tpu.memory_space<vmem>>
        %dma_start3A_52 = arith.constant 0 : i32
        %dma_start3A_53 = arith.constant 0 : i32
        %dma_start3A_54 = tpu.memref_slice %arg6[%arg1, %dma_start3A_52, %dma_start3A_53] : memref<16x80x128xi32, #tpu.memory_space<hbm>> -> memref<1x80x128xi32, #tpu.memory_space<hbm>>
        %dma_start3A_55 = tpu.memref_squeeze %dma_start3A_54 : memref<1x80x128xi32, #tpu.memory_space<hbm>> -> memref<80x128xi32, #tpu.memory_space<hbm>>
        tpu.enqueue_dma source(%dma_start3A_55 : memref<80x128xi32, #tpu.memory_space<hbm>>) target(%dma_start3A_51 : memref<80x128xi32, #tpu.memory_space<vmem>>) target_semaphore(%run_scoped3A : memref<!tpu.dma_semaphore, #tpu.memory_space<semaphore_mem>>)
        %dma_wait3A = arith.constant 0 : i32
        %dma_wait3A_56 = arith.constant 0 : i32
        %dma_wait3A_57 = tpu.memref_slice %arg12[%dma_wait3A, %dma_wait3A_56] : memref<80x128xi32, #tpu.memory_space<vmem>> -> memref<80x128xi32, #tpu.memory_space<vmem>>
        %dma_wait3A_58 = arith.constant 0 : i32
        %dma_wait3A_59 = arith.constant 0 : i32
        %dma_wait3A_60 = tpu.memref_slice %arg6[%arg1, %dma_wait3A_58, %dma_wait3A_59] : memref<16x80x128xi32, #tpu.memory_space<hbm>> -> memref<1x80x128xi32, #tpu.memory_space<hbm>>
        %dma_wait3A_61 = tpu.memref_squeeze %dma_wait3A_60 : memref<1x80x128xi32, #tpu.memory_space<hbm>> -> memref<80x128xi32, #tpu.memory_space<hbm>>
        %dma_wait3A_62 = arith.constant 0 : i32
        %dma_wait3A_63 = arith.constant 0 : i32
        %dma_wait3A_64 = tpu.memref_slice %arg12[%dma_wait3A_62, %dma_wait3A_63] : memref<80x128xi32, #tpu.memory_space<vmem>> -> memref<80x128xi32, #tpu.memory_space<vmem>>
        %dma_wait3A_65 = arith.constant 0 : i32
        %dma_wait3A_66 = arith.constant 0 : i32
        %dma_wait3A_67 = tpu.memref_slice %arg6[%arg1, %dma_wait3A_65, %dma_wait3A_66] : memref<16x80x128xi32, #tpu.memory_space<hbm>> -> memref<1x80x128xi32, #tpu.memory_space<hbm>>
        %dma_wait3A_68 = tpu.memref_squeeze %dma_wait3A_67 : memref<1x80x128xi32, #tpu.memory_space<hbm>> -> memref<80x128xi32, #tpu.memory_space<hbm>>
        tpu.wait_dma2 semaphore(%run_scoped3A : memref<!tpu.dma_semaphore, #tpu.memory_space<semaphore_mem>>) src(%dma_wait3A_68 : memref<80x128xi32, #tpu.memory_space<hbm>>) dst(%dma_wait3A_64 : memref<80x128xi32, #tpu.memory_space<vmem>>)
        tpu.yield
      }) : () -> ()
      %barrier3A_22 = arith.constant 0 : index
      tpu.barrier barrier_id(%barrier3A_22)
      %dma_start3A = arith.constant 0 : i32
      %dma_start3A_23 = arith.constant 0 : i32
      %dma_start3A_24 = tpu.memref_slice %arg11[%dma_start3A, %dma_start3A_23] : memref<80x128xi32, #tpu.memory_space<vmem>> -> memref<1x128xi32, #tpu.memory_space<vmem>>
      %dma_start3A_25 = tpu.memref_squeeze %dma_start3A_24 : memref<1x128xi32, #tpu.memory_space<vmem>> -> memref<128xi32, #tpu.memory_space<vmem>>
      %dma_start3A_26 = arith.constant 0 : i32
      %dma_start3A_27 = arith.constant 0 : i32
      %dma_start3A_28 = tpu.memref_slice %arg10[%dma_start3A_26, %dma_start3A_27] : memref<10240x64xf32, #tpu.memory_space<vmem_shared>> -> memref<10240x64xf32, #tpu.memory_space<vmem_shared>>
      tpu.enqueue_indirect_dma source(%dma_start3A_28 : memref<10240x64xf32, #tpu.memory_space<vmem_shared>>) target(%arg13 : memref<128x64xf32, #tpu.memory_space<vmem>>) offsets(%dma_start3A_25 : memref<128xi32, #tpu.memory_space<vmem>>) semaphore(%arg15 : memref<!tpu.dma_semaphore, #tpu.memory_space<semaphore_mem>>)
      %dma_start3A_29 = arith.constant 1 : i32
      %dma_start3A_30 = arith.constant 0 : i32
      %dma_start3A_31 = tpu.memref_slice %arg11[%dma_start3A_29, %dma_start3A_30] : memref<80x128xi32, #tpu.memory_space<vmem>> -> memref<1x128xi32, #tpu.memory_space<vmem>>
      %dma_start3A_32 = tpu.memref_squeeze %dma_start3A_31 : memref<1x128xi32, #tpu.memory_space<vmem>> -> memref<128xi32, #tpu.memory_space<vmem>>
      %dma_start3A_33 = arith.constant 0 : i32
      %dma_start3A_34 = arith.constant 0 : i32
      %dma_start3A_35 = tpu.memref_slice %arg10[%dma_start3A_33, %dma_start3A_34] : memref<10240x64xf32, #tpu.memory_space<vmem_shared>> -> memref<10240x64xf32, #tpu.memory_space<vmem_shared>>
      tpu.enqueue_indirect_dma source(%dma_start3A_35 : memref<10240x64xf32, #tpu.memory_space<vmem_shared>>) target(%arg14 : memref<128x64xf32, #tpu.memory_space<vmem>>) offsets(%dma_start3A_32 : memref<128xi32, #tpu.memory_space<vmem>>) semaphore(%arg16 : memref<!tpu.dma_semaphore, #tpu.memory_space<semaphore_mem>>)
      %scan3A_36 = arith.constant 0 : i32
      %scan3A_37 = arith.constant 0 : i32
      %scan3A_38 = arith.constant 40 : i32
      %scan3A_39 = arith.addi %scan3A_37, %scan3A_38 : i32
      %scan3A_40 = arith.constant 1 : i32
      scf.for %scan3A_42 = %scan3A_37 to %scan3A_39 step %scan3A_40  : i32 {
        %mul3A_43 = arith.constant 2 : i32
        %mul3A_44 = arith.muli %scan3A_42, %mul3A_43 : i32
        %add3A_45 = arith.constant 0 : i32
        %add3A_46 = arith.addi %mul3A_44, %add3A_45 : i32
        %dma_wait3A = arith.constant 0 : i32
        %dma_wait3A_47 = arith.constant 0 : i32
        %dma_wait3A_48 = tpu.memref_slice %arg7[%dma_wait3A, %dma_wait3A_47] : memref<10240x64xf32, #tpu.memory_space<hbm>> -> memref<128x64xf32, #tpu.memory_space<hbm>>
        %dma_wait3A_49 = arith.constant 0 : i32
        %dma_wait3A_50 = arith.constant 0 : i32
        %dma_wait3A_51 = tpu.memref_slice %arg7[%dma_wait3A_49, %dma_wait3A_50] : memref<10240x64xf32, #tpu.memory_space<hbm>> -> memref<128x64xf32, #tpu.memory_space<hbm>>
        tpu.wait_dma2 semaphore(%arg15 : memref<!tpu.dma_semaphore, #tpu.memory_space<semaphore_mem>>) src(%dma_wait3A_51 : memref<128x64xf32, #tpu.memory_space<hbm>>) dst(%arg13 : memref<128x64xf32, #tpu.memory_space<vmem>>)
        "tpu.region"() ({
          %run_scoped3A = tpu.sem_alloc : memref<!tpu.dma_semaphore, #tpu.memory_space<semaphore_mem>>
          %dma_start3A_75 = arith.constant 0 : i32
          %dma_start3A_76 = tpu.memref_slice %arg12[%add3A_46, %dma_start3A_75] : memref<80x128xi32, #tpu.memory_space<vmem>> -> memref<1x128xi32, #tpu.memory_space<vmem>>
          %dma_start3A_77 = tpu.memref_squeeze %dma_start3A_76 : memref<1x128xi32, #tpu.memory_space<vmem>> -> memref<128xi32, #tpu.memory_space<vmem>>
          %dma_start3A_78 = arith.constant 0 : i32
          %dma_start3A_79 = arith.constant 0 : i32
          %dma_start3A_80 = tpu.memref_slice %arg9[%dma_start3A_78, %dma_start3A_79] : memref<10240x64xf32, #tpu.memory_space<vmem_shared>> -> memref<10240x64xf32, #tpu.memory_space<vmem_shared>>
          tpu.enqueue_indirect_dma source(%arg13 : memref<128x64xf32, #tpu.memory_space<vmem>>) target(%dma_start3A_80 : memref<10240x64xf32, #tpu.memory_space<vmem_shared>>) offsets(%dma_start3A_77 : memref<128xi32, #tpu.memory_space<vmem>>) semaphore(%run_scoped3A : memref<!tpu.dma_semaphore, #tpu.memory_space<semaphore_mem>>) {add = true}
          %dma_wait3A_81 = arith.constant 0 : i32
          %dma_wait3A_82 = tpu.memref_slice %arg12[%add3A_46, %dma_wait3A_81] : memref<80x128xi32, #tpu.memory_space<vmem>> -> memref<1x128xi32, #tpu.memory_space<vmem>>
          %dma_wait3A_83 = tpu.memref_squeeze %dma_wait3A_82 : memref<1x128xi32, #tpu.memory_space<vmem>> -> memref<128xi32, #tpu.memory_space<vmem>>
          %dma_wait3A_84 = arith.constant 0 : i32
          %dma_wait3A_85 = arith.constant 0 : i32
          %dma_wait3A_86 = tpu.memref_slice %arg9[%dma_wait3A_84, %dma_wait3A_85] : memref<10240x64xf32, #tpu.memory_space<vmem_shared>> -> memref<10240x64xf32, #tpu.memory_space<vmem_shared>>
          tpu.wait_indirect_dma semaphore(%run_scoped3A : memref<!tpu.dma_semaphore, #tpu.memory_space<semaphore_mem>>) src(%arg13 : memref<128x64xf32, #tpu.memory_space<vmem>>) dst(%dma_wait3A_86 : memref<10240x64xf32, #tpu.memory_space<vmem_shared>>)
          tpu.yield
        }) : () -> ()
        %add3A_52 = arith.constant 2 : i32
        %add3A_53 = arith.addi %add3A_46, %add3A_52 : i32
        %lt3A = arith.constant 80 : i32
        %lt3A_54 = arith.cmpi slt, %add3A_53, %lt3A : i32
        %convert_element_type3A_55 = arith.extui %lt3A_54 : i1 to i32
        %cond3A_56 = arith.constant 0 : i32
        %cond3A_57 = arith.cmpi ne, %convert_element_type3A_55, %cond3A_56 : i32
        scf.if %cond3A_57 {
          %add3A_75 = arith.constant 2 : i32
          %add3A_76 = arith.addi %add3A_46, %add3A_75 : i32
          %dma_start3A_77 = arith.constant 0 : i32
          %dma_start3A_78 = tpu.memref_slice %arg11[%add3A_76, %dma_start3A_77] : memref<80x128xi32, #tpu.memory_space<vmem>> -> memref<1x128xi32, #tpu.memory_space<vmem>>
          %dma_start3A_79 = tpu.memref_squeeze %dma_start3A_78 : memref<1x128xi32, #tpu.memory_space<vmem>> -> memref<128xi32, #tpu.memory_space<vmem>>
          %dma_start3A_80 = arith.constant 0 : i32
          %dma_start3A_81 = arith.constant 0 : i32
          %dma_start3A_82 = tpu.memref_slice %arg10[%dma_start3A_80, %dma_start3A_81] : memref<10240x64xf32, #tpu.memory_space<vmem_shared>> -> memref<10240x64xf32, #tpu.memory_space<vmem_shared>>
          tpu.enqueue_indirect_dma source(%dma_start3A_82 : memref<10240x64xf32, #tpu.memory_space<vmem_shared>>) target(%arg13 : memref<128x64xf32, #tpu.memory_space<vmem>>) offsets(%dma_start3A_79 : memref<128xi32, #tpu.memory_space<vmem>>) semaphore(%arg15 : memref<!tpu.dma_semaphore, #tpu.memory_space<semaphore_mem>>)
        } else {
        }
        %mul3A_58 = arith.constant 2 : i32
        %mul3A_59 = arith.muli %scan3A_42, %mul3A_58 : i32
        %add3A_60 = arith.constant 1 : i32
        %add3A_61 = arith.addi %mul3A_59, %add3A_60 : i32
        %dma_wait3A_62 = arith.constant 0 : i32
        %dma_wait3A_63 = arith.constant 0 : i32
        %dma_wait3A_64 = tpu.memref_slice %arg7[%dma_wait3A_62, %dma_wait3A_63] : memref<10240x64xf32, #tpu.memory_space<hbm>> -> memref<128x64xf32, #tpu.memory_space<hbm>>
        %dma_wait3A_65 = arith.constant 0 : i32
        %dma_wait3A_66 = arith.constant 0 : i32
        %dma_wait3A_67 = tpu.memref_slice %arg7[%dma_wait3A_65, %dma_wait3A_66] : memref<10240x64xf32, #tpu.memory_space<hbm>> -> memref<128x64xf32, #tpu.memory_space<hbm>>
        tpu.wait_dma2 semaphore(%arg16 : memref<!tpu.dma_semaphore, #tpu.memory_space<semaphore_mem>>) src(%dma_wait3A_67 : memref<128x64xf32, #tpu.memory_space<hbm>>) dst(%arg14 : memref<128x64xf32, #tpu.memory_space<vmem>>)
        "tpu.region"() ({
          %run_scoped3A = tpu.sem_alloc : memref<!tpu.dma_semaphore, #tpu.memory_space<semaphore_mem>>
          %dma_start3A_75 = arith.constant 0 : i32
          %dma_start3A_76 = tpu.memref_slice %arg12[%add3A_61, %dma_start3A_75] : memref<80x128xi32, #tpu.memory_space<vmem>> -> memref<1x128xi32, #tpu.memory_space<vmem>>
          %dma_start3A_77 = tpu.memref_squeeze %dma_start3A_76 : memref<1x128xi32, #tpu.memory_space<vmem>> -> memref<128xi32, #tpu.memory_space<vmem>>
          %dma_start3A_78 = arith.constant 0 : i32
          %dma_start3A_79 = arith.constant 0 : i32
          %dma_start3A_80 = tpu.memref_slice %arg9[%dma_start3A_78, %dma_start3A_79] : memref<10240x64xf32, #tpu.memory_space<vmem_shared>> -> memref<10240x64xf32, #tpu.memory_space<vmem_shared>>
          tpu.enqueue_indirect_dma source(%arg14 : memref<128x64xf32, #tpu.memory_space<vmem>>) target(%dma_start3A_80 : memref<10240x64xf32, #tpu.memory_space<vmem_shared>>) offsets(%dma_start3A_77 : memref<128xi32, #tpu.memory_space<vmem>>) semaphore(%run_scoped3A : memref<!tpu.dma_semaphore, #tpu.memory_space<semaphore_mem>>) {add = true}
          %dma_wait3A_81 = arith.constant 0 : i32
          %dma_wait3A_82 = tpu.memref_slice %arg12[%add3A_61, %dma_wait3A_81] : memref<80x128xi32, #tpu.memory_space<vmem>> -> memref<1x128xi32, #tpu.memory_space<vmem>>
          %dma_wait3A_83 = tpu.memref_squeeze %dma_wait3A_82 : memref<1x128xi32, #tpu.memory_space<vmem>> -> memref<128xi32, #tpu.memory_space<vmem>>
          %dma_wait3A_84 = arith.constant 0 : i32
          %dma_wait3A_85 = arith.constant 0 : i32
          %dma_wait3A_86 = tpu.memref_slice %arg9[%dma_wait3A_84, %dma_wait3A_85] : memref<10240x64xf32, #tpu.memory_space<vmem_shared>> -> memref<10240x64xf32, #tpu.memory_space<vmem_shared>>
          tpu.wait_indirect_dma semaphore(%run_scoped3A : memref<!tpu.dma_semaphore, #tpu.memory_space<semaphore_mem>>) src(%arg14 : memref<128x64xf32, #tpu.memory_space<vmem>>) dst(%dma_wait3A_86 : memref<10240x64xf32, #tpu.memory_space<vmem_shared>>)
          tpu.yield
        }) : () -> ()
        %add3A_68 = arith.constant 2 : i32
        %add3A_69 = arith.addi %add3A_61, %add3A_68 : i32
        %lt3A_70 = arith.constant 80 : i32
        %lt3A_71 = arith.cmpi slt, %add3A_69, %lt3A_70 : i32
        %convert_element_type3A_72 = arith.extui %lt3A_71 : i1 to i32
        %cond3A_73 = arith.constant 0 : i32
        %cond3A_74 = arith.cmpi ne, %convert_element_type3A_72, %cond3A_73 : i32
        scf.if %cond3A_74 {
          %add3A_75 = arith.constant 2 : i32
          %add3A_76 = arith.addi %add3A_61, %add3A_75 : i32
          %dma_start3A_77 = arith.constant 0 : i32
          %dma_start3A_78 = tpu.memref_slice %arg11[%add3A_76, %dma_start3A_77] : memref<80x128xi32, #tpu.memory_space<vmem>> -> memref<1x128xi32, #tpu.memory_space<vmem>>
          %dma_start3A_79 = tpu.memref_squeeze %dma_start3A_78 : memref<1x128xi32, #tpu.memory_space<vmem>> -> memref<128xi32, #tpu.memory_space<vmem>>
          %dma_start3A_80 = arith.constant 0 : i32
          %dma_start3A_81 = arith.constant 0 : i32
          %dma_start3A_82 = tpu.memref_slice %arg10[%dma_start3A_80, %dma_start3A_81] : memref<10240x64xf32, #tpu.memory_space<vmem_shared>> -> memref<10240x64xf32, #tpu.memory_space<vmem_shared>>
          tpu.enqueue_indirect_dma source(%dma_start3A_82 : memref<10240x64xf32, #tpu.memory_space<vmem_shared>>) target(%arg14 : memref<128x64xf32, #tpu.memory_space<vmem>>) offsets(%dma_start3A_79 : memref<128xi32, #tpu.memory_space<vmem>>) semaphore(%arg16 : memref<!tpu.dma_semaphore, #tpu.memory_space<semaphore_mem>>)
        } else {
        }
      }
      %scan3A_41 = arith.constant 40 : i32
    } else {
    }
    %barrier3A = arith.constant 0 : index
    tpu.barrier barrier_id(%barrier3A)
    "tpu.region"() ({
      %run_scoped3A = tpu.sem_alloc : memref<!tpu.dma_semaphore, #tpu.memory_space<semaphore_mem>>
      %dma_start3A = arith.constant 0 : i32
      %dma_start3A_22 = tpu.memref_slice %arg8[%arg0, %multiple_of3A, %dma_start3A] : memref<2x10240x64xf32, #tpu.memory_space<hbm>> -> memref<1x640x64xf32, #tpu.memory_space<hbm>>
      %dma_start3A_23 = tpu.memref_squeeze %dma_start3A_22 : memref<1x640x64xf32, #tpu.memory_space<hbm>> -> memref<640x64xf32, #tpu.memory_space<hbm>>
      %dma_start3A_24 = arith.constant 0 : i32
      %dma_start3A_25 = tpu.memref_slice %arg9[%multiple_of3A, %dma_start3A_24] : memref<10240x64xf32, #tpu.memory_space<vmem_shared>> -> memref<640x64xf32, #tpu.memory_space<vmem_shared>>
      tpu.enqueue_dma source(%dma_start3A_25 : memref<640x64xf32, #tpu.memory_space<vmem_shared>>) target(%dma_start3A_23 : memref<640x64xf32, #tpu.memory_space<hbm>>) target_semaphore(%run_scoped3A : memref<!tpu.dma_semaphore, #tpu.memory_space<semaphore_mem>>)
      %dma_wait3A = arith.constant 0 : i32
      %dma_wait3A_26 = tpu.memref_slice %arg8[%arg0, %multiple_of3A, %dma_wait3A] : memref<2x10240x64xf32, #tpu.memory_space<hbm>> -> memref<1x640x64xf32, #tpu.memory_space<hbm>>
      %dma_wait3A_27 = tpu.memref_squeeze %dma_wait3A_26 : memref<1x640x64xf32, #tpu.memory_space<hbm>> -> memref<640x64xf32, #tpu.memory_space<hbm>>
      %dma_wait3A_28 = arith.constant 0 : i32
      %dma_wait3A_29 = tpu.memref_slice %arg9[%multiple_of3A, %dma_wait3A_28] : memref<10240x64xf32, #tpu.memory_space<vmem_shared>> -> memref<640x64xf32, #tpu.memory_space<vmem_shared>>
      tpu.wait_dma2 semaphore(%run_scoped3A : memref<!tpu.dma_semaphore, #tpu.memory_space<semaphore_mem>>) src(%dma_wait3A_29 : memref<640x64xf32, #tpu.memory_space<vmem_shared>>) dst(%dma_wait3A_27 : memref<640x64xf32, #tpu.memory_space<hbm>>)
      tpu.yield
    }) : () -> ()
    return
  }
}

module attributes {stable_mosaic.version = 14 : i64} {
  func.func @_tc_prep_body(%arg0: memref<10000x128xf32, #tpu.memory_space<vmem>>, %arg1: memref<128xf32, #tpu.memory_space<vmem>>, %arg2: memref<128xf32, #tpu.memory_space<vmem>>, %arg3: memref<64x128xf32, #tpu.memory_space<vmem>>, %arg4: memref<2x10240x16xf32, #tpu.memory_space<vmem>>, %arg5: memref<10240x64xf32, #tpu.memory_space<vmem>>, %arg6: memref<10240x1xf32, #tpu.memory_space<vmem>>) attributes {dimension_semantics = [], scalar_prefetch = 0 : i64, scratch_operands = 0 : i64, tpu.core_type = #tpu.core_type<tc>} {
    %get3A = arith.constant 0 : index
    %get3A_0 = arith.constant 0 : index
    %get3A_1 = vector.load %arg0[%get3A, %get3A_0] : memref<10000x128xf32, #tpu.memory_space<vmem>>, vector<10000x128xf32>
    %get3A_2 = arith.constant 0 : index
    %get3A_3 = vector.load %arg1[%get3A_2] : memref<128xf32, #tpu.memory_space<vmem>>, vector<128xf32>
    %get3A_4 = arith.constant 0 : index
    %get3A_5 = vector.load %arg2[%get3A_4] : memref<128xf32, #tpu.memory_space<vmem>>, vector<128xf32>
    %reduce_sum3A = arith.constant dense<0.000000e+00> : vector<128xf32>
    %reduce_sum3A_6 = vector.multi_reduction <add>, %get3A_1, %reduce_sum3A [0] : vector<10000x128xf32> to vector<128xf32>
    %div3A = arith.constant 1.000000e+04 : f32
    %div3A_7 = vector.broadcast %div3A : f32 to vector<128xf32>
    %div3A_8 = arith.divf %reduce_sum3A_6, %div3A_7 : vector<128xf32>
    %broadcast_in_dim3A = vector.shape_cast %div3A_8 : vector<128xf32> to vector<1x128xf32>
    %sub3A = vector.broadcast %broadcast_in_dim3A : vector<1x128xf32> to vector<10000x128xf32>
    %sub3A_9 = arith.subf %get3A_1, %sub3A : vector<10000x128xf32>
    %integer_pow3A = arith.mulf %sub3A_9, %sub3A_9 : vector<10000x128xf32>
    %reduce_sum3A_10 = arith.constant dense<0.000000e+00> : vector<128xf32>
    %reduce_sum3A_11 = vector.multi_reduction <add>, %integer_pow3A, %reduce_sum3A_10 [0] : vector<10000x128xf32> to vector<128xf32>
    %div3A_12 = arith.constant 1.000000e+04 : f32
    %div3A_13 = vector.broadcast %div3A_12 : f32 to vector<128xf32>
    %div3A_14 = arith.divf %reduce_sum3A_11, %div3A_13 : vector<128xf32>
    %broadcast_in_dim3A_15 = vector.shape_cast %div3A_8 : vector<128xf32> to vector<1x128xf32>
    %sub3A_16 = vector.broadcast %broadcast_in_dim3A_15 : vector<1x128xf32> to vector<10000x128xf32>
    %sub3A_17 = arith.subf %get3A_1, %sub3A_16 : vector<10000x128xf32>
    %add3A = arith.constant 9.99999974E-6 : f32
    %add3A_18 = vector.broadcast %add3A : f32 to vector<128xf32>
    %add3A_19 = arith.addf %div3A_14, %add3A_18 : vector<128xf32>
    %rsqrt3A = math.rsqrt %add3A_19 : vector<128xf32>
    %broadcast_in_dim3A_20 = vector.shape_cast %rsqrt3A : vector<128xf32> to vector<1x128xf32>
    %mul3A = vector.broadcast %broadcast_in_dim3A_20 : vector<1x128xf32> to vector<10000x128xf32>
    %mul3A_21 = arith.mulf %sub3A_17, %mul3A : vector<10000x128xf32>
    %broadcast_in_dim3A_22 = vector.shape_cast %get3A_3 : vector<128xf32> to vector<1x128xf32>
    %mul3A_23 = vector.broadcast %broadcast_in_dim3A_22 : vector<1x128xf32> to vector<10000x128xf32>
    %mul3A_24 = arith.mulf %mul3A_21, %mul3A_23 : vector<10000x128xf32>
    %broadcast_in_dim3A_25 = vector.shape_cast %get3A_5 : vector<128xf32> to vector<1x128xf32>
    %add3A_26 = vector.broadcast %broadcast_in_dim3A_25 : vector<1x128xf32> to vector<10000x128xf32>
    %add3A_27 = arith.addf %mul3A_24, %add3A_26 : vector<10000x128xf32>
    %get3A_28 = arith.constant 0 : index
    %get3A_29 = arith.constant 0 : index
    %get3A_30 = vector.load %arg3[%get3A_28, %get3A_29] : memref<64x128xf32, #tpu.memory_space<vmem>>, vector<64x128xf32>
    %dot_general3A = arith.constant dense<0.000000e+00> : vector<10000x64xf32>
    %dot_general3A_31 = tpu.matmul %add3A_27, %get3A_30, %dot_general3A {dimension_numbers = #tpu.dot_dimension_numbers<[1], [1], [0], [0], [0, 0, 1, 0], [], []>, transpose_lhs_hint = false} : vector<10000x128xf32>, vector<64x128xf32>, vector<10000x64xf32> -> vector<10000x64xf32>
    %get3A_32 = arith.constant 0 : index
    %get3A_33 = arith.constant 0 : index
    %get3A_34 = arith.constant 0 : index
    %get3A_35 = vector.load %arg4[%get3A_32, %get3A_33, %get3A_34] : memref<2x10240x16xf32, #tpu.memory_space<vmem>>, vector<1x10240x1xf32>
    %get3A_36 = vector.shape_cast %get3A_35 : vector<1x10240x1xf32> to vector<10240x1xf32>
    %get3A_37 = arith.constant 1 : index
    %get3A_38 = arith.constant 0 : index
    %get3A_39 = arith.constant 0 : index
    %get3A_40 = vector.load %arg4[%get3A_37, %get3A_38, %get3A_39] : memref<2x10240x16xf32, #tpu.memory_space<vmem>>, vector<1x10240x1xf32>
    %get3A_41 = vector.shape_cast %get3A_40 : vector<1x10240x1xf32> to vector<10240x1xf32>
    %add3A_42 = arith.addf %get3A_36, %get3A_41 : vector<10240x1xf32>
    %add3A_43 = arith.constant 1.000000e+00 : f32
    %add3A_44 = vector.broadcast %add3A_43 : f32 to vector<10240x1xf32>
    %add3A_45 = arith.addf %add3A_42, %add3A_44 : vector<10240x1xf32>
    %rsqrt3A_46 = math.rsqrt %add3A_45 : vector<10240x1xf32>
    %slice3A = vector.extract_strided_slice %rsqrt3A_46 {offsets = [0, 0], sizes = [10000, 1], strides = [1, 1]} : vector<10240x1xf32> to vector<10000x1xf32>
    %mul3A_47 = vector.broadcast %slice3A : vector<10000x1xf32> to vector<10000x64xf32>
    %mul3A_48 = arith.mulf %dot_general3A_31, %mul3A_47 : vector<10000x64xf32>
    %broadcast_in_dim3A_49 = arith.constant 0.000000e+00 : f32
    %broadcast_in_dim3A_50 = vector.broadcast %broadcast_in_dim3A_49 : f32 to vector<240x64xf32>
    %concatenate3A = tpu.concatenate %mul3A_48, %broadcast_in_dim3A_50 in 0 : vector<10000x64xf32>, vector<240x64xf32> -> vector<10240x64xf32>
    %swap3A = arith.constant 0 : index
    %swap3A_51 = arith.constant 0 : index
    %swap3A_52 = vector.load %arg5[%swap3A, %swap3A_51] : memref<10240x64xf32, #tpu.memory_space<vmem>>, vector<10240x64xf32>
    tpu.vector_store %arg5[%swap3A, %swap3A_51], %concatenate3A {strides = array<i32>} : memref<10240x64xf32, #tpu.memory_space<vmem>>, vector<10240x64xf32>,
    %swap3A_53 = arith.constant 0 : index
    %swap3A_54 = arith.constant 0 : index
    %swap3A_55 = vector.load %arg6[%swap3A_53, %swap3A_54] : memref<10240x1xf32, #tpu.memory_space<vmem>>, vector<10240x1xf32>
    tpu.vector_store %arg6[%swap3A_53, %swap3A_54], %rsqrt3A_46 {strides = array<i32>} : memref<10240x1xf32, #tpu.memory_space<vmem>>, vector<10240x1xf32>,
    return
  }
}

module attributes {stable_mosaic.version = 14 : i64} {
  func.func @_tc_mid_body(%arg0: memref<2x10240x64xf32, #tpu.memory_space<vmem>>, %arg1: memref<10240x64xf32, #tpu.memory_space<vmem>>, %arg2: memref<10240x1xf32, #tpu.memory_space<vmem>>, %arg3: memref<64xf32, #tpu.memory_space<vmem>>, %arg4: memref<64xf32, #tpu.memory_space<vmem>>, %arg5: memref<64xf32, #tpu.memory_space<vmem>>, %arg6: memref<64x64xf32, #tpu.memory_space<vmem>>, %arg7: memref<10240x64xf32, #tpu.memory_space<vmem>>) attributes {dimension_semantics = [], scalar_prefetch = 0 : i64, scratch_operands = 0 : i64, tpu.core_type = #tpu.core_type<tc>} {
    %get3A = arith.constant 0 : index
    %get3A_0 = arith.constant 0 : index
    %get3A_1 = vector.load %arg2[%get3A, %get3A_0] : memref<10240x1xf32, #tpu.memory_space<vmem>>, vector<10240x1xf32>
    %get3A_2 = arith.constant 0 : index
    %get3A_3 = arith.constant 0 : index
    %get3A_4 = arith.constant 0 : index
    %get3A_5 = vector.load %arg0[%get3A_2, %get3A_3, %get3A_4] : memref<2x10240x64xf32, #tpu.memory_space<vmem>>, vector<1x10000x64xf32>
    %get3A_6 = vector.shape_cast %get3A_5 : vector<1x10000x64xf32> to vector<10000x64xf32>
    %get3A_7 = arith.constant 1 : index
    %get3A_8 = arith.constant 0 : index
    %get3A_9 = arith.constant 0 : index
    %get3A_10 = vector.load %arg0[%get3A_7, %get3A_8, %get3A_9] : memref<2x10240x64xf32, #tpu.memory_space<vmem>>, vector<1x10000x64xf32>
    %get3A_11 = vector.shape_cast %get3A_10 : vector<1x10000x64xf32> to vector<10000x64xf32>
    %add3A = arith.addf %get3A_6, %get3A_11 : vector<10000x64xf32>
    %get3A_12 = arith.constant 0 : index
    %get3A_13 = arith.constant 0 : index
    %get3A_14 = vector.load %arg1[%get3A_12, %get3A_13] : memref<10240x64xf32, #tpu.memory_space<vmem>>, vector<10000x64xf32>
    %add3A_15 = arith.addf %add3A, %get3A_14 : vector<10000x64xf32>
    %slice3A = vector.extract_strided_slice %get3A_1 {offsets = [0, 0], sizes = [10000, 1], strides = [1, 1]} : vector<10240x1xf32> to vector<10000x1xf32>
    %mul3A = vector.broadcast %slice3A : vector<10000x1xf32> to vector<10000x64xf32>
    %mul3A_16 = arith.mulf %add3A_15, %mul3A : vector<10000x64xf32>
    %get3A_17 = arith.constant 0 : index
    %get3A_18 = vector.load %arg3[%get3A_17] : memref<64xf32, #tpu.memory_space<vmem>>, vector<64xf32>
    %broadcast_in_dim3A = vector.shape_cast %get3A_18 : vector<64xf32> to vector<1x64xf32>
    %add3A_19 = vector.broadcast %broadcast_in_dim3A : vector<1x64xf32> to vector<10000x64xf32>
    %add3A_20 = arith.addf %mul3A_16, %add3A_19 : vector<10000x64xf32>
    %get3A_21 = arith.constant 0 : index
    %get3A_22 = vector.load %arg4[%get3A_21] : memref<64xf32, #tpu.memory_space<vmem>>, vector<64xf32>
    %get3A_23 = arith.constant 0 : index
    %get3A_24 = vector.load %arg5[%get3A_23] : memref<64xf32, #tpu.memory_space<vmem>>, vector<64xf32>
    %reduce_sum3A = arith.constant dense<0.000000e+00> : vector<64xf32>
    %reduce_sum3A_25 = vector.multi_reduction <add>, %add3A_20, %reduce_sum3A [0] : vector<10000x64xf32> to vector<64xf32>
    %div3A = arith.constant 1.000000e+04 : f32
    %div3A_26 = vector.broadcast %div3A : f32 to vector<64xf32>
    %div3A_27 = arith.divf %reduce_sum3A_25, %div3A_26 : vector<64xf32>
    %broadcast_in_dim3A_28 = vector.shape_cast %div3A_27 : vector<64xf32> to vector<1x64xf32>
    %sub3A = vector.broadcast %broadcast_in_dim3A_28 : vector<1x64xf32> to vector<10000x64xf32>
    %sub3A_29 = arith.subf %add3A_20, %sub3A : vector<10000x64xf32>
    %integer_pow3A = arith.mulf %sub3A_29, %sub3A_29 : vector<10000x64xf32>
    %reduce_sum3A_30 = arith.constant dense<0.000000e+00> : vector<64xf32>
    %reduce_sum3A_31 = vector.multi_reduction <add>, %integer_pow3A, %reduce_sum3A_30 [0] : vector<10000x64xf32> to vector<64xf32>
    %div3A_32 = arith.constant 1.000000e+04 : f32
    %div3A_33 = vector.broadcast %div3A_32 : f32 to vector<64xf32>
    %div3A_34 = arith.divf %reduce_sum3A_31, %div3A_33 : vector<64xf32>
    %broadcast_in_dim3A_35 = vector.shape_cast %div3A_27 : vector<64xf32> to vector<1x64xf32>
    %sub3A_36 = vector.broadcast %broadcast_in_dim3A_35 : vector<1x64xf32> to vector<10000x64xf32>
    %sub3A_37 = arith.subf %add3A_20, %sub3A_36 : vector<10000x64xf32>
    %add3A_38 = arith.constant 9.99999974E-6 : f32
    %add3A_39 = vector.broadcast %add3A_38 : f32 to vector<64xf32>
    %add3A_40 = arith.addf %div3A_34, %add3A_39 : vector<64xf32>
    %rsqrt3A = math.rsqrt %add3A_40 : vector<64xf32>
    %broadcast_in_dim3A_41 = vector.shape_cast %rsqrt3A : vector<64xf32> to vector<1x64xf32>
    %mul3A_42 = vector.broadcast %broadcast_in_dim3A_41 : vector<1x64xf32> to vector<10000x64xf32>
    %mul3A_43 = arith.mulf %sub3A_37, %mul3A_42 : vector<10000x64xf32>
    %broadcast_in_dim3A_44 = vector.shape_cast %get3A_22 : vector<64xf32> to vector<1x64xf32>
    %mul3A_45 = vector.broadcast %broadcast_in_dim3A_44 : vector<1x64xf32> to vector<10000x64xf32>
    %mul3A_46 = arith.mulf %mul3A_43, %mul3A_45 : vector<10000x64xf32>
    %broadcast_in_dim3A_47 = vector.shape_cast %get3A_24 : vector<64xf32> to vector<1x64xf32>
    %add3A_48 = vector.broadcast %broadcast_in_dim3A_47 : vector<1x64xf32> to vector<10000x64xf32>
    %add3A_49 = arith.addf %mul3A_46, %add3A_48 : vector<10000x64xf32>
    %max3A = arith.constant 0.000000e+00 : f32
    %max3A_50 = vector.broadcast %max3A : f32 to vector<10000x64xf32>
    %max3A_51 = arith.maximumf %add3A_49, %max3A_50 : vector<10000x64xf32>
    %get3A_52 = arith.constant 0 : index
    %get3A_53 = arith.constant 0 : index
    %get3A_54 = vector.load %arg6[%get3A_52, %get3A_53] : memref<64x64xf32, #tpu.memory_space<vmem>>, vector<64x64xf32>
    %dot_general3A = arith.constant dense<0.000000e+00> : vector<10000x64xf32>
    %dot_general3A_55 = tpu.matmul %max3A_51, %get3A_54, %dot_general3A {dimension_numbers = #tpu.dot_dimension_numbers<[1], [1], [0], [0], [0, 0, 1, 0], [], []>, transpose_lhs_hint = false} : vector<10000x64xf32>, vector<64x64xf32>, vector<10000x64xf32> -> vector<10000x64xf32>
    %slice3A_56 = vector.extract_strided_slice %get3A_1 {offsets = [0, 0], sizes = [10000, 1], strides = [1, 1]} : vector<10240x1xf32> to vector<10000x1xf32>
    %mul3A_57 = vector.broadcast %slice3A_56 : vector<10000x1xf32> to vector<10000x64xf32>
    %mul3A_58 = arith.mulf %dot_general3A_55, %mul3A_57 : vector<10000x64xf32>
    %broadcast_in_dim3A_59 = arith.constant 0.000000e+00 : f32
    %broadcast_in_dim3A_60 = vector.broadcast %broadcast_in_dim3A_59 : f32 to vector<240x64xf32>
    %concatenate3A = tpu.concatenate %mul3A_58, %broadcast_in_dim3A_60 in 0 : vector<10000x64xf32>, vector<240x64xf32> -> vector<10240x64xf32>
    %swap3A = arith.constant 0 : index
    %swap3A_61 = arith.constant 0 : index
    %swap3A_62 = vector.load %arg7[%swap3A, %swap3A_61] : memref<10240x64xf32, #tpu.memory_space<vmem>>, vector<10240x64xf32>
    tpu.vector_store %arg7[%swap3A, %swap3A_61], %concatenate3A {strides = array<i32>} : memref<10240x64xf32, #tpu.memory_space<vmem>>, vector<10240x64xf32>,
    return
  }
}

module attributes {stable_mosaic.version = 14 : i64} {
  func.func @_tc_final_body(%arg0: memref<2x10240x64xf32, #tpu.memory_space<vmem>>, %arg1: memref<10240x64xf32, #tpu.memory_space<vmem>>, %arg2: memref<10240x1xf32, #tpu.memory_space<vmem>>, %arg3: memref<64xf32, #tpu.memory_space<vmem>>, %arg4: memref<64xf32, #tpu.memory_space<vmem>>, %arg5: memref<64xf32, #tpu.memory_space<vmem>>, %arg6: memref<10000x1xi32, #tpu.memory_space<vmem>>, %arg7: memref<64x64xf32, #tpu.memory_space<vmem>>, %arg8: memref<64xf32, #tpu.memory_space<vmem>>, %arg9: memref<2x64xf32, #tpu.memory_space<vmem>>, %arg10: memref<2xf32, #tpu.memory_space<vmem>>, %arg11: memref<16x2xf32, #tpu.memory_space<vmem>>) attributes {dimension_semantics = [], scalar_prefetch = 0 : i64, scratch_operands = 0 : i64, tpu.core_type = #tpu.core_type<tc>} {
    %get3A = arith.constant 0 : index
    %get3A_0 = arith.constant 0 : index
    %get3A_1 = vector.load %arg2[%get3A, %get3A_0] : memref<10240x1xf32, #tpu.memory_space<vmem>>, vector<10240x1xf32>
    %get3A_2 = arith.constant 0 : index
    %get3A_3 = arith.constant 0 : index
    %get3A_4 = arith.constant 0 : index
    %get3A_5 = vector.load %arg0[%get3A_2, %get3A_3, %get3A_4] : memref<2x10240x64xf32, #tpu.memory_space<vmem>>, vector<1x10000x64xf32>
    %get3A_6 = vector.shape_cast %get3A_5 : vector<1x10000x64xf32> to vector<10000x64xf32>
    %get3A_7 = arith.constant 1 : index
    %get3A_8 = arith.constant 0 : index
    %get3A_9 = arith.constant 0 : index
    %get3A_10 = vector.load %arg0[%get3A_7, %get3A_8, %get3A_9] : memref<2x10240x64xf32, #tpu.memory_space<vmem>>, vector<1x10000x64xf32>
    %get3A_11 = vector.shape_cast %get3A_10 : vector<1x10000x64xf32> to vector<10000x64xf32>
    %add3A = arith.addf %get3A_6, %get3A_11 : vector<10000x64xf32>
    %get3A_12 = arith.constant 0 : index
    %get3A_13 = arith.constant 0 : index
    %get3A_14 = vector.load %arg1[%get3A_12, %get3A_13] : memref<10240x64xf32, #tpu.memory_space<vmem>>, vector<10000x64xf32>
    %add3A_15 = arith.addf %add3A, %get3A_14 : vector<10000x64xf32>
    %slice3A = vector.extract_strided_slice %get3A_1 {offsets = [0, 0], sizes = [10000, 1], strides = [1, 1]} : vector<10240x1xf32> to vector<10000x1xf32>
    %mul3A = vector.broadcast %slice3A : vector<10000x1xf32> to vector<10000x64xf32>
    %mul3A_16 = arith.mulf %add3A_15, %mul3A : vector<10000x64xf32>
    %get3A_17 = arith.constant 0 : index
    %get3A_18 = vector.load %arg3[%get3A_17] : memref<64xf32, #tpu.memory_space<vmem>>, vector<64xf32>
    %broadcast_in_dim3A = vector.shape_cast %get3A_18 : vector<64xf32> to vector<1x64xf32>
    %add3A_19 = vector.broadcast %broadcast_in_dim3A : vector<1x64xf32> to vector<10000x64xf32>
    %add3A_20 = arith.addf %mul3A_16, %add3A_19 : vector<10000x64xf32>
    %get3A_21 = arith.constant 0 : index
    %get3A_22 = vector.load %arg4[%get3A_21] : memref<64xf32, #tpu.memory_space<vmem>>, vector<64xf32>
    %get3A_23 = arith.constant 0 : index
    %get3A_24 = vector.load %arg5[%get3A_23] : memref<64xf32, #tpu.memory_space<vmem>>, vector<64xf32>
    %reduce_sum3A = arith.constant dense<0.000000e+00> : vector<64xf32>
    %reduce_sum3A_25 = vector.multi_reduction <add>, %add3A_20, %reduce_sum3A [0] : vector<10000x64xf32> to vector<64xf32>
    %div3A = arith.constant 1.000000e+04 : f32
    %div3A_26 = vector.broadcast %div3A : f32 to vector<64xf32>
    %div3A_27 = arith.divf %reduce_sum3A_25, %div3A_26 : vector<64xf32>
    %broadcast_in_dim3A_28 = vector.shape_cast %div3A_27 : vector<64xf32> to vector<1x64xf32>
    %sub3A = vector.broadcast %broadcast_in_dim3A_28 : vector<1x64xf32> to vector<10000x64xf32>
    %sub3A_29 = arith.subf %add3A_20, %sub3A : vector<10000x64xf32>
    %integer_pow3A = arith.mulf %sub3A_29, %sub3A_29 : vector<10000x64xf32>
    %reduce_sum3A_30 = arith.constant dense<0.000000e+00> : vector<64xf32>
    %reduce_sum3A_31 = vector.multi_reduction <add>, %integer_pow3A, %reduce_sum3A_30 [0] : vector<10000x64xf32> to vector<64xf32>
    %div3A_32 = arith.constant 1.000000e+04 : f32
    %div3A_33 = vector.broadcast %div3A_32 : f32 to vector<64xf32>
    %div3A_34 = arith.divf %reduce_sum3A_31, %div3A_33 : vector<64xf32>
    %broadcast_in_dim3A_35 = vector.shape_cast %div3A_27 : vector<64xf32> to vector<1x64xf32>
    %sub3A_36 = vector.broadcast %broadcast_in_dim3A_35 : vector<1x64xf32> to vector<10000x64xf32>
    %sub3A_37 = arith.subf %add3A_20, %sub3A_36 : vector<10000x64xf32>
    %add3A_38 = arith.constant 9.99999974E-6 : f32
    %add3A_39 = vector.broadcast %add3A_38 : f32 to vector<64xf32>
    %add3A_40 = arith.addf %div3A_34, %add3A_39 : vector<64xf32>
    %rsqrt3A = math.rsqrt %add3A_40 : vector<64xf32>
    %broadcast_in_dim3A_41 = vector.shape_cast %rsqrt3A : vector<64xf32> to vector<1x64xf32>
    %mul3A_42 = vector.broadcast %broadcast_in_dim3A_41 : vector<1x64xf32> to vector<10000x64xf32>
    %mul3A_43 = arith.mulf %sub3A_37, %mul3A_42 : vector<10000x64xf32>
    %broadcast_in_dim3A_44 = vector.shape_cast %get3A_22 : vector<64xf32> to vector<1x64xf32>
    %mul3A_45 = vector.broadcast %broadcast_in_dim3A_44 : vector<1x64xf32> to vector<10000x64xf32>
    %mul3A_46 = arith.mulf %mul3A_43, %mul3A_45 : vector<10000x64xf32>
    %broadcast_in_dim3A_47 = vector.shape_cast %get3A_24 : vector<64xf32> to vector<1x64xf32>
    %add3A_48 = vector.broadcast %broadcast_in_dim3A_47 : vector<1x64xf32> to vector<10000x64xf32>
    %add3A_49 = arith.addf %mul3A_46, %add3A_48 : vector<10000x64xf32>
    %max3A = arith.constant 0.000000e+00 : f32
    %max3A_50 = vector.broadcast %max3A : f32 to vector<10000x64xf32>
    %max3A_51 = arith.maximumf %add3A_49, %max3A_50 : vector<10000x64xf32>
    %get3A_52 = arith.constant 0 : index
    %get3A_53 = arith.constant 0 : index
    %get3A_54 = vector.load %arg6[%get3A_52, %get3A_53] : memref<10000x1xi32, #tpu.memory_space<vmem>>, vector<10000x1xi32>
    %iota3A = tpu.iota {dimensions = array<i32: 1>} : vector<1x16xi32>
    %eq3A = vector.broadcast %get3A_54 : vector<10000x1xi32> to vector<10000x16xi32>
    %eq3A_55 = vector.broadcast %iota3A : vector<1x16xi32> to vector<10000x16xi32>
    %eq3A_56 = arith.cmpi eq, %eq3A, %eq3A_55 : vector<10000x16xi32>
    %convert_element_type3A = arith.extui %eq3A_56 : vector<10000x16xi1> to vector<10000x16xi32>
    %convert_element_type3A_57 = arith.sitofp %convert_element_type3A : vector<10000x16xi32> to vector<10000x16xf32>
    %dot_general3A = arith.constant dense<0.000000e+00> : vector<16x64xf32>
    %dot_general3A_58 = tpu.matmul %convert_element_type3A_57, %max3A_51, %dot_general3A {dimension_numbers = #tpu.dot_dimension_numbers<[0], [0], [1], [1], [0, 1, 1, 1], [], []>, precision = #tpu.contract_precision<fp32>, transpose_lhs_hint = false} : vector<10000x16xf32>, vector<10000x64xf32>, vector<16x64xf32> -> vector<16x64xf32>
    %reduce_sum3A_59 = arith.constant dense<0.000000e+00> : vector<16xf32>
    %reduce_sum3A_60 = vector.multi_reduction <add>, %convert_element_type3A_57, %reduce_sum3A_59 [0] : vector<10000x16xf32> to vector<16xf32>
    %broadcast_in_dim3A_61 = vector.shape_cast %reduce_sum3A_60 : vector<16xf32> to vector<16x1xf32>
    %max3A_62 = arith.constant 1.000000e+00 : f32
    %max3A_63 = vector.broadcast %max3A_62 : f32 to vector<16x1xf32>
    %max3A_64 = arith.maximumf %broadcast_in_dim3A_61, %max3A_63 : vector<16x1xf32>
    %div3A_65 = vector.broadcast %max3A_64 : vector<16x1xf32> to vector<16x64xf32>
    %div3A_66 = arith.divf %dot_general3A_58, %div3A_65 : vector<16x64xf32>
    %get3A_67 = arith.constant 0 : index
    %get3A_68 = arith.constant 0 : index
    %get3A_69 = vector.load %arg7[%get3A_67, %get3A_68] : memref<64x64xf32, #tpu.memory_space<vmem>>, vector<64x64xf32>
    %dot_general3A_70 = arith.constant dense<0.000000e+00> : vector<16x64xf32>
    %dot_general3A_71 = tpu.matmul %div3A_66, %get3A_69, %dot_general3A_70 {dimension_numbers = #tpu.dot_dimension_numbers<[1], [1], [0], [0], [0, 0, 1, 0], [], []>, transpose_lhs_hint = false} : vector<16x64xf32>, vector<64x64xf32>, vector<16x64xf32> -> vector<16x64xf32>
    %get3A_72 = arith.constant 0 : index
    %get3A_73 = vector.load %arg8[%get3A_72] : memref<64xf32, #tpu.memory_space<vmem>>, vector<64xf32>
    %broadcast_in_dim3A_74 = vector.shape_cast %get3A_73 : vector<64xf32> to vector<1x64xf32>
    %add3A_75 = vector.broadcast %broadcast_in_dim3A_74 : vector<1x64xf32> to vector<16x64xf32>
    %add3A_76 = arith.addf %dot_general3A_71, %add3A_75 : vector<16x64xf32>
    %max3A_77 = arith.constant 0.000000e+00 : f32
    %max3A_78 = vector.broadcast %max3A_77 : f32 to vector<16x64xf32>
    %max3A_79 = arith.maximumf %add3A_76, %max3A_78 : vector<16x64xf32>
    %get3A_80 = arith.constant 0 : index
    %get3A_81 = arith.constant 0 : index
    %get3A_82 = vector.load %arg9[%get3A_80, %get3A_81] : memref<2x64xf32, #tpu.memory_space<vmem>>, vector<2x64xf32>
    %dot_general3A_83 = arith.constant dense<0.000000e+00> : vector<16x2xf32>
    %dot_general3A_84 = tpu.matmul %max3A_79, %get3A_82, %dot_general3A_83 {dimension_numbers = #tpu.dot_dimension_numbers<[1], [1], [0], [0], [0, 0, 1, 0], [], []>, transpose_lhs_hint = false} : vector<16x64xf32>, vector<2x64xf32>, vector<16x2xf32> -> vector<16x2xf32>
    %get3A_85 = arith.constant 0 : index
    %get3A_86 = vector.load %arg10[%get3A_85] : memref<2xf32, #tpu.memory_space<vmem>>, vector<2xf32>
    %broadcast_in_dim3A_87 = vector.shape_cast %get3A_86 : vector<2xf32> to vector<1x2xf32>
    %add3A_88 = vector.broadcast %broadcast_in_dim3A_87 : vector<1x2xf32> to vector<16x2xf32>
    %add3A_89 = arith.addf %dot_general3A_84, %add3A_88 : vector<16x2xf32>
    %swap3A = arith.constant 0 : index
    %swap3A_90 = arith.constant 0 : index
    %swap3A_91 = vector.load %arg11[%swap3A, %swap3A_90] : memref<16x2xf32, #tpu.memory_space<vmem>>, vector<16x2xf32>
    tpu.vector_store %arg11[%swap3A, %swap3A_90], %add3A_89 {strides = array<i32>} : memref<16x2xf32, #tpu.memory_space<vmem>>, vector<16x2xf32>,
    return
  }
}

</mosaic_0001>

<sc_bundles>
// kernel: kernel.10.cloned.1.call-start
scs
__scs_entry_jumppad:
0x0: {  	(pc) =	sbr.rel $0x88, $3  }
0x1: {  	(tag) =	ssettag $0x0;
	lr =	simm.s32 $0x1  }
0x2: {  	[smem:$0x3F8C] =	sst lr;
	_ =	strace $0xD0000000  }
0x3: {  	_ = 	snop  }
0x4: {  	_ = 	snop  }
0x5: {  	_ = 	snop  }
0x6: {  	_ = 	snop  }
0x7: {  	_ = 	snop  }
__scs_overlays_trampoline_lowered:
0x8: {  	[smem:$0x3F9B] =	sst s0  }
0x9: {  	[smem:$0x3F9C] =	sst s1  }
0xa: {  	[smem:$0x3F9D] =	sst s2  }
0xb: {  	[smem:$0x3F9E] =	sst s3  }
0xc: {  	[smem:$0x3F9F] =	sst s4  }
0xd: {  	[smem:$0x3FA0] =	sst s5  }
0xe: {  	[smem:$0x3FA1] =	sst s6  }
0xf: {  	[smem:$0x3FA2] =	sst s7  }
0x10: {  	[smem:$0x3FA3] =	sst s8  }
0x11: {  	[smem:$0x3FA4] =	sst s9;
	s0 =	simm.s32 @!p0 $0x0  }
0x12: {  	s1 =	sld [smem:$0x3F8A];
	s0 =	simm.s32 @p0 $0x1  }
0x13: {  	[smem:$0x3FA5] =	sst s0;
	s0 =	simm.s32 @!p1 $0x0  }
0x14: {  	s2 =	sld [smem:$0x3F89];
	s0 =	simm.s32 @p1 $0x1  }
0x15: {  	[smem:$0x3FA6] =	sst s0;
	s0 =	simm.s32 @!p2 $0x0  }
0x16: {  	s3 =	sld [smem:$0x3FDB];
	s0 =	simm.s32 @p2 $0x1  }
0x17: {  	s4 =	simm.s32 $0x1BF5;
	[smem:$0x3FA8] =	sst s0  }
0x18: {  	s0 =	sld [smem:$0x3F8B];
	_ =	swait.ge [sflag:s4], $0x0  }
0x19: {  	s7 =	sld [smem:$0x3F8C]  }
0x1a: {  	s8 =	sadd.s32 $0xFFFFE003, lr  }
0x1b: {  	s9 =	sadd.s32 $0xFFFFFEF7, lr;
	s5 =	simm.s32 $0xFFFFFFFF;
	p2 =	slt.u32 s8, $0xFFFFF086  }
0x1c: {  	p1 =	slt.u32 s9, $0xF7A;
	s5 =	simm.s32 @!p2 $0x0  }
0x1d: {  	s5 =	simm.s32 @p1 $0x1;
	p0 =	seq.s32 s7, s2  }
0x1e: {  	s7 =	smul.u32 @!p0 $0xF7A, s2;
	p2 =	seq.s32 @!p0 s5, $0x0  }
0x1f: {  	s9 =	smul.u32 $0xF7A, s1;
	s8 =	simm.s32 @!p0 $0x1BF5;
	p2 =	por !p2, p0  }
0x20: {  	[sflag:s8] =	ssyncset.s32 @!p0 $0xFFFFF086;
	s6 =	sadd.s32 @!p0 s3, s7;
	s7 =	simm.s32 @!p0 $0x108  }
0x21: {  	s3 =	sadd.s32 s3, s9;
	s6 =	sadd.s32 @!p0 $0x88, s6;
	s7 =	simm.s32 @p2 $0x1082  }
0x22: {  	[simem:s7], [sflag:s8] =	dma.local @!p0 [hbm:s6], $0xF7A  }
0x23: {  	s9 =	sor.u32 $0xD0000000, s2;
	s6 =	simm.s32 $0x108;
	_ =	swait.ge @!p0 [sflag:s8], $0x0  }
0x24: {  	s3 =	sadd.s32 $0x88, s3;
	s6 =	simm.s32 @!p1 $0x1082;
	[sflag:s4] =	ssyncset.s32 $0xFFFFF086  }
0x25: {  	[simem:s6], [sflag:s4] =	dma.local [hbm:s3], $0xF7A  }
0x26: {  	[smem:$0x3F8C] =	sst s1;
	(tag) =	ssettag s2;
	_ =	strace s9  }
0x27: {  	s1 =	sld [smem:$0x3F9C]  }
0x28: {  	s2 =	sld [smem:$0x3F9D]  }
0x29: {  	s4 =	sld [smem:$0x3F9F]  }
0x2a: {  	p0 =	seq.s32 s5, $0x0;
	s5 =	sld [smem:$0x3FA0]  }
0x2b: {  	s6 =	sld [smem:$0x3FA1]  }
0x2c: {  	s7 =	sld [smem:$0x3FA2]  }
0x2d: {  	s3 =	simm.s32 $0x108;
	s8 =	sld [smem:$0x3FA3]  }
0x2e: {  	s3 =	simm.s32 @!p0 $0x1082;
	s9 =	sld [smem:$0x3FA4]  }
0x2f: {  	lr =	sadd.s32 s0, s3;
	s0 =	sld [smem:$0x3F9B]  }
0x30: {  	s3 =	sld [smem:$0x3F9E]  }
0x31: {  	[smem:$0x3FA7] =	sst s10  }
0x32: {  	s10 =	sld [smem:$0x3FA5];
	_ =	sdelay $0x3  }
0x33: {  	p0 =	seq.s32 s10, $0x1;
	s10 =	sld [smem:$0x3FA7];
	_ =	sdelay $0x3  }
0x34: {  	[smem:$0x3FA7] =	sst s10  }
0x35: {  	s10 =	sld [smem:$0x3FA6];
	_ =	sdelay $0x3  }
0x36: {  	p1 =	seq.s32 s10, $0x1;
	s10 =	sld [smem:$0x3FA7];
	_ =	sdelay $0x3  }
0x37: {  	[smem:$0x3FA7] =	sst s10  }
0x38: {  	s10 =	sld [smem:$0x3FA8]  }
0x39: {  	_ = 	snop;
	(pc) =	sbr.ind lr, $3  }
0x3a: {  	_ = 	snop  }
0x3b: {  	_ = 	snop  }
0x3c: {  	p2 =	seq.s32 s10, $0x1;
	s10 =	sld [smem:$0x3FA7]  }
0x3d: {  	_ =	shalt  }
0x3e: {  	_ =	shalt  }
0x3f: {  	_ =	shalt  }
0x40: {  	_ =	shalt  }
0x41: {  	_ =	shalt  }
0x42: {  	_ =	shalt  }
0x43: {  	_ =	shalt  }
0x44: {  	_ =	shalt  }
0x45: {  	_ =	shalt  }
0x46: {  	_ =	shalt  }
0x47: {  	_ =	shalt  }
0x48: {  	_ =	shalt  }
0x49: {  	_ =	shalt  }
0x4a: {  	_ =	shalt  }
0x4b: {  	_ =	shalt  }
0x4c: {  	_ =	shalt  }
0x4d: {  	_ =	shalt  }
0x4e: {  	_ =	shalt  }
0x4f: {  	_ =	shalt  }
0x50: {  	_ =	shalt  }
0x51: {  	_ =	shalt  }
0x52: {  	_ =	shalt  }
0x53: {  	_ =	shalt  }
0x54: {  	_ =	shalt  }
0x55: {  	_ =	shalt  }
0x56: {  	_ =	shalt  }
0x57: {  	_ =	shalt  }
0x58: {  	_ =	shalt  }
0x59: {  	_ =	shalt  }
0x5a: {  	_ =	shalt  }
0x5b: {  	_ =	shalt  }
0x5c: {  	_ =	shalt  }
0x5d: {  	_ =	shalt  }
0x5e: {  	_ =	shalt  }
0x5f: {  	_ =	shalt  }
0x60: {  	_ =	shalt  }
0x61: {  	_ =	shalt  }
0x62: {  	_ =	shalt  }
0x63: {  	_ =	shalt  }
0x64: {  	_ =	shalt  }
0x65: {  	_ =	shalt  }
0x66: {  	_ =	shalt  }
0x67: {  	_ =	shalt  }
0x68: {  	_ =	shalt  }
0x69: {  	_ =	shalt  }
0x6a: {  	_ =	shalt  }
0x6b: {  	_ =	shalt  }
0x6c: {  	_ =	shalt  }
0x6d: {  	_ =	shalt  }
0x6e: {  	_ =	shalt  }
0x6f: {  	_ =	shalt  }
0x70: {  	_ =	shalt  }
0x71: {  	_ =	shalt  }
0x72: {  	_ =	shalt  }
0x73: {  	_ =	shalt  }
0x74: {  	_ =	shalt  }
0x75: {  	_ =	shalt  }
0x76: {  	_ =	shalt  }
0x77: {  	_ =	shalt  }
0x78: {  	_ =	shalt  }
0x79: {  	_ =	shalt  }
0x7a: {  	_ =	shalt  }
0x7b: {  	_ =	shalt  }
0x7c: {  	_ =	shalt  }
0x7d: {  	_ =	shalt  }
0x7e: {  	_ =	shalt  }
0x7f: {  	_ =	shalt  }
0x80: {  	_ =	shalt  }
0x81: {  	_ =	shalt  }
0x82: {  	_ =	shalt  }
0x83: {  	_ =	shalt  }
0x84: {  	_ =	shalt  }
0x85: {  	_ =	shalt  }
0x86: {  	_ =	shalt  }
0x87: {  	_ =	shalt  }
.Lfunc_end0:
.L_simem_size_0:
called_computation_lowered:
.L_overlay_start_0:
0x88: {  	s2 =	sld [smem:$0x3FD9]  }
0x89: {  	s3 =	sld [smem:$0x3FFE];
	_ =	sdelay $0x1  }
0x8a: {  	s1 =	srdreg.scid  }
0x8b: {  	s0 =	sand.u32 $0x1, s1  }
0x8c: {  	s16 =	sshll.u32 s0, $0xA;
	s2 =	sadd.s32 s3, s2  }
0x8d: {  	s2 =	sadd.s32 s2, s16  }
0x8e: {  	[smem:$0x3FB3] =	sst s2  }
0x8f: {  	_ = 	snop  }
0x90: {  	(tm) =	ssettm $0x1  }
0x91: {  	s17 =	sld [smem:$0x3FFB];
	_ =	sdelay $0x3  }
0x92: {  	_ =	strace s17  }
0x93: {  	s2 =	sld [smem:$0x3FFC];
	_ =	sdelay $0x3  }
0x94: {  	_ =	strace s2  }
0x95: {  	s2 =	sld [smem:$0x3FFD];
	_ =	sdelay $0x3  }
0x96: {  	_ =	strace s2  }
0x97: {  	_ =	strace $0x8FFFFFFF  }
0x98: {  	s18 =	sld [smem:$0x3FDB];
	_ =	sdelay $0x1  }
0x99: {  	s19 =	simm.s32 $_scs_section_size  }
0x9a: {  	s4 =	simm.s32 $_size__tile_overlayer_lowered;
	s5 =	simm.s32 $_tile_overlayer_lowered  }
0x9b: {  	s22 =	simm.s32 $0x1BFF;
	s21 =	sshll.u32 s5, $0x1;
	s2 =	sadd.s32 s19, s18  }
0x9c: {  	s6 =	simm.s32 $0x0;
	s20 =	sshll.u32 s4, $0x1;
	s4 =	sadd.s32 s21, s2  }
0x9d: {  	[timem:s6], [sflag:s22] =	dma.local [hbm:s4], s20  }
0x9e: {  	_ =	swait.ge [sflag:s22], s20  }
0x9f: {  	s3 =	ssub.s32 $0x0, s20;
	[sflag:s22] =	ssyncset.done $0x0  }
0xa0: {  	[sflag:s22] =	ssyncadd.s32 s3;
	_ =	sdelay $0x1  }
0xa1: {  	s23 =	simm.s32 $0x1B8B  }
0xa2: {  	_ =	swait.ge [sflag:s23], $0x1  }
0xa3: {  	[sflag:s23] =	ssyncset.done $0x0  }
0xa4: {  	s25 =	simm.s32 $0x1B8E;
	s24 =	sld [smem:$0x3FFE];
	[sflag:s23] =	ssyncadd.s32 $0xFFFFFFFF  }
0xa5: {  	s26 =	simm.s32 $execute0_lowered;
	[smem:$0x3FD2] =	sst s25  }
0xa6: {  	s4 =	sshll.u32 s26, $0x1;
	_ =	strace $0x80000046;
	[dreg:$0x1] =	wrdreg $0xFFFFFFFF  }
0xa7: {  	s28 =	simm.s32 $_size_execute0_lowered;
	s2 =	sadd.s32 s2, s4;
	[dreg:$0x0] =	wrdreg $0x0  }
0xa8: {  	s4 =	sshll.u32 s28, $0x1;
	[dreg:$0x2] =	wrdreg s2  }
0xa9: {  	[dreg:$0x3] =	wrdreg s4  }
0xaa: {  	[dreg:$0x4] =	wrdreg $0xC0  }
0xab: {  	_ =	task [dreg:s6], $0x5FFFF  }
0xac: {  	[dreg:$0x1] =	wrdreg $0xFFFFFFFF  }
0xad: {  	[dreg:$0x0] =	wrdreg $0x60  }
0xae: {  	[dreg:$0x2] =	wrdreg s24  }
0xaf: {  	[dreg:$0x3] =	wrdreg $0x0  }
0xb0: {  	[dreg:$0x4] =	wrdreg $0x9  }
0xb1: {  	_ =	task.clear_ibuf [dreg:s6], $0x5FFFF;
	_ =	strace $0x90000046  }
0xb2: {  	s29 =	simm.s32 $0x9;
	_ =	strace $0x80000048  }
0xb3: {  	_ =	swait.ge [sflag:s29], $0x1  }
0xb4: {  	[sflag:s29] =	ssyncadd.s32 $0xFFFFFFFF  }
0xb5: {  	_ =	strace $0x90000048  }
0xb6: {  	_ =	sfence  }
0xb7: {  	s30 =	sld [smem:$0x0];
	_ =	sdelay $0x2  }
0xb8: {  	s31 =	sshll.u32 s1, $0xD;
	s1 =	sshrl.u32 s1, $0x2  }
0xb9: {  	s3 =	sand.u32 $0x4000, s31;
	s1 =	sadd.s32 s1, s30  }
0xba: {  	s0 =	sor.u32 s3, s0;
	s1 =	sshll.u32 s1, $0x11  }
0xbb: {  	s0 =	sor.u32 s1, s0  }
0xbc: {  	s0 =	sadd.s32 $0x8F2B, s0  }
0xbd: {  	[sflag:s0] =	ssyncadd.remote.s32 $0x1  }
0xbe: {  	_ =	sfence.sel $0xFFFF  }
0xbf: {  	[dreg:$0x0] =	wrdreg $0xFFFFFFFF;
	(pc) =	sbr.abs _section_cstart, $3  }
0xc0: {  	[dreg:$0x1] =	wrdreg $0xFFFFFFFF  }
0xc1: {  	_ =	task.clear_ibuf [dreg:s6], $0x2FFFF;
	_ =	strace $0x9FFFFFFF  }
0xc2: {  	(tm) =	ssettm $0x7FFFFFFF  }
0xc3: {  	_ =	shalt  }
tec
execute0_lowered:
.L_overlay_start_1:
0x0: {  	(tag) =	ssettag $0x1  }
0x1: {  	s5 =	rddreg [dreg:$0x0]  }
0x2: {  	s2 =	rddreg [dreg:$0x1]  }
0x3: {  	s0 =	rddreg [dreg:$0x2]  }
0x4: {  	s1 =	stileid.u32;
	s6 =	srdreg.scid;
	s3 =	simm.s32 $0x0  }
0x5: {  	s14 =	simm.s32 $0x2800;
	s15 =	simm.s32 $0x80;
	s4 =	smul.u32 $0x500, s1  }
0x6: {  	s16 =	simm.s32 $0x1;
	s17 =	simm.s32 $0x0;
	s7 =	smul.u32 $0x2800, s1  }
0x7: {  	s8 =	sand.u32 $0x1, s6;
	[smem:$0x7FF] =	sst s3;
	s30 =	sshll.u32 s1, $0x6  }
0x8: {  	s6 =	smul.u32 $0x28000, s8;
	_ =	strace $0x80000047;
	s11 =	ssub.s32 $0x2, s8  }
0x9: {  	p0 =	seq.s32 s8, $0x1;
	s9 =	sadd.s32 s4, s5;
	s29 =	sshrl.u32 s7, $0x3  }
0xa: {  	s4 =	sadd.s32 $0x17C00, s5;
	s12 =	sshrl.u32 s11, $0x1;
	s31 =	sadd.s32 s7, s2  }
.Ltmp0:
0xb: {  	s10 =	sadd.s32 s29, s5;
	s6 =	sadd.s32 s7, s6;
	(pc) =	sbr.rel .LBB2_1-.Ltmp0, $4  }
0xc: {  	s11 =	ssub.s32 s11, s12;
	s7 =	sadd.s32 $0x8C00, s9;
	s6 =	sshrl.u32 s6, $0x3  }
0xd: {  	s8 =	sadd.s32 $0xDC00, s9;
	s12 =	simm.s32 $0x2;
	s13 =	sadd.s32 s6, s5  }
0xe: {  	s5 =	sadd.s32 $0x12C00, s10;
	s6 =	sor.u32 $0x1C02, s30;
	s10 =	smax.u32 s11, $0x1  }
0xf: {  	s11 =	sshrl.u32 s31, $0x3;
	s9 =	sadd.s32 $0x17E00, s13;
	s13 =	simm.s32 $0x5000  }
.LBB2_7:
0x10: {  	s18 =	sadd.s32 $0x2800, s20;
	[sflag:s16] =	ssyncadd.s32 $0xFFFFF800  }
0x11: {  	[spmem:s2] =	stream.indirect.scatter.add.f32 [tilespmem:s13], [sflag:$0x1], $0x10, s18, s15, $0xb8;
	[tilespmem:$0x5800] =	vst v63  }
0x12: {  	s24 =	sadd.s32 $0x2880, s20  }
0x13: {  	[spmem:s2] =	stream.indirect.scatter.add.f32 [tilespmem:s13], [sflag:$0x1], $0x10, s24, s15, $0xb8;
	[tilespmem:$0x5800] =	vst v63  }
0x14: {  	s25 =	sadd.s32 $0x2900, s20  }
0x15: {  	[spmem:s2] =	stream.indirect.scatter.add.f32 [tilespmem:s13], [sflag:$0x1], $0x10, s25, s15, $0xb8;
	[tilespmem:$0x5800] =	vst v63  }
0x16: {  	s26 =	sadd.s32 $0x2980, s20  }
0x17: {  	[spmem:s2] =	stream.indirect.scatter.add.f32 [tilespmem:s13], [sflag:$0x1], $0x10, s26, s15, $0xb8;
	[tilespmem:$0x5800] =	vst v63  }
0x18: {  	s28 =	sadd.s32 $0x2A00, s20  }
0x19: {  	[spmem:s2] =	stream.indirect.scatter.add.f32 [tilespmem:s13], [sflag:$0x1], $0x10, s28, s15, $0xb8;
	[tilespmem:$0x5800] =	vst v63  }
0x1a: {  	s29 =	sadd.s32 $0x2A80, s20  }
0x1b: {  	[spmem:s2] =	stream.indirect.scatter.add.f32 [tilespmem:s13], [sflag:$0x1], $0x10, s29, s15, $0xb8;
	[tilespmem:$0x5800] =	vst v63  }
0x1c: {  	s30 =	sadd.s32 $0x2B00, s20  }
0x1d: {  	[spmem:s2] =	stream.indirect.scatter.add.f32 [tilespmem:s13], [sflag:$0x1], $0x10, s30, s15, $0xb8;
	[tilespmem:$0x5800] =	vst v63  }
0x1e: {  	s31 =	sadd.s32 $0x2B80, s20  }
0x1f: {  	[spmem:s2] =	stream.indirect.scatter.add.f32 [tilespmem:s13], [sflag:$0x1], $0x10, s31, s15, $0xb8;
	[tilespmem:$0x5800] =	vst v63  }
0x20: {  	_ =	swait.ge [sflag:s16], $0x800  }
0x21: {  	[sflag:s16] =	ssyncset.done $0x0  }
0x22: {  	[sflag:s16] =	ssyncadd.s32 $0xFFFFF800  }
0x23: {  	_ =	swait.ge [sflag:s16], $0x800  }
0x24: {  	[sflag:s16] =	ssyncset.done $0x0  }
0x25: {  	[sflag:s16] =	ssyncadd.s32 $0xFFFFF800  }
0x26: {  	_ =	swait.ge [sflag:s16], $0x800  }
0x27: {  	[sflag:s16] =	ssyncset.done $0x0  }
0x28: {  	[sflag:s16] =	ssyncadd.s32 $0xFFFFF800  }
0x29: {  	_ =	swait.ge [sflag:s16], $0x800  }
0x2a: {  	[sflag:s16] =	ssyncset.done $0x0  }
0x2b: {  	[sflag:s16] =	ssyncadd.s32 $0xFFFFF800  }
0x2c: {  	_ =	swait.ge [sflag:s16], $0x800  }
0x2d: {  	[sflag:s16] =	ssyncset.done $0x0  }
0x2e: {  	[sflag:s16] =	ssyncadd.s32 $0xFFFFF800  }
0x2f: {  	_ =	swait.ge [sflag:s16], $0x800  }
0x30: {  	[sflag:s16] =	ssyncset.done $0x0  }
0x31: {  	[sflag:s16] =	ssyncadd.s32 $0xFFFFF800  }
0x32: {  	_ =	swait.ge [sflag:s16], $0x800  }
0x33: {  	[sflag:s16] =	ssyncset.done $0x0  }
0x34: {  	[sflag:s16] =	ssyncadd.s32 $0xFFFFF800  }
0x35: {  	_ =	swait.ge [sflag:s16], $0x800  }
0x36: {  	[sflag:s16] =	ssyncset.done $0x0  }
0x37: {  	[sflag:s16] =	ssyncadd.s32 $0xFFFFF800  }
.LBB2_8:
0x38: {  	s17 =	sadd.s32 $0x1, s17  }
0x39: {  	p1 =	sne.s32 s17, s10  }
.Ltmp1:
0x3a: {  	[bflag:$0x0] =	sbarrier.arrive $0xFFFF;
	(pc) =	sbr.rel @!p1 .LBB2_9-.Ltmp1, $4  }
0x3b: {  	[hbm:s9], [sflag:s6] =	dma.local [spmem:s11], $0x500  }
0x3c: {  	_ =	swait.ge [sflag:s12], $0x500  }
0x3d: {  	[sflag:s12] =	ssyncset.done $0x0  }
0x3e: {  	[sflag:s12] =	ssyncadd.s32 $0xFFFFFB00  }
.LBB2_1:
0x3f: {  	[spmem:s11], [sflag:s6] =	dma.local [hbm:s5], $0x500  }
0x40: {  	_ =	swait.ge [sflag:s12], $0x500  }
0x41: {  	[sflag:s12] =	ssyncset.done $0x0  }
.Ltmp2:
0x42: {  	[sflag:s12] =	ssyncadd.s32 $0xFFFFFB00;
	(pc) =	sbr.rel @!p0 .LBB2_2-.Ltmp2, $4  }
0x43: {  	[tilespmem:s13], [sflag:$0x2] =	stream.linear.gather [hbm4b:s4+s3], $0x800, $0x38;
	[tilespmem:$0x5800] =	vst v63  }
0x44: {  	_ =	swait.ge [sflag:s12], $0x800  }
0x45: {  	[sflag:s12] =	ssyncset.done $0x0  }
0x46: {  	s18 =	simm.s32 $0x0;
	[sflag:s12] =	ssyncadd.s32 $0xFFFFF800  }
0x47: {  	[tilespmem:s14], [sflag:$0x2] =	stream.linear.gather [hbm4b:s8+s18], $0x2800, $0x38;
	[tilespmem:$0x5800] =	vst v63  }
0x48: {  	_ =	swait.ge [sflag:s12], $0x2800  }
0x49: {  	[sflag:s12] =	ssyncset.done $0x0  }
0x4a: {  	[sflag:s12] =	ssyncadd.s32 $0xFFFFD800  }
0x4b: {  	s23 =	simm.s32 $0x2800;
	[bflag:$0x0] =	sbarrier.arrive $0xFFFF  }
0x4c: {  	[spmem:s2] =	stream.indirect.scatter.add.f32 [tilespmem:s13], [sflag:$0x1], $0x10, s23, s15, $0xb8;
	[tilespmem:$0x5800] =	vst v63  }
0x4d: {  	s24 =	simm.s32 $0x2880  }
0x4e: {  	[spmem:s2] =	stream.indirect.scatter.add.f32 [tilespmem:s13], [sflag:$0x1], $0x10, s24, s15, $0xb8;
	[tilespmem:$0x5800] =	vst v63  }
0x4f: {  	s25 =	simm.s32 $0x2900  }
0x50: {  	[spmem:s2] =	stream.indirect.scatter.add.f32 [tilespmem:s13], [sflag:$0x1], $0x10, s25, s15, $0xb8;
	[tilespmem:$0x5800] =	vst v63  }
0x51: {  	s26 =	simm.s32 $0x2980  }
0x52: {  	[spmem:s2] =	stream.indirect.scatter.add.f32 [tilespmem:s13], [sflag:$0x1], $0x10, s26, s15, $0xb8;
	[tilespmem:$0x5800] =	vst v63  }
0x53: {  	s28 =	simm.s32 $0x2A00  }
0x54: {  	[spmem:s2] =	stream.indirect.scatter.add.f32 [tilespmem:s13], [sflag:$0x1], $0x10, s28, s15, $0xb8;
	[tilespmem:$0x5800] =	vst v63  }
0x55: {  	s29 =	simm.s32 $0x2A80  }
0x56: {  	[spmem:s2] =	stream.indirect.scatter.add.f32 [tilespmem:s13], [sflag:$0x1], $0x10, s29, s15, $0xb8;
	[tilespmem:$0x5800] =	vst v63  }
0x57: {  	s30 =	simm.s32 $0x2B00  }
0x58: {  	[spmem:s2] =	stream.indirect.scatter.add.f32 [tilespmem:s13], [sflag:$0x1], $0x10, s30, s15, $0xb8;
	[tilespmem:$0x5800] =	vst v63  }
0x59: {  	s31 =	simm.s32 $0x2B80  }
0x5a: {  	[spmem:s2] =	stream.indirect.scatter.add.f32 [tilespmem:s13], [sflag:$0x1], $0x10, s31, s15, $0xb8;
	[tilespmem:$0x5800] =	vst v63  }
0x5b: {  	_ =	swait.ge [sflag:s16], $0x800  }
0x5c: {  	[sflag:s16] =	ssyncset.done $0x0  }
0x5d: {  	[sflag:s16] =	ssyncadd.s32 $0xFFFFF800  }
0x5e: {  	_ =	swait.ge [sflag:s16], $0x800  }
0x5f: {  	[sflag:s16] =	ssyncset.done $0x0  }
0x60: {  	[sflag:s16] =	ssyncadd.s32 $0xFFFFF800  }
0x61: {  	_ =	swait.ge [sflag:s16], $0x800  }
0x62: {  	[sflag:s16] =	ssyncset.done $0x0  }
0x63: {  	[sflag:s16] =	ssyncadd.s32 $0xFFFFF800  }
0x64: {  	_ =	swait.ge [sflag:s16], $0x800  }
0x65: {  	[sflag:s16] =	ssyncset.done $0x0  }
0x66: {  	[sflag:s16] =	ssyncadd.s32 $0xFFFFF800  }
0x67: {  	_ =	swait.ge [sflag:s16], $0x800  }
0x68: {  	[sflag:s16] =	ssyncset.done $0x0  }
0x69: {  	[sflag:s16] =	ssyncadd.s32 $0xFFFFF800  }
0x6a: {  	_ =	swait.ge [sflag:s16], $0x800  }
0x6b: {  	[sflag:s16] =	ssyncset.done $0x0  }
0x6c: {  	[sflag:s16] =	ssyncadd.s32 $0xFFFFF800  }
0x6d: {  	_ =	swait.ge [sflag:s16], $0x800  }
0x6e: {  	[sflag:s16] =	ssyncset.done $0x0  }
0x6f: {  	[sflag:s16] =	ssyncadd.s32 $0xFFFFF800  }
0x70: {  	_ =	swait.ge [sflag:s16], $0x800  }
0x71: {  	s21 =	simm.s32 $0x2000;
	s20 =	simm.s32 $0x400;
	[sflag:s16] =	ssyncset.done $0x0  }
.LBB2_6:
0x72: {  	s22 =	sadd.s32 $0x2800, s20  }
0x73: {  	[sflag:s16] =	ssyncadd.s32 $0xFFFFF800;
	s19 =	smov.u32 s21;
	s18 =	sadd.s32 $0x1000, s21  }
0x74: {  	[spmem:s2] =	stream.indirect.scatter.add.f32 [tilespmem:s13], [sflag:$0x1], $0x10, s22, s15, $0xb8;
	[tilespmem:$0x5800] =	vst v63  }
0x75: {  	p1 =	sne.s32 s21, $0x9000;
	s21 =	sadd.s32 $0x2880, s20  }
0x76: {  	[spmem:s2] =	stream.indirect.scatter.add.f32 [tilespmem:s13], [sflag:$0x1], $0x10, s21, s15, $0xb8;
	[tilespmem:$0x5800] =	vst v63  }
0x77: {  	s21 =	sadd.s32 $0x2900, s20  }
0x78: {  	[spmem:s2] =	stream.indirect.scatter.add.f32 [tilespmem:s13], [sflag:$0x1], $0x10, s21, s15, $0xb8;
	[tilespmem:$0x5800] =	vst v63  }
0x79: {  	s21 =	sadd.s32 $0x2980, s20  }
0x7a: {  	[spmem:s2] =	stream.indirect.scatter.add.f32 [tilespmem:s13], [sflag:$0x1], $0x10, s21, s15, $0xb8;
	[tilespmem:$0x5800] =	vst v63  }
0x7b: {  	s21 =	sadd.s32 $0x2A00, s20  }
0x7c: {  	[spmem:s2] =	stream.indirect.scatter.add.f32 [tilespmem:s13], [sflag:$0x1], $0x10, s21, s15, $0xb8;
	[tilespmem:$0x5800] =	vst v63  }
0x7d: {  	s21 =	sadd.s32 $0x2A80, s20  }
0x7e: {  	[spmem:s2] =	stream.indirect.scatter.add.f32 [tilespmem:s13], [sflag:$0x1], $0x10, s21, s15, $0xb8;
	[tilespmem:$0x5800] =	vst v63  }
0x7f: {  	s21 =	sadd.s32 $0x2B00, s20  }
0x80: {  	[spmem:s2] =	stream.indirect.scatter.add.f32 [tilespmem:s13], [sflag:$0x1], $0x10, s21, s15, $0xb8;
	[tilespmem:$0x5800] =	vst v63  }
0x81: {  	s20 =	sadd.s32 $0x2B80, s20  }
0x82: {  	[spmem:s2] =	stream.indirect.scatter.add.f32 [tilespmem:s13], [sflag:$0x1], $0x10, s20, s15, $0xb8;
	[tilespmem:$0x5800] =	vst v63  }
0x83: {  	_ =	swait.ge [sflag:s16], $0x800  }
0x84: {  	[sflag:s16] =	ssyncset.done $0x0  }
0x85: {  	[sflag:s16] =	ssyncadd.s32 $0xFFFFF800  }
0x86: {  	_ =	swait.ge [sflag:s16], $0x800  }
0x87: {  	[sflag:s16] =	ssyncset.done $0x0  }
0x88: {  	[sflag:s16] =	ssyncadd.s32 $0xFFFFF800  }
0x89: {  	_ =	swait.ge [sflag:s16], $0x800  }
0x8a: {  	[sflag:s16] =	ssyncset.done $0x0  }
0x8b: {  	[sflag:s16] =	ssyncadd.s32 $0xFFFFF800  }
0x8c: {  	_ =	swait.ge [sflag:s16], $0x800  }
0x8d: {  	[sflag:s16] =	ssyncset.done $0x0  }
0x8e: {  	[sflag:s16] =	ssyncadd.s32 $0xFFFFF800  }
0x8f: {  	_ =	swait.ge [sflag:s16], $0x800  }
0x90: {  	[sflag:s16] =	ssyncset.done $0x0  }
0x91: {  	[sflag:s16] =	ssyncadd.s32 $0xFFFFF800  }
0x92: {  	_ =	swait.ge [sflag:s16], $0x800  }
0x93: {  	[sflag:s16] =	ssyncset.done $0x0  }
0x94: {  	[sflag:s16] =	ssyncadd.s32 $0xFFFFF800  }
.Ltmp3:
0x95: {  	_ =	swait.ge [sflag:s16], $0x800;
	(pc) =	sbr.rel @p1 .LBB2_6-.Ltmp3, $4  }
0x96: {  	[sflag:s16] =	ssyncset.done $0x0  }
0x97: {  	[sflag:s16] =	ssyncadd.s32 $0xFFFFF800  }
0x98: {  	_ =	swait.ge [sflag:s16], $0x800  }
0x99: {  	s21 =	smov.u32 s18;
	s20 =	sshra.s32 s19, $0x2;
	[sflag:s16] =	ssyncset.done $0x0  }
.Ltmp4:
0x9a: {  	_ = 	snop;
	(pc) =	sbr.rel .LBB2_7-.Ltmp4, $1  }
0x9b: {  	_ =	sdelay $0x3  }
.LBB2_2:
0x9c: {  	[tilespmem:s14], [sflag:$0x2] =	stream.linear.gather [hbm4b:s7+s18], $0x2800, $0x38;
	[tilespmem:$0x5800] =	vst v63  }
0x9d: {  	_ =	swait.ge [sflag:s12], $0x2800  }
0x9e: {  	[sflag:s12] =	ssyncset.done $0x0  }
0x9f: {  	[sflag:s12] =	ssyncadd.s32 $0xFFFFD800  }
0xa0: {  	s23 =	simm.s32 $0x2800;
	[bflag:$0x0] =	sbarrier.arrive $0xFFFF  }
0xa1: {  	[spmem:s2] =	stream.indirect.scatter.add.f32 [tilespmem:s13], [sflag:$0x1], $0x10, s23, s15, $0xb8;
	[tilespmem:$0x5800] =	vst v63  }
0xa2: {  	s24 =	simm.s32 $0x2880  }
0xa3: {  	[spmem:s2] =	stream.indirect.scatter.add.f32 [tilespmem:s13], [sflag:$0x1], $0x10, s24, s15, $0xb8;
	[tilespmem:$0x5800] =	vst v63  }
0xa4: {  	s25 =	simm.s32 $0x2900  }
0xa5: {  	[spmem:s2] =	stream.indirect.scatter.add.f32 [tilespmem:s13], [sflag:$0x1], $0x10, s25, s15, $0xb8;
	[tilespmem:$0x5800] =	vst v63  }
0xa6: {  	s26 =	simm.s32 $0x2980  }
0xa7: {  	[spmem:s2] =	stream.indirect.scatter.add.f32 [tilespmem:s13], [sflag:$0x1], $0x10, s26, s15, $0xb8;
	[tilespmem:$0x5800] =	vst v63  }
0xa8: {  	s28 =	simm.s32 $0x2A00  }
0xa9: {  	[spmem:s2] =	stream.indirect.scatter.add.f32 [tilespmem:s13], [sflag:$0x1], $0x10, s28, s15, $0xb8;
	[tilespmem:$0x5800] =	vst v63  }
0xaa: {  	s29 =	simm.s32 $0x2A80  }
0xab: {  	[spmem:s2] =	stream.indirect.scatter.add.f32 [tilespmem:s13], [sflag:$0x1], $0x10, s29, s15, $0xb8;
	[tilespmem:$0x5800] =	vst v63  }
0xac: {  	s30 =	simm.s32 $0x2B00  }
0xad: {  	[spmem:s2] =	stream.indirect.scatter.add.f32 [tilespmem:s13], [sflag:$0x1], $0x10, s30, s15, $0xb8;
	[tilespmem:$0x5800] =	vst v63  }
0xae: {  	s31 =	simm.s32 $0x2B80  }
0xaf: {  	[spmem:s2] =	stream.indirect.scatter.add.f32 [tilespmem:s13], [sflag:$0x1], $0x10, s31, s15, $0xb8;
	[tilespmem:$0x5800] =	vst v63  }
0xb0: {  	_ =	swait.ge [sflag:s16], $0x800  }
0xb1: {  	[sflag:s16] =	ssyncset.done $0x0  }
0xb2: {  	[sflag:s16] =	ssyncadd.s32 $0xFFFFF800  }
0xb3: {  	_ =	swait.ge [sflag:s16], $0x800  }
0xb4: {  	[sflag:s16] =	ssyncset.done $0x0  }
0xb5: {  	[sflag:s16] =	ssyncadd.s32 $0xFFFFF800  }
0xb6: {  	_ =	swait.ge [sflag:s16], $0x800  }
0xb7: {  	[sflag:s16] =	ssyncset.done $0x0  }
0xb8: {  	[sflag:s16] =	ssyncadd.s32 $0xFFFFF800  }
0xb9: {  	_ =	swait.ge [sflag:s16], $0x800  }
0xba: {  	[sflag:s16] =	ssyncset.done $0x0  }
0xbb: {  	[sflag:s16] =	ssyncadd.s32 $0xFFFFF800  }
0xbc: {  	_ =	swait.ge [sflag:s16], $0x800  }
0xbd: {  	[sflag:s16] =	ssyncset.done $0x0  }
0xbe: {  	[sflag:s16] =	ssyncadd.s32 $0xFFFFF800  }
0xbf: {  	_ =	swait.ge [sflag:s16], $0x800  }
0xc0: {  	[sflag:s16] =	ssyncset.done $0x0  }
0xc1: {  	[sflag:s16] =	ssyncadd.s32 $0xFFFFF800  }
0xc2: {  	_ =	swait.ge [sflag:s16], $0x800  }
0xc3: {  	[sflag:s16] =	ssyncset.done $0x0  }
0xc4: {  	[sflag:s16] =	ssyncadd.s32 $0xFFFFF800  }
0xc5: {  	_ =	swait.ge [sflag:s16], $0x800  }
0xc6: {  	s21 =	simm.s32 $0x2000;
	s20 =	simm.s32 $0x400;
	[sflag:s16] =	ssyncset.done $0x0  }
.LBB2_3:
0xc7: {  	s22 =	sadd.s32 $0x2800, s20  }
0xc8: {  	[sflag:s16] =	ssyncadd.s32 $0xFFFFF800;
	s19 =	smov.u32 s21;
	s18 =	sadd.s32 $0x1000, s21  }
0xc9: {  	[spmem:s2] =	stream.indirect.scatter.add.f32 [tilespmem:s13], [sflag:$0x1], $0x10, s22, s15, $0xb8;
	[tilespmem:$0x5800] =	vst v63  }
0xca: {  	p1 =	seq.s32 s21, $0x9000;
	s21 =	sadd.s32 $0x2880, s20  }
0xcb: {  	[spmem:s2] =	stream.indirect.scatter.add.f32 [tilespmem:s13], [sflag:$0x1], $0x10, s21, s15, $0xb8;
	[tilespmem:$0x5800] =	vst v63  }
0xcc: {  	s21 =	sadd.s32 $0x2900, s20  }
0xcd: {  	[spmem:s2] =	stream.indirect.scatter.add.f32 [tilespmem:s13], [sflag:$0x1], $0x10, s21, s15, $0xb8;
	[tilespmem:$0x5800] =	vst v63  }
0xce: {  	s21 =	sadd.s32 $0x2980, s20  }
0xcf: {  	[spmem:s2] =	stream.indirect.scatter.add.f32 [tilespmem:s13], [sflag:$0x1], $0x10, s21, s15, $0xb8;
	[tilespmem:$0x5800] =	vst v63  }
0xd0: {  	s21 =	sadd.s32 $0x2A00, s20  }
0xd1: {  	[spmem:s2] =	stream.indirect.scatter.add.f32 [tilespmem:s13], [sflag:$0x1], $0x10, s21, s15, $0xb8;
	[tilespmem:$0x5800] =	vst v63  }
0xd2: {  	s21 =	sadd.s32 $0x2A80, s20  }
0xd3: {  	[spmem:s2] =	stream.indirect.scatter.add.f32 [tilespmem:s13], [sflag:$0x1], $0x10, s21, s15, $0xb8;
	[tilespmem:$0x5800] =	vst v63  }
0xd4: {  	s21 =	sadd.s32 $0x2B00, s20  }
0xd5: {  	[spmem:s2] =	stream.indirect.scatter.add.f32 [tilespmem:s13], [sflag:$0x1], $0x10, s21, s15, $0xb8;
	[tilespmem:$0x5800] =	vst v63  }
0xd6: {  	s20 =	sadd.s32 $0x2B80, s20  }
0xd7: {  	[spmem:s2] =	stream.indirect.scatter.add.f32 [tilespmem:s13], [sflag:$0x1], $0x10, s20, s15, $0xb8;
	[tilespmem:$0x5800] =	vst v63  }
0xd8: {  	_ =	swait.ge [sflag:s16], $0x800  }
0xd9: {  	[sflag:s16] =	ssyncset.done $0x0  }
0xda: {  	[sflag:s16] =	ssyncadd.s32 $0xFFFFF800  }
0xdb: {  	_ =	swait.ge [sflag:s16], $0x800  }
0xdc: {  	[sflag:s16] =	ssyncset.done $0x0  }
0xdd: {  	[sflag:s16] =	ssyncadd.s32 $0xFFFFF800  }
0xde: {  	_ =	swait.ge [sflag:s16], $0x800  }
0xdf: {  	[sflag:s16] =	ssyncset.done $0x0  }
0xe0: {  	[sflag:s16] =	ssyncadd.s32 $0xFFFFF800  }
0xe1: {  	_ =	swait.ge [sflag:s16], $0x800  }
0xe2: {  	[sflag:s16] =	ssyncset.done $0x0  }
0xe3: {  	[sflag:s16] =	ssyncadd.s32 $0xFFFFF800  }
0xe4: {  	_ =	swait.ge [sflag:s16], $0x800  }
0xe5: {  	[sflag:s16] =	ssyncset.done $0x0  }
0xe6: {  	[sflag:s16] =	ssyncadd.s32 $0xFFFFF800  }
0xe7: {  	_ =	swait.ge [sflag:s16], $0x800  }
0xe8: {  	[sflag:s16] =	ssyncset.done $0x0  }
0xe9: {  	[sflag:s16] =	ssyncadd.s32 $0xFFFFF800  }
.Ltmp5:
0xea: {  	_ =	swait.ge [sflag:s16], $0x800;
	(pc) =	sbr.rel @!p1 .LBB2_3-.Ltmp5, $4  }
0xeb: {  	[sflag:s16] =	ssyncset.done $0x0  }
0xec: {  	[sflag:s16] =	ssyncadd.s32 $0xFFFFF800  }
0xed: {  	_ =	swait.ge [sflag:s16], $0x800  }
0xee: {  	s21 =	smov.u32 s18;
	s20 =	sshra.s32 s19, $0x2;
	[sflag:s16] =	ssyncset.done $0x0  }
0xef: {  	s18 =	sadd.s32 $0x2800, s20;
	[sflag:s16] =	ssyncadd.s32 $0xFFFFF800  }
0xf0: {  	[spmem:s2] =	stream.indirect.scatter.add.f32 [tilespmem:s13], [sflag:$0x1], $0x10, s18, s15, $0xb8;
	[tilespmem:$0x5800] =	vst v63  }
0xf1: {  	s24 =	sadd.s32 $0x2880, s20  }
0xf2: {  	[spmem:s2] =	stream.indirect.scatter.add.f32 [tilespmem:s13], [sflag:$0x1], $0x10, s24, s15, $0xb8;
	[tilespmem:$0x5800] =	vst v63  }
0xf3: {  	s25 =	sadd.s32 $0x2900, s20  }
0xf4: {  	[spmem:s2] =	stream.indirect.scatter.add.f32 [tilespmem:s13], [sflag:$0x1], $0x10, s25, s15, $0xb8;
	[tilespmem:$0x5800] =	vst v63  }
0xf5: {  	s26 =	sadd.s32 $0x2980, s20  }
0xf6: {  	[spmem:s2] =	stream.indirect.scatter.add.f32 [tilespmem:s13], [sflag:$0x1], $0x10, s26, s15, $0xb8;
	[tilespmem:$0x5800] =	vst v63  }
0xf7: {  	s28 =	sadd.s32 $0x2A00, s20  }
0xf8: {  	[spmem:s2] =	stream.indirect.scatter.add.f32 [tilespmem:s13], [sflag:$0x1], $0x10, s28, s15, $0xb8;
	[tilespmem:$0x5800] =	vst v63  }
0xf9: {  	s29 =	sadd.s32 $0x2A80, s20  }
0xfa: {  	[spmem:s2] =	stream.indirect.scatter.add.f32 [tilespmem:s13], [sflag:$0x1], $0x10, s29, s15, $0xb8;
	[tilespmem:$0x5800] =	vst v63  }
0xfb: {  	s30 =	sadd.s32 $0x2B00, s20  }
0xfc: {  	[spmem:s2] =	stream.indirect.scatter.add.f32 [tilespmem:s13], [sflag:$0x1], $0x10, s30, s15, $0xb8;
	[tilespmem:$0x5800] =	vst v63  }
0xfd: {  	s31 =	sadd.s32 $0x2B80, s20  }
0xfe: {  	[spmem:s2] =	stream.indirect.scatter.add.f32 [tilespmem:s13], [sflag:$0x1], $0x10, s31, s15, $0xb8;
	[tilespmem:$0x5800] =	vst v63  }
0xff: {  	_ =	swait.ge [sflag:s16], $0x800  }
0x100: {  	[sflag:s16] =	ssyncset.done $0x0  }
0x101: {  	[sflag:s16] =	ssyncadd.s32 $0xFFFFF800  }
0x102: {  	_ =	swait.ge [sflag:s16], $0x800  }
0x103: {  	[sflag:s16] =	ssyncset.done $0x0  }
0x104: {  	[sflag:s16] =	ssyncadd.s32 $0xFFFFF800  }
0x105: {  	_ =	swait.ge [sflag:s16], $0x800  }
0x106: {  	[sflag:s16] =	ssyncset.done $0x0  }
0x107: {  	[sflag:s16] =	ssyncadd.s32 $0xFFFFF800  }
0x108: {  	_ =	swait.ge [sflag:s16], $0x800  }
0x109: {  	[sflag:s16] =	ssyncset.done $0x0  }
0x10a: {  	[sflag:s16] =	ssyncadd.s32 $0xFFFFF800  }
0x10b: {  	_ =	swait.ge [sflag:s16], $0x800  }
0x10c: {  	[sflag:s16] =	ssyncset.done $0x0  }
0x10d: {  	[sflag:s16] =	ssyncadd.s32 $0xFFFFF800  }
0x10e: {  	_ =	swait.ge [sflag:s16], $0x800  }
0x10f: {  	[sflag:s16] =	ssyncset.done $0x0  }
0x110: {  	[sflag:s16] =	ssyncadd.s32 $0xFFFFF800  }
0x111: {  	_ =	swait.ge [sflag:s16], $0x800  }
.Ltmp6:
0x112: {  	[sflag:s16] =	ssyncset.done $0x0;
	(pc) =	sbr.rel .LBB2_8-.Ltmp6, $4  }
0x113: {  	[sflag:s16] =	ssyncadd.s32 $0xFFFFF800  }
0x114: {  	_ =	swait.ge [sflag:s16], $0x800  }
0x115: {  	[sflag:s16] =	ssyncset.done $0x0  }
0x116: {  	[sflag:s16] =	ssyncadd.s32 $0xFFFFF800  }
.LBB2_9:
0x117: {  	_ =	sfence.sel $0x180000  }
0x118: {  	[bflag:$0x0] =	sbarrier.arrive $0xFFFF  }
0x119: {  	p0 =	sne.s32 s1, $0x0;
	_ =	strace $0x90000047  }
0x11a: {  	s0 =	sadd.s32 @!p0 $0x100000, s0;
	[bflag:$0x2] =	sbarrier.arrive $0xFFFF  }
0x11b: {  	[sflag:s0] =	ssyncadd.tile.s32 @!p0 $0x1;
	_ =	shalt  }
.Lfunc_end2:
_tile_overlayer_lowered:
.L_overlay_start_2:
0x11c: {  	(tag) =	ssettag $0x2  }
0x11d: {  	s0 =	rddreg [dreg:$0x0];
	s2 =	stileid.u32  }
0x11e: {  	s1 =	rddreg [dreg:$0x1];
	p0 =	sne.s32 s2, $0x0  }
0x11f: {  	s3 =	rddreg [dreg:$0x2];
	[bflag:$0x3] =	sbarrier.arrive $0xFFFF;
	s2 =	simm.s32 @!p0 $0x1C02  }
0x120: {  	[timem:s3], [sflag:s2] =	dma.local @!p0 [hbm:s0], s1  }
0x121: {  	s0 =	simm.s32 @!p0 $0x2  }
0x122: {  	_ =	swait.ge @!p0 [sflag:s0], s1  }
0x123: {  	s1 =	ssub.s32 @!p0 $0x0, s1;
	[sflag:s0] =	ssyncset.done @!p0 $0x0  }
0x124: {  	[sflag:s0] =	ssyncadd.s32 @!p0 s1  }
0x125: {  	[bflag:$0x3] =	sbarrier.arrive $0xFFFF  }
0x126: {  	_ =	shalt  }

// kernel: kernel.13.cloned.1.call-start
scs
__scs_entry_jumppad:
0x0: {  	(pc) =	sbr.rel $0x88, $3  }
0x1: {  	(tag) =	ssettag $0x0;
	lr =	simm.s32 $0x1  }
0x2: {  	[smem:$0x3F8C] =	sst lr;
	_ =	strace $0xD0000000  }
0x3: {  	_ = 	snop  }
0x4: {  	_ = 	snop  }
0x5: {  	_ = 	snop  }
0x6: {  	_ = 	snop  }
0x7: {  	_ = 	snop  }
__scs_overlays_trampoline_lowered:
0x8: {  	[smem:$0x3F9B] =	sst s0  }
0x9: {  	[smem:$0x3F9C] =	sst s1  }
0xa: {  	[smem:$0x3F9D] =	sst s2  }
0xb: {  	[smem:$0x3F9E] =	sst s3  }
0xc: {  	[smem:$0x3F9F] =	sst s4  }
0xd: {  	[smem:$0x3FA0] =	sst s5  }
0xe: {  	[smem:$0x3FA1] =	sst s6  }
0xf: {  	[smem:$0x3FA2] =	sst s7  }
0x10: {  	[smem:$0x3FA3] =	sst s8  }
0x11: {  	[smem:$0x3FA4] =	sst s9;
	s0 =	simm.s32 @!p0 $0x0  }
0x12: {  	s1 =	sld [smem:$0x3F8A];
	s0 =	simm.s32 @p0 $0x1  }
0x13: {  	[smem:$0x3FA5] =	sst s0;
	s0 =	simm.s32 @!p1 $0x0  }
0x14: {  	s2 =	sld [smem:$0x3F89];
	s0 =	simm.s32 @p1 $0x1  }
0x15: {  	[smem:$0x3FA6] =	sst s0;
	s0 =	simm.s32 @!p2 $0x0  }
0x16: {  	s3 =	sld [smem:$0x3FDB];
	s0 =	simm.s32 @p2 $0x1  }
0x17: {  	s4 =	simm.s32 $0x1BF5;
	[smem:$0x3FA8] =	sst s0  }
0x18: {  	s0 =	sld [smem:$0x3F8B];
	_ =	swait.ge [sflag:s4], $0x0  }
0x19: {  	s7 =	sld [smem:$0x3F8C]  }
0x1a: {  	s8 =	sadd.s32 $0xFFFFE003, lr  }
0x1b: {  	s9 =	sadd.s32 $0xFFFFFEF7, lr;
	s5 =	simm.s32 $0xFFFFFFFF;
	p2 =	slt.u32 s8, $0xFFFFF086  }
0x1c: {  	p1 =	slt.u32 s9, $0xF7A;
	s5 =	simm.s32 @!p2 $0x0  }
0x1d: {  	s5 =	simm.s32 @p1 $0x1;
	p0 =	seq.s32 s7, s2  }
0x1e: {  	s7 =	smul.u32 @!p0 $0xF7A, s2;
	p2 =	seq.s32 @!p0 s5, $0x0  }
0x1f: {  	s9 =	smul.u32 $0xF7A, s1;
	s8 =	simm.s32 @!p0 $0x1BF5;
	p2 =	por !p2, p0  }
0x20: {  	[sflag:s8] =	ssyncset.s32 @!p0 $0xFFFFF086;
	s6 =	sadd.s32 @!p0 s3, s7;
	s7 =	simm.s32 @!p0 $0x108  }
0x21: {  	s3 =	sadd.s32 s3, s9;
	s6 =	sadd.s32 @!p0 $0x88, s6;
	s7 =	simm.s32 @p2 $0x1082  }
0x22: {  	[simem:s7], [sflag:s8] =	dma.local @!p0 [hbm:s6], $0xF7A  }
0x23: {  	s9 =	sor.u32 $0xD0000000, s2;
	s6 =	simm.s32 $0x108;
	_ =	swait.ge @!p0 [sflag:s8], $0x0  }
0x24: {  	s3 =	sadd.s32 $0x88, s3;
	s6 =	simm.s32 @!p1 $0x1082;
	[sflag:s4] =	ssyncset.s32 $0xFFFFF086  }
0x25: {  	[simem:s6], [sflag:s4] =	dma.local [hbm:s3], $0xF7A  }
0x26: {  	[smem:$0x3F8C] =	sst s1;
	(tag) =	ssettag s2;
	_ =	strace s9  }
0x27: {  	s1 =	sld [smem:$0x3F9C]  }
0x28: {  	s2 =	sld [smem:$0x3F9D]  }
0x29: {  	s4 =	sld [smem:$0x3F9F]  }
0x2a: {  	p0 =	seq.s32 s5, $0x0;
	s5 =	sld [smem:$0x3FA0]  }
0x2b: {  	s6 =	sld [smem:$0x3FA1]  }
0x2c: {  	s7 =	sld [smem:$0x3FA2]  }
0x2d: {  	s3 =	simm.s32 $0x108;
	s8 =	sld [smem:$0x3FA3]  }
0x2e: {  	s3 =	simm.s32 @!p0 $0x1082;
	s9 =	sld [smem:$0x3FA4]  }
0x2f: {  	lr =	sadd.s32 s0, s3;
	s0 =	sld [smem:$0x3F9B]  }
0x30: {  	s3 =	sld [smem:$0x3F9E]  }
0x31: {  	[smem:$0x3FA7] =	sst s10  }
0x32: {  	s10 =	sld [smem:$0x3FA5];
	_ =	sdelay $0x3  }
0x33: {  	p0 =	seq.s32 s10, $0x1;
	s10 =	sld [smem:$0x3FA7];
	_ =	sdelay $0x3  }
0x34: {  	[smem:$0x3FA7] =	sst s10  }
0x35: {  	s10 =	sld [smem:$0x3FA6];
	_ =	sdelay $0x3  }
0x36: {  	p1 =	seq.s32 s10, $0x1;
	s10 =	sld [smem:$0x3FA7];
	_ =	sdelay $0x3  }
0x37: {  	[smem:$0x3FA7] =	sst s10  }
0x38: {  	s10 =	sld [smem:$0x3FA8]  }
0x39: {  	_ = 	snop;
	(pc) =	sbr.ind lr, $3  }
0x3a: {  	_ = 	snop  }
0x3b: {  	_ = 	snop  }
0x3c: {  	p2 =	seq.s32 s10, $0x1;
	s10 =	sld [smem:$0x3FA7]  }
0x3d: {  	_ =	shalt  }
0x3e: {  	_ =	shalt  }
0x3f: {  	_ =	shalt  }
0x40: {  	_ =	shalt  }
0x41: {  	_ =	shalt  }
0x42: {  	_ =	shalt  }
0x43: {  	_ =	shalt  }
0x44: {  	_ =	shalt  }
0x45: {  	_ =	shalt  }
0x46: {  	_ =	shalt  }
0x47: {  	_ =	shalt  }
0x48: {  	_ =	shalt  }
0x49: {  	_ =	shalt  }
0x4a: {  	_ =	shalt  }
0x4b: {  	_ =	shalt  }
0x4c: {  	_ =	shalt  }
0x4d: {  	_ =	shalt  }
0x4e: {  	_ =	shalt  }
0x4f: {  	_ =	shalt  }
0x50: {  	_ =	shalt  }
0x51: {  	_ =	shalt  }
0x52: {  	_ =	shalt  }
0x53: {  	_ =	shalt  }
0x54: {  	_ =	shalt  }
0x55: {  	_ =	shalt  }
0x56: {  	_ =	shalt  }
0x57: {  	_ =	shalt  }
0x58: {  	_ =	shalt  }
0x59: {  	_ =	shalt  }
0x5a: {  	_ =	shalt  }
0x5b: {  	_ =	shalt  }
0x5c: {  	_ =	shalt  }
0x5d: {  	_ =	shalt  }
0x5e: {  	_ =	shalt  }
0x5f: {  	_ =	shalt  }
0x60: {  	_ =	shalt  }
0x61: {  	_ =	shalt  }
0x62: {  	_ =	shalt  }
0x63: {  	_ =	shalt  }
0x64: {  	_ =	shalt  }
0x65: {  	_ =	shalt  }
0x66: {  	_ =	shalt  }
0x67: {  	_ =	shalt  }
0x68: {  	_ =	shalt  }
0x69: {  	_ =	shalt  }
0x6a: {  	_ =	shalt  }
0x6b: {  	_ =	shalt  }
0x6c: {  	_ =	shalt  }
0x6d: {  	_ =	shalt  }
0x6e: {  	_ =	shalt  }
0x6f: {  	_ =	shalt  }
0x70: {  	_ =	shalt  }
0x71: {  	_ =	shalt  }
0x72: {  	_ =	shalt  }
0x73: {  	_ =	shalt  }
0x74: {  	_ =	shalt  }
0x75: {  	_ =	shalt  }
0x76: {  	_ =	shalt  }
0x77: {  	_ =	shalt  }
0x78: {  	_ =	shalt  }
0x79: {  	_ =	shalt  }
0x7a: {  	_ =	shalt  }
0x7b: {  	_ =	shalt  }
0x7c: {  	_ =	shalt  }
0x7d: {  	_ =	shalt  }
0x7e: {  	_ =	shalt  }
0x7f: {  	_ =	shalt  }
0x80: {  	_ =	shalt  }
0x81: {  	_ =	shalt  }
0x82: {  	_ =	shalt  }
0x83: {  	_ =	shalt  }
0x84: {  	_ =	shalt  }
0x85: {  	_ =	shalt  }
0x86: {  	_ =	shalt  }
0x87: {  	_ =	shalt  }
.Lfunc_end0:
.L_simem_size_0:
called_computation.1_lowered:
.L_overlay_start_0:
0x88: {  	s2 =	sld [smem:$0x3FD9]  }
0x89: {  	s3 =	sld [smem:$0x3FFE];
	_ =	sdelay $0x1  }
0x8a: {  	s1 =	srdreg.scid  }
0x8b: {  	s0 =	sand.u32 $0x1, s1  }
0x8c: {  	s16 =	sshll.u32 s0, $0xA;
	s2 =	sadd.s32 s3, s2  }
0x8d: {  	s2 =	sadd.s32 s2, s16  }
0x8e: {  	[smem:$0x3FB3] =	sst s2  }
0x8f: {  	_ = 	snop  }
0x90: {  	(tm) =	ssettm $0x1  }
0x91: {  	s17 =	sld [smem:$0x3FFB];
	_ =	sdelay $0x3  }
0x92: {  	_ =	strace s17  }
0x93: {  	s2 =	sld [smem:$0x3FFC];
	_ =	sdelay $0x3  }
0x94: {  	_ =	strace s2  }
0x95: {  	s2 =	sld [smem:$0x3FFD];
	_ =	sdelay $0x3  }
0x96: {  	_ =	strace s2  }
0x97: {  	_ =	strace $0x8FFFFFFF  }
0x98: {  	s18 =	sld [smem:$0x3FDB];
	_ =	sdelay $0x1  }
0x99: {  	s19 =	simm.s32 $_scs_section_size  }
0x9a: {  	s4 =	simm.s32 $_size__tile_overlayer_lowered;
	s5 =	simm.s32 $_tile_overlayer_lowered  }
0x9b: {  	s22 =	simm.s32 $0x1BFF;
	s21 =	sshll.u32 s5, $0x1;
	s2 =	sadd.s32 s19, s18  }
0x9c: {  	s6 =	simm.s32 $0x0;
	s20 =	sshll.u32 s4, $0x1;
	s4 =	sadd.s32 s21, s2  }
0x9d: {  	[timem:s6], [sflag:s22] =	dma.local [hbm:s4], s20  }
0x9e: {  	_ =	swait.ge [sflag:s22], s20  }
0x9f: {  	s3 =	ssub.s32 $0x0, s20;
	[sflag:s22] =	ssyncset.done $0x0  }
0xa0: {  	[sflag:s22] =	ssyncadd.s32 s3;
	_ =	sdelay $0x1  }
0xa1: {  	s23 =	simm.s32 $0x1B8B  }
0xa2: {  	_ =	swait.ge [sflag:s23], $0x1  }
0xa3: {  	[sflag:s23] =	ssyncset.done $0x0  }
0xa4: {  	s25 =	simm.s32 $0x1B8E;
	s24 =	sld [smem:$0x3FFE];
	[sflag:s23] =	ssyncadd.s32 $0xFFFFFFFF  }
0xa5: {  	s26 =	simm.s32 $execute0_lowered;
	[smem:$0x3FD2] =	sst s25  }
0xa6: {  	s4 =	sshll.u32 s26, $0x1;
	_ =	strace $0x80000049;
	[dreg:$0x1] =	wrdreg $0xFFFFFFFF  }
0xa7: {  	s28 =	simm.s32 $_size_execute0_lowered;
	s2 =	sadd.s32 s2, s4;
	[dreg:$0x0] =	wrdreg $0x0  }
0xa8: {  	s4 =	sshll.u32 s28, $0x1;
	[dreg:$0x2] =	wrdreg s2  }
0xa9: {  	[dreg:$0x3] =	wrdreg s4  }
0xaa: {  	[dreg:$0x4] =	wrdreg $0xC0  }
0xab: {  	_ =	task [dreg:s6], $0x5FFFF  }
0xac: {  	[dreg:$0x1] =	wrdreg $0xFFFFFFFF  }
0xad: {  	[dreg:$0x0] =	wrdreg $0x60  }
0xae: {  	[dreg:$0x2] =	wrdreg s24  }
0xaf: {  	[dreg:$0x3] =	wrdreg $0x0  }
0xb0: {  	[dreg:$0x4] =	wrdreg $0xA0000  }
0xb1: {  	[dreg:$0x5] =	wrdreg $0x9  }
0xb2: {  	_ =	task.clear_ibuf [dreg:s6], $0x6FFFF;
	_ =	strace $0x90000049  }
0xb3: {  	s29 =	simm.s32 $0x9;
	_ =	strace $0x8000004B  }
0xb4: {  	_ =	swait.ge [sflag:s29], $0x1  }
0xb5: {  	[sflag:s29] =	ssyncadd.s32 $0xFFFFFFFF  }
0xb6: {  	_ =	strace $0x9000004B  }
0xb7: {  	_ =	sfence  }
0xb8: {  	s30 =	sld [smem:$0x0];
	_ =	sdelay $0x2  }
0xb9: {  	s31 =	sshll.u32 s1, $0xD;
	s1 =	sshrl.u32 s1, $0x2  }
0xba: {  	s3 =	sand.u32 $0x4000, s31;
	s1 =	sadd.s32 s1, s30  }
0xbb: {  	s0 =	sor.u32 s3, s0;
	s1 =	sshll.u32 s1, $0x11  }
0xbc: {  	s0 =	sor.u32 s1, s0  }
0xbd: {  	s0 =	sadd.s32 $0x8F2B, s0  }
0xbe: {  	[sflag:s0] =	ssyncadd.remote.s32 $0x1  }
0xbf: {  	_ =	sfence.sel $0xFFFF  }
0xc0: {  	[dreg:$0x0] =	wrdreg $0xFFFFFFFF;
	(pc) =	sbr.abs _section_cstart, $3  }
0xc1: {  	[dreg:$0x1] =	wrdreg $0xFFFFFFFF  }
0xc2: {  	_ =	task.clear_ibuf [dreg:s6], $0x2FFFF;
	_ =	strace $0x9FFFFFFF  }
0xc3: {  	(tm) =	ssettm $0x7FFFFFFF  }
tec
execute0_lowered:
.L_overlay_start_1:
0x0: {  	(tag) =	ssettag $0x1  }
0x1: {  	s0 =	rddreg [dreg:$0x0]  }
0x2: {  	s2 =	rddreg [dreg:$0x1]  }
0x3: {  	s3 =	rddreg [dreg:$0x2]  }
0x4: {  	s1 =	stileid.u32;
	s5 =	srdreg.scid;
	s4 =	simm.s32 $0x0  }
0x5: {  	s17 =	simm.s32 $0x19000;
	s18 =	simm.s32 $0x3;
	s20 =	simm.s32 $0x14000  }
0x6: {  	s21 =	simm.s32 $0x16800;
	s22 =	simm.s32 $0x80;
	s23 =	simm.s32 $0x14080  }
0x7: {  	s24 =	simm.s32 $0x1B000;
	s25 =	simm.s32 $0x1;
	s10 =	smul.u32 $0xA000, s1  }
0x8: {  	s28 =	simm.s32 $0x18F00;
	s29 =	simm.s32 $0x18F80;
	s6 =	smul.u32 $0x500, s1  }
0x9: {  	s11 =	sand.u32 $0x1, s5;
	[smem:$0x7FF] =	sst s4;
	s8 =	smul.u32 $0x28000, s1  }
0xa: {  	s5 =	smul.u32 $0xA0000, s11;
	_ =	strace $0x8000004A;
	s26 =	ssub.s32 $0x2, s11  }
0xb: {  	p0 =	seq.s32 s11, $0x1;
	s7 =	sshrl.u32 s10, $0x3;
	s14 =	sadd.s32 s6, s0  }
0xc: {  	s30 =	sshrl.u32 s8, $0x2;
	s31 =	sshrl.u32 s26, $0x1;
	s19 =	sadd.s32 s10, s3  }
0xd: {  	s12 =	sadd.s32 s7, s0;
	s5 =	sadd.s32 s10, s5;
	s9 =	sadd.s32 s30, s2  }
0xe: {  	s16 =	ssub.s32 s26, s31;
	s11 =	sadd.s32 $0x3C00, s14;
	s13 =	sadd.s32 $0x21E00, s14  }
.Ltmp0:
0xf: {  	s19 =	sshrl.u32 s19, $0x3;
	s26 =	simm.s32 $0x2;
	(pc) =	sbr.rel .LBB2_1-.Ltmp0, $4  }
0x10: {  	s5 =	sshrl.u32 s5, $0x3;
	s6 =	sadd.s32 $0x2000, s9;
	s7 =	sadd.s32 $0x4000, s9  }
0x11: {  	s8 =	sadd.s32 $0x6000, s9;
	s9 =	sadd.s32 $0x8000, s9;
	s16 =	smax.u32 s16, $0x1  }
0x12: {  	s0 =	sadd.s32 s5, s0;
	s5 =	sadd.s32 s10, s2;
	s10 =	sadd.s32 $0x26E00, s12  }
0x13: {  	v0 =	vimm.f32 $0.0e+00;
	s12 =	sadd.s32 $0x8C00, s14;
	s14 =	sadd.s32 $0xDC00, s14;
	s15 =	sadd.s32 $0x4EE00, s0  }
.LBB2_6:
0x14: {  	[tilespmem:s24], [sflag:$0x2] =	stream.indirect.gather [spmem:s3], $0x40, s0, s22, $0xb8;
	[tilespmem:$0x1D000] =	vst v63  }
.LBB2_10:
0x15: {  	_ =	swait.ge [sflag:s25], $0x2000  }
0x16: {  	[sflag:s25] =	ssyncset.done $0x0  }
0x17: {  	[sflag:s25] =	ssyncadd.s32 $0xFFFFE000  }
0x18: {  	[spmem:s2] =	stream.indirect.scatter.add.f32 [tilespmem:s17], [sflag:$0x3], $0x40, s28, s22, $0xb8;
	[tilespmem:$0x1D000] =	vst v63  }
0x19: {  	_ =	swait.ge [sflag:s18], $0x2000  }
0x1a: {  	[sflag:s18] =	ssyncset.done $0x0  }
0x1b: {  	[sflag:s18] =	ssyncadd.s32 $0xFFFFE000  }
0x1c: {  	_ =	swait.ge [sflag:s26], $0x2000  }
0x1d: {  	[sflag:s26] =	ssyncset.done $0x0  }
0x1e: {  	[sflag:s26] =	ssyncadd.s32 $0xFFFFE000  }
0x1f: {  	[spmem:s2] =	stream.indirect.scatter.add.f32 [tilespmem:s24], [sflag:$0x3], $0x40, s29, s22, $0xb8;
	[tilespmem:$0x1D000] =	vst v63  }
0x20: {  	_ =	swait.ge [sflag:s18], $0x2000  }
0x21: {  	s4 =	sadd.s32 $0x1, s4;
	[sflag:s18] =	ssyncset.done $0x0  }
0x22: {  	p1 =	sne.s32 s4, s16;
	[sflag:s18] =	ssyncadd.s32 $0xFFFFE000  }
.Ltmp1:
0x23: {  	s0 =	sshrl.u32 s5, $0x3;
	[bflag:$0x0] =	sbarrier.arrive $0xFFFF;
	(pc) =	sbr.rel @!p1 .LBB2_11-.Ltmp1, $4  }
0x24: {  	[hbm:s15], [sflag:s30] =	dma.local [spmem:s0], $0x1400  }
0x25: {  	_ =	swait.ge [sflag:s18], $0x1400  }
0x26: {  	[sflag:s18] =	ssyncset.done $0x0  }
0x27: {  	[sflag:s18] =	ssyncadd.s32 $0xFFFFEC00  }
.LBB2_1:
0x28: {  	s31 =	simm.s32 $0x100;
	s30 =	simm.s32 $0x0  }
.LBB2_2:
0x29: {  	p1 =	sne.s32 s31, $0x7F00;
	[tilespmem:s30+$0x19030] =	vst v0;
	s0 =	smov.u32 s31;
	s31 =	sadd.s32 $0x100, s31  }
.Ltmp2:
0x2a: {  	[tilespmem:s30+$0x19020] =	vst v0;
	(pc) =	sbr.rel @p1 .LBB2_2-.Ltmp2, $3  }
0x2b: {  	[tilespmem:s30+$0x19000] =	vst v0  }
0x2c: {  	[tilespmem:s30+$0x19010] =	vst v0;
	_ =	sdelay $0x1  }
0x2d: {  	s30 =	sshra.s32 s0, $0x2  }
0x2e: {  	[tilespmem:s30+$0x19030] =	vst v0  }
0x2f: {  	[tilespmem:s30+$0x19020] =	vst v0  }
0x30: {  	[tilespmem:s30+$0x19000] =	vst v0  }
0x31: {  	[tilespmem:s30+$0x19010] =	vst v0  }
0x32: {  	[spmem:s5] =	stream.linear.scatter [tilespmem:s17], [sflag:$0x3], $0x2000, $0x38;
	[tilespmem:$0x1D000] =	vst v63  }
0x33: {  	_ =	swait.ge [sflag:s18], $0x2000  }
0x34: {  	[sflag:s18] =	ssyncset.done $0x0  }
0x35: {  	[sflag:s18] =	ssyncadd.s32 $0xFFFFE000  }
0x36: {  	[spmem:s6] =	stream.linear.scatter [tilespmem:s17], [sflag:$0x3], $0x2000, $0x38;
	[tilespmem:$0x1D000] =	vst v63  }
0x37: {  	_ =	swait.ge [sflag:s18], $0x2000  }
0x38: {  	[sflag:s18] =	ssyncset.done $0x0  }
0x39: {  	[sflag:s18] =	ssyncadd.s32 $0xFFFFE000  }
0x3a: {  	[spmem:s7] =	stream.linear.scatter [tilespmem:s17], [sflag:$0x3], $0x2000, $0x38;
	[tilespmem:$0x1D000] =	vst v63  }
0x3b: {  	_ =	swait.ge [sflag:s18], $0x2000  }
0x3c: {  	[sflag:s18] =	ssyncset.done $0x0  }
0x3d: {  	[sflag:s18] =	ssyncadd.s32 $0xFFFFE000  }
0x3e: {  	[spmem:s8] =	stream.linear.scatter [tilespmem:s17], [sflag:$0x3], $0x2000, $0x38;
	[tilespmem:$0x1D000] =	vst v63  }
0x3f: {  	_ =	swait.ge [sflag:s18], $0x2000  }
0x40: {  	[sflag:s18] =	ssyncset.done $0x0  }
0x41: {  	[sflag:s18] =	ssyncadd.s32 $0xFFFFE000  }
0x42: {  	[spmem:s9] =	stream.linear.scatter [tilespmem:s17], [sflag:$0x3], $0x2000, $0x38;
	[tilespmem:$0x1D000] =	vst v63  }
0x43: {  	s0 =	stileid.u32;
	_ =	swait.ge [sflag:s18], $0x2000  }
0x44: {  	s0 =	sshll.u32 s0, $0x6;
	[sflag:s18] =	ssyncset.done $0x0  }
.Ltmp3:
0x45: {  	s30 =	sor.u32 $0x1C03, s0;
	[sflag:s18] =	ssyncadd.s32 $0xFFFFE000;
	(pc) =	sbr.rel @!p0 .LBB2_4-.Ltmp3, $4  }
0x46: {  	[spmem:s19], [sflag:s30] =	dma.local [hbm:s10], $0x1400  }
0x47: {  	_ =	swait.ge [sflag:s18], $0x1400  }
0x48: {  	[sflag:s18] =	ssyncset.done $0x0  }
0x49: {  	s0 =	simm.s32 $0x0;
	[sflag:s18] =	ssyncadd.s32 $0xFFFFEC00  }
0x4a: {  	[tilespmem:s20], [sflag:$0x3] =	stream.linear.gather [hbm4b:s13+s0], $0x2800, $0x38;
	[tilespmem:$0x1D000] =	vst v63  }
0x4b: {  	_ =	swait.ge [sflag:s18], $0x2800  }
0x4c: {  	[sflag:s18] =	ssyncset.done $0x0  }
0x4d: {  	[sflag:s18] =	ssyncadd.s32 $0xFFFFD800  }
0x4e: {  	[tilespmem:s21], [sflag:$0x3] =	stream.linear.gather [hbm4b:s14+s0], $0x2800, $0x38;
	[tilespmem:$0x1D000] =	vst v63  }
0x4f: {  	_ =	swait.ge [sflag:s18], $0x2800  }
0x50: {  	[sflag:s18] =	ssyncset.done $0x0  }
0x51: {  	[sflag:s18] =	ssyncadd.s32 $0xFFFFD800  }
0x52: {  	[bflag:$0x0] =	sbarrier.arrive $0xFFFF  }
0x53: {  	[tilespmem:s17], [sflag:$0x1] =	stream.indirect.gather [spmem:s3], $0x40, s20, s22, $0xb8;
	[tilespmem:$0x1D000] =	vst v63  }
0x54: {  	_ = 	snop  }
0x55: {  	[tilespmem:s24], [sflag:$0x2] =	stream.indirect.gather [spmem:s3], $0x40, s23, s22, $0xb8;
	[tilespmem:$0x1D000] =	vst v63  }
0x56: {  	_ =	swait.ge [sflag:s25], $0x2000  }
0x57: {  	[sflag:s25] =	ssyncset.done $0x0  }
0x58: {  	s1 =	simm.s32 $0x16800;
	[sflag:s25] =	ssyncadd.s32 $0xFFFFE000  }
0x59: {  	[spmem:s2] =	stream.indirect.scatter.add.f32 [tilespmem:s17], [sflag:$0x3], $0x40, s1, s22, $0xb8;
	[tilespmem:$0x1D000] =	vst v63  }
0x5a: {  	_ =	swait.ge [sflag:s18], $0x2000  }
0x5b: {  	[sflag:s18] =	ssyncset.done $0x0  }
0x5c: {  	s1 =	simm.s32 $0x14100;
	[sflag:s18] =	ssyncadd.s32 $0xFFFFE000  }
0x5d: {  	[tilespmem:s17], [sflag:$0x1] =	stream.indirect.gather [spmem:s3], $0x40, s1, s22, $0xb8;
	[tilespmem:$0x1D000] =	vst v63  }
0x5e: {  	_ =	swait.ge [sflag:s26], $0x2000  }
0x5f: {  	[sflag:s26] =	ssyncset.done $0x0  }
0x60: {  	s1 =	simm.s32 $0x16880;
	[sflag:s26] =	ssyncadd.s32 $0xFFFFE000  }
0x61: {  	[spmem:s2] =	stream.indirect.scatter.add.f32 [tilespmem:s24], [sflag:$0x3], $0x40, s1, s22, $0xb8;
	[tilespmem:$0x1D000] =	vst v63  }
0x62: {  	_ =	swait.ge [sflag:s18], $0x2000  }
0x63: {  	[sflag:s18] =	ssyncset.done $0x0  }
0x64: {  	s31 =	simm.s32 $0x400;
	s0 =	simm.s32 $0x14180;
	[sflag:s18] =	ssyncadd.s32 $0xFFFFE000  }
.LBB2_8:
0x65: {  	[tilespmem:s24], [sflag:$0x2] =	stream.indirect.gather [spmem:s3], $0x40, s0, s22, $0xb8;
	[tilespmem:$0x1D000] =	vst v63  }
0x66: {  	s0 =	smov.u32 s31  }
0x67: {  	p1 =	sne.s32 s31, $0x9800;
	s31 =	sadd.s32 $0x400, s31;
	_ =	swait.ge [sflag:s25], $0x2000  }
0x68: {  	s0 =	sshra.s32 s0, $0x2;
	[sflag:s25] =	ssyncset.done $0x0  }
0x69: {  	s1 =	sadd.s32 $0x16800, s0;
	[sflag:s25] =	ssyncadd.s32 $0xFFFFE000  }
0x6a: {  	[spmem:s2] =	stream.indirect.scatter.add.f32 [tilespmem:s17], [sflag:$0x3], $0x40, s1, s22, $0xb8;
	[tilespmem:$0x1D000] =	vst v63  }
0x6b: {  	_ =	swait.ge [sflag:s18], $0x2000  }
0x6c: {  	[sflag:s18] =	ssyncset.done $0x0  }
0x6d: {  	s1 =	sadd.s32 $0x14100, s0;
	[sflag:s18] =	ssyncadd.s32 $0xFFFFE000  }
0x6e: {  	[tilespmem:s17], [sflag:$0x1] =	stream.indirect.gather [spmem:s3], $0x40, s1, s22, $0xb8;
	[tilespmem:$0x1D000] =	vst v63  }
0x6f: {  	_ =	swait.ge [sflag:s26], $0x2000  }
0x70: {  	[sflag:s26] =	ssyncset.done $0x0  }
.Ltmp4:
0x71: {  	s1 =	sadd.s32 $0x16880, s0;
	[sflag:s26] =	ssyncadd.s32 $0xFFFFE000;
	(pc) =	sbr.rel @p1 .LBB2_8-.Ltmp4, $4  }
0x72: {  	[spmem:s2] =	stream.indirect.scatter.add.f32 [tilespmem:s24], [sflag:$0x3], $0x40, s1, s22, $0xb8;
	[tilespmem:$0x1D000] =	vst v63  }
0x73: {  	_ =	swait.ge [sflag:s18], $0x2000  }
0x74: {  	[sflag:s18] =	ssyncset.done $0x0  }
0x75: {  	s0 =	sadd.s32 $0x14180, s0;
	[sflag:s18] =	ssyncadd.s32 $0xFFFFE000  }
.Ltmp5:
0x76: {  	(pc) =	sbr.rel .LBB2_10-.Ltmp5, $2  }
0x77: {  	_ =	sdelay $0x2  }
0x78: {  	[tilespmem:s24], [sflag:$0x2] =	stream.indirect.gather [spmem:s3], $0x40, s0, s22, $0xb8;
	[tilespmem:$0x1D000] =	vst v63  }
.LBB2_4:
0x79: {  	[tilespmem:s20], [sflag:$0x3] =	stream.linear.gather [hbm4b:s11+s0], $0x2800, $0x38;
	[tilespmem:$0x1D000] =	vst v63  }
0x7a: {  	_ =	swait.ge [sflag:s18], $0x2800  }
0x7b: {  	[sflag:s18] =	ssyncset.done $0x0  }
0x7c: {  	[sflag:s18] =	ssyncadd.s32 $0xFFFFD800  }
0x7d: {  	[tilespmem:s21], [sflag:$0x3] =	stream.linear.gather [hbm4b:s12+s0], $0x2800, $0x38;
	[tilespmem:$0x1D000] =	vst v63  }
0x7e: {  	_ =	swait.ge [sflag:s18], $0x2800  }
0x7f: {  	[sflag:s18] =	ssyncset.done $0x0  }
0x80: {  	[sflag:s18] =	ssyncadd.s32 $0xFFFFD800  }
0x81: {  	[bflag:$0x0] =	sbarrier.arrive $0xFFFF  }
0x82: {  	[tilespmem:s17], [sflag:$0x1] =	stream.indirect.gather [spmem:s3], $0x40, s20, s22, $0xb8;
	[tilespmem:$0x1D000] =	vst v63  }
0x83: {  	_ = 	snop  }
0x84: {  	[tilespmem:s24], [sflag:$0x2] =	stream.indirect.gather [spmem:s3], $0x40, s23, s22, $0xb8;
	[tilespmem:$0x1D000] =	vst v63  }
0x85: {  	_ =	swait.ge [sflag:s25], $0x2000  }
0x86: {  	[sflag:s25] =	ssyncset.done $0x0  }
0x87: {  	s1 =	simm.s32 $0x16800;
	[sflag:s25] =	ssyncadd.s32 $0xFFFFE000  }
0x88: {  	[spmem:s2] =	stream.indirect.scatter.add.f32 [tilespmem:s17], [sflag:$0x3], $0x40, s1, s22, $0xb8;
	[tilespmem:$0x1D000] =	vst v63  }
0x89: {  	_ =	swait.ge [sflag:s18], $0x2000  }
0x8a: {  	[sflag:s18] =	ssyncset.done $0x0  }
0x8b: {  	s1 =	simm.s32 $0x14100;
	[sflag:s18] =	ssyncadd.s32 $0xFFFFE000  }
0x8c: {  	[tilespmem:s17], [sflag:$0x1] =	stream.indirect.gather [spmem:s3], $0x40, s1, s22, $0xb8;
	[tilespmem:$0x1D000] =	vst v63  }
0x8d: {  	_ =	swait.ge [sflag:s26], $0x2000  }
0x8e: {  	[sflag:s26] =	ssyncset.done $0x0  }
0x8f: {  	s1 =	simm.s32 $0x16880;
	[sflag:s26] =	ssyncadd.s32 $0xFFFFE000  }
0x90: {  	[spmem:s2] =	stream.indirect.scatter.add.f32 [tilespmem:s24], [sflag:$0x3], $0x40, s1, s22, $0xb8;
	[tilespmem:$0x1D000] =	vst v63  }
0x91: {  	_ =	swait.ge [sflag:s18], $0x2000  }
0x92: {  	[sflag:s18] =	ssyncset.done $0x0  }
0x93: {  	s31 =	simm.s32 $0x400;
	s0 =	simm.s32 $0x14180;
	[sflag:s18] =	ssyncadd.s32 $0xFFFFE000  }
.LBB2_5:
0x94: {  	[tilespmem:s24], [sflag:$0x2] =	stream.indirect.gather [spmem:s3], $0x40, s0, s22, $0xb8;
	[tilespmem:$0x1D000] =	vst v63  }
0x95: {  	s0 =	smov.u32 s31  }
0x96: {  	p1 =	seq.s32 s31, $0x9800;
	s31 =	sadd.s32 $0x400, s31;
	_ =	swait.ge [sflag:s25], $0x2000  }
0x97: {  	s0 =	sshra.s32 s0, $0x2;
	[sflag:s25] =	ssyncset.done $0x0  }
0x98: {  	s1 =	sadd.s32 $0x16800, s0;
	[sflag:s25] =	ssyncadd.s32 $0xFFFFE000  }
0x99: {  	[spmem:s2] =	stream.indirect.scatter.add.f32 [tilespmem:s17], [sflag:$0x3], $0x40, s1, s22, $0xb8;
	[tilespmem:$0x1D000] =	vst v63  }
0x9a: {  	_ =	swait.ge [sflag:s18], $0x2000  }
0x9b: {  	[sflag:s18] =	ssyncset.done $0x0  }
0x9c: {  	s1 =	sadd.s32 $0x14100, s0;
	[sflag:s18] =	ssyncadd.s32 $0xFFFFE000  }
0x9d: {  	[tilespmem:s17], [sflag:$0x1] =	stream.indirect.gather [spmem:s3], $0x40, s1, s22, $0xb8;
	[tilespmem:$0x1D000] =	vst v63  }
0x9e: {  	_ =	swait.ge [sflag:s26], $0x2000  }
0x9f: {  	[sflag:s26] =	ssyncset.done $0x0  }
.Ltmp6:
0xa0: {  	s1 =	sadd.s32 $0x16880, s0;
	[sflag:s26] =	ssyncadd.s32 $0xFFFFE000;
	(pc) =	sbr.rel @!p1 .LBB2_5-.Ltmp6, $4  }
0xa1: {  	[spmem:s2] =	stream.indirect.scatter.add.f32 [tilespmem:s24], [sflag:$0x3], $0x40, s1, s22, $0xb8;
	[tilespmem:$0x1D000] =	vst v63  }
0xa2: {  	_ =	swait.ge [sflag:s18], $0x2000  }
0xa3: {  	[sflag:s18] =	ssyncset.done $0x0  }
0xa4: {  	s0 =	sadd.s32 $0x14180, s0;
	[sflag:s18] =	ssyncadd.s32 $0xFFFFE000  }
.Ltmp7:
0xa5: {  	_ = 	snop;
	(pc) =	sbr.rel .LBB2_6-.Ltmp7, $1  }
0xa6: {  	_ =	sdelay $0x3  }
.LBB2_11:
0xa7: {  	_ =	sfence.sel $0x180000  }
0xa8: {  	[bflag:$0x0] =	sbarrier.arrive $0xFFFF  }
0xa9: {  	_ =	strace $0x9000004A  }
0xaa: {  	s0 =	stileid.u32;
	[bflag:$0x2] =	sbarrier.arrive $0xFFFF  }
0xab: {  	p0 =	sne.s32 s0, $0x0;
	s0 =	rddreg [dreg:$0x3]  }
0xac: {  	s0 =	sadd.s32 @!p0 $0x100000, s0  }
0xad: {  	[sflag:s0] =	ssyncadd.tile.s32 @!p0 $0x1;
	_ =	shalt  }
.Lfunc_end2:
_tile_overlayer_lowered:
.L_overlay_start_2:
0xae: {  	(tag) =	ssettag $0x2  }
0xaf: {  	s0 =	rddreg [dreg:$0x0];
	s2 =	stileid.u32  }
0xb0: {  	s1 =	rddreg [dreg:$0x1];
	p0 =	sne.s32 s2, $0x0  }
0xb1: {  	s3 =	rddreg [dreg:$0x2];
	[bflag:$0x3] =	sbarrier.arrive $0xFFFF;
	s2 =	simm.s32 @!p0 $0x1C03  }
0xb2: {  	[timem:s3], [sflag:s2] =	dma.local @!p0 [hbm:s0], s1  }
0xb3: {  	s0 =	simm.s32 @!p0 $0x3  }
0xb4: {  	_ =	swait.ge @!p0 [sflag:s0], s1  }
0xb5: {  	s1 =	ssub.s32 @!p0 $0x0, s1;
	[sflag:s0] =	ssyncset.done @!p0 $0x0  }
0xb6: {  	[sflag:s0] =	ssyncadd.s32 @!p0 s1  }
0xb7: {  	[bflag:$0x3] =	sbarrier.arrive $0xFFFF  }
0xb8: {  	_ =	shalt  }

// kernel: kernel.16.cloned.1.call-start
scs
__scs_entry_jumppad:
0x0: {  	(pc) =	sbr.rel $0x88, $3  }
0x1: {  	(tag) =	ssettag $0x0;
	lr =	simm.s32 $0x1  }
0x2: {  	[smem:$0x3F8C] =	sst lr;
	_ =	strace $0xD0000000  }
0x3: {  	_ = 	snop  }
0x4: {  	_ = 	snop  }
0x5: {  	_ = 	snop  }
0x6: {  	_ = 	snop  }
0x7: {  	_ = 	snop  }
__scs_overlays_trampoline_lowered:
0x8: {  	[smem:$0x3F9B] =	sst s0  }
0x9: {  	[smem:$0x3F9C] =	sst s1  }
0xa: {  	[smem:$0x3F9D] =	sst s2  }
0xb: {  	[smem:$0x3F9E] =	sst s3  }
0xc: {  	[smem:$0x3F9F] =	sst s4  }
0xd: {  	[smem:$0x3FA0] =	sst s5  }
0xe: {  	[smem:$0x3FA1] =	sst s6  }
0xf: {  	[smem:$0x3FA2] =	sst s7  }
0x10: {  	[smem:$0x3FA3] =	sst s8  }
0x11: {  	[smem:$0x3FA4] =	sst s9;
	s0 =	simm.s32 @!p0 $0x0  }
0x12: {  	s1 =	sld [smem:$0x3F8A];
	s0 =	simm.s32 @p0 $0x1  }
0x13: {  	[smem:$0x3FA5] =	sst s0;
	s0 =	simm.s32 @!p1 $0x0  }
0x14: {  	s2 =	sld [smem:$0x3F89];
	s0 =	simm.s32 @p1 $0x1  }
0x15: {  	[smem:$0x3FA6] =	sst s0;
	s0 =	simm.s32 @!p2 $0x0  }
0x16: {  	s3 =	sld [smem:$0x3FDB];
	s0 =	simm.s32 @p2 $0x1  }
0x17: {  	s4 =	simm.s32 $0x1BF5;
	[smem:$0x3FA8] =	sst s0  }
0x18: {  	s0 =	sld [smem:$0x3F8B];
	_ =	swait.ge [sflag:s4], $0x0  }
0x19: {  	s7 =	sld [smem:$0x3F8C]  }
0x1a: {  	s8 =	sadd.s32 $0xFFFFE003, lr  }
0x1b: {  	s9 =	sadd.s32 $0xFFFFFEF7, lr;
	s5 =	simm.s32 $0xFFFFFFFF;
	p2 =	slt.u32 s8, $0xFFFFF086  }
0x1c: {  	p1 =	slt.u32 s9, $0xF7A;
	s5 =	simm.s32 @!p2 $0x0  }
0x1d: {  	s5 =	simm.s32 @p1 $0x1;
	p0 =	seq.s32 s7, s2  }
0x1e: {  	s7 =	smul.u32 @!p0 $0xF7A, s2;
	p2 =	seq.s32 @!p0 s5, $0x0  }
0x1f: {  	s9 =	smul.u32 $0xF7A, s1;
	s8 =	simm.s32 @!p0 $0x1BF5;
	p2 =	por !p2, p0  }
0x20: {  	[sflag:s8] =	ssyncset.s32 @!p0 $0xFFFFF086;
	s6 =	sadd.s32 @!p0 s3, s7;
	s7 =	simm.s32 @!p0 $0x108  }
0x21: {  	s3 =	sadd.s32 s3, s9;
	s6 =	sadd.s32 @!p0 $0x88, s6;
	s7 =	simm.s32 @p2 $0x1082  }
0x22: {  	[simem:s7], [sflag:s8] =	dma.local @!p0 [hbm:s6], $0xF7A  }
0x23: {  	s9 =	sor.u32 $0xD0000000, s2;
	s6 =	simm.s32 $0x108;
	_ =	swait.ge @!p0 [sflag:s8], $0x0  }
0x24: {  	s3 =	sadd.s32 $0x88, s3;
	s6 =	simm.s32 @!p1 $0x1082;
	[sflag:s4] =	ssyncset.s32 $0xFFFFF086  }
0x25: {  	[simem:s6], [sflag:s4] =	dma.local [hbm:s3], $0xF7A  }
0x26: {  	[smem:$0x3F8C] =	sst s1;
	(tag) =	ssettag s2;
	_ =	strace s9  }
0x27: {  	s1 =	sld [smem:$0x3F9C]  }
0x28: {  	s2 =	sld [smem:$0x3F9D]  }
0x29: {  	s4 =	sld [smem:$0x3F9F]  }
0x2a: {  	p0 =	seq.s32 s5, $0x0;
	s5 =	sld [smem:$0x3FA0]  }
0x2b: {  	s6 =	sld [smem:$0x3FA1]  }
0x2c: {  	s7 =	sld [smem:$0x3FA2]  }
0x2d: {  	s3 =	simm.s32 $0x108;
	s8 =	sld [smem:$0x3FA3]  }
0x2e: {  	s3 =	simm.s32 @!p0 $0x1082;
	s9 =	sld [smem:$0x3FA4]  }
0x2f: {  	lr =	sadd.s32 s0, s3;
	s0 =	sld [smem:$0x3F9B]  }
0x30: {  	s3 =	sld [smem:$0x3F9E]  }
0x31: {  	[smem:$0x3FA7] =	sst s10  }
0x32: {  	s10 =	sld [smem:$0x3FA5];
	_ =	sdelay $0x3  }
0x33: {  	p0 =	seq.s32 s10, $0x1;
	s10 =	sld [smem:$0x3FA7];
	_ =	sdelay $0x3  }
0x34: {  	[smem:$0x3FA7] =	sst s10  }
0x35: {  	s10 =	sld [smem:$0x3FA6];
	_ =	sdelay $0x3  }
0x36: {  	p1 =	seq.s32 s10, $0x1;
	s10 =	sld [smem:$0x3FA7];
	_ =	sdelay $0x3  }
0x37: {  	[smem:$0x3FA7] =	sst s10  }
0x38: {  	s10 =	sld [smem:$0x3FA8]  }
0x39: {  	_ = 	snop;
	(pc) =	sbr.ind lr, $3  }
0x3a: {  	_ = 	snop  }
0x3b: {  	_ = 	snop  }
0x3c: {  	p2 =	seq.s32 s10, $0x1;
	s10 =	sld [smem:$0x3FA7]  }
0x3d: {  	_ =	shalt  }
0x3e: {  	_ =	shalt  }
0x3f: {  	_ =	shalt  }
0x40: {  	_ =	shalt  }
0x41: {  	_ =	shalt  }
0x42: {  	_ =	shalt  }
0x43: {  	_ =	shalt  }
0x44: {  	_ =	shalt  }
0x45: {  	_ =	shalt  }
0x46: {  	_ =	shalt  }
0x47: {  	_ =	shalt  }
0x48: {  	_ =	shalt  }
0x49: {  	_ =	shalt  }
0x4a: {  	_ =	shalt  }
0x4b: {  	_ =	shalt  }
0x4c: {  	_ =	shalt  }
0x4d: {  	_ =	shalt  }
0x4e: {  	_ =	shalt  }
0x4f: {  	_ =	shalt  }
0x50: {  	_ =	shalt  }
0x51: {  	_ =	shalt  }
0x52: {  	_ =	shalt  }
0x53: {  	_ =	shalt  }
0x54: {  	_ =	shalt  }
0x55: {  	_ =	shalt  }
0x56: {  	_ =	shalt  }
0x57: {  	_ =	shalt  }
0x58: {  	_ =	shalt  }
0x59: {  	_ =	shalt  }
0x5a: {  	_ =	shalt  }
0x5b: {  	_ =	shalt  }
0x5c: {  	_ =	shalt  }
0x5d: {  	_ =	shalt  }
0x5e: {  	_ =	shalt  }
0x5f: {  	_ =	shalt  }
0x60: {  	_ =	shalt  }
0x61: {  	_ =	shalt  }
0x62: {  	_ =	shalt  }
0x63: {  	_ =	shalt  }
0x64: {  	_ =	shalt  }
0x65: {  	_ =	shalt  }
0x66: {  	_ =	shalt  }
0x67: {  	_ =	shalt  }
0x68: {  	_ =	shalt  }
0x69: {  	_ =	shalt  }
0x6a: {  	_ =	shalt  }
0x6b: {  	_ =	shalt  }
0x6c: {  	_ =	shalt  }
0x6d: {  	_ =	shalt  }
0x6e: {  	_ =	shalt  }
0x6f: {  	_ =	shalt  }
0x70: {  	_ =	shalt  }
0x71: {  	_ =	shalt  }
0x72: {  	_ =	shalt  }
0x73: {  	_ =	shalt  }
0x74: {  	_ =	shalt  }
0x75: {  	_ =	shalt  }
0x76: {  	_ =	shalt  }
0x77: {  	_ =	shalt  }
0x78: {  	_ =	shalt  }
0x79: {  	_ =	shalt  }
0x7a: {  	_ =	shalt  }
0x7b: {  	_ =	shalt  }
0x7c: {  	_ =	shalt  }
0x7d: {  	_ =	shalt  }
0x7e: {  	_ =	shalt  }
0x7f: {  	_ =	shalt  }
0x80: {  	_ =	shalt  }
0x81: {  	_ =	shalt  }
0x82: {  	_ =	shalt  }
0x83: {  	_ =	shalt  }
0x84: {  	_ =	shalt  }
0x85: {  	_ =	shalt  }
0x86: {  	_ =	shalt  }
0x87: {  	_ =	shalt  }
.Lfunc_end0:
.L_simem_size_0:
called_computation.2_lowered:
.L_overlay_start_0:
0x88: {  	s2 =	sld [smem:$0x3FD9]  }
0x89: {  	s3 =	sld [smem:$0x3FFE];
	_ =	sdelay $0x1  }
0x8a: {  	s1 =	srdreg.scid  }
0x8b: {  	s0 =	sand.u32 $0x1, s1  }
0x8c: {  	s16 =	sshll.u32 s0, $0xA;
	s2 =	sadd.s32 s3, s2  }
0x8d: {  	s2 =	sadd.s32 s2, s16  }
0x8e: {  	[smem:$0x3FB3] =	sst s2  }
0x8f: {  	_ = 	snop  }
0x90: {  	(tm) =	ssettm $0x1  }
0x91: {  	s17 =	sld [smem:$0x3FFB];
	_ =	sdelay $0x3  }
0x92: {  	_ =	strace s17  }
0x93: {  	s2 =	sld [smem:$0x3FFC];
	_ =	sdelay $0x3  }
0x94: {  	_ =	strace s2  }
0x95: {  	s2 =	sld [smem:$0x3FFD];
	_ =	sdelay $0x3  }
0x96: {  	_ =	strace s2  }
0x97: {  	_ =	strace $0x8FFFFFFF  }
0x98: {  	s18 =	sld [smem:$0x3FDB];
	_ =	sdelay $0x1  }
0x99: {  	s19 =	simm.s32 $_scs_section_size  }
0x9a: {  	s4 =	simm.s32 $_size__tile_overlayer_lowered;
	s5 =	simm.s32 $_tile_overlayer_lowered  }
0x9b: {  	s22 =	simm.s32 $0x1BFF;
	s21 =	sshll.u32 s5, $0x1;
	s2 =	sadd.s32 s19, s18  }
0x9c: {  	s6 =	simm.s32 $0x0;
	s20 =	sshll.u32 s4, $0x1;
	s4 =	sadd.s32 s21, s2  }
0x9d: {  	[timem:s6], [sflag:s22] =	dma.local [hbm:s4], s20  }
0x9e: {  	_ =	swait.ge [sflag:s22], s20  }
0x9f: {  	s3 =	ssub.s32 $0x0, s20;
	[sflag:s22] =	ssyncset.done $0x0  }
0xa0: {  	[sflag:s22] =	ssyncadd.s32 s3;
	_ =	sdelay $0x1  }
0xa1: {  	s23 =	simm.s32 $0x1B8B  }
0xa2: {  	_ =	swait.ge [sflag:s23], $0x1  }
0xa3: {  	[sflag:s23] =	ssyncset.done $0x0  }
0xa4: {  	s25 =	simm.s32 $0x1B8E;
	s24 =	sld [smem:$0x3FFE];
	[sflag:s23] =	ssyncadd.s32 $0xFFFFFFFF  }
0xa5: {  	s26 =	simm.s32 $execute0_lowered;
	[smem:$0x3FD2] =	sst s25  }
0xa6: {  	s4 =	sshll.u32 s26, $0x1;
	_ =	strace $0x8000004C;
	[dreg:$0x1] =	wrdreg $0xFFFFFFFF  }
0xa7: {  	s28 =	simm.s32 $_size_execute0_lowered;
	s2 =	sadd.s32 s2, s4;
	[dreg:$0x0] =	wrdreg $0x0  }
0xa8: {  	s4 =	sshll.u32 s28, $0x1;
	[dreg:$0x2] =	wrdreg s2  }
0xa9: {  	[dreg:$0x3] =	wrdreg s4  }
0xaa: {  	[dreg:$0x4] =	wrdreg $0xC0  }
0xab: {  	_ =	task [dreg:s6], $0x5FFFF  }
0xac: {  	[dreg:$0x1] =	wrdreg $0xFFFFFFFF  }
0xad: {  	[dreg:$0x0] =	wrdreg $0x60  }
0xae: {  	[dreg:$0x2] =	wrdreg s24  }
0xaf: {  	[dreg:$0x3] =	wrdreg $0x0  }
0xb0: {  	[dreg:$0x4] =	wrdreg $0xA0000  }
0xb1: {  	[dreg:$0x5] =	wrdreg $0x9  }
0xb2: {  	_ =	task.clear_ibuf [dreg:s6], $0x6FFFF;
	_ =	strace $0x9000004C  }
0xb3: {  	s29 =	simm.s32 $0x9;
	_ =	strace $0x8000004E  }
0xb4: {  	_ =	swait.ge [sflag:s29], $0x1  }
0xb5: {  	[sflag:s29] =	ssyncadd.s32 $0xFFFFFFFF  }
0xb6: {  	_ =	strace $0x9000004E  }
0xb7: {  	_ =	sfence  }
0xb8: {  	s30 =	sld [smem:$0x0];
	_ =	sdelay $0x2  }
0xb9: {  	s31 =	sshll.u32 s1, $0xD;
	s1 =	sshrl.u32 s1, $0x2  }
0xba: {  	s3 =	sand.u32 $0x4000, s31;
	s1 =	sadd.s32 s1, s30  }
0xbb: {  	s0 =	sor.u32 s3, s0;
	s1 =	sshll.u32 s1, $0x11  }
0xbc: {  	s0 =	sor.u32 s1, s0  }
0xbd: {  	s0 =	sadd.s32 $0x8F2B, s0  }
0xbe: {  	[sflag:s0] =	ssyncadd.remote.s32 $0x1  }
0xbf: {  	_ =	sfence.sel $0xFFFF  }
0xc0: {  	[dreg:$0x0] =	wrdreg $0xFFFFFFFF;
	(pc) =	sbr.abs _section_cstart, $3  }
0xc1: {  	[dreg:$0x1] =	wrdreg $0xFFFFFFFF  }
0xc2: {  	_ =	task.clear_ibuf [dreg:s6], $0x2FFFF;
	_ =	strace $0x9FFFFFFF  }
0xc3: {  	(tm) =	ssettm $0x7FFFFFFF  }
tec
execute0_lowered:
.L_overlay_start_1:
0x0: {  	(tag) =	ssettag $0x1  }
0x1: {  	s0 =	rddreg [dreg:$0x0]  }
0x2: {  	s2 =	rddreg [dreg:$0x1]  }
0x3: {  	s3 =	rddreg [dreg:$0x2]  }
0x4: {  	s1 =	stileid.u32;
	s5 =	srdreg.scid;
	s4 =	simm.s32 $0x0  }
0x5: {  	s17 =	simm.s32 $0x19000;
	s18 =	simm.s32 $0x3;
	s20 =	simm.s32 $0x14000  }
0x6: {  	s21 =	simm.s32 $0x16800;
	s22 =	simm.s32 $0x80;
	s23 =	simm.s32 $0x14080  }
0x7: {  	s24 =	simm.s32 $0x1B000;
	s25 =	simm.s32 $0x1;
	s10 =	smul.u32 $0xA000, s1  }
0x8: {  	s28 =	simm.s32 $0x18F00;
	s29 =	simm.s32 $0x18F80;
	s6 =	smul.u32 $0x500, s1  }
0x9: {  	s11 =	sand.u32 $0x1, s5;
	[smem:$0x7FF] =	sst s4;
	s8 =	smul.u32 $0x28000, s1  }
0xa: {  	s5 =	smul.u32 $0xA0000, s11;
	_ =	strace $0x8000004D;
	s26 =	ssub.s32 $0x2, s11  }
0xb: {  	p0 =	seq.s32 s11, $0x1;
	s7 =	sshrl.u32 s10, $0x3;
	s14 =	sadd.s32 s6, s0  }
0xc: {  	s30 =	sshrl.u32 s8, $0x2;
	s31 =	sshrl.u32 s26, $0x1;
	s19 =	sadd.s32 s10, s3  }
0xd: {  	s12 =	sadd.s32 s7, s0;
	s5 =	sadd.s32 s10, s5;
	s9 =	sadd.s32 s30, s2  }
0xe: {  	s16 =	ssub.s32 s26, s31;
	s11 =	sadd.s32 $0x3C00, s14;
	s13 =	sadd.s32 $0x21E00, s14  }
.Ltmp0:
0xf: {  	s19 =	sshrl.u32 s19, $0x3;
	s26 =	simm.s32 $0x2;
	(pc) =	sbr.rel .LBB2_1-.Ltmp0, $4  }
0x10: {  	s5 =	sshrl.u32 s5, $0x3;
	s6 =	sadd.s32 $0x2000, s9;
	s7 =	sadd.s32 $0x4000, s9  }
0x11: {  	s8 =	sadd.s32 $0x6000, s9;
	s9 =	sadd.s32 $0x8000, s9;
	s16 =	smax.u32 s16, $0x1  }
0x12: {  	s0 =	sadd.s32 s5, s0;
	s5 =	sadd.s32 s10, s2;
	s10 =	sadd.s32 $0x26E00, s12  }
0x13: {  	v0 =	vimm.f32 $0.0e+00;
	s12 =	sadd.s32 $0x8C00, s14;
	s14 =	sadd.s32 $0xDC00, s14;
	s15 =	sadd.s32 $0x4EE00, s0  }
.LBB2_6:
0x14: {  	[tilespmem:s24], [sflag:$0x2] =	stream.indirect.gather [spmem:s3], $0x40, s0, s22, $0xb8;
	[tilespmem:$0x1D000] =	vst v63  }
.LBB2_10:
0x15: {  	_ =	swait.ge [sflag:s25], $0x2000  }
0x16: {  	[sflag:s25] =	ssyncset.done $0x0  }
0x17: {  	[sflag:s25] =	ssyncadd.s32 $0xFFFFE000  }
0x18: {  	[spmem:s2] =	stream.indirect.scatter.add.f32 [tilespmem:s17], [sflag:$0x3], $0x40, s28, s22, $0xb8;
	[tilespmem:$0x1D000] =	vst v63  }
0x19: {  	_ =	swait.ge [sflag:s18], $0x2000  }
0x1a: {  	[sflag:s18] =	ssyncset.done $0x0  }
0x1b: {  	[sflag:s18] =	ssyncadd.s32 $0xFFFFE000  }
0x1c: {  	_ =	swait.ge [sflag:s26], $0x2000  }
0x1d: {  	[sflag:s26] =	ssyncset.done $0x0  }
0x1e: {  	[sflag:s26] =	ssyncadd.s32 $0xFFFFE000  }
0x1f: {  	[spmem:s2] =	stream.indirect.scatter.add.f32 [tilespmem:s24], [sflag:$0x3], $0x40, s29, s22, $0xb8;
	[tilespmem:$0x1D000] =	vst v63  }
0x20: {  	_ =	swait.ge [sflag:s18], $0x2000  }
0x21: {  	s4 =	sadd.s32 $0x1, s4;
	[sflag:s18] =	ssyncset.done $0x0  }
0x22: {  	p1 =	sne.s32 s4, s16;
	[sflag:s18] =	ssyncadd.s32 $0xFFFFE000  }
.Ltmp1:
0x23: {  	s0 =	sshrl.u32 s5, $0x3;
	[bflag:$0x0] =	sbarrier.arrive $0xFFFF;
	(pc) =	sbr.rel @!p1 .LBB2_11-.Ltmp1, $4  }
0x24: {  	[hbm:s15], [sflag:s30] =	dma.local [spmem:s0], $0x1400  }
0x25: {  	_ =	swait.ge [sflag:s18], $0x1400  }
0x26: {  	[sflag:s18] =	ssyncset.done $0x0  }
0x27: {  	[sflag:s18] =	ssyncadd.s32 $0xFFFFEC00  }
.LBB2_1:
0x28: {  	s31 =	simm.s32 $0x100;
	s30 =	simm.s32 $0x0  }
.LBB2_2:
0x29: {  	p1 =	sne.s32 s31, $0x7F00;
	[tilespmem:s30+$0x19030] =	vst v0;
	s0 =	smov.u32 s31;
	s31 =	sadd.s32 $0x100, s31  }
.Ltmp2:
0x2a: {  	[tilespmem:s30+$0x19020] =	vst v0;
	(pc) =	sbr.rel @p1 .LBB2_2-.Ltmp2, $3  }
0x2b: {  	[tilespmem:s30+$0x19000] =	vst v0  }
0x2c: {  	[tilespmem:s30+$0x19010] =	vst v0;
	_ =	sdelay $0x1  }
0x2d: {  	s30 =	sshra.s32 s0, $0x2  }
0x2e: {  	[tilespmem:s30+$0x19030] =	vst v0  }
0x2f: {  	[tilespmem:s30+$0x19020] =	vst v0  }
0x30: {  	[tilespmem:s30+$0x19000] =	vst v0  }
0x31: {  	[tilespmem:s30+$0x19010] =	vst v0  }
0x32: {  	[spmem:s5] =	stream.linear.scatter [tilespmem:s17], [sflag:$0x3], $0x2000, $0x38;
	[tilespmem:$0x1D000] =	vst v63  }
0x33: {  	_ =	swait.ge [sflag:s18], $0x2000  }
0x34: {  	[sflag:s18] =	ssyncset.done $0x0  }
0x35: {  	[sflag:s18] =	ssyncadd.s32 $0xFFFFE000  }
0x36: {  	[spmem:s6] =	stream.linear.scatter [tilespmem:s17], [sflag:$0x3], $0x2000, $0x38;
	[tilespmem:$0x1D000] =	vst v63  }
0x37: {  	_ =	swait.ge [sflag:s18], $0x2000  }
0x38: {  	[sflag:s18] =	ssyncset.done $0x0  }
0x39: {  	[sflag:s18] =	ssyncadd.s32 $0xFFFFE000  }
0x3a: {  	[spmem:s7] =	stream.linear.scatter [tilespmem:s17], [sflag:$0x3], $0x2000, $0x38;
	[tilespmem:$0x1D000] =	vst v63  }
0x3b: {  	_ =	swait.ge [sflag:s18], $0x2000  }
0x3c: {  	[sflag:s18] =	ssyncset.done $0x0  }
0x3d: {  	[sflag:s18] =	ssyncadd.s32 $0xFFFFE000  }
0x3e: {  	[spmem:s8] =	stream.linear.scatter [tilespmem:s17], [sflag:$0x3], $0x2000, $0x38;
	[tilespmem:$0x1D000] =	vst v63  }
0x3f: {  	_ =	swait.ge [sflag:s18], $0x2000  }
0x40: {  	[sflag:s18] =	ssyncset.done $0x0  }
0x41: {  	[sflag:s18] =	ssyncadd.s32 $0xFFFFE000  }
0x42: {  	[spmem:s9] =	stream.linear.scatter [tilespmem:s17], [sflag:$0x3], $0x2000, $0x38;
	[tilespmem:$0x1D000] =	vst v63  }
0x43: {  	s0 =	stileid.u32;
	_ =	swait.ge [sflag:s18], $0x2000  }
0x44: {  	s0 =	sshll.u32 s0, $0x6;
	[sflag:s18] =	ssyncset.done $0x0  }
.Ltmp3:
0x45: {  	s30 =	sor.u32 $0x1C03, s0;
	[sflag:s18] =	ssyncadd.s32 $0xFFFFE000;
	(pc) =	sbr.rel @!p0 .LBB2_4-.Ltmp3, $4  }
0x46: {  	[spmem:s19], [sflag:s30] =	dma.local [hbm:s10], $0x1400  }
0x47: {  	_ =	swait.ge [sflag:s18], $0x1400  }
0x48: {  	[sflag:s18] =	ssyncset.done $0x0  }
0x49: {  	s0 =	simm.s32 $0x0;
	[sflag:s18] =	ssyncadd.s32 $0xFFFFEC00  }
0x4a: {  	[tilespmem:s20], [sflag:$0x3] =	stream.linear.gather [hbm4b:s13+s0], $0x2800, $0x38;
	[tilespmem:$0x1D000] =	vst v63  }
0x4b: {  	_ =	swait.ge [sflag:s18], $0x2800  }
0x4c: {  	[sflag:s18] =	ssyncset.done $0x0  }
0x4d: {  	[sflag:s18] =	ssyncadd.s32 $0xFFFFD800  }
0x4e: {  	[tilespmem:s21], [sflag:$0x3] =	stream.linear.gather [hbm4b:s14+s0], $0x2800, $0x38;
	[tilespmem:$0x1D000] =	vst v63  }
0x4f: {  	_ =	swait.ge [sflag:s18], $0x2800  }
0x50: {  	[sflag:s18] =	ssyncset.done $0x0  }
0x51: {  	[sflag:s18] =	ssyncadd.s32 $0xFFFFD800  }
0x52: {  	[bflag:$0x0] =	sbarrier.arrive $0xFFFF  }
0x53: {  	[tilespmem:s17], [sflag:$0x1] =	stream.indirect.gather [spmem:s3], $0x40, s20, s22, $0xb8;
	[tilespmem:$0x1D000] =	vst v63  }
0x54: {  	_ = 	snop  }
0x55: {  	[tilespmem:s24], [sflag:$0x2] =	stream.indirect.gather [spmem:s3], $0x40, s23, s22, $0xb8;
	[tilespmem:$0x1D000] =	vst v63  }
0x56: {  	_ =	swait.ge [sflag:s25], $0x2000  }
0x57: {  	[sflag:s25] =	ssyncset.done $0x0  }
0x58: {  	s1 =	simm.s32 $0x16800;
	[sflag:s25] =	ssyncadd.s32 $0xFFFFE000  }
0x59: {  	[spmem:s2] =	stream.indirect.scatter.add.f32 [tilespmem:s17], [sflag:$0x3], $0x40, s1, s22, $0xb8;
	[tilespmem:$0x1D000] =	vst v63  }
0x5a: {  	_ =	swait.ge [sflag:s18], $0x2000  }
0x5b: {  	[sflag:s18] =	ssyncset.done $0x0  }
0x5c: {  	s1 =	simm.s32 $0x14100;
	[sflag:s18] =	ssyncadd.s32 $0xFFFFE000  }
0x5d: {  	[tilespmem:s17], [sflag:$0x1] =	stream.indirect.gather [spmem:s3], $0x40, s1, s22, $0xb8;
	[tilespmem:$0x1D000] =	vst v63  }
0x5e: {  	_ =	swait.ge [sflag:s26], $0x2000  }
0x5f: {  	[sflag:s26] =	ssyncset.done $0x0  }
0x60: {  	s1 =	simm.s32 $0x16880;
	[sflag:s26] =	ssyncadd.s32 $0xFFFFE000  }
0x61: {  	[spmem:s2] =	stream.indirect.scatter.add.f32 [tilespmem:s24], [sflag:$0x3], $0x40, s1, s22, $0xb8;
	[tilespmem:$0x1D000] =	vst v63  }
0x62: {  	_ =	swait.ge [sflag:s18], $0x2000  }
0x63: {  	[sflag:s18] =	ssyncset.done $0x0  }
0x64: {  	s31 =	simm.s32 $0x400;
	s0 =	simm.s32 $0x14180;
	[sflag:s18] =	ssyncadd.s32 $0xFFFFE000  }
.LBB2_8:
0x65: {  	[tilespmem:s24], [sflag:$0x2] =	stream.indirect.gather [spmem:s3], $0x40, s0, s22, $0xb8;
	[tilespmem:$0x1D000] =	vst v63  }
0x66: {  	s0 =	smov.u32 s31  }
0x67: {  	p1 =	sne.s32 s31, $0x9800;
	s31 =	sadd.s32 $0x400, s31;
	_ =	swait.ge [sflag:s25], $0x2000  }
0x68: {  	s0 =	sshra.s32 s0, $0x2;
	[sflag:s25] =	ssyncset.done $0x0  }
0x69: {  	s1 =	sadd.s32 $0x16800, s0;
	[sflag:s25] =	ssyncadd.s32 $0xFFFFE000  }
0x6a: {  	[spmem:s2] =	stream.indirect.scatter.add.f32 [tilespmem:s17], [sflag:$0x3], $0x40, s1, s22, $0xb8;
	[tilespmem:$0x1D000] =	vst v63  }
0x6b: {  	_ =	swait.ge [sflag:s18], $0x2000  }
0x6c: {  	[sflag:s18] =	ssyncset.done $0x0  }
0x6d: {  	s1 =	sadd.s32 $0x14100, s0;
	[sflag:s18] =	ssyncadd.s32 $0xFFFFE000  }
0x6e: {  	[tilespmem:s17], [sflag:$0x1] =	stream.indirect.gather [spmem:s3], $0x40, s1, s22, $0xb8;
	[tilespmem:$0x1D000] =	vst v63  }
0x6f: {  	_ =	swait.ge [sflag:s26], $0x2000  }
0x70: {  	[sflag:s26] =	ssyncset.done $0x0  }
.Ltmp4:
0x71: {  	s1 =	sadd.s32 $0x16880, s0;
	[sflag:s26] =	ssyncadd.s32 $0xFFFFE000;
	(pc) =	sbr.rel @p1 .LBB2_8-.Ltmp4, $4  }
0x72: {  	[spmem:s2] =	stream.indirect.scatter.add.f32 [tilespmem:s24], [sflag:$0x3], $0x40, s1, s22, $0xb8;
	[tilespmem:$0x1D000] =	vst v63  }
0x73: {  	_ =	swait.ge [sflag:s18], $0x2000  }
0x74: {  	[sflag:s18] =	ssyncset.done $0x0  }
0x75: {  	s0 =	sadd.s32 $0x14180, s0;
	[sflag:s18] =	ssyncadd.s32 $0xFFFFE000  }
.Ltmp5:
0x76: {  	(pc) =	sbr.rel .LBB2_10-.Ltmp5, $2  }
0x77: {  	_ =	sdelay $0x2  }
0x78: {  	[tilespmem:s24], [sflag:$0x2] =	stream.indirect.gather [spmem:s3], $0x40, s0, s22, $0xb8;
	[tilespmem:$0x1D000] =	vst v63  }
.LBB2_4:
0x79: {  	[tilespmem:s20], [sflag:$0x3] =	stream.linear.gather [hbm4b:s11+s0], $0x2800, $0x38;
	[tilespmem:$0x1D000] =	vst v63  }
0x7a: {  	_ =	swait.ge [sflag:s18], $0x2800  }
0x7b: {  	[sflag:s18] =	ssyncset.done $0x0  }
0x7c: {  	[sflag:s18] =	ssyncadd.s32 $0xFFFFD800  }
0x7d: {  	[tilespmem:s21], [sflag:$0x3] =	stream.linear.gather [hbm4b:s12+s0], $0x2800, $0x38;
	[tilespmem:$0x1D000] =	vst v63  }
0x7e: {  	_ =	swait.ge [sflag:s18], $0x2800  }
0x7f: {  	[sflag:s18] =	ssyncset.done $0x0  }
0x80: {  	[sflag:s18] =	ssyncadd.s32 $0xFFFFD800  }
0x81: {  	[bflag:$0x0] =	sbarrier.arrive $0xFFFF  }
0x82: {  	[tilespmem:s17], [sflag:$0x1] =	stream.indirect.gather [spmem:s3], $0x40, s20, s22, $0xb8;
	[tilespmem:$0x1D000] =	vst v63  }
0x83: {  	_ = 	snop  }
0x84: {  	[tilespmem:s24], [sflag:$0x2] =	stream.indirect.gather [spmem:s3], $0x40, s23, s22, $0xb8;
	[tilespmem:$0x1D000] =	vst v63  }
0x85: {  	_ =	swait.ge [sflag:s25], $0x2000  }
0x86: {  	[sflag:s25] =	ssyncset.done $0x0  }
0x87: {  	s1 =	simm.s32 $0x16800;
	[sflag:s25] =	ssyncadd.s32 $0xFFFFE000  }
0x88: {  	[spmem:s2] =	stream.indirect.scatter.add.f32 [tilespmem:s17], [sflag:$0x3], $0x40, s1, s22, $0xb8;
	[tilespmem:$0x1D000] =	vst v63  }
0x89: {  	_ =	swait.ge [sflag:s18], $0x2000  }
0x8a: {  	[sflag:s18] =	ssyncset.done $0x0  }
0x8b: {  	s1 =	simm.s32 $0x14100;
	[sflag:s18] =	ssyncadd.s32 $0xFFFFE000  }
0x8c: {  	[tilespmem:s17], [sflag:$0x1] =	stream.indirect.gather [spmem:s3], $0x40, s1, s22, $0xb8;
	[tilespmem:$0x1D000] =	vst v63  }
0x8d: {  	_ =	swait.ge [sflag:s26], $0x2000  }
0x8e: {  	[sflag:s26] =	ssyncset.done $0x0  }
0x8f: {  	s1 =	simm.s32 $0x16880;
	[sflag:s26] =	ssyncadd.s32 $0xFFFFE000  }
0x90: {  	[spmem:s2] =	stream.indirect.scatter.add.f32 [tilespmem:s24], [sflag:$0x3], $0x40, s1, s22, $0xb8;
	[tilespmem:$0x1D000] =	vst v63  }
0x91: {  	_ =	swait.ge [sflag:s18], $0x2000  }
0x92: {  	[sflag:s18] =	ssyncset.done $0x0  }
0x93: {  	s31 =	simm.s32 $0x400;
	s0 =	simm.s32 $0x14180;
	[sflag:s18] =	ssyncadd.s32 $0xFFFFE000  }
.LBB2_5:
0x94: {  	[tilespmem:s24], [sflag:$0x2] =	stream.indirect.gather [spmem:s3], $0x40, s0, s22, $0xb8;
	[tilespmem:$0x1D000] =	vst v63  }
0x95: {  	s0 =	smov.u32 s31  }
0x96: {  	p1 =	seq.s32 s31, $0x9800;
	s31 =	sadd.s32 $0x400, s31;
	_ =	swait.ge [sflag:s25], $0x2000  }
0x97: {  	s0 =	sshra.s32 s0, $0x2;
	[sflag:s25] =	ssyncset.done $0x0  }
0x98: {  	s1 =	sadd.s32 $0x16800, s0;
	[sflag:s25] =	ssyncadd.s32 $0xFFFFE000  }
0x99: {  	[spmem:s2] =	stream.indirect.scatter.add.f32 [tilespmem:s17], [sflag:$0x3], $0x40, s1, s22, $0xb8;
	[tilespmem:$0x1D000] =	vst v63  }
0x9a: {  	_ =	swait.ge [sflag:s18], $0x2000  }
0x9b: {  	[sflag:s18] =	ssyncset.done $0x0  }
0x9c: {  	s1 =	sadd.s32 $0x14100, s0;
	[sflag:s18] =	ssyncadd.s32 $0xFFFFE000  }
0x9d: {  	[tilespmem:s17], [sflag:$0x1] =	stream.indirect.gather [spmem:s3], $0x40, s1, s22, $0xb8;
	[tilespmem:$0x1D000] =	vst v63  }
0x9e: {  	_ =	swait.ge [sflag:s26], $0x2000  }
0x9f: {  	[sflag:s26] =	ssyncset.done $0x0  }
.Ltmp6:
0xa0: {  	s1 =	sadd.s32 $0x16880, s0;
	[sflag:s26] =	ssyncadd.s32 $0xFFFFE000;
	(pc) =	sbr.rel @!p1 .LBB2_5-.Ltmp6, $4  }
0xa1: {  	[spmem:s2] =	stream.indirect.scatter.add.f32 [tilespmem:s24], [sflag:$0x3], $0x40, s1, s22, $0xb8;
	[tilespmem:$0x1D000] =	vst v63  }
0xa2: {  	_ =	swait.ge [sflag:s18], $0x2000  }
0xa3: {  	[sflag:s18] =	ssyncset.done $0x0  }
0xa4: {  	s0 =	sadd.s32 $0x14180, s0;
	[sflag:s18] =	ssyncadd.s32 $0xFFFFE000  }
.Ltmp7:
0xa5: {  	_ = 	snop;
	(pc) =	sbr.rel .LBB2_6-.Ltmp7, $1  }
0xa6: {  	_ =	sdelay $0x3  }
.LBB2_11:
0xa7: {  	_ =	sfence.sel $0x180000  }
0xa8: {  	[bflag:$0x0] =	sbarrier.arrive $0xFFFF  }
0xa9: {  	_ =	strace $0x9000004D  }
0xaa: {  	s0 =	stileid.u32;
	[bflag:$0x2] =	sbarrier.arrive $0xFFFF  }
0xab: {  	p0 =	sne.s32 s0, $0x0;
	s0 =	rddreg [dreg:$0x3]  }
0xac: {  	s0 =	sadd.s32 @!p0 $0x100000, s0  }
0xad: {  	[sflag:s0] =	ssyncadd.tile.s32 @!p0 $0x1;
	_ =	shalt  }
.Lfunc_end2:
_tile_overlayer_lowered:
.L_overlay_start_2:
0xae: {  	(tag) =	ssettag $0x2  }
0xaf: {  	s0 =	rddreg [dreg:$0x0];
	s2 =	stileid.u32  }
0xb0: {  	s1 =	rddreg [dreg:$0x1];
	p0 =	sne.s32 s2, $0x0  }
0xb1: {  	s3 =	rddreg [dreg:$0x2];
	[bflag:$0x3] =	sbarrier.arrive $0xFFFF;
	s2 =	simm.s32 @!p0 $0x1C03  }
0xb2: {  	[timem:s3], [sflag:s2] =	dma.local @!p0 [hbm:s0], s1  }
0xb3: {  	s0 =	simm.s32 @!p0 $0x3  }
0xb4: {  	_ =	swait.ge @!p0 [sflag:s0], s1  }
0xb5: {  	s1 =	ssub.s32 @!p0 $0x0, s1;
	[sflag:s0] =	ssyncset.done @!p0 $0x0  }
0xb6: {  	[sflag:s0] =	ssyncadd.s32 @!p0 s1  }
0xb7: {  	[bflag:$0x3] =	sbarrier.arrive $0xFFFF  }
0xb8: {  	_ =	shalt  }

// kernel: kernel.19.cloned.1.call-start
scs
__scs_entry_jumppad:
0x0: {  	(pc) =	sbr.rel $0x88, $3  }
0x1: {  	(tag) =	ssettag $0x0;
	lr =	simm.s32 $0x1  }
0x2: {  	[smem:$0x3F8C] =	sst lr;
	_ =	strace $0xD0000000  }
0x3: {  	_ = 	snop  }
0x4: {  	_ = 	snop  }
0x5: {  	_ = 	snop  }
0x6: {  	_ = 	snop  }
0x7: {  	_ = 	snop  }
__scs_overlays_trampoline_lowered:
0x8: {  	[smem:$0x3F9B] =	sst s0  }
0x9: {  	[smem:$0x3F9C] =	sst s1  }
0xa: {  	[smem:$0x3F9D] =	sst s2  }
0xb: {  	[smem:$0x3F9E] =	sst s3  }
0xc: {  	[smem:$0x3F9F] =	sst s4  }
0xd: {  	[smem:$0x3FA0] =	sst s5  }
0xe: {  	[smem:$0x3FA1] =	sst s6  }
0xf: {  	[smem:$0x3FA2] =	sst s7  }
0x10: {  	[smem:$0x3FA3] =	sst s8  }
0x11: {  	[smem:$0x3FA4] =	sst s9;
	s0 =	simm.s32 @!p0 $0x0  }
0x12: {  	s1 =	sld [smem:$0x3F8A];
	s0 =	simm.s32 @p0 $0x1  }
0x13: {  	[smem:$0x3FA5] =	sst s0;
	s0 =	simm.s32 @!p1 $0x0  }
0x14: {  	s2 =	sld [smem:$0x3F89];
	s0 =	simm.s32 @p1 $0x1  }
0x15: {  	[smem:$0x3FA6] =	sst s0;
	s0 =	simm.s32 @!p2 $0x0  }
0x16: {  	s3 =	sld [smem:$0x3FDB];
	s0 =	simm.s32 @p2 $0x1  }
0x17: {  	s4 =	simm.s32 $0x1BF5;
	[smem:$0x3FA8] =	sst s0  }
0x18: {  	s0 =	sld [smem:$0x3F8B];
	_ =	swait.ge [sflag:s4], $0x0  }
0x19: {  	s7 =	sld [smem:$0x3F8C]  }
0x1a: {  	s8 =	sadd.s32 $0xFFFFE003, lr  }
0x1b: {  	s9 =	sadd.s32 $0xFFFFFEF7, lr;
	s5 =	simm.s32 $0xFFFFFFFF;
	p2 =	slt.u32 s8, $0xFFFFF086  }
0x1c: {  	p1 =	slt.u32 s9, $0xF7A;
	s5 =	simm.s32 @!p2 $0x0  }
0x1d: {  	s5 =	simm.s32 @p1 $0x1;
	p0 =	seq.s32 s7, s2  }
0x1e: {  	s7 =	smul.u32 @!p0 $0xF7A, s2;
	p2 =	seq.s32 @!p0 s5, $0x0  }
0x1f: {  	s9 =	smul.u32 $0xF7A, s1;
	s8 =	simm.s32 @!p0 $0x1BF5;
	p2 =	por !p2, p0  }
0x20: {  	[sflag:s8] =	ssyncset.s32 @!p0 $0xFFFFF086;
	s6 =	sadd.s32 @!p0 s3, s7;
	s7 =	simm.s32 @!p0 $0x108  }
0x21: {  	s3 =	sadd.s32 s3, s9;
	s6 =	sadd.s32 @!p0 $0x88, s6;
	s7 =	simm.s32 @p2 $0x1082  }
0x22: {  	[simem:s7], [sflag:s8] =	dma.local @!p0 [hbm:s6], $0xF7A  }
0x23: {  	s9 =	sor.u32 $0xD0000000, s2;
	s6 =	simm.s32 $0x108;
	_ =	swait.ge @!p0 [sflag:s8], $0x0  }
0x24: {  	s3 =	sadd.s32 $0x88, s3;
	s6 =	simm.s32 @!p1 $0x1082;
	[sflag:s4] =	ssyncset.s32 $0xFFFFF086  }
0x25: {  	[simem:s6], [sflag:s4] =	dma.local [hbm:s3], $0xF7A  }
0x26: {  	[smem:$0x3F8C] =	sst s1;
	(tag) =	ssettag s2;
	_ =	strace s9  }
0x27: {  	s1 =	sld [smem:$0x3F9C]  }
0x28: {  	s2 =	sld [smem:$0x3F9D]  }
0x29: {  	s4 =	sld [smem:$0x3F9F]  }
0x2a: {  	p0 =	seq.s32 s5, $0x0;
	s5 =	sld [smem:$0x3FA0]  }
0x2b: {  	s6 =	sld [smem:$0x3FA1]  }
0x2c: {  	s7 =	sld [smem:$0x3FA2]  }
0x2d: {  	s3 =	simm.s32 $0x108;
	s8 =	sld [smem:$0x3FA3]  }
0x2e: {  	s3 =	simm.s32 @!p0 $0x1082;
	s9 =	sld [smem:$0x3FA4]  }
0x2f: {  	lr =	sadd.s32 s0, s3;
	s0 =	sld [smem:$0x3F9B]  }
0x30: {  	s3 =	sld [smem:$0x3F9E]  }
0x31: {  	[smem:$0x3FA7] =	sst s10  }
0x32: {  	s10 =	sld [smem:$0x3FA5];
	_ =	sdelay $0x3  }
0x33: {  	p0 =	seq.s32 s10, $0x1;
	s10 =	sld [smem:$0x3FA7];
	_ =	sdelay $0x3  }
0x34: {  	[smem:$0x3FA7] =	sst s10  }
0x35: {  	s10 =	sld [smem:$0x3FA6];
	_ =	sdelay $0x3  }
0x36: {  	p1 =	seq.s32 s10, $0x1;
	s10 =	sld [smem:$0x3FA7];
	_ =	sdelay $0x3  }
0x37: {  	[smem:$0x3FA7] =	sst s10  }
0x38: {  	s10 =	sld [smem:$0x3FA8]  }
0x39: {  	_ = 	snop;
	(pc) =	sbr.ind lr, $3  }
0x3a: {  	_ = 	snop  }
0x3b: {  	_ = 	snop  }
0x3c: {  	p2 =	seq.s32 s10, $0x1;
	s10 =	sld [smem:$0x3FA7]  }
0x3d: {  	_ =	shalt  }
0x3e: {  	_ =	shalt  }
0x3f: {  	_ =	shalt  }
0x40: {  	_ =	shalt  }
0x41: {  	_ =	shalt  }
0x42: {  	_ =	shalt  }
0x43: {  	_ =	shalt  }
0x44: {  	_ =	shalt  }
0x45: {  	_ =	shalt  }
0x46: {  	_ =	shalt  }
0x47: {  	_ =	shalt  }
0x48: {  	_ =	shalt  }
0x49: {  	_ =	shalt  }
0x4a: {  	_ =	shalt  }
0x4b: {  	_ =	shalt  }
0x4c: {  	_ =	shalt  }
0x4d: {  	_ =	shalt  }
0x4e: {  	_ =	shalt  }
0x4f: {  	_ =	shalt  }
0x50: {  	_ =	shalt  }
0x51: {  	_ =	shalt  }
0x52: {  	_ =	shalt  }
0x53: {  	_ =	shalt  }
0x54: {  	_ =	shalt  }
0x55: {  	_ =	shalt  }
0x56: {  	_ =	shalt  }
0x57: {  	_ =	shalt  }
0x58: {  	_ =	shalt  }
0x59: {  	_ =	shalt  }
0x5a: {  	_ =	shalt  }
0x5b: {  	_ =	shalt  }
0x5c: {  	_ =	shalt  }
0x5d: {  	_ =	shalt  }
0x5e: {  	_ =	shalt  }
0x5f: {  	_ =	shalt  }
0x60: {  	_ =	shalt  }
0x61: {  	_ =	shalt  }
0x62: {  	_ =	shalt  }
0x63: {  	_ =	shalt  }
0x64: {  	_ =	shalt  }
0x65: {  	_ =	shalt  }
0x66: {  	_ =	shalt  }
0x67: {  	_ =	shalt  }
0x68: {  	_ =	shalt  }
0x69: {  	_ =	shalt  }
0x6a: {  	_ =	shalt  }
0x6b: {  	_ =	shalt  }
0x6c: {  	_ =	shalt  }
0x6d: {  	_ =	shalt  }
0x6e: {  	_ =	shalt  }
0x6f: {  	_ =	shalt  }
0x70: {  	_ =	shalt  }
0x71: {  	_ =	shalt  }
0x72: {  	_ =	shalt  }
0x73: {  	_ =	shalt  }
0x74: {  	_ =	shalt  }
0x75: {  	_ =	shalt  }
0x76: {  	_ =	shalt  }
0x77: {  	_ =	shalt  }
0x78: {  	_ =	shalt  }
0x79: {  	_ =	shalt  }
0x7a: {  	_ =	shalt  }
0x7b: {  	_ =	shalt  }
0x7c: {  	_ =	shalt  }
0x7d: {  	_ =	shalt  }
0x7e: {  	_ =	shalt  }
0x7f: {  	_ =	shalt  }
0x80: {  	_ =	shalt  }
0x81: {  	_ =	shalt  }
0x82: {  	_ =	shalt  }
0x83: {  	_ =	shalt  }
0x84: {  	_ =	shalt  }
0x85: {  	_ =	shalt  }
0x86: {  	_ =	shalt  }
0x87: {  	_ =	shalt  }
.Lfunc_end0:
.L_simem_size_0:
called_computation.3_lowered:
.L_overlay_start_0:
0x88: {  	s2 =	sld [smem:$0x3FD9]  }
0x89: {  	s3 =	sld [smem:$0x3FFE];
	_ =	sdelay $0x1  }
0x8a: {  	s1 =	srdreg.scid  }
0x8b: {  	s0 =	sand.u32 $0x1, s1  }
0x8c: {  	s16 =	sshll.u32 s0, $0xA;
	s2 =	sadd.s32 s3, s2  }
0x8d: {  	s2 =	sadd.s32 s2, s16  }
0x8e: {  	[smem:$0x3FB3] =	sst s2  }
0x8f: {  	_ = 	snop  }
0x90: {  	(tm) =	ssettm $0x1  }
0x91: {  	s17 =	sld [smem:$0x3FFB];
	_ =	sdelay $0x3  }
0x92: {  	_ =	strace s17  }
0x93: {  	s2 =	sld [smem:$0x3FFC];
	_ =	sdelay $0x3  }
0x94: {  	_ =	strace s2  }
0x95: {  	s2 =	sld [smem:$0x3FFD];
	_ =	sdelay $0x3  }
0x96: {  	_ =	strace s2  }
0x97: {  	_ =	strace $0x8FFFFFFF  }
0x98: {  	s18 =	sld [smem:$0x3FDB];
	_ =	sdelay $0x1  }
0x99: {  	s19 =	simm.s32 $_scs_section_size  }
0x9a: {  	s4 =	simm.s32 $_size__tile_overlayer_lowered;
	s5 =	simm.s32 $_tile_overlayer_lowered  }
0x9b: {  	s22 =	simm.s32 $0x1BFF;
	s21 =	sshll.u32 s5, $0x1;
	s2 =	sadd.s32 s19, s18  }
0x9c: {  	s6 =	simm.s32 $0x0;
	s20 =	sshll.u32 s4, $0x1;
	s4 =	sadd.s32 s21, s2  }
0x9d: {  	[timem:s6], [sflag:s22] =	dma.local [hbm:s4], s20  }
0x9e: {  	_ =	swait.ge [sflag:s22], s20  }
0x9f: {  	s3 =	ssub.s32 $0x0, s20;
	[sflag:s22] =	ssyncset.done $0x0  }
0xa0: {  	[sflag:s22] =	ssyncadd.s32 s3;
	_ =	sdelay $0x1  }
0xa1: {  	s23 =	simm.s32 $0x1B8B  }
0xa2: {  	_ =	swait.ge [sflag:s23], $0x1  }
0xa3: {  	[sflag:s23] =	ssyncset.done $0x0  }
0xa4: {  	s25 =	simm.s32 $0x1B8E;
	s24 =	sld [smem:$0x3FFE];
	[sflag:s23] =	ssyncadd.s32 $0xFFFFFFFF  }
0xa5: {  	s26 =	simm.s32 $execute0_lowered;
	[smem:$0x3FD2] =	sst s25  }
0xa6: {  	s4 =	sshll.u32 s26, $0x1;
	_ =	strace $0x8000004F;
	[dreg:$0x1] =	wrdreg $0xFFFFFFFF  }
0xa7: {  	s28 =	simm.s32 $_size_execute0_lowered;
	s2 =	sadd.s32 s2, s4;
	[dreg:$0x0] =	wrdreg $0x0  }
0xa8: {  	s4 =	sshll.u32 s28, $0x1;
	[dreg:$0x2] =	wrdreg s2  }
0xa9: {  	[dreg:$0x3] =	wrdreg s4  }
0xaa: {  	[dreg:$0x4] =	wrdreg $0xC0  }
0xab: {  	_ =	task [dreg:s6], $0x5FFFF  }
0xac: {  	[dreg:$0x1] =	wrdreg $0xFFFFFFFF  }
0xad: {  	[dreg:$0x0] =	wrdreg $0x60  }
0xae: {  	[dreg:$0x2] =	wrdreg s24  }
0xaf: {  	[dreg:$0x3] =	wrdreg $0x0  }
0xb0: {  	[dreg:$0x4] =	wrdreg $0xA0000  }
0xb1: {  	[dreg:$0x5] =	wrdreg $0x9  }
0xb2: {  	_ =	task.clear_ibuf [dreg:s6], $0x6FFFF;
	_ =	strace $0x9000004F  }
0xb3: {  	s29 =	simm.s32 $0x9;
	_ =	strace $0x80000051  }
0xb4: {  	_ =	swait.ge [sflag:s29], $0x1  }
0xb5: {  	[sflag:s29] =	ssyncadd.s32 $0xFFFFFFFF  }
0xb6: {  	_ =	strace $0x90000051  }
0xb7: {  	_ =	sfence  }
0xb8: {  	s30 =	sld [smem:$0x0];
	_ =	sdelay $0x2  }
0xb9: {  	s31 =	sshll.u32 s1, $0xD;
	s1 =	sshrl.u32 s1, $0x2  }
0xba: {  	s3 =	sand.u32 $0x4000, s31;
	s1 =	sadd.s32 s1, s30  }
0xbb: {  	s0 =	sor.u32 s3, s0;
	s1 =	sshll.u32 s1, $0x11  }
0xbc: {  	s0 =	sor.u32 s1, s0  }
0xbd: {  	s0 =	sadd.s32 $0x8F2B, s0  }
0xbe: {  	[sflag:s0] =	ssyncadd.remote.s32 $0x1  }
0xbf: {  	_ =	sfence.sel $0xFFFF  }
0xc0: {  	[dreg:$0x0] =	wrdreg $0xFFFFFFFF;
	(pc) =	sbr.abs _section_cstart, $3  }
0xc1: {  	[dreg:$0x1] =	wrdreg $0xFFFFFFFF  }
0xc2: {  	_ =	task.clear_ibuf [dreg:s6], $0x2FFFF;
	_ =	strace $0x9FFFFFFF  }
0xc3: {  	(tm) =	ssettm $0x7FFFFFFF  }
tec
execute0_lowered:
.L_overlay_start_1:
0x0: {  	(tag) =	ssettag $0x1  }
0x1: {  	s0 =	rddreg [dreg:$0x0]  }
0x2: {  	s2 =	rddreg [dreg:$0x1]  }
0x3: {  	s3 =	rddreg [dreg:$0x2]  }
0x4: {  	s1 =	stileid.u32;
	s5 =	srdreg.scid;
	s4 =	simm.s32 $0x0  }
0x5: {  	s17 =	simm.s32 $0x19000;
	s18 =	simm.s32 $0x3;
	s20 =	simm.s32 $0x14000  }
0x6: {  	s21 =	simm.s32 $0x16800;
	s22 =	simm.s32 $0x80;
	s23 =	simm.s32 $0x14080  }
0x7: {  	s24 =	simm.s32 $0x1B000;
	s25 =	simm.s32 $0x1;
	s10 =	smul.u32 $0xA000, s1  }
0x8: {  	s28 =	simm.s32 $0x18F00;
	s29 =	simm.s32 $0x18F80;
	s6 =	smul.u32 $0x500, s1  }
0x9: {  	s11 =	sand.u32 $0x1, s5;
	[smem:$0x7FF] =	sst s4;
	s8 =	smul.u32 $0x28000, s1  }
0xa: {  	s5 =	smul.u32 $0xA0000, s11;
	_ =	strace $0x80000050;
	s26 =	ssub.s32 $0x2, s11  }
0xb: {  	p0 =	seq.s32 s11, $0x1;
	s7 =	sshrl.u32 s10, $0x3;
	s14 =	sadd.s32 s6, s0  }
0xc: {  	s30 =	sshrl.u32 s8, $0x2;
	s31 =	sshrl.u32 s26, $0x1;
	s19 =	sadd.s32 s10, s3  }
0xd: {  	s12 =	sadd.s32 s7, s0;
	s5 =	sadd.s32 s10, s5;
	s9 =	sadd.s32 s30, s2  }
0xe: {  	s16 =	ssub.s32 s26, s31;
	s11 =	sadd.s32 $0x3C00, s14;
	s13 =	sadd.s32 $0x21E00, s14  }
.Ltmp0:
0xf: {  	s19 =	sshrl.u32 s19, $0x3;
	s26 =	simm.s32 $0x2;
	(pc) =	sbr.rel .LBB2_1-.Ltmp0, $4  }
0x10: {  	s5 =	sshrl.u32 s5, $0x3;
	s6 =	sadd.s32 $0x2000, s9;
	s7 =	sadd.s32 $0x4000, s9  }
0x11: {  	s8 =	sadd.s32 $0x6000, s9;
	s9 =	sadd.s32 $0x8000, s9;
	s16 =	smax.u32 s16, $0x1  }
0x12: {  	s0 =	sadd.s32 s5, s0;
	s5 =	sadd.s32 s10, s2;
	s10 =	sadd.s32 $0x26E00, s12  }
0x13: {  	v0 =	vimm.f32 $0.0e+00;
	s12 =	sadd.s32 $0x8C00, s14;
	s14 =	sadd.s32 $0xDC00, s14;
	s15 =	sadd.s32 $0x4EE00, s0  }
.LBB2_6:
0x14: {  	[tilespmem:s24], [sflag:$0x2] =	stream.indirect.gather [spmem:s3], $0x40, s0, s22, $0xb8;
	[tilespmem:$0x1D000] =	vst v63  }
.LBB2_10:
0x15: {  	_ =	swait.ge [sflag:s25], $0x2000  }
0x16: {  	[sflag:s25] =	ssyncset.done $0x0  }
0x17: {  	[sflag:s25] =	ssyncadd.s32 $0xFFFFE000  }
0x18: {  	[spmem:s2] =	stream.indirect.scatter.add.f32 [tilespmem:s17], [sflag:$0x3], $0x40, s28, s22, $0xb8;
	[tilespmem:$0x1D000] =	vst v63  }
0x19: {  	_ =	swait.ge [sflag:s18], $0x2000  }
0x1a: {  	[sflag:s18] =	ssyncset.done $0x0  }
0x1b: {  	[sflag:s18] =	ssyncadd.s32 $0xFFFFE000  }
0x1c: {  	_ =	swait.ge [sflag:s26], $0x2000  }
0x1d: {  	[sflag:s26] =	ssyncset.done $0x0  }
0x1e: {  	[sflag:s26] =	ssyncadd.s32 $0xFFFFE000  }
0x1f: {  	[spmem:s2] =	stream.indirect.scatter.add.f32 [tilespmem:s24], [sflag:$0x3], $0x40, s29, s22, $0xb8;
	[tilespmem:$0x1D000] =	vst v63  }
0x20: {  	_ =	swait.ge [sflag:s18], $0x2000  }
0x21: {  	s4 =	sadd.s32 $0x1, s4;
	[sflag:s18] =	ssyncset.done $0x0  }
0x22: {  	p1 =	sne.s32 s4, s16;
	[sflag:s18] =	ssyncadd.s32 $0xFFFFE000  }
.Ltmp1:
0x23: {  	s0 =	sshrl.u32 s5, $0x3;
	[bflag:$0x0] =	sbarrier.arrive $0xFFFF;
	(pc) =	sbr.rel @!p1 .LBB2_11-.Ltmp1, $4  }
0x24: {  	[hbm:s15], [sflag:s30] =	dma.local [spmem:s0], $0x1400  }
0x25: {  	_ =	swait.ge [sflag:s18], $0x1400  }
0x26: {  	[sflag:s18] =	ssyncset.done $0x0  }
0x27: {  	[sflag:s18] =	ssyncadd.s32 $0xFFFFEC00  }
.LBB2_1:
0x28: {  	s31 =	simm.s32 $0x100;
	s30 =	simm.s32 $0x0  }
.LBB2_2:
0x29: {  	p1 =	sne.s32 s31, $0x7F00;
	[tilespmem:s30+$0x19030] =	vst v0;
	s0 =	smov.u32 s31;
	s31 =	sadd.s32 $0x100, s31  }
.Ltmp2:
0x2a: {  	[tilespmem:s30+$0x19020] =	vst v0;
	(pc) =	sbr.rel @p1 .LBB2_2-.Ltmp2, $3  }
0x2b: {  	[tilespmem:s30+$0x19000] =	vst v0  }
0x2c: {  	[tilespmem:s30+$0x19010] =	vst v0;
	_ =	sdelay $0x1  }
0x2d: {  	s30 =	sshra.s32 s0, $0x2  }
0x2e: {  	[tilespmem:s30+$0x19030] =	vst v0  }
0x2f: {  	[tilespmem:s30+$0x19020] =	vst v0  }
0x30: {  	[tilespmem:s30+$0x19000] =	vst v0  }
0x31: {  	[tilespmem:s30+$0x19010] =	vst v0  }
0x32: {  	[spmem:s5] =	stream.linear.scatter [tilespmem:s17], [sflag:$0x3], $0x2000, $0x38;
	[tilespmem:$0x1D000] =	vst v63  }
0x33: {  	_ =	swait.ge [sflag:s18], $0x2000  }
0x34: {  	[sflag:s18] =	ssyncset.done $0x0  }
0x35: {  	[sflag:s18] =	ssyncadd.s32 $0xFFFFE000  }
0x36: {  	[spmem:s6] =	stream.linear.scatter [tilespmem:s17], [sflag:$0x3], $0x2000, $0x38;
	[tilespmem:$0x1D000] =	vst v63  }
0x37: {  	_ =	swait.ge [sflag:s18], $0x2000  }
0x38: {  	[sflag:s18] =	ssyncset.done $0x0  }
0x39: {  	[sflag:s18] =	ssyncadd.s32 $0xFFFFE000  }
0x3a: {  	[spmem:s7] =	stream.linear.scatter [tilespmem:s17], [sflag:$0x3], $0x2000, $0x38;
	[tilespmem:$0x1D000] =	vst v63  }
0x3b: {  	_ =	swait.ge [sflag:s18], $0x2000  }
0x3c: {  	[sflag:s18] =	ssyncset.done $0x0  }
0x3d: {  	[sflag:s18] =	ssyncadd.s32 $0xFFFFE000  }
0x3e: {  	[spmem:s8] =	stream.linear.scatter [tilespmem:s17], [sflag:$0x3], $0x2000, $0x38;
	[tilespmem:$0x1D000] =	vst v63  }
0x3f: {  	_ =	swait.ge [sflag:s18], $0x2000  }
0x40: {  	[sflag:s18] =	ssyncset.done $0x0  }
0x41: {  	[sflag:s18] =	ssyncadd.s32 $0xFFFFE000  }
0x42: {  	[spmem:s9] =	stream.linear.scatter [tilespmem:s17], [sflag:$0x3], $0x2000, $0x38;
	[tilespmem:$0x1D000] =	vst v63  }
0x43: {  	s0 =	stileid.u32;
	_ =	swait.ge [sflag:s18], $0x2000  }
0x44: {  	s0 =	sshll.u32 s0, $0x6;
	[sflag:s18] =	ssyncset.done $0x0  }
.Ltmp3:
0x45: {  	s30 =	sor.u32 $0x1C03, s0;
	[sflag:s18] =	ssyncadd.s32 $0xFFFFE000;
	(pc) =	sbr.rel @!p0 .LBB2_4-.Ltmp3, $4  }
0x46: {  	[spmem:s19], [sflag:s30] =	dma.local [hbm:s10], $0x1400  }
0x47: {  	_ =	swait.ge [sflag:s18], $0x1400  }
0x48: {  	[sflag:s18] =	ssyncset.done $0x0  }
0x49: {  	s0 =	simm.s32 $0x0;
	[sflag:s18] =	ssyncadd.s32 $0xFFFFEC00  }
0x4a: {  	[tilespmem:s20], [sflag:$0x3] =	stream.linear.gather [hbm4b:s13+s0], $0x2800, $0x38;
	[tilespmem:$0x1D000] =	vst v63  }
0x4b: {  	_ =	swait.ge [sflag:s18], $0x2800  }
0x4c: {  	[sflag:s18] =	ssyncset.done $0x0  }
0x4d: {  	[sflag:s18] =	ssyncadd.s32 $0xFFFFD800  }
0x4e: {  	[tilespmem:s21], [sflag:$0x3] =	stream.linear.gather [hbm4b:s14+s0], $0x2800, $0x38;
	[tilespmem:$0x1D000] =	vst v63  }
0x4f: {  	_ =	swait.ge [sflag:s18], $0x2800  }
0x50: {  	[sflag:s18] =	ssyncset.done $0x0  }
0x51: {  	[sflag:s18] =	ssyncadd.s32 $0xFFFFD800  }
0x52: {  	[bflag:$0x0] =	sbarrier.arrive $0xFFFF  }
0x53: {  	[tilespmem:s17], [sflag:$0x1] =	stream.indirect.gather [spmem:s3], $0x40, s20, s22, $0xb8;
	[tilespmem:$0x1D000] =	vst v63  }
0x54: {  	_ = 	snop  }
0x55: {  	[tilespmem:s24], [sflag:$0x2] =	stream.indirect.gather [spmem:s3], $0x40, s23, s22, $0xb8;
	[tilespmem:$0x1D000] =	vst v63  }
0x56: {  	_ =	swait.ge [sflag:s25], $0x2000  }
0x57: {  	[sflag:s25] =	ssyncset.done $0x0  }
0x58: {  	s1 =	simm.s32 $0x16800;
	[sflag:s25] =	ssyncadd.s32 $0xFFFFE000  }
0x59: {  	[spmem:s2] =	stream.indirect.scatter.add.f32 [tilespmem:s17], [sflag:$0x3], $0x40, s1, s22, $0xb8;
	[tilespmem:$0x1D000] =	vst v63  }
0x5a: {  	_ =	swait.ge [sflag:s18], $0x2000  }
0x5b: {  	[sflag:s18] =	ssyncset.done $0x0  }
0x5c: {  	s1 =	simm.s32 $0x14100;
	[sflag:s18] =	ssyncadd.s32 $0xFFFFE000  }
0x5d: {  	[tilespmem:s17], [sflag:$0x1] =	stream.indirect.gather [spmem:s3], $0x40, s1, s22, $0xb8;
	[tilespmem:$0x1D000] =	vst v63  }
0x5e: {  	_ =	swait.ge [sflag:s26], $0x2000  }
0x5f: {  	[sflag:s26] =	ssyncset.done $0x0  }
0x60: {  	s1 =	simm.s32 $0x16880;
	[sflag:s26] =	ssyncadd.s32 $0xFFFFE000  }
0x61: {  	[spmem:s2] =	stream.indirect.scatter.add.f32 [tilespmem:s24], [sflag:$0x3], $0x40, s1, s22, $0xb8;
	[tilespmem:$0x1D000] =	vst v63  }
0x62: {  	_ =	swait.ge [sflag:s18], $0x2000  }
0x63: {  	[sflag:s18] =	ssyncset.done $0x0  }
0x64: {  	s31 =	simm.s32 $0x400;
	s0 =	simm.s32 $0x14180;
	[sflag:s18] =	ssyncadd.s32 $0xFFFFE000  }
.LBB2_8:
0x65: {  	[tilespmem:s24], [sflag:$0x2] =	stream.indirect.gather [spmem:s3], $0x40, s0, s22, $0xb8;
	[tilespmem:$0x1D000] =	vst v63  }
0x66: {  	s0 =	smov.u32 s31  }
0x67: {  	p1 =	sne.s32 s31, $0x9800;
	s31 =	sadd.s32 $0x400, s31;
	_ =	swait.ge [sflag:s25], $0x2000  }
0x68: {  	s0 =	sshra.s32 s0, $0x2;
	[sflag:s25] =	ssyncset.done $0x0  }
0x69: {  	s1 =	sadd.s32 $0x16800, s0;
	[sflag:s25] =	ssyncadd.s32 $0xFFFFE000  }
0x6a: {  	[spmem:s2] =	stream.indirect.scatter.add.f32 [tilespmem:s17], [sflag:$0x3], $0x40, s1, s22, $0xb8;
	[tilespmem:$0x1D000] =	vst v63  }
0x6b: {  	_ =	swait.ge [sflag:s18], $0x2000  }
0x6c: {  	[sflag:s18] =	ssyncset.done $0x0  }
0x6d: {  	s1 =	sadd.s32 $0x14100, s0;
	[sflag:s18] =	ssyncadd.s32 $0xFFFFE000  }
0x6e: {  	[tilespmem:s17], [sflag:$0x1] =	stream.indirect.gather [spmem:s3], $0x40, s1, s22, $0xb8;
	[tilespmem:$0x1D000] =	vst v63  }
0x6f: {  	_ =	swait.ge [sflag:s26], $0x2000  }
0x70: {  	[sflag:s26] =	ssyncset.done $0x0  }
.Ltmp4:
0x71: {  	s1 =	sadd.s32 $0x16880, s0;
	[sflag:s26] =	ssyncadd.s32 $0xFFFFE000;
	(pc) =	sbr.rel @p1 .LBB2_8-.Ltmp4, $4  }
0x72: {  	[spmem:s2] =	stream.indirect.scatter.add.f32 [tilespmem:s24], [sflag:$0x3], $0x40, s1, s22, $0xb8;
	[tilespmem:$0x1D000] =	vst v63  }
0x73: {  	_ =	swait.ge [sflag:s18], $0x2000  }
0x74: {  	[sflag:s18] =	ssyncset.done $0x0  }
0x75: {  	s0 =	sadd.s32 $0x14180, s0;
	[sflag:s18] =	ssyncadd.s32 $0xFFFFE000  }
.Ltmp5:
0x76: {  	(pc) =	sbr.rel .LBB2_10-.Ltmp5, $2  }
0x77: {  	_ =	sdelay $0x2  }
0x78: {  	[tilespmem:s24], [sflag:$0x2] =	stream.indirect.gather [spmem:s3], $0x40, s0, s22, $0xb8;
	[tilespmem:$0x1D000] =	vst v63  }
.LBB2_4:
0x79: {  	[tilespmem:s20], [sflag:$0x3] =	stream.linear.gather [hbm4b:s11+s0], $0x2800, $0x38;
	[tilespmem:$0x1D000] =	vst v63  }
0x7a: {  	_ =	swait.ge [sflag:s18], $0x2800  }
0x7b: {  	[sflag:s18] =	ssyncset.done $0x0  }
0x7c: {  	[sflag:s18] =	ssyncadd.s32 $0xFFFFD800  }
0x7d: {  	[tilespmem:s21], [sflag:$0x3] =	stream.linear.gather [hbm4b:s12+s0], $0x2800, $0x38;
	[tilespmem:$0x1D000] =	vst v63  }
0x7e: {  	_ =	swait.ge [sflag:s18], $0x2800  }
0x7f: {  	[sflag:s18] =	ssyncset.done $0x0  }
0x80: {  	[sflag:s18] =	ssyncadd.s32 $0xFFFFD800  }
0x81: {  	[bflag:$0x0] =	sbarrier.arrive $0xFFFF  }
0x82: {  	[tilespmem:s17], [sflag:$0x1] =	stream.indirect.gather [spmem:s3], $0x40, s20, s22, $0xb8;
	[tilespmem:$0x1D000] =	vst v63  }
0x83: {  	_ = 	snop  }
0x84: {  	[tilespmem:s24], [sflag:$0x2] =	stream.indirect.gather [spmem:s3], $0x40, s23, s22, $0xb8;
	[tilespmem:$0x1D000] =	vst v63  }
0x85: {  	_ =	swait.ge [sflag:s25], $0x2000  }
0x86: {  	[sflag:s25] =	ssyncset.done $0x0  }
0x87: {  	s1 =	simm.s32 $0x16800;
	[sflag:s25] =	ssyncadd.s32 $0xFFFFE000  }
0x88: {  	[spmem:s2] =	stream.indirect.scatter.add.f32 [tilespmem:s17], [sflag:$0x3], $0x40, s1, s22, $0xb8;
	[tilespmem:$0x1D000] =	vst v63  }
0x89: {  	_ =	swait.ge [sflag:s18], $0x2000  }
0x8a: {  	[sflag:s18] =	ssyncset.done $0x0  }
0x8b: {  	s1 =	simm.s32 $0x14100;
	[sflag:s18] =	ssyncadd.s32 $0xFFFFE000  }
0x8c: {  	[tilespmem:s17], [sflag:$0x1] =	stream.indirect.gather [spmem:s3], $0x40, s1, s22, $0xb8;
	[tilespmem:$0x1D000] =	vst v63  }
0x8d: {  	_ =	swait.ge [sflag:s26], $0x2000  }
0x8e: {  	[sflag:s26] =	ssyncset.done $0x0  }
0x8f: {  	s1 =	simm.s32 $0x16880;
	[sflag:s26] =	ssyncadd.s32 $0xFFFFE000  }
0x90: {  	[spmem:s2] =	stream.indirect.scatter.add.f32 [tilespmem:s24], [sflag:$0x3], $0x40, s1, s22, $0xb8;
	[tilespmem:$0x1D000] =	vst v63  }
0x91: {  	_ =	swait.ge [sflag:s18], $0x2000  }
0x92: {  	[sflag:s18] =	ssyncset.done $0x0  }
0x93: {  	s31 =	simm.s32 $0x400;
	s0 =	simm.s32 $0x14180;
	[sflag:s18] =	ssyncadd.s32 $0xFFFFE000  }
.LBB2_5:
0x94: {  	[tilespmem:s24], [sflag:$0x2] =	stream.indirect.gather [spmem:s3], $0x40, s0, s22, $0xb8;
	[tilespmem:$0x1D000] =	vst v63  }
0x95: {  	s0 =	smov.u32 s31  }
0x96: {  	p1 =	seq.s32 s31, $0x9800;
	s31 =	sadd.s32 $0x400, s31;
	_ =	swait.ge [sflag:s25], $0x2000  }
0x97: {  	s0 =	sshra.s32 s0, $0x2;
	[sflag:s25] =	ssyncset.done $0x0  }
0x98: {  	s1 =	sadd.s32 $0x16800, s0;
	[sflag:s25] =	ssyncadd.s32 $0xFFFFE000  }
0x99: {  	[spmem:s2] =	stream.indirect.scatter.add.f32 [tilespmem:s17], [sflag:$0x3], $0x40, s1, s22, $0xb8;
	[tilespmem:$0x1D000] =	vst v63  }
0x9a: {  	_ =	swait.ge [sflag:s18], $0x2000  }
0x9b: {  	[sflag:s18] =	ssyncset.done $0x0  }
0x9c: {  	s1 =	sadd.s32 $0x14100, s0;
	[sflag:s18] =	ssyncadd.s32 $0xFFFFE000  }
0x9d: {  	[tilespmem:s17], [sflag:$0x1] =	stream.indirect.gather [spmem:s3], $0x40, s1, s22, $0xb8;
	[tilespmem:$0x1D000] =	vst v63  }
0x9e: {  	_ =	swait.ge [sflag:s26], $0x2000  }
0x9f: {  	[sflag:s26] =	ssyncset.done $0x0  }
.Ltmp6:
0xa0: {  	s1 =	sadd.s32 $0x16880, s0;
	[sflag:s26] =	ssyncadd.s32 $0xFFFFE000;
	(pc) =	sbr.rel @!p1 .LBB2_5-.Ltmp6, $4  }
0xa1: {  	[spmem:s2] =	stream.indirect.scatter.add.f32 [tilespmem:s24], [sflag:$0x3], $0x40, s1, s22, $0xb8;
	[tilespmem:$0x1D000] =	vst v63  }
0xa2: {  	_ =	swait.ge [sflag:s18], $0x2000  }
0xa3: {  	[sflag:s18] =	ssyncset.done $0x0  }
0xa4: {  	s0 =	sadd.s32 $0x14180, s0;
	[sflag:s18] =	ssyncadd.s32 $0xFFFFE000  }
.Ltmp7:
0xa5: {  	_ = 	snop;
	(pc) =	sbr.rel .LBB2_6-.Ltmp7, $1  }
0xa6: {  	_ =	sdelay $0x3  }
.LBB2_11:
0xa7: {  	_ =	sfence.sel $0x180000  }
0xa8: {  	[bflag:$0x0] =	sbarrier.arrive $0xFFFF  }
0xa9: {  	_ =	strace $0x90000050  }
0xaa: {  	s0 =	stileid.u32;
	[bflag:$0x2] =	sbarrier.arrive $0xFFFF  }
0xab: {  	p0 =	sne.s32 s0, $0x0;
	s0 =	rddreg [dreg:$0x3]  }
0xac: {  	s0 =	sadd.s32 @!p0 $0x100000, s0  }
0xad: {  	[sflag:s0] =	ssyncadd.tile.s32 @!p0 $0x1;
	_ =	shalt  }
.Lfunc_end2:
_tile_overlayer_lowered:
.L_overlay_start_2:
0xae: {  	(tag) =	ssettag $0x2  }
0xaf: {  	s0 =	rddreg [dreg:$0x0];
	s2 =	stileid.u32  }
0xb0: {  	s1 =	rddreg [dreg:$0x1];
	p0 =	sne.s32 s2, $0x0  }
0xb1: {  	s3 =	rddreg [dreg:$0x2];
	[bflag:$0x3] =	sbarrier.arrive $0xFFFF;
	s2 =	simm.s32 @!p0 $0x1C03  }
0xb2: {  	[timem:s3], [sflag:s2] =	dma.local @!p0 [hbm:s0], s1  }
0xb3: {  	s0 =	simm.s32 @!p0 $0x3  }
0xb4: {  	_ =	swait.ge @!p0 [sflag:s0], s1  }
0xb5: {  	s1 =	ssub.s32 @!p0 $0x0, s1;
	[sflag:s0] =	ssyncset.done @!p0 $0x0  }
0xb6: {  	[sflag:s0] =	ssyncadd.s32 @!p0 s1  }
0xb7: {  	[bflag:$0x3] =	sbarrier.arrive $0xFFFF  }
0xb8: {  	_ =	shalt  }

</sc_bundles>
